<compile_context>
chip_gen: v7x
topology: tpu7x:2x2x1
jax: 0.10.2.dev20260603
libtpu: 0.0.44.dev20260713+nightly
codegen_flags: <defaults>
</compile_context>

<pallas_src>
import functools

import jax
import jax.numpy as jnp
from jax import lax
from jax.experimental import pallas as pl
from jax.experimental.pallas import tpu as pltpu
from jax.experimental.pallas import tpu_sc as plsc

N = 120
NP = 128
H = 128
NC = 2
NS = 16
L = 16

_f32 = jnp.float32
_HI = lax.Precision.HIGHEST


def _bf16r(x):
    u = lax.bitcast_convert_type(x, jnp.int32)
    r = (u + jnp.int32(0x7FFF) + ((u >> 16) & 1)) & jnp.int32(-65536)
    return lax.bitcast_convert_type(r, _f32)


def _bf16r2(a, b):
    return _bf16r(a), _bf16r(b)


def _bf16w(x):
    return x.astype(jnp.bfloat16).astype(_f32)


def _tdot(w, x):
    return lax.dot_general(w, x, (((0,), (1,)), ((), ())),
                           preferred_element_type=_f32)



def _tc0_body(x0_ref, u0_ref, w1e_ref, b1e_ref, wm1_ref, bm1_ref,
              a_ref, b_ref, c_ref):
    x0 = x0_ref[...]
    u0 = u0_ref[...]
    for b in range(2):
        a_ref[b] = _tdot(w1e_ref[b, 0:5, :], x0)
        ub = _tdot(w1e_ref[b, 11:17, :], u0)
        b_ref[b] = _tdot(w1e_ref[b, 5:10, :], x0) + ub + b1e_ref[b][:, None]
        c_ref[b] = _tdot(wm1_ref[b, 0:5, :], x0) + bm1_ref[b][:, None]


def _tc1_body(s_ref, cnt_ref, x0_ref, u0_ref,
              w2m_ref, b2m_ref, w1n_ref, b1n_ref, w2n_ref, b2n_ref,
              w1g_ref, b1g_ref, w2g_ref, b2g_ref,
              w1e2_ref, b1e2_ref, wm12_ref, bm12_ref,
              a2_ref, bb2_ref, c2_ref, xn_ref):
    cnt = jnp.sum(cnt_ref[0], axis=0)[:, None]
    cntc = jnp.maximum(cnt, 1.0)
    x0 = x0_ref[...]
    u0 = u0_ref[...]
    for b in range(2):
        srelu_t = jnp.sum(s_ref[b], axis=0)
        agg = (lax.dot_general(srelu_t, _bf16w(w2m_ref[b]),
                               (((0,), (0,)), ((), ())),
                               preferred_element_type=_f32, precision=_HI)
               + cnt * b2m_ref[b][None, :])
        aggm = agg / cntc
        hn = jax.nn.relu(
            jnp.dot(x0, w1n_ref[b, 0:5, :], preferred_element_type=_f32)
            + jnp.dot(aggm, w1n_ref[b, 5:133, :], preferred_element_type=_f32)
            + _bf16w(cnt) * _bf16w(w1n_ref[b, 133, :])[None, :]
            + b1n_ref[b][None, :])
        xn = jnp.dot(hn, w2n_ref[b], preferred_element_type=_f32) + b2n_ref[b][None, :]
        xn_ref[b] = xn
        mean = jnp.sum(xn[0:N, :], axis=0, keepdims=True) * (1.0 / N)
        hg = jax.nn.relu(
            jnp.dot(u0, w1g_ref[b, 0:6, :], preferred_element_type=_f32)
            + jnp.dot(mean, w1g_ref[b, 6:16, :], preferred_element_type=_f32)
            + b1g_ref[b][None, :])
        u1 = jnp.dot(hg, w2g_ref[b], preferred_element_type=_f32) + b2g_ref[b][None, :]
        a2_ref[b] = _tdot(w1e2_ref[b, 0:10, :], xn)
        bb2_ref[b] = (_tdot(w1e2_ref[b, 10:20, :], xn)
                      + _tdot(w1e2_ref[b, 22:34, :], u1)
                      + b1e2_ref[b][:, None])
        c2_ref[b] = _tdot(wm12_ref[b, 0:10, :], xn) + bm12_ref[b][:, None]


def _tc2_body(s_ref, cnt_ref, xn_ref, w2m_ref, b2m_ref,
              w1n_ref, b1n_ref, w2n_ref, b2n_ref, xf_ref):
    cnt = jnp.sum(cnt_ref[0], axis=0)[:, None]
    cntc = jnp.maximum(cnt, 1.0)
    for b in range(2):
        srelu_t = jnp.sum(s_ref[b], axis=0)
        agg = (lax.dot_general(srelu_t, _bf16w(w2m_ref[b]),
                               (((0,), (0,)), ((), ())),
                               preferred_element_type=_f32, precision=_HI)
               + cnt * b2m_ref[b][None, :])
        aggm = agg / cntc
        hn = jax.nn.relu(
            jnp.dot(xn_ref[b], w1n_ref[b, 0:10, :], preferred_element_type=_f32)
            + jnp.dot(aggm, w1n_ref[b, 10:138, :], preferred_element_type=_f32)
            + _bf16w(cnt) * _bf16w(w1n_ref[b, 138, :])[None, :]
            + b1n_ref[b][None, :])
        xf_ref[b] = (jnp.dot(hn, w2n_ref[b], preferred_element_type=_f32)
                     + b2n_ref[b][None, :])



def _make_sc1(epc):
    ngrp = epc // 32
    mesh = plsc.VectorSubcoreMesh(core_axis_name="c", subcore_axis_name="s")

    @functools.partial(
        pl.kernel, mesh=mesh,
        compiler_params=pltpu.CompilerParams(needs_layout_passes=False),
        out_type=[
            jax.ShapeDtypeStruct((NC, NS, H, NP), _f32),
            jax.ShapeDtypeStruct((NC * NS * NP,), _f32),
            jax.ShapeDtypeStruct((NC * NS * epc,), _f32),
            jax.ShapeDtypeStruct((NC * NS * epc,), _f32),
        ],
        scratch_types=[
            pltpu.VMEM((H, NP), _f32),
            pltpu.VMEM((H, NP), _f32),
            pltpu.VMEM((H, NP), _f32),
            pltpu.VMEM((H, NP), _f32),
            pltpu.VMEM((NP,), _f32),
            pltpu.VMEM((H * L,), _f32),
            pltpu.VMEM((H * L,), _f32),
            pltpu.VMEM((H * L,), _f32),
            pltpu.VMEM((H * L,), _f32),
            pltpu.VMEM((H * L,), _f32),
            pltpu.VMEM((2 * L,), _f32),
            pltpu.VMEM((epc,), jnp.int32),
            pltpu.VMEM((epc,), jnp.int32),
            pltpu.VMEM((epc,), _f32),
            pltpu.VMEM((epc,), _f32),
            pltpu.VMEM((epc,), _f32),
        ],
    )
    def sc1(ta_h, tb_h, tc_h, w1_h, w20_h, w21_h, we0_h, we1_h, b2_h,
            src_h, dst_h, ea_h, z_h, zc_h,
            s_out, cnt_out, e0_out, e1_out,
            ta, tb, tc, sacc, cacc, w1, w20, w21, we0, we1, b2v,
            srcb, dstb, eab, e0b, e1b):
        c = lax.axis_index("c")
        s = lax.axis_index("s")
        base = s * epc
        woff = c * (H * L)
        pltpu.sync_copy(ta_h.at[c], ta)
        pltpu.sync_copy(tb_h.at[c], tb)
        pltpu.sync_copy(tc_h.at[c], tc)
        pltpu.sync_copy(w1_h.at[pl.ds(woff, H * L)], w1)
        pltpu.sync_copy(w20_h.at[pl.ds(woff, H * L)], w20)
        pltpu.sync_copy(w21_h.at[pl.ds(woff, H * L)], w21)
        pltpu.sync_copy(we0_h.at[pl.ds(woff, H * L)], we0)
        pltpu.sync_copy(we1_h.at[pl.ds(woff, H * L)], we1)
        pltpu.sync_copy(b2_h.at[pl.ds(c * (2 * L), 2 * L)], b2v)
        pltpu.sync_copy(z_h, sacc)
        pltpu.sync_copy(zc_h, cacc)
        pltpu.sync_copy(src_h.at[pl.ds(base, epc)], srcb)
        pltpu.sync_copy(dst_h.at[pl.ds(base, epc)], dstb)
        pltpu.sync_copy(ea_h.at[pl.ds(base, epc)], eab)

        ones = jnp.ones((L,), _f32)

        @plsc.parallel_loop(0, ngrp, unroll=1)
        def group(gp):
            off = gp * 32
            sv0 = srcb[pl.ds(off, L)]
            dv0 = dstb[pl.ds(off, L)]
            ev0 = eab[pl.ds(off, L)]
            sv1 = srcb[pl.ds(off + L, L)]
            dv1 = dstb[pl.ds(off + L, L)]
            ev1 = eab[pl.ds(off + L, L)]

            b20 = b2v[pl.ds(0, L)]
            b21 = b2v[pl.ds(L, L)]

            @plsc.parallel_loop(0, H, carry=(b20, b21, b20, b21), unroll=8)
            def jcarry1(j, carry):
                a00, a01, a10, a11 = carry
                jf = jnp.full((L,), j, jnp.int32)
                wj = w1[pl.ds(j * L, L)]
                w0j = w20[pl.ds(j * L, L)]
                w1j = w21[pl.ds(j * L, L)]
                h0, h1 = _bf16r2(
                    jnp.maximum(plsc.load_gather(ta, [jf, sv0])
                                + plsc.load_gather(tb, [jf, dv0]) + ev0 * wj, 0.0),
                    jnp.maximum(plsc.load_gather(ta, [jf, sv1])
                                + plsc.load_gather(tb, [jf, dv1]) + ev1 * wj, 0.0))
                return (a00 + h0 * w0j, a01 + h0 * w1j,
                        a10 + h1 * w0j, a11 + h1 * w1j)

            a00, a01, a10, a11 = jcarry1
            a00, a01 = _bf16r2(a00, a01)
            a10, a11 = _bf16r2(a10, a11)
            e0b[pl.ds(off, L)] = a00
            e1b[pl.ds(off, L)] = a01
            e0b[pl.ds(off + L, L)] = a10
            e1b[pl.ds(off + L, L)] = a11

            @plsc.parallel_loop(0, H, unroll=8)
            def jloop2(j):
                jf = jnp.full((L,), j, jnp.int32)
                u0j = we0[pl.ds(j * L, L)]
                u1j = we1[pl.ds(j * L, L)]
                g0, g1 = _bf16r2(
                    jnp.maximum(plsc.load_gather(tc, [jf, dv0])
                                + a00 * u0j + a01 * u1j, 0.0),
                    jnp.maximum(plsc.load_gather(tc, [jf, dv1])
                                + a10 * u0j + a11 * u1j, 0.0))
                plsc.addupdate_scatter(sacc, [jf, dv0], g0)
                plsc.addupdate_scatter(sacc, [jf, dv1], g1)

            plsc.addupdate_scatter(cacc, [dv0], ones)
            plsc.addupdate_scatter(cacc, [dv1], ones)

        pltpu.sync_copy(sacc, s_out.at[c, s])
        pltpu.sync_copy(cacc, cnt_out.at[pl.ds((c * NS + s) * NP, NP)])
        eoff = c * (NS * epc) + base
        pltpu.sync_copy(e0b, e0_out.at[pl.ds(eoff, epc)])
        pltpu.sync_copy(e1b, e1_out.at[pl.ds(eoff, epc)])

    return sc1


def _make_sc2(epc):
    ngrp = epc // 32
    mesh = plsc.VectorSubcoreMesh(core_axis_name="c", subcore_axis_name="s")

    @functools.partial(
        pl.kernel, mesh=mesh,
        compiler_params=pltpu.CompilerParams(needs_layout_passes=False),
        out_type=[
            jax.ShapeDtypeStruct((NC, NS, H, NP), _f32),
        ],
        scratch_types=[
            pltpu.VMEM((H, NP), _f32),
            pltpu.VMEM((H, NP), _f32),
            pltpu.VMEM((H, NP), _f32),
            pltpu.VMEM((H, NP), _f32),
            pltpu.VMEM((H * L,), _f32),
            pltpu.VMEM((H * L,), _f32),
            pltpu.VMEM((H * L,), _f32),
            pltpu.VMEM((H * L,), _f32),
            pltpu.VMEM((L,), _f32),
            pltpu.VMEM((epc,), jnp.int32),
            pltpu.VMEM((epc,), jnp.int32),
            pltpu.VMEM((epc,), _f32),
            pltpu.VMEM((epc,), _f32),
        ],
    )
    def sc2(ta_h, tb_h, tc_h, we20_h, we21_h, w4_h, we3_h, b4_h,
            src_h, dst_h, e0_h, e1_h, z_h,
            s_out,
            ta, tb, tc, sacc, we20, we21, w4, we3, b4v,
            srcb, dstb, e0b, e1b):
        c = lax.axis_index("c")
        s = lax.axis_index("s")
        base = s * epc
        woff = c * (H * L)
        eoff = c * (NS * epc) + base
        pltpu.sync_copy(ta_h.at[c], ta)
        pltpu.sync_copy(tb_h.at[c], tb)
        pltpu.sync_copy(tc_h.at[c], tc)
        pltpu.sync_copy(we20_h.at[pl.ds(woff, H * L)], we20)
        pltpu.sync_copy(we21_h.at[pl.ds(woff, H * L)], we21)
        pltpu.sync_copy(w4_h.at[pl.ds(woff, H * L)], w4)
        pltpu.sync_copy(we3_h.at[pl.ds(woff, H * L)], we3)
        pltpu.sync_copy(b4_h.at[pl.ds(c * L, L)], b4v)
        pltpu.sync_copy(z_h, sacc)
        pltpu.sync_copy(src_h.at[pl.ds(base, epc)], srcb)
        pltpu.sync_copy(dst_h.at[pl.ds(base, epc)], dstb)
        pltpu.sync_copy(e0_h.at[pl.ds(eoff, epc)], e0b)
        pltpu.sync_copy(e1_h.at[pl.ds(eoff, epc)], e1b)

        @plsc.parallel_loop(0, ngrp, unroll=1)
        def group(gp):
            off = gp * 32
            sv0 = srcb[pl.ds(off, L)]
            dv0 = dstb[pl.ds(off, L)]
            p00 = e0b[pl.ds(off, L)]
            p01 = e1b[pl.ds(off, L)]
            sv1 = srcb[pl.ds(off + L, L)]
            dv1 = dstb[pl.ds(off + L, L)]
            p10 = e0b[pl.ds(off + L, L)]
            p11 = e1b[pl.ds(off + L, L)]

            b4i = b4v[pl.ds(0, L)]

            @plsc.parallel_loop(0, H, carry=(b4i, b4i), unroll=8)
            def jcarry2(j, carry):
                a0, a1 = carry
                jf = jnp.full((L,), j, jnp.int32)
                u0j = we20[pl.ds(j * L, L)]
                u1j = we21[pl.ds(j * L, L)]
                w4j = w4[pl.ds(j * L, L)]
                h0, h1 = _bf16r2(
                    jnp.maximum(plsc.load_gather(ta, [jf, sv0])
                                + plsc.load_gather(tb, [jf, dv0])
                                + p00 * u0j + p01 * u1j, 0.0),
                    jnp.maximum(plsc.load_gather(ta, [jf, sv1])
                                + plsc.load_gather(tb, [jf, dv1])
                                + p10 * u0j + p11 * u1j, 0.0))
                return (a0 + h0 * w4j, a1 + h1 * w4j)

            a0, a1 = jcarry2
            a0, a1 = _bf16r2(a0, a1)

            @plsc.parallel_loop(0, H, unroll=8)
            def jloop2(j):
                jf = jnp.full((L,), j, jnp.int32)
                w3j = we3[pl.ds(j * L, L)]
                g0, g1 = _bf16r2(
                    jnp.maximum(plsc.load_gather(tc, [jf, dv0]) + a0 * w3j, 0.0),
                    jnp.maximum(plsc.load_gather(tc, [jf, dv1]) + a1 * w3j, 0.0))
                plsc.addupdate_scatter(sacc, [jf, dv0], g0)
                plsc.addupdate_scatter(sacc, [jf, dv1], g1)

        pltpu.sync_copy(sacc, s_out.at[c, s])

    return sc2



def _stack(params, k1, k2, field, layer, idx):
    return jnp.stack([params[k1][field][layer][idx],
                      params[k2][field][layer][idx]])


def _rep(w2d):
    return jnp.broadcast_to(w2d[:, :, None], (2, H, L)).reshape(2 * H * L)


@jax.jit
def kernel(features, params):
    base = 5 * N + 6
    no_e = (features.shape[1] - base) // 3
    ea = features[0, base:base + no_e]
    src = features[0, base + no_e:base + 2 * no_e].astype(jnp.int32)
    dst = features[0, base + 2 * no_e:base + 3 * no_e].astype(jnp.int32)

    epc = ((no_e + NS * 32 - 1) // (NS * 32)) * 32
    pad = epc * NS - no_e
    src_p = jnp.pad(src, (0, pad), constant_values=N)
    dst_p = jnp.pad(dst, (0, pad), constant_values=N)
    ea_p = _bf16w(jnp.pad(ea, (0, pad)))

    x0 = jnp.stack([features[0, N:2 * N], features[0, 0:N],
                    features[0, 2 * N:3 * N], features[0, 3 * N:4 * N],
                    features[0, 4 * N:5 * N]], axis=1)
    x0p = jnp.pad(x0, ((0, NP - N), (0, 0)))
    u0 = features[:, 5 * N:5 * N + 6]
    zeros = jnp.zeros((H, NP), _f32)
    zerosc = jnp.zeros((NP,), _f32)

    def st(k1, k2, field, layer, idx):
        return _stack(params, k1, k2, field, layer, idx)

    w1e = st('p1', 'v1', 'edge', 0, 0); b1e = st('p1', 'v1', 'edge', 0, 1)
    w2e = st('p1', 'v1', 'edge', 1, 0); b2e = st('p1', 'v1', 'edge', 1, 1)
    wm1 = st('p1', 'v1', 'node_mlp1', 0, 0); bm1 = st('p1', 'v1', 'node_mlp1', 0, 1)
    w2m = st('p1', 'v1', 'node_mlp1', 1, 0); b2m = st('p1', 'v1', 'node_mlp1', 1, 1)
    w1n = st('p1', 'v1', 'node_mlp2', 0, 0); b1n = st('p1', 'v1', 'node_mlp2', 0, 1)
    w2n = st('p1', 'v1', 'node_mlp2', 1, 0); b2n = st('p1', 'v1', 'node_mlp2', 1, 1)
    w1g = st('p1', 'v1', 'global', 0, 0); b1g = st('p1', 'v1', 'global', 0, 1)
    w2g = st('p1', 'v1', 'global', 1, 0); b2g = st('p1', 'v1', 'global', 1, 1)

    w1e2 = st('p2', 'v2', 'edge', 0, 0); b1e2 = st('p2', 'v2', 'edge', 0, 1)
    w2e2 = st('p2', 'v2', 'edge', 1, 0); b2e2 = st('p2', 'v2', 'edge', 1, 1)
    wm12 = st('p2', 'v2', 'node_mlp1', 0, 0); bm12 = st('p2', 'v2', 'node_mlp1', 0, 1)
    w2m2 = st('p2', 'v2', 'node_mlp1', 1, 0); b2m2 = st('p2', 'v2', 'node_mlp1', 1, 1)
    w1n2 = st('p2', 'v2', 'node_mlp2', 0, 0); b1n2 = st('p2', 'v2', 'node_mlp2', 0, 1)
    w2n2 = st('p2', 'v2', 'node_mlp2', 1, 0); b2n2 = st('p2', 'v2', 'node_mlp2', 1, 1)

    tc0 = pl.pallas_call(
        _tc0_body,
        out_shape=[jax.ShapeDtypeStruct((2, H, NP), _f32)] * 3,
    )
    ta1, tb1, tc1tab = tc0(x0p, u0, w1e, b1e, wm1, bm1)

    sc1 = _make_sc1(epc)
    b2rep = jnp.broadcast_to(b2e[:, :, None], (2, 2, L)).reshape(2 * 2 * L)
    s1, cnt1, e1c0, e1c1 = sc1(
        ta1, tb1, tc1tab,
        _bf16w(_rep(w1e[:, 10, :])), _bf16w(_rep(w2e[:, :, 0])),
        _bf16w(_rep(w2e[:, :, 1])),
        _bf16w(_rep(wm1[:, 5, :])), _bf16w(_rep(wm1[:, 6, :])), b2rep,
        src_p, dst_p, ea_p, zeros, zerosc)
    cnt1 = cnt1.reshape(NC, NS, NP)

    tc1 = pl.pallas_call(
        _tc1_body,
        out_shape=[jax.ShapeDtypeStruct((2, H, NP), _f32),
                   jax.ShapeDtypeStruct((2, H, NP), _f32),
                   jax.ShapeDtypeStruct((2, H, NP), _f32),
                   jax.ShapeDtypeStruct((2, NP, 10), _f32)],
    )
    ta2, tb2, tc2tab, xn = tc1(
        s1, cnt1, x0p, u0,
        w2m, b2m, w1n, b1n, w2n, b2n, w1g, b1g, w2g, b2g,
        w1e2, b1e2, wm12, bm12)

    sc2 = _make_sc2(epc)
    b4rep = jnp.broadcast_to(b2e2[:, :, None], (2, 1, L)).reshape(2 * L)
    (s2,) = sc2(
        ta2, tb2, tc2tab,
        _bf16w(_rep(w1e2[:, 20, :])), _bf16w(_rep(w1e2[:, 21, :])),
        _bf16w(_rep(w2e2[:, :, 0])), _bf16w(_rep(wm12[:, 10, :])), b4rep,
        src_p, dst_p, e1c0, e1c1, zeros)

    tc2 = pl.pallas_call(
        _tc2_body,
        out_shape=[jax.ShapeDtypeStruct((2, NP, 1), _f32)],
    )
    (xf,) = tc2(s2, cnt1, xn, w2m2, b2m2, w1n2, b1n2, w2n2, b2n2)

    policy = xf[0, :N, 0].reshape(1, N)
    value = xf[1, :N, 0].reshape(1, N)
    return policy, value

# --- scband reference (transcript-rebuilt; emitter-appended) ---
"""Pipeline reference for scband-custom-network-6897717477418 (READ-ONLY COPY).

The authoritative reference and input builder live on the scoring server;
editing this copy changes nothing except your own understanding.
"""

import jax, jax.numpy as jnp
import numpy as np

NODES = 120
E = 50000


def _mlp_params(key, dims):
    params = []
    for i in range(len(dims) - 1):
        key, k = jax.random.split(key)
        W = jax.random.normal(k, (dims[i], dims[i + 1]), dtype=jnp.float32) * 0.05
        b = jnp.zeros((dims[i + 1],), dtype=jnp.float32)
        params.append((W, b))
    return params


def _mlp_apply(params, x):
    n = len(params)
    for i, (W, b) in enumerate(params):
        x = x @ W + b
        if i < n - 1:
            x = jax.nn.relu(x)
    return x


def _meta_layer(p, x, edge_attr, u, src, dst):
    En = src.shape[0]
    N = x.shape[0]
    u_e = jnp.broadcast_to(u, (En, u.shape[1]))
    # Edge model: MLP over [x_src, x_dst, edge_attr, u]
    e_new = _mlp_apply(p['edge'], jnp.concatenate([x[src], x[dst], edge_attr, u_e], axis=1))
    # Node model: mlp1 over [x_dst, e_new], scatter-mean onto dst nodes, then mlp2 over [x, agg, degree]
    m = _mlp_apply(p['node_mlp1'], jnp.concatenate([x[dst], e_new], axis=1))
    agg = jax.ops.segment_sum(m, dst, num_segments=N)
    cnt = jax.ops.segment_sum(jnp.ones((En, 1), dtype=x.dtype), dst, num_segments=N)
    agg_mean = agg / jnp.maximum(cnt, 1.0)
    x_new = _mlp_apply(p['node_mlp2'], jnp.concatenate([x, agg_mean, cnt], axis=1))
    # Global model: MLP over [u, mean(x_new)]
    u_new = _mlp_apply(p['global'], jnp.concatenate([u, jnp.mean(x_new, axis=0, keepdims=True)], axis=1))
    return x_new, e_new, u_new


def _forward(features, params, src, dst):
    nodes = NODES
    degrees = features[:, :nodes]
    capacities = features[:, nodes:2 * nodes]
    incoming = features[:, 2 * nodes:3 * nodes]
    outgoing = features[:, 3 * nodes:4 * nodes]
    total = features[:, 4 * nodes:5 * nodes]
    u0 = features[:, 5 * nodes:5 * nodes + 6]
    base = 5 * nodes + 6
    no_e = (features.shape[1] - base) // 3
    edge_attr = features[:, base:base + no_e].reshape(no_e, 1)
    x0 = jnp.concatenate([
        capacities.reshape(nodes, 1),
        degrees.reshape(nodes, 1),
        incoming.reshape(nodes, 1),
        outgoing.reshape(nodes, 1),
        total.reshape(nodes, 1),
    ], axis=1)
    xp, ep, up = _meta_layer(params['p1'], x0, edge_attr, u0, src, dst)
    xp, ep, up = _meta_layer(params['p2'], xp, ep, up, src, dst)
    xv, ev, uv = _meta_layer(params['v1'], x0, edge_attr, u0, src, dst)
    xv, ev, uv = _meta_layer(params['v2'], xv, ev, uv, src, dst)
    policy = jnp.transpose(xp, (1, 0)).reshape(1, nodes)
    value = jnp.transpose(xv, (1, 0)).reshape(1, nodes)
    return policy, value


def setup_inputs(seed: int = 0) -> dict:
    key = jax.random.key(seed)
    ks = jax.random.split(key, 6)
    node_part = jax.random.uniform(ks[0], (1, 5 * NODES), dtype=jnp.float32)
    graph_part = jax.random.uniform(ks[1], (1, 6), dtype=jnp.float32)
    edge_attr = jax.random.uniform(ks[2], (1, E), dtype=jnp.float32)
    src = jax.random.randint(ks[3], (1, E), 0, NODES).astype(jnp.float32)
    dst = jax.random.randint(ks[4], (1, E), 0, NODES).astype(jnp.float32)
    features = jnp.concatenate([node_part, graph_part, edge_attr, src, dst], axis=1)

    def block(k, edge_dims, n1, n2, g):
        kk = jax.random.split(k, 4)
        return {
            'edge': _mlp_params(kk[0], edge_dims),
            'node_mlp1': _mlp_params(kk[1], n1),
            'node_mlp2': _mlp_params(kk[2], n2),
            'global': _mlp_params(kk[3], g),
        }

    pk = jax.random.split(ks[5], 4)
    params = {
        'p1': block(pk[0], [17, 128, 2], [7, 128, 128], [134, 256, 10], [16, 128, 12]),
        'p2': block(pk[1], [34, 128, 1], [11, 128, 128], [139, 256, 1], [13, 128, 6]),
        'v1': block(pk[2], [17, 128, 2], [7, 128, 128], [134, 256, 10], [16, 128, 12]),
        'v2': block(pk[3], [34, 128, 1], [11, 128, 128], [139, 256, 1], [13, 128, 6]),
    }
    return {'features': features, 'params': params}


def reference(features, params):
    base = 5 * NODES + 6
    no_e = (features.shape[1] - base) // 3
    src = features[0, base + no_e:base + 2 * no_e].astype(jnp.int32)
    dst = features[0, base + 2 * no_e:base + 3 * no_e].astype(jnp.int32)
    return _forward(features, params, src, dst)

if __name__ == "__main__":
    import jax
    _d = setup_inputs()
    print(jax.jit(kernel)(*tuple(_d.values())))

</pallas_src>

<mosaic_0001>
#map = affine_map<(d0, d1) -> (0, 0, 0)>
#map1 = affine_map<(d0, d1) -> (0)>
#map2 = affine_map<(d0, d1) -> (0, 0)>
#map3 = affine_map<(d0, d1) -> (0, 0, 0, 0)>
module attributes {stable_mosaic.version = 14 : i64} {
  func.func @sc2(%arg0: i32, %arg1: i32, %arg2: memref<2x128x128xf32, #tpu.memory_space<hbm>>, %arg3: memref<2x128x128xf32, #tpu.memory_space<hbm>>, %arg4: memref<2x128x128xf32, #tpu.memory_space<hbm>>, %arg5: memref<4096xf32, #tpu.memory_space<hbm>>, %arg6: memref<4096xf32, #tpu.memory_space<hbm>>, %arg7: memref<4096xf32, #tpu.memory_space<hbm>>, %arg8: memref<4096xf32, #tpu.memory_space<hbm>>, %arg9: memref<32xf32, #tpu.memory_space<hbm>>, %arg10: memref<50176xi32, #tpu.memory_space<hbm>>, %arg11: memref<50176xi32, #tpu.memory_space<hbm>>, %arg12: memref<100352xf32, #tpu.memory_space<hbm>>, %arg13: memref<100352xf32, #tpu.memory_space<hbm>>, %arg14: memref<128x128xf32, #tpu.memory_space<hbm>>, %arg15: memref<2x16x128x128xf32, #tpu.memory_space<hbm>>, %arg16: memref<128x128xf32, #tpu.memory_space<vmem>>, %arg17: memref<128x128xf32, #tpu.memory_space<vmem>>, %arg18: memref<128x128xf32, #tpu.memory_space<vmem>>, %arg19: memref<128x128xf32, #tpu.memory_space<vmem>>, %arg20: memref<2048xf32, #tpu.memory_space<vmem>>, %arg21: memref<2048xf32, #tpu.memory_space<vmem>>, %arg22: memref<2048xf32, #tpu.memory_space<vmem>>, %arg23: memref<2048xf32, #tpu.memory_space<vmem>>, %arg24: memref<16xf32, #tpu.memory_space<vmem>>, %arg25: memref<3136xi32, #tpu.memory_space<vmem>>, %arg26: memref<3136xi32, #tpu.memory_space<vmem>>, %arg27: memref<3136xf32, #tpu.memory_space<vmem>>, %arg28: memref<3136xf32, #tpu.memory_space<vmem>>) attributes {dimension_semantics = [#tpu.dimension_semantics<core_parallel>, #tpu.dimension_semantics<subcore_parallel>], iteration_bounds = array<i64: 2, 16>, scalar_prefetch = 0 : i64, scratch_operands = 13 : i64, tpu.core_type = #tpu.core_type<sc_vector_subcore>, window_params = [{transform_indices = #map}, {transform_indices = #map}, {transform_indices = #map}, {transform_indices = #map1}, {transform_indices = #map1}, {transform_indices = #map1}, {transform_indices = #map1}, {transform_indices = #map1}, {transform_indices = #map1}, {transform_indices = #map1}, {transform_indices = #map1}, {transform_indices = #map1}, {transform_indices = #map2}, {transform_indices = #map3}]} {
    %mul3A = arith.constant 3136 : i32
    %mul3A_0 = arith.muli %arg1, %mul3A : i32
    %mul3A_1 = arith.constant 2048 : i32
    %mul3A_2 = arith.muli %arg0, %mul3A_1 : i32
    %mul3A_3 = arith.constant 50176 : i32
    %mul3A_4 = arith.muli %arg0, %mul3A_3 : i32
    %add3A = arith.addi %mul3A_4, %mul3A_0 : i32
    "tpu.region"() ({
      %run_scoped3A = tpu.sem_alloc : memref<!tpu.dma_semaphore, #tpu.memory_space<semaphore_mem>>
      %dma_start3A = arith.constant 0 : i32
      %dma_start3A_9 = arith.constant 0 : i32
      %dma_start3A_10 = tpu.memref_slice %arg2[%arg0, %dma_start3A, %dma_start3A_9] : memref<2x128x128xf32, #tpu.memory_space<hbm>> -> memref<1x128x128xf32, #tpu.memory_space<hbm>>
      %dma_start3A_11 = tpu.memref_squeeze %dma_start3A_10 : memref<1x128x128xf32, #tpu.memory_space<hbm>> -> memref<128x128xf32, #tpu.memory_space<hbm>>
      %dma_start3A_12 = arith.constant 0 : i32
      %dma_start3A_13 = arith.constant 0 : i32
      %dma_start3A_14 = tpu.memref_slice %arg2[%arg0, %dma_start3A_12, %dma_start3A_13] : memref<2x128x128xf32, #tpu.memory_space<hbm>> -> memref<1x128x128xf32, #tpu.memory_space<hbm>>
      %dma_start3A_15 = tpu.memref_squeeze %dma_start3A_14 : memref<1x128x128xf32, #tpu.memory_space<hbm>> -> memref<128x128xf32, #tpu.memory_space<hbm>>
      tpu.enqueue_dma source(%dma_start3A_15 : memref<128x128xf32, #tpu.memory_space<hbm>>) target(%arg16 : memref<128x128xf32, #tpu.memory_space<vmem>>) target_semaphore(%run_scoped3A : memref<!tpu.dma_semaphore, #tpu.memory_space<semaphore_mem>>)
      %dma_wait3A = arith.constant 0 : i32
      %dma_wait3A_16 = arith.constant 0 : i32
      %dma_wait3A_17 = tpu.memref_slice %arg2[%arg0, %dma_wait3A, %dma_wait3A_16] : memref<2x128x128xf32, #tpu.memory_space<hbm>> -> memref<1x128x128xf32, #tpu.memory_space<hbm>>
      %dma_wait3A_18 = tpu.memref_squeeze %dma_wait3A_17 : memref<1x128x128xf32, #tpu.memory_space<hbm>> -> memref<128x128xf32, #tpu.memory_space<hbm>>
      %dma_wait3A_19 = arith.constant 0 : i32
      %dma_wait3A_20 = arith.constant 0 : i32
      %dma_wait3A_21 = tpu.memref_slice %arg2[%arg0, %dma_wait3A_19, %dma_wait3A_20] : memref<2x128x128xf32, #tpu.memory_space<hbm>> -> memref<1x128x128xf32, #tpu.memory_space<hbm>>
      %dma_wait3A_22 = tpu.memref_squeeze %dma_wait3A_21 : memref<1x128x128xf32, #tpu.memory_space<hbm>> -> memref<128x128xf32, #tpu.memory_space<hbm>>
      tpu.wait_dma2 semaphore(%run_scoped3A : memref<!tpu.dma_semaphore, #tpu.memory_space<semaphore_mem>>) src(%dma_wait3A_22 : memref<128x128xf32, #tpu.memory_space<hbm>>) dst(%arg16 : memref<128x128xf32, #tpu.memory_space<vmem>>)
      tpu.yield
    }) : () -> ()
    "tpu.region"() ({
      %run_scoped3A = tpu.sem_alloc : memref<!tpu.dma_semaphore, #tpu.memory_space<semaphore_mem>>
      %dma_start3A = arith.constant 0 : i32
      %dma_start3A_9 = arith.constant 0 : i32
      %dma_start3A_10 = tpu.memref_slice %arg3[%arg0, %dma_start3A, %dma_start3A_9] : memref<2x128x128xf32, #tpu.memory_space<hbm>> -> memref<1x128x128xf32, #tpu.memory_space<hbm>>
      %dma_start3A_11 = tpu.memref_squeeze %dma_start3A_10 : memref<1x128x128xf32, #tpu.memory_space<hbm>> -> memref<128x128xf32, #tpu.memory_space<hbm>>
      %dma_start3A_12 = arith.constant 0 : i32
      %dma_start3A_13 = arith.constant 0 : i32
      %dma_start3A_14 = tpu.memref_slice %arg3[%arg0, %dma_start3A_12, %dma_start3A_13] : memref<2x128x128xf32, #tpu.memory_space<hbm>> -> memref<1x128x128xf32, #tpu.memory_space<hbm>>
      %dma_start3A_15 = tpu.memref_squeeze %dma_start3A_14 : memref<1x128x128xf32, #tpu.memory_space<hbm>> -> memref<128x128xf32, #tpu.memory_space<hbm>>
      tpu.enqueue_dma source(%dma_start3A_15 : memref<128x128xf32, #tpu.memory_space<hbm>>) target(%arg17 : memref<128x128xf32, #tpu.memory_space<vmem>>) target_semaphore(%run_scoped3A : memref<!tpu.dma_semaphore, #tpu.memory_space<semaphore_mem>>)
      %dma_wait3A = arith.constant 0 : i32
      %dma_wait3A_16 = arith.constant 0 : i32
      %dma_wait3A_17 = tpu.memref_slice %arg3[%arg0, %dma_wait3A, %dma_wait3A_16] : memref<2x128x128xf32, #tpu.memory_space<hbm>> -> memref<1x128x128xf32, #tpu.memory_space<hbm>>
      %dma_wait3A_18 = tpu.memref_squeeze %dma_wait3A_17 : memref<1x128x128xf32, #tpu.memory_space<hbm>> -> memref<128x128xf32, #tpu.memory_space<hbm>>
      %dma_wait3A_19 = arith.constant 0 : i32
      %dma_wait3A_20 = arith.constant 0 : i32
      %dma_wait3A_21 = tpu.memref_slice %arg3[%arg0, %dma_wait3A_19, %dma_wait3A_20] : memref<2x128x128xf32, #tpu.memory_space<hbm>> -> memref<1x128x128xf32, #tpu.memory_space<hbm>>
      %dma_wait3A_22 = tpu.memref_squeeze %dma_wait3A_21 : memref<1x128x128xf32, #tpu.memory_space<hbm>> -> memref<128x128xf32, #tpu.memory_space<hbm>>
      tpu.wait_dma2 semaphore(%run_scoped3A : memref<!tpu.dma_semaphore, #tpu.memory_space<semaphore_mem>>) src(%dma_wait3A_22 : memref<128x128xf32, #tpu.memory_space<hbm>>) dst(%arg17 : memref<128x128xf32, #tpu.memory_space<vmem>>)
      tpu.yield
    }) : () -> ()
    "tpu.region"() ({
      %run_scoped3A = tpu.sem_alloc : memref<!tpu.dma_semaphore, #tpu.memory_space<semaphore_mem>>
      %dma_start3A = arith.constant 0 : i32
      %dma_start3A_9 = arith.constant 0 : i32
      %dma_start3A_10 = tpu.memref_slice %arg4[%arg0, %dma_start3A, %dma_start3A_9] : memref<2x128x128xf32, #tpu.memory_space<hbm>> -> memref<1x128x128xf32, #tpu.memory_space<hbm>>
      %dma_start3A_11 = tpu.memref_squeeze %dma_start3A_10 : memref<1x128x128xf32, #tpu.memory_space<hbm>> -> memref<128x128xf32, #tpu.memory_space<hbm>>
      %dma_start3A_12 = arith.constant 0 : i32
      %dma_start3A_13 = arith.constant 0 : i32
      %dma_start3A_14 = tpu.memref_slice %arg4[%arg0, %dma_start3A_12, %dma_start3A_13] : memref<2x128x128xf32, #tpu.memory_space<hbm>> -> memref<1x128x128xf32, #tpu.memory_space<hbm>>
      %dma_start3A_15 = tpu.memref_squeeze %dma_start3A_14 : memref<1x128x128xf32, #tpu.memory_space<hbm>> -> memref<128x128xf32, #tpu.memory_space<hbm>>
      tpu.enqueue_dma source(%dma_start3A_15 : memref<128x128xf32, #tpu.memory_space<hbm>>) target(%arg18 : memref<128x128xf32, #tpu.memory_space<vmem>>) target_semaphore(%run_scoped3A : memref<!tpu.dma_semaphore, #tpu.memory_space<semaphore_mem>>)
      %dma_wait3A = arith.constant 0 : i32
      %dma_wait3A_16 = arith.constant 0 : i32
      %dma_wait3A_17 = tpu.memref_slice %arg4[%arg0, %dma_wait3A, %dma_wait3A_16] : memref<2x128x128xf32, #tpu.memory_space<hbm>> -> memref<1x128x128xf32, #tpu.memory_space<hbm>>
      %dma_wait3A_18 = tpu.memref_squeeze %dma_wait3A_17 : memref<1x128x128xf32, #tpu.memory_space<hbm>> -> memref<128x128xf32, #tpu.memory_space<hbm>>
      %dma_wait3A_19 = arith.constant 0 : i32
      %dma_wait3A_20 = arith.constant 0 : i32
      %dma_wait3A_21 = tpu.memref_slice %arg4[%arg0, %dma_wait3A_19, %dma_wait3A_20] : memref<2x128x128xf32, #tpu.memory_space<hbm>> -> memref<1x128x128xf32, #tpu.memory_space<hbm>>
      %dma_wait3A_22 = tpu.memref_squeeze %dma_wait3A_21 : memref<1x128x128xf32, #tpu.memory_space<hbm>> -> memref<128x128xf32, #tpu.memory_space<hbm>>
      tpu.wait_dma2 semaphore(%run_scoped3A : memref<!tpu.dma_semaphore, #tpu.memory_space<semaphore_mem>>) src(%dma_wait3A_22 : memref<128x128xf32, #tpu.memory_space<hbm>>) dst(%arg18 : memref<128x128xf32, #tpu.memory_space<vmem>>)
      tpu.yield
    }) : () -> ()
    "tpu.region"() ({
      %run_scoped3A = tpu.sem_alloc : memref<!tpu.dma_semaphore, #tpu.memory_space<semaphore_mem>>
      %dma_start3A = tpu.memref_slice %arg5[%mul3A_2] : memref<4096xf32, #tpu.memory_space<hbm>> -> memref<2048xf32, #tpu.memory_space<hbm>>
      %dma_start3A_9 = tpu.memref_slice %arg5[%mul3A_2] : memref<4096xf32, #tpu.memory_space<hbm>> -> memref<2048xf32, #tpu.memory_space<hbm>>
      tpu.enqueue_dma source(%dma_start3A_9 : memref<2048xf32, #tpu.memory_space<hbm>>) target(%arg20 : memref<2048xf32, #tpu.memory_space<vmem>>) target_semaphore(%run_scoped3A : memref<!tpu.dma_semaphore, #tpu.memory_space<semaphore_mem>>)
      %dma_wait3A = tpu.memref_slice %arg5[%mul3A_2] : memref<4096xf32, #tpu.memory_space<hbm>> -> memref<2048xf32, #tpu.memory_space<hbm>>
      %dma_wait3A_10 = tpu.memref_slice %arg5[%mul3A_2] : memref<4096xf32, #tpu.memory_space<hbm>> -> memref<2048xf32, #tpu.memory_space<hbm>>
      tpu.wait_dma2 semaphore(%run_scoped3A : memref<!tpu.dma_semaphore, #tpu.memory_space<semaphore_mem>>) src(%dma_wait3A_10 : memref<2048xf32, #tpu.memory_space<hbm>>) dst(%arg20 : memref<2048xf32, #tpu.memory_space<vmem>>)
      tpu.yield
    }) : () -> ()
    "tpu.region"() ({
      %run_scoped3A = tpu.sem_alloc : memref<!tpu.dma_semaphore, #tpu.memory_space<semaphore_mem>>
      %dma_start3A = tpu.memref_slice %arg6[%mul3A_2] : memref<4096xf32, #tpu.memory_space<hbm>> -> memref<2048xf32, #tpu.memory_space<hbm>>
      %dma_start3A_9 = tpu.memref_slice %arg6[%mul3A_2] : memref<4096xf32, #tpu.memory_space<hbm>> -> memref<2048xf32, #tpu.memory_space<hbm>>
      tpu.enqueue_dma source(%dma_start3A_9 : memref<2048xf32, #tpu.memory_space<hbm>>) target(%arg21 : memref<2048xf32, #tpu.memory_space<vmem>>) target_semaphore(%run_scoped3A : memref<!tpu.dma_semaphore, #tpu.memory_space<semaphore_mem>>)
      %dma_wait3A = tpu.memref_slice %arg6[%mul3A_2] : memref<4096xf32, #tpu.memory_space<hbm>> -> memref<2048xf32, #tpu.memory_space<hbm>>
      %dma_wait3A_10 = tpu.memref_slice %arg6[%mul3A_2] : memref<4096xf32, #tpu.memory_space<hbm>> -> memref<2048xf32, #tpu.memory_space<hbm>>
      tpu.wait_dma2 semaphore(%run_scoped3A : memref<!tpu.dma_semaphore, #tpu.memory_space<semaphore_mem>>) src(%dma_wait3A_10 : memref<2048xf32, #tpu.memory_space<hbm>>) dst(%arg21 : memref<2048xf32, #tpu.memory_space<vmem>>)
      tpu.yield
    }) : () -> ()
    "tpu.region"() ({
      %run_scoped3A = tpu.sem_alloc : memref<!tpu.dma_semaphore, #tpu.memory_space<semaphore_mem>>
      %dma_start3A = tpu.memref_slice %arg7[%mul3A_2] : memref<4096xf32, #tpu.memory_space<hbm>> -> memref<2048xf32, #tpu.memory_space<hbm>>
      %dma_start3A_9 = tpu.memref_slice %arg7[%mul3A_2] : memref<4096xf32, #tpu.memory_space<hbm>> -> memref<2048xf32, #tpu.memory_space<hbm>>
      tpu.enqueue_dma source(%dma_start3A_9 : memref<2048xf32, #tpu.memory_space<hbm>>) target(%arg22 : memref<2048xf32, #tpu.memory_space<vmem>>) target_semaphore(%run_scoped3A : memref<!tpu.dma_semaphore, #tpu.memory_space<semaphore_mem>>)
      %dma_wait3A = tpu.memref_slice %arg7[%mul3A_2] : memref<4096xf32, #tpu.memory_space<hbm>> -> memref<2048xf32, #tpu.memory_space<hbm>>
      %dma_wait3A_10 = tpu.memref_slice %arg7[%mul3A_2] : memref<4096xf32, #tpu.memory_space<hbm>> -> memref<2048xf32, #tpu.memory_space<hbm>>
      tpu.wait_dma2 semaphore(%run_scoped3A : memref<!tpu.dma_semaphore, #tpu.memory_space<semaphore_mem>>) src(%dma_wait3A_10 : memref<2048xf32, #tpu.memory_space<hbm>>) dst(%arg22 : memref<2048xf32, #tpu.memory_space<vmem>>)
      tpu.yield
    }) : () -> ()
    "tpu.region"() ({
      %run_scoped3A = tpu.sem_alloc : memref<!tpu.dma_semaphore, #tpu.memory_space<semaphore_mem>>
      %dma_start3A = tpu.memref_slice %arg8[%mul3A_2] : memref<4096xf32, #tpu.memory_space<hbm>> -> memref<2048xf32, #tpu.memory_space<hbm>>
      %dma_start3A_9 = tpu.memref_slice %arg8[%mul3A_2] : memref<4096xf32, #tpu.memory_space<hbm>> -> memref<2048xf32, #tpu.memory_space<hbm>>
      tpu.enqueue_dma source(%dma_start3A_9 : memref<2048xf32, #tpu.memory_space<hbm>>) target(%arg23 : memref<2048xf32, #tpu.memory_space<vmem>>) target_semaphore(%run_scoped3A : memref<!tpu.dma_semaphore, #tpu.memory_space<semaphore_mem>>)
      %dma_wait3A = tpu.memref_slice %arg8[%mul3A_2] : memref<4096xf32, #tpu.memory_space<hbm>> -> memref<2048xf32, #tpu.memory_space<hbm>>
      %dma_wait3A_10 = tpu.memref_slice %arg8[%mul3A_2] : memref<4096xf32, #tpu.memory_space<hbm>> -> memref<2048xf32, #tpu.memory_space<hbm>>
      tpu.wait_dma2 semaphore(%run_scoped3A : memref<!tpu.dma_semaphore, #tpu.memory_space<semaphore_mem>>) src(%dma_wait3A_10 : memref<2048xf32, #tpu.memory_space<hbm>>) dst(%arg23 : memref<2048xf32, #tpu.memory_space<vmem>>)
      tpu.yield
    }) : () -> ()
    %mul3A_5 = arith.constant 16 : i32
    %mul3A_6 = arith.muli %arg0, %mul3A_5 : i32
    "tpu.region"() ({
      %run_scoped3A = tpu.sem_alloc : memref<!tpu.dma_semaphore, #tpu.memory_space<semaphore_mem>>
      %dma_start3A = tpu.memref_slice %arg9[%mul3A_6] : memref<32xf32, #tpu.memory_space<hbm>> -> memref<16xf32, #tpu.memory_space<hbm>>
      %dma_start3A_9 = tpu.memref_slice %arg9[%mul3A_6] : memref<32xf32, #tpu.memory_space<hbm>> -> memref<16xf32, #tpu.memory_space<hbm>>
      tpu.enqueue_dma source(%dma_start3A_9 : memref<16xf32, #tpu.memory_space<hbm>>) target(%arg24 : memref<16xf32, #tpu.memory_space<vmem>>) target_semaphore(%run_scoped3A : memref<!tpu.dma_semaphore, #tpu.memory_space<semaphore_mem>>)
      %dma_wait3A = tpu.memref_slice %arg9[%mul3A_6] : memref<32xf32, #tpu.memory_space<hbm>> -> memref<16xf32, #tpu.memory_space<hbm>>
      %dma_wait3A_10 = tpu.memref_slice %arg9[%mul3A_6] : memref<32xf32, #tpu.memory_space<hbm>> -> memref<16xf32, #tpu.memory_space<hbm>>
      tpu.wait_dma2 semaphore(%run_scoped3A : memref<!tpu.dma_semaphore, #tpu.memory_space<semaphore_mem>>) src(%dma_wait3A_10 : memref<16xf32, #tpu.memory_space<hbm>>) dst(%arg24 : memref<16xf32, #tpu.memory_space<vmem>>)
      tpu.yield
    }) : () -> ()
    "tpu.region"() ({
      %run_scoped3A = tpu.sem_alloc : memref<!tpu.dma_semaphore, #tpu.memory_space<semaphore_mem>>
      tpu.enqueue_dma source(%arg14 : memref<128x128xf32, #tpu.memory_space<hbm>>) target(%arg19 : memref<128x128xf32, #tpu.memory_space<vmem>>) target_semaphore(%run_scoped3A : memref<!tpu.dma_semaphore, #tpu.memory_space<semaphore_mem>>)
      tpu.wait_dma2 semaphore(%run_scoped3A : memref<!tpu.dma_semaphore, #tpu.memory_space<semaphore_mem>>) src(%arg14 : memref<128x128xf32, #tpu.memory_space<hbm>>) dst(%arg19 : memref<128x128xf32, #tpu.memory_space<vmem>>)
      tpu.yield
    }) : () -> ()
    "tpu.region"() ({
      %run_scoped3A = tpu.sem_alloc : memref<!tpu.dma_semaphore, #tpu.memory_space<semaphore_mem>>
      %dma_start3A = tpu.memref_slice %arg10[%mul3A_0] : memref<50176xi32, #tpu.memory_space<hbm>> -> memref<3136xi32, #tpu.memory_space<hbm>>
      %dma_start3A_9 = tpu.memref_slice %arg10[%mul3A_0] : memref<50176xi32, #tpu.memory_space<hbm>> -> memref<3136xi32, #tpu.memory_space<hbm>>
      tpu.enqueue_dma source(%dma_start3A_9 : memref<3136xi32, #tpu.memory_space<hbm>>) target(%arg25 : memref<3136xi32, #tpu.memory_space<vmem>>) target_semaphore(%run_scoped3A : memref<!tpu.dma_semaphore, #tpu.memory_space<semaphore_mem>>)
      %dma_wait3A = tpu.memref_slice %arg10[%mul3A_0] : memref<50176xi32, #tpu.memory_space<hbm>> -> memref<3136xi32, #tpu.memory_space<hbm>>
      %dma_wait3A_10 = tpu.memref_slice %arg10[%mul3A_0] : memref<50176xi32, #tpu.memory_space<hbm>> -> memref<3136xi32, #tpu.memory_space<hbm>>
      tpu.wait_dma2 semaphore(%run_scoped3A : memref<!tpu.dma_semaphore, #tpu.memory_space<semaphore_mem>>) src(%dma_wait3A_10 : memref<3136xi32, #tpu.memory_space<hbm>>) dst(%arg25 : memref<3136xi32, #tpu.memory_space<vmem>>)
      tpu.yield
    }) : () -> ()
    "tpu.region"() ({
      %run_scoped3A = tpu.sem_alloc : memref<!tpu.dma_semaphore, #tpu.memory_space<semaphore_mem>>
      %dma_start3A = tpu.memref_slice %arg11[%mul3A_0] : memref<50176xi32, #tpu.memory_space<hbm>> -> memref<3136xi32, #tpu.memory_space<hbm>>
      %dma_start3A_9 = tpu.memref_slice %arg11[%mul3A_0] : memref<50176xi32, #tpu.memory_space<hbm>> -> memref<3136xi32, #tpu.memory_space<hbm>>
      tpu.enqueue_dma source(%dma_start3A_9 : memref<3136xi32, #tpu.memory_space<hbm>>) target(%arg26 : memref<3136xi32, #tpu.memory_space<vmem>>) target_semaphore(%run_scoped3A : memref<!tpu.dma_semaphore, #tpu.memory_space<semaphore_mem>>)
      %dma_wait3A = tpu.memref_slice %arg11[%mul3A_0] : memref<50176xi32, #tpu.memory_space<hbm>> -> memref<3136xi32, #tpu.memory_space<hbm>>
      %dma_wait3A_10 = tpu.memref_slice %arg11[%mul3A_0] : memref<50176xi32, #tpu.memory_space<hbm>> -> memref<3136xi32, #tpu.memory_space<hbm>>
      tpu.wait_dma2 semaphore(%run_scoped3A : memref<!tpu.dma_semaphore, #tpu.memory_space<semaphore_mem>>) src(%dma_wait3A_10 : memref<3136xi32, #tpu.memory_space<hbm>>) dst(%arg26 : memref<3136xi32, #tpu.memory_space<vmem>>)
      tpu.yield
    }) : () -> ()
    "tpu.region"() ({
      %run_scoped3A = tpu.sem_alloc : memref<!tpu.dma_semaphore, #tpu.memory_space<semaphore_mem>>
      %dma_start3A = tpu.memref_slice %arg12[%add3A] : memref<100352xf32, #tpu.memory_space<hbm>> -> memref<3136xf32, #tpu.memory_space<hbm>>
      %dma_start3A_9 = tpu.memref_slice %arg12[%add3A] : memref<100352xf32, #tpu.memory_space<hbm>> -> memref<3136xf32, #tpu.memory_space<hbm>>
      tpu.enqueue_dma source(%dma_start3A_9 : memref<3136xf32, #tpu.memory_space<hbm>>) target(%arg27 : memref<3136xf32, #tpu.memory_space<vmem>>) target_semaphore(%run_scoped3A : memref<!tpu.dma_semaphore, #tpu.memory_space<semaphore_mem>>)
      %dma_wait3A = tpu.memref_slice %arg12[%add3A] : memref<100352xf32, #tpu.memory_space<hbm>> -> memref<3136xf32, #tpu.memory_space<hbm>>
      %dma_wait3A_10 = tpu.memref_slice %arg12[%add3A] : memref<100352xf32, #tpu.memory_space<hbm>> -> memref<3136xf32, #tpu.memory_space<hbm>>
      tpu.wait_dma2 semaphore(%run_scoped3A : memref<!tpu.dma_semaphore, #tpu.memory_space<semaphore_mem>>) src(%dma_wait3A_10 : memref<3136xf32, #tpu.memory_space<hbm>>) dst(%arg27 : memref<3136xf32, #tpu.memory_space<vmem>>)
      tpu.yield
    }) : () -> ()
    "tpu.region"() ({
      %run_scoped3A = tpu.sem_alloc : memref<!tpu.dma_semaphore, #tpu.memory_space<semaphore_mem>>
      %dma_start3A = tpu.memref_slice %arg13[%add3A] : memref<100352xf32, #tpu.memory_space<hbm>> -> memref<3136xf32, #tpu.memory_space<hbm>>
      %dma_start3A_9 = tpu.memref_slice %arg13[%add3A] : memref<100352xf32, #tpu.memory_space<hbm>> -> memref<3136xf32, #tpu.memory_space<hbm>>
      tpu.enqueue_dma source(%dma_start3A_9 : memref<3136xf32, #tpu.memory_space<hbm>>) target(%arg28 : memref<3136xf32, #tpu.memory_space<vmem>>) target_semaphore(%run_scoped3A : memref<!tpu.dma_semaphore, #tpu.memory_space<semaphore_mem>>)
      %dma_wait3A = tpu.memref_slice %arg13[%add3A] : memref<100352xf32, #tpu.memory_space<hbm>> -> memref<3136xf32, #tpu.memory_space<hbm>>
      %dma_wait3A_10 = tpu.memref_slice %arg13[%add3A] : memref<100352xf32, #tpu.memory_space<hbm>> -> memref<3136xf32, #tpu.memory_space<hbm>>
      tpu.wait_dma2 semaphore(%run_scoped3A : memref<!tpu.dma_semaphore, #tpu.memory_space<semaphore_mem>>) src(%dma_wait3A_10 : memref<3136xf32, #tpu.memory_space<hbm>>) dst(%arg28 : memref<3136xf32, #tpu.memory_space<vmem>>)
      tpu.yield
    }) : () -> ()
    %parallel_loop3A = arith.constant 0 : i32
    %parallel_loop3A_7 = arith.constant 98 : i32
    %parallel_loop3A_8 = arith.constant 1 : i32
    scf.for %parallel_loop3A_9 = %parallel_loop3A to %parallel_loop3A_7 step %parallel_loop3A_8  : i32 {
      %parallel_loop3A_10 = arith.constant 32 : i32
      %parallel_loop3A_11 = arith.muli %parallel_loop3A_9, %parallel_loop3A_10 : i32
      %parallel_loop3A_12 = arith.index_cast %parallel_loop3A_11 : i32 to index
      %parallel_loop3A_13 = tpu.vector_load %arg25[%parallel_loop3A_12] {strides = array<i32>} : memref<3136xi32, #tpu.memory_space<vmem>>, vector<16xi32>,
      %parallel_loop3A_14 = arith.index_cast %parallel_loop3A_11 : i32 to index
      %parallel_loop3A_15 = tpu.vector_load %arg26[%parallel_loop3A_14] {strides = array<i32>} : memref<3136xi32, #tpu.memory_space<vmem>>, vector<16xi32>,
      %parallel_loop3A_16 = arith.index_cast %parallel_loop3A_11 : i32 to index
      %parallel_loop3A_17 = tpu.vector_load %arg27[%parallel_loop3A_16] {strides = array<i32>} : memref<3136xf32, #tpu.memory_space<vmem>>, vector<16xf32>,
      %parallel_loop3A_18 = arith.index_cast %parallel_loop3A_11 : i32 to index
      %parallel_loop3A_19 = tpu.vector_load %arg28[%parallel_loop3A_18] {strides = array<i32>} : memref<3136xf32, #tpu.memory_space<vmem>>, vector<16xf32>,
      %parallel_loop3A_20 = arith.constant 16 : i32
      %parallel_loop3A_21 = arith.addi %parallel_loop3A_11, %parallel_loop3A_20 : i32
      %parallel_loop3A_22 = arith.index_cast %parallel_loop3A_21 : i32 to index
      %parallel_loop3A_23 = tpu.vector_load %arg25[%parallel_loop3A_22] {strides = array<i32>} : memref<3136xi32, #tpu.memory_space<vmem>>, vector<16xi32>,
      %parallel_loop3A_24 = arith.constant 16 : i32
      %parallel_loop3A_25 = arith.addi %parallel_loop3A_11, %parallel_loop3A_24 : i32
      %parallel_loop3A_26 = arith.index_cast %parallel_loop3A_25 : i32 to index
      %parallel_loop3A_27 = tpu.vector_load %arg26[%parallel_loop3A_26] {strides = array<i32>} : memref<3136xi32, #tpu.memory_space<vmem>>, vector<16xi32>,
      %parallel_loop3A_28 = arith.constant 16 : i32
      %parallel_loop3A_29 = arith.addi %parallel_loop3A_11, %parallel_loop3A_28 : i32
      %parallel_loop3A_30 = arith.index_cast %parallel_loop3A_29 : i32 to index
      %parallel_loop3A_31 = tpu.vector_load %arg27[%parallel_loop3A_30] {strides = array<i32>} : memref<3136xf32, #tpu.memory_space<vmem>>, vector<16xf32>,
      %parallel_loop3A_32 = arith.constant 16 : i32
      %parallel_loop3A_33 = arith.addi %parallel_loop3A_11, %parallel_loop3A_32 : i32
      %parallel_loop3A_34 = arith.index_cast %parallel_loop3A_33 : i32 to index
      %parallel_loop3A_35 = tpu.vector_load %arg28[%parallel_loop3A_34] {strides = array<i32>} : memref<3136xf32, #tpu.memory_space<vmem>>, vector<16xf32>,
      %parallel_loop3A_36 = arith.constant 0 : index
      %parallel_loop3A_37 = tpu.vector_load %arg24[%parallel_loop3A_36] {strides = array<i32>} : memref<16xf32, #tpu.memory_space<vmem>>, vector<16xf32>,
      %parallel_loop3A_38 = arith.constant 0 : i32
      %parallel_loop3A_39 = arith.constant 128 : i32
      %parallel_loop3A_40 = arith.constant 1 : i32
      %parallel_loop3A_41:2 = scf.for %parallel_loop3A_75 = %parallel_loop3A_38 to %parallel_loop3A_39 step %parallel_loop3A_40 iter_args(%parallel_loop3A_76 = %parallel_loop3A_37, %parallel_loop3A_77 = %parallel_loop3A_37) -> (vector<16xf32>, vector<16xf32>)  : i32 {
        %parallel_loop3A_78 = vector.broadcast %parallel_loop3A_75 : i32 to vector<16xi32>
        %parallel_loop3A_79 = arith.constant 16 : i32
        %parallel_loop3A_80 = arith.muli %parallel_loop3A_75, %parallel_loop3A_79 : i32
        %parallel_loop3A_81 = arith.index_cast %parallel_loop3A_80 : i32 to index
        %parallel_loop3A_82 = tpu.vector_load %arg20[%parallel_loop3A_81] {strides = array<i32>} : memref<2048xf32, #tpu.memory_space<vmem>>, vector<16xf32>,
        %parallel_loop3A_83 = arith.constant 16 : i32
        %parallel_loop3A_84 = arith.muli %parallel_loop3A_75, %parallel_loop3A_83 : i32
        %parallel_loop3A_85 = arith.index_cast %parallel_loop3A_84 : i32 to index
        %parallel_loop3A_86 = tpu.vector_load %arg21[%parallel_loop3A_85] {strides = array<i32>} : memref<2048xf32, #tpu.memory_space<vmem>>, vector<16xf32>,
        %parallel_loop3A_87 = arith.constant 16 : i32
        %parallel_loop3A_88 = arith.muli %parallel_loop3A_75, %parallel_loop3A_87 : i32
        %parallel_loop3A_89 = arith.index_cast %parallel_loop3A_88 : i32 to index
        %parallel_loop3A_90 = tpu.vector_load %arg22[%parallel_loop3A_89] {strides = array<i32>} : memref<2048xf32, #tpu.memory_space<vmem>>, vector<16xf32>,
        %parallel_loop3A_91 = tpu.vector_load_idx %arg16[%parallel_loop3A_78, %parallel_loop3A_13] : memref<128x128xf32, #tpu.memory_space<vmem>>[vector<16xi32>, vector<16xi32>], vector<16xf32>,
        %parallel_loop3A_92 = tpu.vector_load_idx %arg17[%parallel_loop3A_78, %parallel_loop3A_15] : memref<128x128xf32, #tpu.memory_space<vmem>>[vector<16xi32>, vector<16xi32>], vector<16xf32>,
        %parallel_loop3A_93 = arith.addf %parallel_loop3A_91, %parallel_loop3A_92 : vector<16xf32>
        %parallel_loop3A_94 = arith.mulf %parallel_loop3A_17, %parallel_loop3A_82 : vector<16xf32>
        %parallel_loop3A_95 = arith.addf %parallel_loop3A_93, %parallel_loop3A_94 : vector<16xf32>
        %parallel_loop3A_96 = arith.mulf %parallel_loop3A_19, %parallel_loop3A_86 : vector<16xf32>
        %parallel_loop3A_97 = arith.addf %parallel_loop3A_95, %parallel_loop3A_96 : vector<16xf32>
        %parallel_loop3A_98 = arith.constant 0.000000e+00 : f32
        %parallel_loop3A_99 = vector.broadcast %parallel_loop3A_98 : f32 to vector<16xf32>
        %parallel_loop3A_100 = arith.maximumf %parallel_loop3A_97, %parallel_loop3A_99 : vector<16xf32>
        %parallel_loop3A_101 = tpu.vector_load_idx %arg16[%parallel_loop3A_78, %parallel_loop3A_23] : memref<128x128xf32, #tpu.memory_space<vmem>>[vector<16xi32>, vector<16xi32>], vector<16xf32>,
        %parallel_loop3A_102 = tpu.vector_load_idx %arg17[%parallel_loop3A_78, %parallel_loop3A_27] : memref<128x128xf32, #tpu.memory_space<vmem>>[vector<16xi32>, vector<16xi32>], vector<16xf32>,
        %parallel_loop3A_103 = arith.addf %parallel_loop3A_101, %parallel_loop3A_102 : vector<16xf32>
        %parallel_loop3A_104 = arith.mulf %parallel_loop3A_31, %parallel_loop3A_82 : vector<16xf32>
        %parallel_loop3A_105 = arith.addf %parallel_loop3A_103, %parallel_loop3A_104 : vector<16xf32>
        %parallel_loop3A_106 = arith.mulf %parallel_loop3A_35, %parallel_loop3A_86 : vector<16xf32>
        %parallel_loop3A_107 = arith.addf %parallel_loop3A_105, %parallel_loop3A_106 : vector<16xf32>
        %parallel_loop3A_108 = arith.constant 0.000000e+00 : f32
        %parallel_loop3A_109 = vector.broadcast %parallel_loop3A_108 : f32 to vector<16xf32>
        %parallel_loop3A_110 = arith.maximumf %parallel_loop3A_107, %parallel_loop3A_109 : vector<16xf32>
        %parallel_loop3A_111 = tpu.bitcast %parallel_loop3A_100 : vector<16xf32> -> vector<16xi32>
        %parallel_loop3A_112 = arith.constant 32767 : i32
        %parallel_loop3A_113 = vector.broadcast %parallel_loop3A_112 : i32 to vector<16xi32>
        %parallel_loop3A_114 = arith.addi %parallel_loop3A_111, %parallel_loop3A_113 : vector<16xi32>
        %parallel_loop3A_115 = arith.constant 16 : i32
        %parallel_loop3A_116 = vector.broadcast %parallel_loop3A_115 : i32 to vector<16xi32>
        %parallel_loop3A_117 = arith.shrsi %parallel_loop3A_111, %parallel_loop3A_116 : vector<16xi32>
        %parallel_loop3A_118 = arith.constant 1 : i32
        %parallel_loop3A_119 = vector.broadcast %parallel_loop3A_118 : i32 to vector<16xi32>
        %parallel_loop3A_120 = arith.andi %parallel_loop3A_117, %parallel_loop3A_119 : vector<16xi32>
        %parallel_loop3A_121 = arith.addi %parallel_loop3A_114, %parallel_loop3A_120 : vector<16xi32>
        %parallel_loop3A_122 = arith.constant -65536 : i32
        %parallel_loop3A_123 = vector.broadcast %parallel_loop3A_122 : i32 to vector<16xi32>
        %parallel_loop3A_124 = arith.andi %parallel_loop3A_121, %parallel_loop3A_123 : vector<16xi32>
        %parallel_loop3A_125 = tpu.bitcast %parallel_loop3A_124 : vector<16xi32> -> vector<16xf32>
        %parallel_loop3A_126 = tpu.bitcast %parallel_loop3A_110 : vector<16xf32> -> vector<16xi32>
        %parallel_loop3A_127 = arith.constant 32767 : i32
        %parallel_loop3A_128 = vector.broadcast %parallel_loop3A_127 : i32 to vector<16xi32>
        %parallel_loop3A_129 = arith.addi %parallel_loop3A_126, %parallel_loop3A_128 : vector<16xi32>
        %parallel_loop3A_130 = arith.constant 16 : i32
        %parallel_loop3A_131 = vector.broadcast %parallel_loop3A_130 : i32 to vector<16xi32>
        %parallel_loop3A_132 = arith.shrsi %parallel_loop3A_126, %parallel_loop3A_131 : vector<16xi32>
        %parallel_loop3A_133 = arith.constant 1 : i32
        %parallel_loop3A_134 = vector.broadcast %parallel_loop3A_133 : i32 to vector<16xi32>
        %parallel_loop3A_135 = arith.andi %parallel_loop3A_132, %parallel_loop3A_134 : vector<16xi32>
        %parallel_loop3A_136 = arith.addi %parallel_loop3A_129, %parallel_loop3A_135 : vector<16xi32>
        %parallel_loop3A_137 = arith.constant -65536 : i32
        %parallel_loop3A_138 = vector.broadcast %parallel_loop3A_137 : i32 to vector<16xi32>
        %parallel_loop3A_139 = arith.andi %parallel_loop3A_136, %parallel_loop3A_138 : vector<16xi32>
        %parallel_loop3A_140 = tpu.bitcast %parallel_loop3A_139 : vector<16xi32> -> vector<16xf32>
        %parallel_loop3A_141 = arith.mulf %parallel_loop3A_125, %parallel_loop3A_90 : vector<16xf32>
        %parallel_loop3A_142 = arith.addf %parallel_loop3A_76, %parallel_loop3A_141 : vector<16xf32>
        %parallel_loop3A_143 = arith.mulf %parallel_loop3A_140, %parallel_loop3A_90 : vector<16xf32>
        %parallel_loop3A_144 = arith.addf %parallel_loop3A_77, %parallel_loop3A_143 : vector<16xf32>
        scf.yield %parallel_loop3A_142, %parallel_loop3A_144 : vector<16xf32>, vector<16xf32>
      } {sc.loop_unroll_factor = 8 : i64, sc.parallel_access}
      %parallel_loop3A_42 = tpu.bitcast %parallel_loop3A_41#0 : vector<16xf32> -> vector<16xi32>
      %parallel_loop3A_43 = arith.constant 32767 : i32
      %parallel_loop3A_44 = vector.broadcast %parallel_loop3A_43 : i32 to vector<16xi32>
      %parallel_loop3A_45 = arith.addi %parallel_loop3A_42, %parallel_loop3A_44 : vector<16xi32>
      %parallel_loop3A_46 = arith.constant 16 : i32
      %parallel_loop3A_47 = vector.broadcast %parallel_loop3A_46 : i32 to vector<16xi32>
      %parallel_loop3A_48 = arith.shrsi %parallel_loop3A_42, %parallel_loop3A_47 : vector<16xi32>
      %parallel_loop3A_49 = arith.constant 1 : i32
      %parallel_loop3A_50 = vector.broadcast %parallel_loop3A_49 : i32 to vector<16xi32>
      %parallel_loop3A_51 = arith.andi %parallel_loop3A_48, %parallel_loop3A_50 : vector<16xi32>
      %parallel_loop3A_52 = arith.addi %parallel_loop3A_45, %parallel_loop3A_51 : vector<16xi32>
      %parallel_loop3A_53 = arith.constant -65536 : i32
      %parallel_loop3A_54 = vector.broadcast %parallel_loop3A_53 : i32 to vector<16xi32>
      %parallel_loop3A_55 = arith.andi %parallel_loop3A_52, %parallel_loop3A_54 : vector<16xi32>
      %parallel_loop3A_56 = tpu.bitcast %parallel_loop3A_55 : vector<16xi32> -> vector<16xf32>
      %parallel_loop3A_57 = tpu.bitcast %parallel_loop3A_41#1 : vector<16xf32> -> vector<16xi32>
      %parallel_loop3A_58 = arith.constant 32767 : i32
      %parallel_loop3A_59 = vector.broadcast %parallel_loop3A_58 : i32 to vector<16xi32>
      %parallel_loop3A_60 = arith.addi %parallel_loop3A_57, %parallel_loop3A_59 : vector<16xi32>
      %parallel_loop3A_61 = arith.constant 16 : i32
      %parallel_loop3A_62 = vector.broadcast %parallel_loop3A_61 : i32 to vector<16xi32>
      %parallel_loop3A_63 = arith.shrsi %parallel_loop3A_57, %parallel_loop3A_62 : vector<16xi32>
      %parallel_loop3A_64 = arith.constant 1 : i32
      %parallel_loop3A_65 = vector.broadcast %parallel_loop3A_64 : i32 to vector<16xi32>
      %parallel_loop3A_66 = arith.andi %parallel_loop3A_63, %parallel_loop3A_65 : vector<16xi32>
      %parallel_loop3A_67 = arith.addi %parallel_loop3A_60, %parallel_loop3A_66 : vector<16xi32>
      %parallel_loop3A_68 = arith.constant -65536 : i32
      %parallel_loop3A_69 = vector.broadcast %parallel_loop3A_68 : i32 to vector<16xi32>
      %parallel_loop3A_70 = arith.andi %parallel_loop3A_67, %parallel_loop3A_69 : vector<16xi32>
      %parallel_loop3A_71 = tpu.bitcast %parallel_loop3A_70 : vector<16xi32> -> vector<16xf32>
      %parallel_loop3A_72 = arith.constant 0 : i32
      %parallel_loop3A_73 = arith.constant 128 : i32
      %parallel_loop3A_74 = arith.constant 1 : i32
      scf.for %parallel_loop3A_75 = %parallel_loop3A_72 to %parallel_loop3A_73 step %parallel_loop3A_74  : i32 {
        %parallel_loop3A_76 = vector.broadcast %parallel_loop3A_75 : i32 to vector<16xi32>
        %parallel_loop3A_77 = arith.constant 16 : i32
        %parallel_loop3A_78 = arith.muli %parallel_loop3A_75, %parallel_loop3A_77 : i32
        %parallel_loop3A_79 = arith.index_cast %parallel_loop3A_78 : i32 to index
        %parallel_loop3A_80 = tpu.vector_load %arg23[%parallel_loop3A_79] {strides = array<i32>} : memref<2048xf32, #tpu.memory_space<vmem>>, vector<16xf32>,
        %parallel_loop3A_81 = tpu.vector_load_idx %arg18[%parallel_loop3A_76, %parallel_loop3A_15] : memref<128x128xf32, #tpu.memory_space<vmem>>[vector<16xi32>, vector<16xi32>], vector<16xf32>,
        %parallel_loop3A_82 = arith.mulf %parallel_loop3A_56, %parallel_loop3A_80 : vector<16xf32>
        %parallel_loop3A_83 = arith.addf %parallel_loop3A_81, %parallel_loop3A_82 : vector<16xf32>
        %parallel_loop3A_84 = arith.constant 0.000000e+00 : f32
        %parallel_loop3A_85 = vector.broadcast %parallel_loop3A_84 : f32 to vector<16xf32>
        %parallel_loop3A_86 = arith.maximumf %parallel_loop3A_83, %parallel_loop3A_85 : vector<16xf32>
        %parallel_loop3A_87 = tpu.vector_load_idx %arg18[%parallel_loop3A_76, %parallel_loop3A_27] : memref<128x128xf32, #tpu.memory_space<vmem>>[vector<16xi32>, vector<16xi32>], vector<16xf32>,
        %parallel_loop3A_88 = arith.mulf %parallel_loop3A_71, %parallel_loop3A_80 : vector<16xf32>
        %parallel_loop3A_89 = arith.addf %parallel_loop3A_87, %parallel_loop3A_88 : vector<16xf32>
        %parallel_loop3A_90 = arith.constant 0.000000e+00 : f32
        %parallel_loop3A_91 = vector.broadcast %parallel_loop3A_90 : f32 to vector<16xf32>
        %parallel_loop3A_92 = arith.maximumf %parallel_loop3A_89, %parallel_loop3A_91 : vector<16xf32>
        %parallel_loop3A_93 = tpu.bitcast %parallel_loop3A_86 : vector<16xf32> -> vector<16xi32>
        %parallel_loop3A_94 = arith.constant 32767 : i32
        %parallel_loop3A_95 = vector.broadcast %parallel_loop3A_94 : i32 to vector<16xi32>
        %parallel_loop3A_96 = arith.addi %parallel_loop3A_93, %parallel_loop3A_95 : vector<16xi32>
        %parallel_loop3A_97 = arith.constant 16 : i32
        %parallel_loop3A_98 = vector.broadcast %parallel_loop3A_97 : i32 to vector<16xi32>
        %parallel_loop3A_99 = arith.shrsi %parallel_loop3A_93, %parallel_loop3A_98 : vector<16xi32>
        %parallel_loop3A_100 = arith.constant 1 : i32
        %parallel_loop3A_101 = vector.broadcast %parallel_loop3A_100 : i32 to vector<16xi32>
        %parallel_loop3A_102 = arith.andi %parallel_loop3A_99, %parallel_loop3A_101 : vector<16xi32>
        %parallel_loop3A_103 = arith.addi %parallel_loop3A_96, %parallel_loop3A_102 : vector<16xi32>
        %parallel_loop3A_104 = arith.constant -65536 : i32
        %parallel_loop3A_105 = vector.broadcast %parallel_loop3A_104 : i32 to vector<16xi32>
        %parallel_loop3A_106 = arith.andi %parallel_loop3A_103, %parallel_loop3A_105 : vector<16xi32>
        %parallel_loop3A_107 = tpu.bitcast %parallel_loop3A_106 : vector<16xi32> -> vector<16xf32>
        %parallel_loop3A_108 = tpu.bitcast %parallel_loop3A_92 : vector<16xf32> -> vector<16xi32>
        %parallel_loop3A_109 = arith.constant 32767 : i32
        %parallel_loop3A_110 = vector.broadcast %parallel_loop3A_109 : i32 to vector<16xi32>
        %parallel_loop3A_111 = arith.addi %parallel_loop3A_108, %parallel_loop3A_110 : vector<16xi32>
        %parallel_loop3A_112 = arith.constant 16 : i32
        %parallel_loop3A_113 = vector.broadcast %parallel_loop3A_112 : i32 to vector<16xi32>
        %parallel_loop3A_114 = arith.shrsi %parallel_loop3A_108, %parallel_loop3A_113 : vector<16xi32>
        %parallel_loop3A_115 = arith.constant 1 : i32
        %parallel_loop3A_116 = vector.broadcast %parallel_loop3A_115 : i32 to vector<16xi32>
        %parallel_loop3A_117 = arith.andi %parallel_loop3A_114, %parallel_loop3A_116 : vector<16xi32>
        %parallel_loop3A_118 = arith.addi %parallel_loop3A_111, %parallel_loop3A_117 : vector<16xi32>
        %parallel_loop3A_119 = arith.constant -65536 : i32
        %parallel_loop3A_120 = vector.broadcast %parallel_loop3A_119 : i32 to vector<16xi32>
        %parallel_loop3A_121 = arith.andi %parallel_loop3A_118, %parallel_loop3A_120 : vector<16xi32>
        %parallel_loop3A_122 = tpu.bitcast %parallel_loop3A_121 : vector<16xi32> -> vector<16xf32>
        tpu.vector_store_idx %arg19[%parallel_loop3A_76, %parallel_loop3A_15], %parallel_loop3A_107 {add = true} : memref<128x128xf32, #tpu.memory_space<vmem>>[vector<16xi32>, vector<16xi32>], vector<16xf32>,
        tpu.vector_store_idx %arg19[%parallel_loop3A_76, %parallel_loop3A_27], %parallel_loop3A_122 {add = true} : memref<128x128xf32, #tpu.memory_space<vmem>>[vector<16xi32>, vector<16xi32>], vector<16xf32>,
      } {sc.loop_unroll_factor = 8 : i64, sc.parallel_access}
    } {sc.loop_unroll_factor = 1 : i64, sc.parallel_access}
    "tpu.region"() ({
      %run_scoped3A = tpu.sem_alloc : memref<!tpu.dma_semaphore, #tpu.memory_space<semaphore_mem>>
      %dma_start3A = arith.constant 0 : i32
      %dma_start3A_9 = arith.constant 0 : i32
      %dma_start3A_10 = tpu.memref_slice %arg15[%arg0, %arg1, %dma_start3A, %dma_start3A_9] : memref<2x16x128x128xf32, #tpu.memory_space<hbm>> -> memref<1x1x128x128xf32, #tpu.memory_space<hbm>>
      %dma_start3A_11 = tpu.memref_squeeze %dma_start3A_10 : memref<1x1x128x128xf32, #tpu.memory_space<hbm>> -> memref<128x128xf32, #tpu.memory_space<hbm>>
      %dma_start3A_12 = arith.constant 0 : i32
      %dma_start3A_13 = arith.constant 0 : i32
      %dma_start3A_14 = tpu.memref_slice %arg15[%arg0, %arg1, %dma_start3A_12, %dma_start3A_13] : memref<2x16x128x128xf32, #tpu.memory_space<hbm>> -> memref<1x1x128x128xf32, #tpu.memory_space<hbm>>
      %dma_start3A_15 = tpu.memref_squeeze %dma_start3A_14 : memref<1x1x128x128xf32, #tpu.memory_space<hbm>> -> memref<128x128xf32, #tpu.memory_space<hbm>>
      tpu.enqueue_dma source(%arg19 : memref<128x128xf32, #tpu.memory_space<vmem>>) target(%dma_start3A_15 : memref<128x128xf32, #tpu.memory_space<hbm>>) target_semaphore(%run_scoped3A : memref<!tpu.dma_semaphore, #tpu.memory_space<semaphore_mem>>)
      %dma_wait3A = arith.constant 0 : i32
      %dma_wait3A_16 = arith.constant 0 : i32
      %dma_wait3A_17 = tpu.memref_slice %arg15[%arg0, %arg1, %dma_wait3A, %dma_wait3A_16] : memref<2x16x128x128xf32, #tpu.memory_space<hbm>> -> memref<1x1x128x128xf32, #tpu.memory_space<hbm>>
      %dma_wait3A_18 = tpu.memref_squeeze %dma_wait3A_17 : memref<1x1x128x128xf32, #tpu.memory_space<hbm>> -> memref<128x128xf32, #tpu.memory_space<hbm>>
      %dma_wait3A_19 = arith.constant 0 : i32
      %dma_wait3A_20 = arith.constant 0 : i32
      %dma_wait3A_21 = tpu.memref_slice %arg15[%arg0, %arg1, %dma_wait3A_19, %dma_wait3A_20] : memref<2x16x128x128xf32, #tpu.memory_space<hbm>> -> memref<1x1x128x128xf32, #tpu.memory_space<hbm>>
      %dma_wait3A_22 = tpu.memref_squeeze %dma_wait3A_21 : memref<1x1x128x128xf32, #tpu.memory_space<hbm>> -> memref<128x128xf32, #tpu.memory_space<hbm>>
      tpu.wait_dma2 semaphore(%run_scoped3A : memref<!tpu.dma_semaphore, #tpu.memory_space<semaphore_mem>>) src(%arg19 : memref<128x128xf32, #tpu.memory_space<vmem>>) dst(%dma_wait3A_22 : memref<128x128xf32, #tpu.memory_space<hbm>>)
      tpu.yield
    }) : () -> ()
    return
  }
}

#map = affine_map<(d0, d1) -> (0, 0, 0)>
#map1 = affine_map<(d0, d1) -> (0)>
#map2 = affine_map<(d0, d1) -> (0, 0)>
#map3 = affine_map<(d0, d1) -> (0, 0, 0, 0)>
module attributes {stable_mosaic.version = 14 : i64} {
  func.func @sc1(%arg0: i32, %arg1: i32, %arg2: memref<2x128x128xf32, #tpu.memory_space<hbm>>, %arg3: memref<2x128x128xf32, #tpu.memory_space<hbm>>, %arg4: memref<2x128x128xf32, #tpu.memory_space<hbm>>, %arg5: memref<4096xf32, #tpu.memory_space<hbm>>, %arg6: memref<4096xf32, #tpu.memory_space<hbm>>, %arg7: memref<4096xf32, #tpu.memory_space<hbm>>, %arg8: memref<4096xf32, #tpu.memory_space<hbm>>, %arg9: memref<4096xf32, #tpu.memory_space<hbm>>, %arg10: memref<64xf32, #tpu.memory_space<hbm>>, %arg11: memref<50176xi32, #tpu.memory_space<hbm>>, %arg12: memref<50176xi32, #tpu.memory_space<hbm>>, %arg13: memref<50176xf32, #tpu.memory_space<hbm>>, %arg14: memref<128x128xf32, #tpu.memory_space<hbm>>, %arg15: memref<128xf32, #tpu.memory_space<hbm>>, %arg16: memref<2x16x128x128xf32, #tpu.memory_space<hbm>>, %arg17: memref<4096xf32, #tpu.memory_space<hbm>>, %arg18: memref<100352xf32, #tpu.memory_space<hbm>>, %arg19: memref<100352xf32, #tpu.memory_space<hbm>>, %arg20: memref<128x128xf32, #tpu.memory_space<vmem>>, %arg21: memref<128x128xf32, #tpu.memory_space<vmem>>, %arg22: memref<128x128xf32, #tpu.memory_space<vmem>>, %arg23: memref<128x128xf32, #tpu.memory_space<vmem>>, %arg24: memref<128xf32, #tpu.memory_space<vmem>>, %arg25: memref<2048xf32, #tpu.memory_space<vmem>>, %arg26: memref<2048xf32, #tpu.memory_space<vmem>>, %arg27: memref<2048xf32, #tpu.memory_space<vmem>>, %arg28: memref<2048xf32, #tpu.memory_space<vmem>>, %arg29: memref<2048xf32, #tpu.memory_space<vmem>>, %arg30: memref<32xf32, #tpu.memory_space<vmem>>, %arg31: memref<3136xi32, #tpu.memory_space<vmem>>, %arg32: memref<3136xi32, #tpu.memory_space<vmem>>, %arg33: memref<3136xf32, #tpu.memory_space<vmem>>, %arg34: memref<3136xf32, #tpu.memory_space<vmem>>, %arg35: memref<3136xf32, #tpu.memory_space<vmem>>) attributes {dimension_semantics = [#tpu.dimension_semantics<core_parallel>, #tpu.dimension_semantics<subcore_parallel>], iteration_bounds = array<i64: 2, 16>, scalar_prefetch = 0 : i64, scratch_operands = 16 : i64, tpu.core_type = #tpu.core_type<sc_vector_subcore>, window_params = [{transform_indices = #map}, {transform_indices = #map}, {transform_indices = #map}, {transform_indices = #map1}, {transform_indices = #map1}, {transform_indices = #map1}, {transform_indices = #map1}, {transform_indices = #map1}, {transform_indices = #map1}, {transform_indices = #map1}, {transform_indices = #map1}, {transform_indices = #map1}, {transform_indices = #map2}, {transform_indices = #map1}, {transform_indices = #map3}, {transform_indices = #map1}, {transform_indices = #map1}, {transform_indices = #map1}]} {
    %mul3A = arith.constant 3136 : i32
    %mul3A_0 = arith.muli %arg1, %mul3A : i32
    %mul3A_1 = arith.constant 2048 : i32
    %mul3A_2 = arith.muli %arg0, %mul3A_1 : i32
    "tpu.region"() ({
      %run_scoped3A = tpu.sem_alloc : memref<!tpu.dma_semaphore, #tpu.memory_space<semaphore_mem>>
      %dma_start3A = arith.constant 0 : i32
      %dma_start3A_15 = arith.constant 0 : i32
      %dma_start3A_16 = tpu.memref_slice %arg2[%arg0, %dma_start3A, %dma_start3A_15] : memref<2x128x128xf32, #tpu.memory_space<hbm>> -> memref<1x128x128xf32, #tpu.memory_space<hbm>>
      %dma_start3A_17 = tpu.memref_squeeze %dma_start3A_16 : memref<1x128x128xf32, #tpu.memory_space<hbm>> -> memref<128x128xf32, #tpu.memory_space<hbm>>
      %dma_start3A_18 = arith.constant 0 : i32
      %dma_start3A_19 = arith.constant 0 : i32
      %dma_start3A_20 = tpu.memref_slice %arg2[%arg0, %dma_start3A_18, %dma_start3A_19] : memref<2x128x128xf32, #tpu.memory_space<hbm>> -> memref<1x128x128xf32, #tpu.memory_space<hbm>>
      %dma_start3A_21 = tpu.memref_squeeze %dma_start3A_20 : memref<1x128x128xf32, #tpu.memory_space<hbm>> -> memref<128x128xf32, #tpu.memory_space<hbm>>
      tpu.enqueue_dma source(%dma_start3A_21 : memref<128x128xf32, #tpu.memory_space<hbm>>) target(%arg20 : memref<128x128xf32, #tpu.memory_space<vmem>>) target_semaphore(%run_scoped3A : memref<!tpu.dma_semaphore, #tpu.memory_space<semaphore_mem>>)
      %dma_wait3A = arith.constant 0 : i32
      %dma_wait3A_22 = arith.constant 0 : i32
      %dma_wait3A_23 = tpu.memref_slice %arg2[%arg0, %dma_wait3A, %dma_wait3A_22] : memref<2x128x128xf32, #tpu.memory_space<hbm>> -> memref<1x128x128xf32, #tpu.memory_space<hbm>>
      %dma_wait3A_24 = tpu.memref_squeeze %dma_wait3A_23 : memref<1x128x128xf32, #tpu.memory_space<hbm>> -> memref<128x128xf32, #tpu.memory_space<hbm>>
      %dma_wait3A_25 = arith.constant 0 : i32
      %dma_wait3A_26 = arith.constant 0 : i32
      %dma_wait3A_27 = tpu.memref_slice %arg2[%arg0, %dma_wait3A_25, %dma_wait3A_26] : memref<2x128x128xf32, #tpu.memory_space<hbm>> -> memref<1x128x128xf32, #tpu.memory_space<hbm>>
      %dma_wait3A_28 = tpu.memref_squeeze %dma_wait3A_27 : memref<1x128x128xf32, #tpu.memory_space<hbm>> -> memref<128x128xf32, #tpu.memory_space<hbm>>
      tpu.wait_dma2 semaphore(%run_scoped3A : memref<!tpu.dma_semaphore, #tpu.memory_space<semaphore_mem>>) src(%dma_wait3A_28 : memref<128x128xf32, #tpu.memory_space<hbm>>) dst(%arg20 : memref<128x128xf32, #tpu.memory_space<vmem>>)
      tpu.yield
    }) : () -> ()
    "tpu.region"() ({
      %run_scoped3A = tpu.sem_alloc : memref<!tpu.dma_semaphore, #tpu.memory_space<semaphore_mem>>
      %dma_start3A = arith.constant 0 : i32
      %dma_start3A_15 = arith.constant 0 : i32
      %dma_start3A_16 = tpu.memref_slice %arg3[%arg0, %dma_start3A, %dma_start3A_15] : memref<2x128x128xf32, #tpu.memory_space<hbm>> -> memref<1x128x128xf32, #tpu.memory_space<hbm>>
      %dma_start3A_17 = tpu.memref_squeeze %dma_start3A_16 : memref<1x128x128xf32, #tpu.memory_space<hbm>> -> memref<128x128xf32, #tpu.memory_space<hbm>>
      %dma_start3A_18 = arith.constant 0 : i32
      %dma_start3A_19 = arith.constant 0 : i32
      %dma_start3A_20 = tpu.memref_slice %arg3[%arg0, %dma_start3A_18, %dma_start3A_19] : memref<2x128x128xf32, #tpu.memory_space<hbm>> -> memref<1x128x128xf32, #tpu.memory_space<hbm>>
      %dma_start3A_21 = tpu.memref_squeeze %dma_start3A_20 : memref<1x128x128xf32, #tpu.memory_space<hbm>> -> memref<128x128xf32, #tpu.memory_space<hbm>>
      tpu.enqueue_dma source(%dma_start3A_21 : memref<128x128xf32, #tpu.memory_space<hbm>>) target(%arg21 : memref<128x128xf32, #tpu.memory_space<vmem>>) target_semaphore(%run_scoped3A : memref<!tpu.dma_semaphore, #tpu.memory_space<semaphore_mem>>)
      %dma_wait3A = arith.constant 0 : i32
      %dma_wait3A_22 = arith.constant 0 : i32
      %dma_wait3A_23 = tpu.memref_slice %arg3[%arg0, %dma_wait3A, %dma_wait3A_22] : memref<2x128x128xf32, #tpu.memory_space<hbm>> -> memref<1x128x128xf32, #tpu.memory_space<hbm>>
      %dma_wait3A_24 = tpu.memref_squeeze %dma_wait3A_23 : memref<1x128x128xf32, #tpu.memory_space<hbm>> -> memref<128x128xf32, #tpu.memory_space<hbm>>
      %dma_wait3A_25 = arith.constant 0 : i32
      %dma_wait3A_26 = arith.constant 0 : i32
      %dma_wait3A_27 = tpu.memref_slice %arg3[%arg0, %dma_wait3A_25, %dma_wait3A_26] : memref<2x128x128xf32, #tpu.memory_space<hbm>> -> memref<1x128x128xf32, #tpu.memory_space<hbm>>
      %dma_wait3A_28 = tpu.memref_squeeze %dma_wait3A_27 : memref<1x128x128xf32, #tpu.memory_space<hbm>> -> memref<128x128xf32, #tpu.memory_space<hbm>>
      tpu.wait_dma2 semaphore(%run_scoped3A : memref<!tpu.dma_semaphore, #tpu.memory_space<semaphore_mem>>) src(%dma_wait3A_28 : memref<128x128xf32, #tpu.memory_space<hbm>>) dst(%arg21 : memref<128x128xf32, #tpu.memory_space<vmem>>)
      tpu.yield
    }) : () -> ()
    "tpu.region"() ({
      %run_scoped3A = tpu.sem_alloc : memref<!tpu.dma_semaphore, #tpu.memory_space<semaphore_mem>>
      %dma_start3A = arith.constant 0 : i32
      %dma_start3A_15 = arith.constant 0 : i32
      %dma_start3A_16 = tpu.memref_slice %arg4[%arg0, %dma_start3A, %dma_start3A_15] : memref<2x128x128xf32, #tpu.memory_space<hbm>> -> memref<1x128x128xf32, #tpu.memory_space<hbm>>
      %dma_start3A_17 = tpu.memref_squeeze %dma_start3A_16 : memref<1x128x128xf32, #tpu.memory_space<hbm>> -> memref<128x128xf32, #tpu.memory_space<hbm>>
      %dma_start3A_18 = arith.constant 0 : i32
      %dma_start3A_19 = arith.constant 0 : i32
      %dma_start3A_20 = tpu.memref_slice %arg4[%arg0, %dma_start3A_18, %dma_start3A_19] : memref<2x128x128xf32, #tpu.memory_space<hbm>> -> memref<1x128x128xf32, #tpu.memory_space<hbm>>
      %dma_start3A_21 = tpu.memref_squeeze %dma_start3A_20 : memref<1x128x128xf32, #tpu.memory_space<hbm>> -> memref<128x128xf32, #tpu.memory_space<hbm>>
      tpu.enqueue_dma source(%dma_start3A_21 : memref<128x128xf32, #tpu.memory_space<hbm>>) target(%arg22 : memref<128x128xf32, #tpu.memory_space<vmem>>) target_semaphore(%run_scoped3A : memref<!tpu.dma_semaphore, #tpu.memory_space<semaphore_mem>>)
      %dma_wait3A = arith.constant 0 : i32
      %dma_wait3A_22 = arith.constant 0 : i32
      %dma_wait3A_23 = tpu.memref_slice %arg4[%arg0, %dma_wait3A, %dma_wait3A_22] : memref<2x128x128xf32, #tpu.memory_space<hbm>> -> memref<1x128x128xf32, #tpu.memory_space<hbm>>
      %dma_wait3A_24 = tpu.memref_squeeze %dma_wait3A_23 : memref<1x128x128xf32, #tpu.memory_space<hbm>> -> memref<128x128xf32, #tpu.memory_space<hbm>>
      %dma_wait3A_25 = arith.constant 0 : i32
      %dma_wait3A_26 = arith.constant 0 : i32
      %dma_wait3A_27 = tpu.memref_slice %arg4[%arg0, %dma_wait3A_25, %dma_wait3A_26] : memref<2x128x128xf32, #tpu.memory_space<hbm>> -> memref<1x128x128xf32, #tpu.memory_space<hbm>>
      %dma_wait3A_28 = tpu.memref_squeeze %dma_wait3A_27 : memref<1x128x128xf32, #tpu.memory_space<hbm>> -> memref<128x128xf32, #tpu.memory_space<hbm>>
      tpu.wait_dma2 semaphore(%run_scoped3A : memref<!tpu.dma_semaphore, #tpu.memory_space<semaphore_mem>>) src(%dma_wait3A_28 : memref<128x128xf32, #tpu.memory_space<hbm>>) dst(%arg22 : memref<128x128xf32, #tpu.memory_space<vmem>>)
      tpu.yield
    }) : () -> ()
    "tpu.region"() ({
      %run_scoped3A = tpu.sem_alloc : memref<!tpu.dma_semaphore, #tpu.memory_space<semaphore_mem>>
      %dma_start3A = tpu.memref_slice %arg5[%mul3A_2] : memref<4096xf32, #tpu.memory_space<hbm>> -> memref<2048xf32, #tpu.memory_space<hbm>>
      %dma_start3A_15 = tpu.memref_slice %arg5[%mul3A_2] : memref<4096xf32, #tpu.memory_space<hbm>> -> memref<2048xf32, #tpu.memory_space<hbm>>
      tpu.enqueue_dma source(%dma_start3A_15 : memref<2048xf32, #tpu.memory_space<hbm>>) target(%arg25 : memref<2048xf32, #tpu.memory_space<vmem>>) target_semaphore(%run_scoped3A : memref<!tpu.dma_semaphore, #tpu.memory_space<semaphore_mem>>)
      %dma_wait3A = tpu.memref_slice %arg5[%mul3A_2] : memref<4096xf32, #tpu.memory_space<hbm>> -> memref<2048xf32, #tpu.memory_space<hbm>>
      %dma_wait3A_16 = tpu.memref_slice %arg5[%mul3A_2] : memref<4096xf32, #tpu.memory_space<hbm>> -> memref<2048xf32, #tpu.memory_space<hbm>>
      tpu.wait_dma2 semaphore(%run_scoped3A : memref<!tpu.dma_semaphore, #tpu.memory_space<semaphore_mem>>) src(%dma_wait3A_16 : memref<2048xf32, #tpu.memory_space<hbm>>) dst(%arg25 : memref<2048xf32, #tpu.memory_space<vmem>>)
      tpu.yield
    }) : () -> ()
    "tpu.region"() ({
      %run_scoped3A = tpu.sem_alloc : memref<!tpu.dma_semaphore, #tpu.memory_space<semaphore_mem>>
      %dma_start3A = tpu.memref_slice %arg6[%mul3A_2] : memref<4096xf32, #tpu.memory_space<hbm>> -> memref<2048xf32, #tpu.memory_space<hbm>>
      %dma_start3A_15 = tpu.memref_slice %arg6[%mul3A_2] : memref<4096xf32, #tpu.memory_space<hbm>> -> memref<2048xf32, #tpu.memory_space<hbm>>
      tpu.enqueue_dma source(%dma_start3A_15 : memref<2048xf32, #tpu.memory_space<hbm>>) target(%arg26 : memref<2048xf32, #tpu.memory_space<vmem>>) target_semaphore(%run_scoped3A : memref<!tpu.dma_semaphore, #tpu.memory_space<semaphore_mem>>)
      %dma_wait3A = tpu.memref_slice %arg6[%mul3A_2] : memref<4096xf32, #tpu.memory_space<hbm>> -> memref<2048xf32, #tpu.memory_space<hbm>>
      %dma_wait3A_16 = tpu.memref_slice %arg6[%mul3A_2] : memref<4096xf32, #tpu.memory_space<hbm>> -> memref<2048xf32, #tpu.memory_space<hbm>>
      tpu.wait_dma2 semaphore(%run_scoped3A : memref<!tpu.dma_semaphore, #tpu.memory_space<semaphore_mem>>) src(%dma_wait3A_16 : memref<2048xf32, #tpu.memory_space<hbm>>) dst(%arg26 : memref<2048xf32, #tpu.memory_space<vmem>>)
      tpu.yield
    }) : () -> ()
    "tpu.region"() ({
      %run_scoped3A = tpu.sem_alloc : memref<!tpu.dma_semaphore, #tpu.memory_space<semaphore_mem>>
      %dma_start3A = tpu.memref_slice %arg7[%mul3A_2] : memref<4096xf32, #tpu.memory_space<hbm>> -> memref<2048xf32, #tpu.memory_space<hbm>>
      %dma_start3A_15 = tpu.memref_slice %arg7[%mul3A_2] : memref<4096xf32, #tpu.memory_space<hbm>> -> memref<2048xf32, #tpu.memory_space<hbm>>
      tpu.enqueue_dma source(%dma_start3A_15 : memref<2048xf32, #tpu.memory_space<hbm>>) target(%arg27 : memref<2048xf32, #tpu.memory_space<vmem>>) target_semaphore(%run_scoped3A : memref<!tpu.dma_semaphore, #tpu.memory_space<semaphore_mem>>)
      %dma_wait3A = tpu.memref_slice %arg7[%mul3A_2] : memref<4096xf32, #tpu.memory_space<hbm>> -> memref<2048xf32, #tpu.memory_space<hbm>>
      %dma_wait3A_16 = tpu.memref_slice %arg7[%mul3A_2] : memref<4096xf32, #tpu.memory_space<hbm>> -> memref<2048xf32, #tpu.memory_space<hbm>>
      tpu.wait_dma2 semaphore(%run_scoped3A : memref<!tpu.dma_semaphore, #tpu.memory_space<semaphore_mem>>) src(%dma_wait3A_16 : memref<2048xf32, #tpu.memory_space<hbm>>) dst(%arg27 : memref<2048xf32, #tpu.memory_space<vmem>>)
      tpu.yield
    }) : () -> ()
    "tpu.region"() ({
      %run_scoped3A = tpu.sem_alloc : memref<!tpu.dma_semaphore, #tpu.memory_space<semaphore_mem>>
      %dma_start3A = tpu.memref_slice %arg8[%mul3A_2] : memref<4096xf32, #tpu.memory_space<hbm>> -> memref<2048xf32, #tpu.memory_space<hbm>>
      %dma_start3A_15 = tpu.memref_slice %arg8[%mul3A_2] : memref<4096xf32, #tpu.memory_space<hbm>> -> memref<2048xf32, #tpu.memory_space<hbm>>
      tpu.enqueue_dma source(%dma_start3A_15 : memref<2048xf32, #tpu.memory_space<hbm>>) target(%arg28 : memref<2048xf32, #tpu.memory_space<vmem>>) target_semaphore(%run_scoped3A : memref<!tpu.dma_semaphore, #tpu.memory_space<semaphore_mem>>)
      %dma_wait3A = tpu.memref_slice %arg8[%mul3A_2] : memref<4096xf32, #tpu.memory_space<hbm>> -> memref<2048xf32, #tpu.memory_space<hbm>>
      %dma_wait3A_16 = tpu.memref_slice %arg8[%mul3A_2] : memref<4096xf32, #tpu.memory_space<hbm>> -> memref<2048xf32, #tpu.memory_space<hbm>>
      tpu.wait_dma2 semaphore(%run_scoped3A : memref<!tpu.dma_semaphore, #tpu.memory_space<semaphore_mem>>) src(%dma_wait3A_16 : memref<2048xf32, #tpu.memory_space<hbm>>) dst(%arg28 : memref<2048xf32, #tpu.memory_space<vmem>>)
      tpu.yield
    }) : () -> ()
    "tpu.region"() ({
      %run_scoped3A = tpu.sem_alloc : memref<!tpu.dma_semaphore, #tpu.memory_space<semaphore_mem>>
      %dma_start3A = tpu.memref_slice %arg9[%mul3A_2] : memref<4096xf32, #tpu.memory_space<hbm>> -> memref<2048xf32, #tpu.memory_space<hbm>>
      %dma_start3A_15 = tpu.memref_slice %arg9[%mul3A_2] : memref<4096xf32, #tpu.memory_space<hbm>> -> memref<2048xf32, #tpu.memory_space<hbm>>
      tpu.enqueue_dma source(%dma_start3A_15 : memref<2048xf32, #tpu.memory_space<hbm>>) target(%arg29 : memref<2048xf32, #tpu.memory_space<vmem>>) target_semaphore(%run_scoped3A : memref<!tpu.dma_semaphore, #tpu.memory_space<semaphore_mem>>)
      %dma_wait3A = tpu.memref_slice %arg9[%mul3A_2] : memref<4096xf32, #tpu.memory_space<hbm>> -> memref<2048xf32, #tpu.memory_space<hbm>>
      %dma_wait3A_16 = tpu.memref_slice %arg9[%mul3A_2] : memref<4096xf32, #tpu.memory_space<hbm>> -> memref<2048xf32, #tpu.memory_space<hbm>>
      tpu.wait_dma2 semaphore(%run_scoped3A : memref<!tpu.dma_semaphore, #tpu.memory_space<semaphore_mem>>) src(%dma_wait3A_16 : memref<2048xf32, #tpu.memory_space<hbm>>) dst(%arg29 : memref<2048xf32, #tpu.memory_space<vmem>>)
      tpu.yield
    }) : () -> ()
    %mul3A_3 = arith.constant 32 : i32
    %mul3A_4 = arith.muli %arg0, %mul3A_3 : i32
    "tpu.region"() ({
      %run_scoped3A = tpu.sem_alloc : memref<!tpu.dma_semaphore, #tpu.memory_space<semaphore_mem>>
      %dma_start3A = tpu.memref_slice %arg10[%mul3A_4] : memref<64xf32, #tpu.memory_space<hbm>> -> memref<32xf32, #tpu.memory_space<hbm>>
      %dma_start3A_15 = tpu.memref_slice %arg10[%mul3A_4] : memref<64xf32, #tpu.memory_space<hbm>> -> memref<32xf32, #tpu.memory_space<hbm>>
      tpu.enqueue_dma source(%dma_start3A_15 : memref<32xf32, #tpu.memory_space<hbm>>) target(%arg30 : memref<32xf32, #tpu.memory_space<vmem>>) target_semaphore(%run_scoped3A : memref<!tpu.dma_semaphore, #tpu.memory_space<semaphore_mem>>)
      %dma_wait3A = tpu.memref_slice %arg10[%mul3A_4] : memref<64xf32, #tpu.memory_space<hbm>> -> memref<32xf32, #tpu.memory_space<hbm>>
      %dma_wait3A_16 = tpu.memref_slice %arg10[%mul3A_4] : memref<64xf32, #tpu.memory_space<hbm>> -> memref<32xf32, #tpu.memory_space<hbm>>
      tpu.wait_dma2 semaphore(%run_scoped3A : memref<!tpu.dma_semaphore, #tpu.memory_space<semaphore_mem>>) src(%dma_wait3A_16 : memref<32xf32, #tpu.memory_space<hbm>>) dst(%arg30 : memref<32xf32, #tpu.memory_space<vmem>>)
      tpu.yield
    }) : () -> ()
    "tpu.region"() ({
      %run_scoped3A = tpu.sem_alloc : memref<!tpu.dma_semaphore, #tpu.memory_space<semaphore_mem>>
      tpu.enqueue_dma source(%arg14 : memref<128x128xf32, #tpu.memory_space<hbm>>) target(%arg23 : memref<128x128xf32, #tpu.memory_space<vmem>>) target_semaphore(%run_scoped3A : memref<!tpu.dma_semaphore, #tpu.memory_space<semaphore_mem>>)
      tpu.wait_dma2 semaphore(%run_scoped3A : memref<!tpu.dma_semaphore, #tpu.memory_space<semaphore_mem>>) src(%arg14 : memref<128x128xf32, #tpu.memory_space<hbm>>) dst(%arg23 : memref<128x128xf32, #tpu.memory_space<vmem>>)
      tpu.yield
    }) : () -> ()
    "tpu.region"() ({
      %run_scoped3A = tpu.sem_alloc : memref<!tpu.dma_semaphore, #tpu.memory_space<semaphore_mem>>
      tpu.enqueue_dma source(%arg15 : memref<128xf32, #tpu.memory_space<hbm>>) target(%arg24 : memref<128xf32, #tpu.memory_space<vmem>>) target_semaphore(%run_scoped3A : memref<!tpu.dma_semaphore, #tpu.memory_space<semaphore_mem>>)
      tpu.wait_dma2 semaphore(%run_scoped3A : memref<!tpu.dma_semaphore, #tpu.memory_space<semaphore_mem>>) src(%arg15 : memref<128xf32, #tpu.memory_space<hbm>>) dst(%arg24 : memref<128xf32, #tpu.memory_space<vmem>>)
      tpu.yield
    }) : () -> ()
    "tpu.region"() ({
      %run_scoped3A = tpu.sem_alloc : memref<!tpu.dma_semaphore, #tpu.memory_space<semaphore_mem>>
      %dma_start3A = tpu.memref_slice %arg11[%mul3A_0] : memref<50176xi32, #tpu.memory_space<hbm>> -> memref<3136xi32, #tpu.memory_space<hbm>>
      %dma_start3A_15 = tpu.memref_slice %arg11[%mul3A_0] : memref<50176xi32, #tpu.memory_space<hbm>> -> memref<3136xi32, #tpu.memory_space<hbm>>
      tpu.enqueue_dma source(%dma_start3A_15 : memref<3136xi32, #tpu.memory_space<hbm>>) target(%arg31 : memref<3136xi32, #tpu.memory_space<vmem>>) target_semaphore(%run_scoped3A : memref<!tpu.dma_semaphore, #tpu.memory_space<semaphore_mem>>)
      %dma_wait3A = tpu.memref_slice %arg11[%mul3A_0] : memref<50176xi32, #tpu.memory_space<hbm>> -> memref<3136xi32, #tpu.memory_space<hbm>>
      %dma_wait3A_16 = tpu.memref_slice %arg11[%mul3A_0] : memref<50176xi32, #tpu.memory_space<hbm>> -> memref<3136xi32, #tpu.memory_space<hbm>>
      tpu.wait_dma2 semaphore(%run_scoped3A : memref<!tpu.dma_semaphore, #tpu.memory_space<semaphore_mem>>) src(%dma_wait3A_16 : memref<3136xi32, #tpu.memory_space<hbm>>) dst(%arg31 : memref<3136xi32, #tpu.memory_space<vmem>>)
      tpu.yield
    }) : () -> ()
    "tpu.region"() ({
      %run_scoped3A = tpu.sem_alloc : memref<!tpu.dma_semaphore, #tpu.memory_space<semaphore_mem>>
      %dma_start3A = tpu.memref_slice %arg12[%mul3A_0] : memref<50176xi32, #tpu.memory_space<hbm>> -> memref<3136xi32, #tpu.memory_space<hbm>>
      %dma_start3A_15 = tpu.memref_slice %arg12[%mul3A_0] : memref<50176xi32, #tpu.memory_space<hbm>> -> memref<3136xi32, #tpu.memory_space<hbm>>
      tpu.enqueue_dma source(%dma_start3A_15 : memref<3136xi32, #tpu.memory_space<hbm>>) target(%arg32 : memref<3136xi32, #tpu.memory_space<vmem>>) target_semaphore(%run_scoped3A : memref<!tpu.dma_semaphore, #tpu.memory_space<semaphore_mem>>)
      %dma_wait3A = tpu.memref_slice %arg12[%mul3A_0] : memref<50176xi32, #tpu.memory_space<hbm>> -> memref<3136xi32, #tpu.memory_space<hbm>>
      %dma_wait3A_16 = tpu.memref_slice %arg12[%mul3A_0] : memref<50176xi32, #tpu.memory_space<hbm>> -> memref<3136xi32, #tpu.memory_space<hbm>>
      tpu.wait_dma2 semaphore(%run_scoped3A : memref<!tpu.dma_semaphore, #tpu.memory_space<semaphore_mem>>) src(%dma_wait3A_16 : memref<3136xi32, #tpu.memory_space<hbm>>) dst(%arg32 : memref<3136xi32, #tpu.memory_space<vmem>>)
      tpu.yield
    }) : () -> ()
    "tpu.region"() ({
      %run_scoped3A = tpu.sem_alloc : memref<!tpu.dma_semaphore, #tpu.memory_space<semaphore_mem>>
      %dma_start3A = tpu.memref_slice %arg13[%mul3A_0] : memref<50176xf32, #tpu.memory_space<hbm>> -> memref<3136xf32, #tpu.memory_space<hbm>>
      %dma_start3A_15 = tpu.memref_slice %arg13[%mul3A_0] : memref<50176xf32, #tpu.memory_space<hbm>> -> memref<3136xf32, #tpu.memory_space<hbm>>
      tpu.enqueue_dma source(%dma_start3A_15 : memref<3136xf32, #tpu.memory_space<hbm>>) target(%arg33 : memref<3136xf32, #tpu.memory_space<vmem>>) target_semaphore(%run_scoped3A : memref<!tpu.dma_semaphore, #tpu.memory_space<semaphore_mem>>)
      %dma_wait3A = tpu.memref_slice %arg13[%mul3A_0] : memref<50176xf32, #tpu.memory_space<hbm>> -> memref<3136xf32, #tpu.memory_space<hbm>>
      %dma_wait3A_16 = tpu.memref_slice %arg13[%mul3A_0] : memref<50176xf32, #tpu.memory_space<hbm>> -> memref<3136xf32, #tpu.memory_space<hbm>>
      tpu.wait_dma2 semaphore(%run_scoped3A : memref<!tpu.dma_semaphore, #tpu.memory_space<semaphore_mem>>) src(%dma_wait3A_16 : memref<3136xf32, #tpu.memory_space<hbm>>) dst(%arg33 : memref<3136xf32, #tpu.memory_space<vmem>>)
      tpu.yield
    }) : () -> ()
    %broadcast_in_dim3A = arith.constant 1.000000e+00 : f32
    %broadcast_in_dim3A_5 = vector.broadcast %broadcast_in_dim3A : f32 to vector<16xf32>
    %parallel_loop3A = arith.constant 0 : i32
    %parallel_loop3A_6 = arith.constant 98 : i32
    %parallel_loop3A_7 = arith.constant 1 : i32
    scf.for %parallel_loop3A_15 = %parallel_loop3A to %parallel_loop3A_6 step %parallel_loop3A_7  : i32 {
      %parallel_loop3A_16 = arith.constant 32 : i32
      %parallel_loop3A_17 = arith.muli %parallel_loop3A_15, %parallel_loop3A_16 : i32
      %parallel_loop3A_18 = arith.index_cast %parallel_loop3A_17 : i32 to index
      %parallel_loop3A_19 = tpu.vector_load %arg31[%parallel_loop3A_18] {strides = array<i32>} : memref<3136xi32, #tpu.memory_space<vmem>>, vector<16xi32>,
      %parallel_loop3A_20 = arith.index_cast %parallel_loop3A_17 : i32 to index
      %parallel_loop3A_21 = tpu.vector_load %arg32[%parallel_loop3A_20] {strides = array<i32>} : memref<3136xi32, #tpu.memory_space<vmem>>, vector<16xi32>,
      %parallel_loop3A_22 = arith.index_cast %parallel_loop3A_17 : i32 to index
      %parallel_loop3A_23 = tpu.vector_load %arg33[%parallel_loop3A_22] {strides = array<i32>} : memref<3136xf32, #tpu.memory_space<vmem>>, vector<16xf32>,
      %parallel_loop3A_24 = arith.constant 16 : i32
      %parallel_loop3A_25 = arith.addi %parallel_loop3A_17, %parallel_loop3A_24 : i32
      %parallel_loop3A_26 = arith.index_cast %parallel_loop3A_25 : i32 to index
      %parallel_loop3A_27 = tpu.vector_load %arg31[%parallel_loop3A_26] {strides = array<i32>} : memref<3136xi32, #tpu.memory_space<vmem>>, vector<16xi32>,
      %parallel_loop3A_28 = arith.constant 16 : i32
      %parallel_loop3A_29 = arith.addi %parallel_loop3A_17, %parallel_loop3A_28 : i32
      %parallel_loop3A_30 = arith.index_cast %parallel_loop3A_29 : i32 to index
      %parallel_loop3A_31 = tpu.vector_load %arg32[%parallel_loop3A_30] {strides = array<i32>} : memref<3136xi32, #tpu.memory_space<vmem>>, vector<16xi32>,
      %parallel_loop3A_32 = arith.constant 16 : i32
      %parallel_loop3A_33 = arith.addi %parallel_loop3A_17, %parallel_loop3A_32 : i32
      %parallel_loop3A_34 = arith.index_cast %parallel_loop3A_33 : i32 to index
      %parallel_loop3A_35 = tpu.vector_load %arg33[%parallel_loop3A_34] {strides = array<i32>} : memref<3136xf32, #tpu.memory_space<vmem>>, vector<16xf32>,
      %parallel_loop3A_36 = arith.constant 0 : index
      %parallel_loop3A_37 = tpu.vector_load %arg30[%parallel_loop3A_36] {strides = array<i32>} : memref<32xf32, #tpu.memory_space<vmem>>, vector<16xf32>,
      %parallel_loop3A_38 = arith.constant 16 : index
      %parallel_loop3A_39 = tpu.vector_load %arg30[%parallel_loop3A_38] {strides = array<i32>} : memref<32xf32, #tpu.memory_space<vmem>>, vector<16xf32>,
      %parallel_loop3A_40 = arith.constant 0 : i32
      %parallel_loop3A_41 = arith.constant 128 : i32
      %parallel_loop3A_42 = arith.constant 1 : i32
      %parallel_loop3A_43:4 = scf.for %parallel_loop3A_119 = %parallel_loop3A_40 to %parallel_loop3A_41 step %parallel_loop3A_42 iter_args(%parallel_loop3A_120 = %parallel_loop3A_37, %parallel_loop3A_121 = %parallel_loop3A_39, %parallel_loop3A_122 = %parallel_loop3A_37, %parallel_loop3A_123 = %parallel_loop3A_39) -> (vector<16xf32>, vector<16xf32>, vector<16xf32>, vector<16xf32>)  : i32 {
        %parallel_loop3A_124 = vector.broadcast %parallel_loop3A_119 : i32 to vector<16xi32>
        %parallel_loop3A_125 = arith.constant 16 : i32
        %parallel_loop3A_126 = arith.muli %parallel_loop3A_119, %parallel_loop3A_125 : i32
        %parallel_loop3A_127 = arith.index_cast %parallel_loop3A_126 : i32 to index
        %parallel_loop3A_128 = tpu.vector_load %arg25[%parallel_loop3A_127] {strides = array<i32>} : memref<2048xf32, #tpu.memory_space<vmem>>, vector<16xf32>,
        %parallel_loop3A_129 = arith.constant 16 : i32
        %parallel_loop3A_130 = arith.muli %parallel_loop3A_119, %parallel_loop3A_129 : i32
        %parallel_loop3A_131 = arith.index_cast %parallel_loop3A_130 : i32 to index
        %parallel_loop3A_132 = tpu.vector_load %arg26[%parallel_loop3A_131] {strides = array<i32>} : memref<2048xf32, #tpu.memory_space<vmem>>, vector<16xf32>,
        %parallel_loop3A_133 = arith.constant 16 : i32
        %parallel_loop3A_134 = arith.muli %parallel_loop3A_119, %parallel_loop3A_133 : i32
        %parallel_loop3A_135 = arith.index_cast %parallel_loop3A_134 : i32 to index
        %parallel_loop3A_136 = tpu.vector_load %arg27[%parallel_loop3A_135] {strides = array<i32>} : memref<2048xf32, #tpu.memory_space<vmem>>, vector<16xf32>,
        %parallel_loop3A_137 = tpu.vector_load_idx %arg20[%parallel_loop3A_124, %parallel_loop3A_19] : memref<128x128xf32, #tpu.memory_space<vmem>>[vector<16xi32>, vector<16xi32>], vector<16xf32>,
        %parallel_loop3A_138 = tpu.vector_load_idx %arg21[%parallel_loop3A_124, %parallel_loop3A_21] : memref<128x128xf32, #tpu.memory_space<vmem>>[vector<16xi32>, vector<16xi32>], vector<16xf32>,
        %parallel_loop3A_139 = arith.addf %parallel_loop3A_137, %parallel_loop3A_138 : vector<16xf32>
        %parallel_loop3A_140 = arith.mulf %parallel_loop3A_23, %parallel_loop3A_128 : vector<16xf32>
        %parallel_loop3A_141 = arith.addf %parallel_loop3A_139, %parallel_loop3A_140 : vector<16xf32>
        %parallel_loop3A_142 = arith.constant 0.000000e+00 : f32
        %parallel_loop3A_143 = vector.broadcast %parallel_loop3A_142 : f32 to vector<16xf32>
        %parallel_loop3A_144 = arith.maximumf %parallel_loop3A_141, %parallel_loop3A_143 : vector<16xf32>
        %parallel_loop3A_145 = tpu.vector_load_idx %arg20[%parallel_loop3A_124, %parallel_loop3A_27] : memref<128x128xf32, #tpu.memory_space<vmem>>[vector<16xi32>, vector<16xi32>], vector<16xf32>,
        %parallel_loop3A_146 = tpu.vector_load_idx %arg21[%parallel_loop3A_124, %parallel_loop3A_31] : memref<128x128xf32, #tpu.memory_space<vmem>>[vector<16xi32>, vector<16xi32>], vector<16xf32>,
        %parallel_loop3A_147 = arith.addf %parallel_loop3A_145, %parallel_loop3A_146 : vector<16xf32>
        %parallel_loop3A_148 = arith.mulf %parallel_loop3A_35, %parallel_loop3A_128 : vector<16xf32>
        %parallel_loop3A_149 = arith.addf %parallel_loop3A_147, %parallel_loop3A_148 : vector<16xf32>
        %parallel_loop3A_150 = arith.constant 0.000000e+00 : f32
        %parallel_loop3A_151 = vector.broadcast %parallel_loop3A_150 : f32 to vector<16xf32>
        %parallel_loop3A_152 = arith.maximumf %parallel_loop3A_149, %parallel_loop3A_151 : vector<16xf32>
        %parallel_loop3A_153 = tpu.bitcast %parallel_loop3A_144 : vector<16xf32> -> vector<16xi32>
        %parallel_loop3A_154 = arith.constant 32767 : i32
        %parallel_loop3A_155 = vector.broadcast %parallel_loop3A_154 : i32 to vector<16xi32>
        %parallel_loop3A_156 = arith.addi %parallel_loop3A_153, %parallel_loop3A_155 : vector<16xi32>
        %parallel_loop3A_157 = arith.constant 16 : i32
        %parallel_loop3A_158 = vector.broadcast %parallel_loop3A_157 : i32 to vector<16xi32>
        %parallel_loop3A_159 = arith.shrsi %parallel_loop3A_153, %parallel_loop3A_158 : vector<16xi32>
        %parallel_loop3A_160 = arith.constant 1 : i32
        %parallel_loop3A_161 = vector.broadcast %parallel_loop3A_160 : i32 to vector<16xi32>
        %parallel_loop3A_162 = arith.andi %parallel_loop3A_159, %parallel_loop3A_161 : vector<16xi32>
        %parallel_loop3A_163 = arith.addi %parallel_loop3A_156, %parallel_loop3A_162 : vector<16xi32>
        %parallel_loop3A_164 = arith.constant -65536 : i32
        %parallel_loop3A_165 = vector.broadcast %parallel_loop3A_164 : i32 to vector<16xi32>
        %parallel_loop3A_166 = arith.andi %parallel_loop3A_163, %parallel_loop3A_165 : vector<16xi32>
        %parallel_loop3A_167 = tpu.bitcast %parallel_loop3A_166 : vector<16xi32> -> vector<16xf32>
        %parallel_loop3A_168 = tpu.bitcast %parallel_loop3A_152 : vector<16xf32> -> vector<16xi32>
        %parallel_loop3A_169 = arith.constant 32767 : i32
        %parallel_loop3A_170 = vector.broadcast %parallel_loop3A_169 : i32 to vector<16xi32>
        %parallel_loop3A_171 = arith.addi %parallel_loop3A_168, %parallel_loop3A_170 : vector<16xi32>
        %parallel_loop3A_172 = arith.constant 16 : i32
        %parallel_loop3A_173 = vector.broadcast %parallel_loop3A_172 : i32 to vector<16xi32>
        %parallel_loop3A_174 = arith.shrsi %parallel_loop3A_168, %parallel_loop3A_173 : vector<16xi32>
        %parallel_loop3A_175 = arith.constant 1 : i32
        %parallel_loop3A_176 = vector.broadcast %parallel_loop3A_175 : i32 to vector<16xi32>
        %parallel_loop3A_177 = arith.andi %parallel_loop3A_174, %parallel_loop3A_176 : vector<16xi32>
        %parallel_loop3A_178 = arith.addi %parallel_loop3A_171, %parallel_loop3A_177 : vector<16xi32>
        %parallel_loop3A_179 = arith.constant -65536 : i32
        %parallel_loop3A_180 = vector.broadcast %parallel_loop3A_179 : i32 to vector<16xi32>
        %parallel_loop3A_181 = arith.andi %parallel_loop3A_178, %parallel_loop3A_180 : vector<16xi32>
        %parallel_loop3A_182 = tpu.bitcast %parallel_loop3A_181 : vector<16xi32> -> vector<16xf32>
        %parallel_loop3A_183 = arith.mulf %parallel_loop3A_167, %parallel_loop3A_132 : vector<16xf32>
        %parallel_loop3A_184 = arith.addf %parallel_loop3A_120, %parallel_loop3A_183 : vector<16xf32>
        %parallel_loop3A_185 = arith.mulf %parallel_loop3A_167, %parallel_loop3A_136 : vector<16xf32>
        %parallel_loop3A_186 = arith.addf %parallel_loop3A_121, %parallel_loop3A_185 : vector<16xf32>
        %parallel_loop3A_187 = arith.mulf %parallel_loop3A_182, %parallel_loop3A_132 : vector<16xf32>
        %parallel_loop3A_188 = arith.addf %parallel_loop3A_122, %parallel_loop3A_187 : vector<16xf32>
        %parallel_loop3A_189 = arith.mulf %parallel_loop3A_182, %parallel_loop3A_136 : vector<16xf32>
        %parallel_loop3A_190 = arith.addf %parallel_loop3A_123, %parallel_loop3A_189 : vector<16xf32>
        scf.yield %parallel_loop3A_184, %parallel_loop3A_186, %parallel_loop3A_188, %parallel_loop3A_190 : vector<16xf32>, vector<16xf32>, vector<16xf32>, vector<16xf32>
      } {sc.loop_unroll_factor = 8 : i64, sc.parallel_access}
      %parallel_loop3A_44 = tpu.bitcast %parallel_loop3A_43#0 : vector<16xf32> -> vector<16xi32>
      %parallel_loop3A_45 = arith.constant 32767 : i32
      %parallel_loop3A_46 = vector.broadcast %parallel_loop3A_45 : i32 to vector<16xi32>
      %parallel_loop3A_47 = arith.addi %parallel_loop3A_44, %parallel_loop3A_46 : vector<16xi32>
      %parallel_loop3A_48 = arith.constant 16 : i32
      %parallel_loop3A_49 = vector.broadcast %parallel_loop3A_48 : i32 to vector<16xi32>
      %parallel_loop3A_50 = arith.shrsi %parallel_loop3A_44, %parallel_loop3A_49 : vector<16xi32>
      %parallel_loop3A_51 = arith.constant 1 : i32
      %parallel_loop3A_52 = vector.broadcast %parallel_loop3A_51 : i32 to vector<16xi32>
      %parallel_loop3A_53 = arith.andi %parallel_loop3A_50, %parallel_loop3A_52 : vector<16xi32>
      %parallel_loop3A_54 = arith.addi %parallel_loop3A_47, %parallel_loop3A_53 : vector<16xi32>
      %parallel_loop3A_55 = arith.constant -65536 : i32
      %parallel_loop3A_56 = vector.broadcast %parallel_loop3A_55 : i32 to vector<16xi32>
      %parallel_loop3A_57 = arith.andi %parallel_loop3A_54, %parallel_loop3A_56 : vector<16xi32>
      %parallel_loop3A_58 = tpu.bitcast %parallel_loop3A_57 : vector<16xi32> -> vector<16xf32>
      %parallel_loop3A_59 = tpu.bitcast %parallel_loop3A_43#1 : vector<16xf32> -> vector<16xi32>
      %parallel_loop3A_60 = arith.constant 32767 : i32
      %parallel_loop3A_61 = vector.broadcast %parallel_loop3A_60 : i32 to vector<16xi32>
      %parallel_loop3A_62 = arith.addi %parallel_loop3A_59, %parallel_loop3A_61 : vector<16xi32>
      %parallel_loop3A_63 = arith.constant 16 : i32
      %parallel_loop3A_64 = vector.broadcast %parallel_loop3A_63 : i32 to vector<16xi32>
      %parallel_loop3A_65 = arith.shrsi %parallel_loop3A_59, %parallel_loop3A_64 : vector<16xi32>
      %parallel_loop3A_66 = arith.constant 1 : i32
      %parallel_loop3A_67 = vector.broadcast %parallel_loop3A_66 : i32 to vector<16xi32>
      %parallel_loop3A_68 = arith.andi %parallel_loop3A_65, %parallel_loop3A_67 : vector<16xi32>
      %parallel_loop3A_69 = arith.addi %parallel_loop3A_62, %parallel_loop3A_68 : vector<16xi32>
      %parallel_loop3A_70 = arith.constant -65536 : i32
      %parallel_loop3A_71 = vector.broadcast %parallel_loop3A_70 : i32 to vector<16xi32>
      %parallel_loop3A_72 = arith.andi %parallel_loop3A_69, %parallel_loop3A_71 : vector<16xi32>
      %parallel_loop3A_73 = tpu.bitcast %parallel_loop3A_72 : vector<16xi32> -> vector<16xf32>
      %parallel_loop3A_74 = tpu.bitcast %parallel_loop3A_43#2 : vector<16xf32> -> vector<16xi32>
      %parallel_loop3A_75 = arith.constant 32767 : i32
      %parallel_loop3A_76 = vector.broadcast %parallel_loop3A_75 : i32 to vector<16xi32>
      %parallel_loop3A_77 = arith.addi %parallel_loop3A_74, %parallel_loop3A_76 : vector<16xi32>
      %parallel_loop3A_78 = arith.constant 16 : i32
      %parallel_loop3A_79 = vector.broadcast %parallel_loop3A_78 : i32 to vector<16xi32>
      %parallel_loop3A_80 = arith.shrsi %parallel_loop3A_74, %parallel_loop3A_79 : vector<16xi32>
      %parallel_loop3A_81 = arith.constant 1 : i32
      %parallel_loop3A_82 = vector.broadcast %parallel_loop3A_81 : i32 to vector<16xi32>
      %parallel_loop3A_83 = arith.andi %parallel_loop3A_80, %parallel_loop3A_82 : vector<16xi32>
      %parallel_loop3A_84 = arith.addi %parallel_loop3A_77, %parallel_loop3A_83 : vector<16xi32>
      %parallel_loop3A_85 = arith.constant -65536 : i32
      %parallel_loop3A_86 = vector.broadcast %parallel_loop3A_85 : i32 to vector<16xi32>
      %parallel_loop3A_87 = arith.andi %parallel_loop3A_84, %parallel_loop3A_86 : vector<16xi32>
      %parallel_loop3A_88 = tpu.bitcast %parallel_loop3A_87 : vector<16xi32> -> vector<16xf32>
      %parallel_loop3A_89 = tpu.bitcast %parallel_loop3A_43#3 : vector<16xf32> -> vector<16xi32>
      %parallel_loop3A_90 = arith.constant 32767 : i32
      %parallel_loop3A_91 = vector.broadcast %parallel_loop3A_90 : i32 to vector<16xi32>
      %parallel_loop3A_92 = arith.addi %parallel_loop3A_89, %parallel_loop3A_91 : vector<16xi32>
      %parallel_loop3A_93 = arith.constant 16 : i32
      %parallel_loop3A_94 = vector.broadcast %parallel_loop3A_93 : i32 to vector<16xi32>
      %parallel_loop3A_95 = arith.shrsi %parallel_loop3A_89, %parallel_loop3A_94 : vector<16xi32>
      %parallel_loop3A_96 = arith.constant 1 : i32
      %parallel_loop3A_97 = vector.broadcast %parallel_loop3A_96 : i32 to vector<16xi32>
      %parallel_loop3A_98 = arith.andi %parallel_loop3A_95, %parallel_loop3A_97 : vector<16xi32>
      %parallel_loop3A_99 = arith.addi %parallel_loop3A_92, %parallel_loop3A_98 : vector<16xi32>
      %parallel_loop3A_100 = arith.constant -65536 : i32
      %parallel_loop3A_101 = vector.broadcast %parallel_loop3A_100 : i32 to vector<16xi32>
      %parallel_loop3A_102 = arith.andi %parallel_loop3A_99, %parallel_loop3A_101 : vector<16xi32>
      %parallel_loop3A_103 = tpu.bitcast %parallel_loop3A_102 : vector<16xi32> -> vector<16xf32>
      %parallel_loop3A_104 = arith.index_cast %parallel_loop3A_17 : i32 to index
      %parallel_loop3A_105 = tpu.vector_load %arg34[%parallel_loop3A_104] {strides = array<i32>} : memref<3136xf32, #tpu.memory_space<vmem>>, vector<16xf32>,
      tpu.vector_store %arg34[%parallel_loop3A_104], %parallel_loop3A_58 {strides = array<i32>} : memref<3136xf32, #tpu.memory_space<vmem>>, vector<16xf32>,
      %parallel_loop3A_106 = arith.index_cast %parallel_loop3A_17 : i32 to index
      %parallel_loop3A_107 = tpu.vector_load %arg35[%parallel_loop3A_106] {strides = array<i32>} : memref<3136xf32, #tpu.memory_space<vmem>>, vector<16xf32>,
      tpu.vector_store %arg35[%parallel_loop3A_106], %parallel_loop3A_73 {strides = array<i32>} : memref<3136xf32, #tpu.memory_space<vmem>>, vector<16xf32>,
      %parallel_loop3A_108 = arith.constant 16 : i32
      %parallel_loop3A_109 = arith.addi %parallel_loop3A_17, %parallel_loop3A_108 : i32
      %parallel_loop3A_110 = arith.index_cast %parallel_loop3A_109 : i32 to index
      %parallel_loop3A_111 = tpu.vector_load %arg34[%parallel_loop3A_110] {strides = array<i32>} : memref<3136xf32, #tpu.memory_space<vmem>>, vector<16xf32>,
      tpu.vector_store %arg34[%parallel_loop3A_110], %parallel_loop3A_88 {strides = array<i32>} : memref<3136xf32, #tpu.memory_space<vmem>>, vector<16xf32>,
      %parallel_loop3A_112 = arith.constant 16 : i32
      %parallel_loop3A_113 = arith.addi %parallel_loop3A_17, %parallel_loop3A_112 : i32
      %parallel_loop3A_114 = arith.index_cast %parallel_loop3A_113 : i32 to index
      %parallel_loop3A_115 = tpu.vector_load %arg35[%parallel_loop3A_114] {strides = array<i32>} : memref<3136xf32, #tpu.memory_space<vmem>>, vector<16xf32>,
      tpu.vector_store %arg35[%parallel_loop3A_114], %parallel_loop3A_103 {strides = array<i32>} : memref<3136xf32, #tpu.memory_space<vmem>>, vector<16xf32>,
      %parallel_loop3A_116 = arith.constant 0 : i32
      %parallel_loop3A_117 = arith.constant 128 : i32
      %parallel_loop3A_118 = arith.constant 1 : i32
      scf.for %parallel_loop3A_119 = %parallel_loop3A_116 to %parallel_loop3A_117 step %parallel_loop3A_118  : i32 {
        %parallel_loop3A_120 = vector.broadcast %parallel_loop3A_119 : i32 to vector<16xi32>
        %parallel_loop3A_121 = arith.constant 16 : i32
        %parallel_loop3A_122 = arith.muli %parallel_loop3A_119, %parallel_loop3A_121 : i32
        %parallel_loop3A_123 = arith.index_cast %parallel_loop3A_122 : i32 to index
        %parallel_loop3A_124 = tpu.vector_load %arg28[%parallel_loop3A_123] {strides = array<i32>} : memref<2048xf32, #tpu.memory_space<vmem>>, vector<16xf32>,
        %parallel_loop3A_125 = arith.constant 16 : i32
        %parallel_loop3A_126 = arith.muli %parallel_loop3A_119, %parallel_loop3A_125 : i32
        %parallel_loop3A_127 = arith.index_cast %parallel_loop3A_126 : i32 to index
        %parallel_loop3A_128 = tpu.vector_load %arg29[%parallel_loop3A_127] {strides = array<i32>} : memref<2048xf32, #tpu.memory_space<vmem>>, vector<16xf32>,
        %parallel_loop3A_129 = tpu.vector_load_idx %arg22[%parallel_loop3A_120, %parallel_loop3A_21] : memref<128x128xf32, #tpu.memory_space<vmem>>[vector<16xi32>, vector<16xi32>], vector<16xf32>,
        %parallel_loop3A_130 = arith.mulf %parallel_loop3A_58, %parallel_loop3A_124 : vector<16xf32>
        %parallel_loop3A_131 = arith.addf %parallel_loop3A_129, %parallel_loop3A_130 : vector<16xf32>
        %parallel_loop3A_132 = arith.mulf %parallel_loop3A_73, %parallel_loop3A_128 : vector<16xf32>
        %parallel_loop3A_133 = arith.addf %parallel_loop3A_131, %parallel_loop3A_132 : vector<16xf32>
        %parallel_loop3A_134 = arith.constant 0.000000e+00 : f32
        %parallel_loop3A_135 = vector.broadcast %parallel_loop3A_134 : f32 to vector<16xf32>
        %parallel_loop3A_136 = arith.maximumf %parallel_loop3A_133, %parallel_loop3A_135 : vector<16xf32>
        %parallel_loop3A_137 = tpu.vector_load_idx %arg22[%parallel_loop3A_120, %parallel_loop3A_31] : memref<128x128xf32, #tpu.memory_space<vmem>>[vector<16xi32>, vector<16xi32>], vector<16xf32>,
        %parallel_loop3A_138 = arith.mulf %parallel_loop3A_88, %parallel_loop3A_124 : vector<16xf32>
        %parallel_loop3A_139 = arith.addf %parallel_loop3A_137, %parallel_loop3A_138 : vector<16xf32>
        %parallel_loop3A_140 = arith.mulf %parallel_loop3A_103, %parallel_loop3A_128 : vector<16xf32>
        %parallel_loop3A_141 = arith.addf %parallel_loop3A_139, %parallel_loop3A_140 : vector<16xf32>
        %parallel_loop3A_142 = arith.constant 0.000000e+00 : f32
        %parallel_loop3A_143 = vector.broadcast %parallel_loop3A_142 : f32 to vector<16xf32>
        %parallel_loop3A_144 = arith.maximumf %parallel_loop3A_141, %parallel_loop3A_143 : vector<16xf32>
        %parallel_loop3A_145 = tpu.bitcast %parallel_loop3A_136 : vector<16xf32> -> vector<16xi32>
        %parallel_loop3A_146 = arith.constant 32767 : i32
        %parallel_loop3A_147 = vector.broadcast %parallel_loop3A_146 : i32 to vector<16xi32>
        %parallel_loop3A_148 = arith.addi %parallel_loop3A_145, %parallel_loop3A_147 : vector<16xi32>
        %parallel_loop3A_149 = arith.constant 16 : i32
        %parallel_loop3A_150 = vector.broadcast %parallel_loop3A_149 : i32 to vector<16xi32>
        %parallel_loop3A_151 = arith.shrsi %parallel_loop3A_145, %parallel_loop3A_150 : vector<16xi32>
        %parallel_loop3A_152 = arith.constant 1 : i32
        %parallel_loop3A_153 = vector.broadcast %parallel_loop3A_152 : i32 to vector<16xi32>
        %parallel_loop3A_154 = arith.andi %parallel_loop3A_151, %parallel_loop3A_153 : vector<16xi32>
        %parallel_loop3A_155 = arith.addi %parallel_loop3A_148, %parallel_loop3A_154 : vector<16xi32>
        %parallel_loop3A_156 = arith.constant -65536 : i32
        %parallel_loop3A_157 = vector.broadcast %parallel_loop3A_156 : i32 to vector<16xi32>
        %parallel_loop3A_158 = arith.andi %parallel_loop3A_155, %parallel_loop3A_157 : vector<16xi32>
        %parallel_loop3A_159 = tpu.bitcast %parallel_loop3A_158 : vector<16xi32> -> vector<16xf32>
        %parallel_loop3A_160 = tpu.bitcast %parallel_loop3A_144 : vector<16xf32> -> vector<16xi32>
        %parallel_loop3A_161 = arith.constant 32767 : i32
        %parallel_loop3A_162 = vector.broadcast %parallel_loop3A_161 : i32 to vector<16xi32>
        %parallel_loop3A_163 = arith.addi %parallel_loop3A_160, %parallel_loop3A_162 : vector<16xi32>
        %parallel_loop3A_164 = arith.constant 16 : i32
        %parallel_loop3A_165 = vector.broadcast %parallel_loop3A_164 : i32 to vector<16xi32>
        %parallel_loop3A_166 = arith.shrsi %parallel_loop3A_160, %parallel_loop3A_165 : vector<16xi32>
        %parallel_loop3A_167 = arith.constant 1 : i32
        %parallel_loop3A_168 = vector.broadcast %parallel_loop3A_167 : i32 to vector<16xi32>
        %parallel_loop3A_169 = arith.andi %parallel_loop3A_166, %parallel_loop3A_168 : vector<16xi32>
        %parallel_loop3A_170 = arith.addi %parallel_loop3A_163, %parallel_loop3A_169 : vector<16xi32>
        %parallel_loop3A_171 = arith.constant -65536 : i32
        %parallel_loop3A_172 = vector.broadcast %parallel_loop3A_171 : i32 to vector<16xi32>
        %parallel_loop3A_173 = arith.andi %parallel_loop3A_170, %parallel_loop3A_172 : vector<16xi32>
        %parallel_loop3A_174 = tpu.bitcast %parallel_loop3A_173 : vector<16xi32> -> vector<16xf32>
        tpu.vector_store_idx %arg23[%parallel_loop3A_120, %parallel_loop3A_21], %parallel_loop3A_159 {add = true} : memref<128x128xf32, #tpu.memory_space<vmem>>[vector<16xi32>, vector<16xi32>], vector<16xf32>,
        tpu.vector_store_idx %arg23[%parallel_loop3A_120, %parallel_loop3A_31], %parallel_loop3A_174 {add = true} : memref<128x128xf32, #tpu.memory_space<vmem>>[vector<16xi32>, vector<16xi32>], vector<16xf32>,
      } {sc.loop_unroll_factor = 8 : i64, sc.parallel_access}
      tpu.vector_store_idx %arg24[%parallel_loop3A_21], %broadcast_in_dim3A_5 {add = true} : memref<128xf32, #tpu.memory_space<vmem>>[vector<16xi32>], vector<16xf32>,
      tpu.vector_store_idx %arg24[%parallel_loop3A_31], %broadcast_in_dim3A_5 {add = true} : memref<128xf32, #tpu.memory_space<vmem>>[vector<16xi32>], vector<16xf32>,
    } {sc.loop_unroll_factor = 1 : i64, sc.parallel_access}
    "tpu.region"() ({
      %run_scoped3A = tpu.sem_alloc : memref<!tpu.dma_semaphore, #tpu.memory_space<semaphore_mem>>
      %dma_start3A = arith.constant 0 : i32
      %dma_start3A_15 = arith.constant 0 : i32
      %dma_start3A_16 = tpu.memref_slice %arg16[%arg0, %arg1, %dma_start3A, %dma_start3A_15] : memref<2x16x128x128xf32, #tpu.memory_space<hbm>> -> memref<1x1x128x128xf32, #tpu.memory_space<hbm>>
      %dma_start3A_17 = tpu.memref_squeeze %dma_start3A_16 : memref<1x1x128x128xf32, #tpu.memory_space<hbm>> -> memref<128x128xf32, #tpu.memory_space<hbm>>
      %dma_start3A_18 = arith.constant 0 : i32
      %dma_start3A_19 = arith.constant 0 : i32
      %dma_start3A_20 = tpu.memref_slice %arg16[%arg0, %arg1, %dma_start3A_18, %dma_start3A_19] : memref<2x16x128x128xf32, #tpu.memory_space<hbm>> -> memref<1x1x128x128xf32, #tpu.memory_space<hbm>>
      %dma_start3A_21 = tpu.memref_squeeze %dma_start3A_20 : memref<1x1x128x128xf32, #tpu.memory_space<hbm>> -> memref<128x128xf32, #tpu.memory_space<hbm>>
      tpu.enqueue_dma source(%arg23 : memref<128x128xf32, #tpu.memory_space<vmem>>) target(%dma_start3A_21 : memref<128x128xf32, #tpu.memory_space<hbm>>) target_semaphore(%run_scoped3A : memref<!tpu.dma_semaphore, #tpu.memory_space<semaphore_mem>>)
      %dma_wait3A = arith.constant 0 : i32
      %dma_wait3A_22 = arith.constant 0 : i32
      %dma_wait3A_23 = tpu.memref_slice %arg16[%arg0, %arg1, %dma_wait3A, %dma_wait3A_22] : memref<2x16x128x128xf32, #tpu.memory_space<hbm>> -> memref<1x1x128x128xf32, #tpu.memory_space<hbm>>
      %dma_wait3A_24 = tpu.memref_squeeze %dma_wait3A_23 : memref<1x1x128x128xf32, #tpu.memory_space<hbm>> -> memref<128x128xf32, #tpu.memory_space<hbm>>
      %dma_wait3A_25 = arith.constant 0 : i32
      %dma_wait3A_26 = arith.constant 0 : i32
      %dma_wait3A_27 = tpu.memref_slice %arg16[%arg0, %arg1, %dma_wait3A_25, %dma_wait3A_26] : memref<2x16x128x128xf32, #tpu.memory_space<hbm>> -> memref<1x1x128x128xf32, #tpu.memory_space<hbm>>
      %dma_wait3A_28 = tpu.memref_squeeze %dma_wait3A_27 : memref<1x1x128x128xf32, #tpu.memory_space<hbm>> -> memref<128x128xf32, #tpu.memory_space<hbm>>
      tpu.wait_dma2 semaphore(%run_scoped3A : memref<!tpu.dma_semaphore, #tpu.memory_space<semaphore_mem>>) src(%arg23 : memref<128x128xf32, #tpu.memory_space<vmem>>) dst(%dma_wait3A_28 : memref<128x128xf32, #tpu.memory_space<hbm>>)
      tpu.yield
    }) : () -> ()
    %mul3A_8 = arith.constant 16 : i32
    %mul3A_9 = arith.muli %arg0, %mul3A_8 : i32
    %add3A = arith.addi %mul3A_9, %arg1 : i32
    %mul3A_10 = arith.constant 128 : i32
    %mul3A_11 = arith.muli %add3A, %mul3A_10 : i32
    "tpu.region"() ({
      %run_scoped3A = tpu.sem_alloc : memref<!tpu.dma_semaphore, #tpu.memory_space<semaphore_mem>>
      %dma_start3A = tpu.memref_slice %arg17[%mul3A_11] : memref<4096xf32, #tpu.memory_space<hbm>> -> memref<128xf32, #tpu.memory_space<hbm>>
      %dma_start3A_15 = tpu.memref_slice %arg17[%mul3A_11] : memref<4096xf32, #tpu.memory_space<hbm>> -> memref<128xf32, #tpu.memory_space<hbm>>
      tpu.enqueue_dma source(%arg24 : memref<128xf32, #tpu.memory_space<vmem>>) target(%dma_start3A_15 : memref<128xf32, #tpu.memory_space<hbm>>) target_semaphore(%run_scoped3A : memref<!tpu.dma_semaphore, #tpu.memory_space<semaphore_mem>>)
      %dma_wait3A = tpu.memref_slice %arg17[%mul3A_11] : memref<4096xf32, #tpu.memory_space<hbm>> -> memref<128xf32, #tpu.memory_space<hbm>>
      %dma_wait3A_16 = tpu.memref_slice %arg17[%mul3A_11] : memref<4096xf32, #tpu.memory_space<hbm>> -> memref<128xf32, #tpu.memory_space<hbm>>
      tpu.wait_dma2 semaphore(%run_scoped3A : memref<!tpu.dma_semaphore, #tpu.memory_space<semaphore_mem>>) src(%arg24 : memref<128xf32, #tpu.memory_space<vmem>>) dst(%dma_wait3A_16 : memref<128xf32, #tpu.memory_space<hbm>>)
      tpu.yield
    }) : () -> ()
    %mul3A_12 = arith.constant 50176 : i32
    %mul3A_13 = arith.muli %arg0, %mul3A_12 : i32
    %add3A_14 = arith.addi %mul3A_13, %mul3A_0 : i32
    "tpu.region"() ({
      %run_scoped3A = tpu.sem_alloc : memref<!tpu.dma_semaphore, #tpu.memory_space<semaphore_mem>>
      %dma_start3A = tpu.memref_slice %arg18[%add3A_14] : memref<100352xf32, #tpu.memory_space<hbm>> -> memref<3136xf32, #tpu.memory_space<hbm>>
      %dma_start3A_15 = tpu.memref_slice %arg18[%add3A_14] : memref<100352xf32, #tpu.memory_space<hbm>> -> memref<3136xf32, #tpu.memory_space<hbm>>
      tpu.enqueue_dma source(%arg34 : memref<3136xf32, #tpu.memory_space<vmem>>) target(%dma_start3A_15 : memref<3136xf32, #tpu.memory_space<hbm>>) target_semaphore(%run_scoped3A : memref<!tpu.dma_semaphore, #tpu.memory_space<semaphore_mem>>)
      %dma_wait3A = tpu.memref_slice %arg18[%add3A_14] : memref<100352xf32, #tpu.memory_space<hbm>> -> memref<3136xf32, #tpu.memory_space<hbm>>
      %dma_wait3A_16 = tpu.memref_slice %arg18[%add3A_14] : memref<100352xf32, #tpu.memory_space<hbm>> -> memref<3136xf32, #tpu.memory_space<hbm>>
      tpu.wait_dma2 semaphore(%run_scoped3A : memref<!tpu.dma_semaphore, #tpu.memory_space<semaphore_mem>>) src(%arg34 : memref<3136xf32, #tpu.memory_space<vmem>>) dst(%dma_wait3A_16 : memref<3136xf32, #tpu.memory_space<hbm>>)
      tpu.yield
    }) : () -> ()
    "tpu.region"() ({
      %run_scoped3A = tpu.sem_alloc : memref<!tpu.dma_semaphore, #tpu.memory_space<semaphore_mem>>
      %dma_start3A = tpu.memref_slice %arg19[%add3A_14] : memref<100352xf32, #tpu.memory_space<hbm>> -> memref<3136xf32, #tpu.memory_space<hbm>>
      %dma_start3A_15 = tpu.memref_slice %arg19[%add3A_14] : memref<100352xf32, #tpu.memory_space<hbm>> -> memref<3136xf32, #tpu.memory_space<hbm>>
      tpu.enqueue_dma source(%arg35 : memref<3136xf32, #tpu.memory_space<vmem>>) target(%dma_start3A_15 : memref<3136xf32, #tpu.memory_space<hbm>>) target_semaphore(%run_scoped3A : memref<!tpu.dma_semaphore, #tpu.memory_space<semaphore_mem>>)
      %dma_wait3A = tpu.memref_slice %arg19[%add3A_14] : memref<100352xf32, #tpu.memory_space<hbm>> -> memref<3136xf32, #tpu.memory_space<hbm>>
      %dma_wait3A_16 = tpu.memref_slice %arg19[%add3A_14] : memref<100352xf32, #tpu.memory_space<hbm>> -> memref<3136xf32, #tpu.memory_space<hbm>>
      tpu.wait_dma2 semaphore(%run_scoped3A : memref<!tpu.dma_semaphore, #tpu.memory_space<semaphore_mem>>) src(%arg35 : memref<3136xf32, #tpu.memory_space<vmem>>) dst(%dma_wait3A_16 : memref<3136xf32, #tpu.memory_space<hbm>>)
      tpu.yield
    }) : () -> ()
    return
  }
}

module attributes {stable_mosaic.version = 14 : i64} {
  func.func @_tc0_body(%arg0: memref<128x5xf32, #tpu.memory_space<vmem>>, %arg1: memref<1x6xf32, #tpu.memory_space<vmem>>, %arg2: memref<2x17x128xf32, #tpu.memory_space<vmem>>, %arg3: memref<2x128xf32, #tpu.memory_space<vmem>>, %arg4: memref<2x7x128xf32, #tpu.memory_space<vmem>>, %arg5: memref<2x128xf32, #tpu.memory_space<vmem>>, %arg6: memref<2x128x128xf32, #tpu.memory_space<vmem>>, %arg7: memref<2x128x128xf32, #tpu.memory_space<vmem>>, %arg8: memref<2x128x128xf32, #tpu.memory_space<vmem>>) attributes {dimension_semantics = [], scalar_prefetch = 0 : i64, scratch_operands = 0 : i64, tpu.core_type = #tpu.core_type<tc>} {
    %get3A = arith.constant 0 : index
    %get3A_0 = arith.constant 0 : index
    %get3A_1 = vector.load %arg0[%get3A, %get3A_0] : memref<128x5xf32, #tpu.memory_space<vmem>>, vector<128x5xf32>
    %get3A_2 = arith.constant 0 : index
    %get3A_3 = arith.constant 0 : index
    %get3A_4 = vector.load %arg1[%get3A_2, %get3A_3] : memref<1x6xf32, #tpu.memory_space<vmem>>, vector<1x6xf32>
    %get3A_5 = arith.constant 0 : index
    %get3A_6 = arith.constant 0 : index
    %get3A_7 = arith.constant 0 : index
    %get3A_8 = vector.load %arg2[%get3A_5, %get3A_6, %get3A_7] : memref<2x17x128xf32, #tpu.memory_space<vmem>>, vector<1x5x128xf32>
    %get3A_9 = vector.shape_cast %get3A_8 : vector<1x5x128xf32> to vector<5x128xf32>
    %dot_general3A = arith.constant dense<0.000000e+00> : vector<128x128xf32>
    %dot_general3A_10 = tpu.matmul %get3A_9, %get3A_1, %dot_general3A {dimension_numbers = #tpu.dot_dimension_numbers<[0], [1], [1], [0], [0, 1, 1, 0], [], []>, transpose_lhs_hint = false} : vector<5x128xf32>, vector<128x5xf32>, vector<128x128xf32> -> vector<128x128xf32>
    %swap3A = arith.constant 0 : index
    %swap3A_11 = arith.constant 0 : index
    %swap3A_12 = arith.constant 0 : index
    %swap3A_13 = vector.load %arg6[%swap3A, %swap3A_11, %swap3A_12] : memref<2x128x128xf32, #tpu.memory_space<vmem>>, vector<1x128x128xf32>
    %swap3A_14 = vector.shape_cast %swap3A_13 : vector<1x128x128xf32> to vector<128x128xf32>
    %swap3A_15 = vector.shape_cast %dot_general3A_10 : vector<128x128xf32> to vector<1x128x128xf32>
    tpu.vector_store %arg6[%swap3A, %swap3A_11, %swap3A_12], %swap3A_15 {strides = array<i32>} : memref<2x128x128xf32, #tpu.memory_space<vmem>>, vector<1x128x128xf32>,
    %get3A_16 = arith.constant 0 : index
    %get3A_17 = arith.constant 11 : index
    %get3A_18 = arith.constant 0 : index
    %get3A_19 = vector.load %arg2[%get3A_16, %get3A_17, %get3A_18] : memref<2x17x128xf32, #tpu.memory_space<vmem>>, vector<1x6x128xf32>
    %get3A_20 = vector.shape_cast %get3A_19 : vector<1x6x128xf32> to vector<6x128xf32>
    %dot_general3A_21 = arith.constant dense<0.000000e+00> : vector<128x1xf32>
    %dot_general3A_22 = tpu.matmul %get3A_20, %get3A_4, %dot_general3A_21 {dimension_numbers = #tpu.dot_dimension_numbers<[0], [1], [1], [0], [0, 1, 1, 0], [], []>, transpose_lhs_hint = false} : vector<6x128xf32>, vector<1x6xf32>, vector<128x1xf32> -> vector<128x1xf32>
    %get3A_23 = arith.constant 0 : index
    %get3A_24 = arith.constant 5 : index
    %get3A_25 = arith.constant 0 : index
    %get3A_26 = vector.load %arg2[%get3A_23, %get3A_24, %get3A_25] : memref<2x17x128xf32, #tpu.memory_space<vmem>>, vector<1x5x128xf32>
    %get3A_27 = vector.shape_cast %get3A_26 : vector<1x5x128xf32> to vector<5x128xf32>
    %dot_general3A_28 = arith.constant dense<0.000000e+00> : vector<128x128xf32>
    %dot_general3A_29 = tpu.matmul %get3A_27, %get3A_1, %dot_general3A_28 {dimension_numbers = #tpu.dot_dimension_numbers<[0], [1], [1], [0], [0, 1, 1, 0], [], []>, transpose_lhs_hint = false} : vector<5x128xf32>, vector<128x5xf32>, vector<128x128xf32> -> vector<128x128xf32>
    %add3A = vector.broadcast %dot_general3A_22 : vector<128x1xf32> to vector<128x128xf32>
    %add3A_30 = arith.addf %dot_general3A_29, %add3A : vector<128x128xf32>
    %get3A_31 = arith.constant 0 : index
    %get3A_32 = arith.constant 0 : index
    %get3A_33 = vector.load %arg3[%get3A_31, %get3A_32] : memref<2x128xf32, #tpu.memory_space<vmem>>, vector<1x128xf32>
    %get3A_34 = vector.shape_cast %get3A_33 : vector<1x128xf32> to vector<128xf32>
    %broadcast_in_dim3A = vector.shape_cast %get3A_34 : vector<128xf32> to vector<128x1xf32>
    %add3A_35 = vector.broadcast %broadcast_in_dim3A : vector<128x1xf32> to vector<128x128xf32>
    %add3A_36 = arith.addf %add3A_30, %add3A_35 : vector<128x128xf32>
    %swap3A_37 = arith.constant 0 : index
    %swap3A_38 = arith.constant 0 : index
    %swap3A_39 = arith.constant 0 : index
    %swap3A_40 = vector.load %arg7[%swap3A_37, %swap3A_38, %swap3A_39] : memref<2x128x128xf32, #tpu.memory_space<vmem>>, vector<1x128x128xf32>
    %swap3A_41 = vector.shape_cast %swap3A_40 : vector<1x128x128xf32> to vector<128x128xf32>
    %swap3A_42 = vector.shape_cast %add3A_36 : vector<128x128xf32> to vector<1x128x128xf32>
    tpu.vector_store %arg7[%swap3A_37, %swap3A_38, %swap3A_39], %swap3A_42 {strides = array<i32>} : memref<2x128x128xf32, #tpu.memory_space<vmem>>, vector<1x128x128xf32>,
    %get3A_43 = arith.constant 0 : index
    %get3A_44 = arith.constant 0 : index
    %get3A_45 = arith.constant 0 : index
    %get3A_46 = vector.load %arg4[%get3A_43, %get3A_44, %get3A_45] : memref<2x7x128xf32, #tpu.memory_space<vmem>>, vector<1x5x128xf32>
    %get3A_47 = vector.shape_cast %get3A_46 : vector<1x5x128xf32> to vector<5x128xf32>
    %dot_general3A_48 = arith.constant dense<0.000000e+00> : vector<128x128xf32>
    %dot_general3A_49 = tpu.matmul %get3A_47, %get3A_1, %dot_general3A_48 {dimension_numbers = #tpu.dot_dimension_numbers<[0], [1], [1], [0], [0, 1, 1, 0], [], []>, transpose_lhs_hint = false} : vector<5x128xf32>, vector<128x5xf32>, vector<128x128xf32> -> vector<128x128xf32>
    %get3A_50 = arith.constant 0 : index
    %get3A_51 = arith.constant 0 : index
    %get3A_52 = vector.load %arg5[%get3A_50, %get3A_51] : memref<2x128xf32, #tpu.memory_space<vmem>>, vector<1x128xf32>
    %get3A_53 = vector.shape_cast %get3A_52 : vector<1x128xf32> to vector<128xf32>
    %broadcast_in_dim3A_54 = vector.shape_cast %get3A_53 : vector<128xf32> to vector<128x1xf32>
    %add3A_55 = vector.broadcast %broadcast_in_dim3A_54 : vector<128x1xf32> to vector<128x128xf32>
    %add3A_56 = arith.addf %dot_general3A_49, %add3A_55 : vector<128x128xf32>
    %swap3A_57 = arith.constant 0 : index
    %swap3A_58 = arith.constant 0 : index
    %swap3A_59 = arith.constant 0 : index
    %swap3A_60 = vector.load %arg8[%swap3A_57, %swap3A_58, %swap3A_59] : memref<2x128x128xf32, #tpu.memory_space<vmem>>, vector<1x128x128xf32>
    %swap3A_61 = vector.shape_cast %swap3A_60 : vector<1x128x128xf32> to vector<128x128xf32>
    %swap3A_62 = vector.shape_cast %add3A_56 : vector<128x128xf32> to vector<1x128x128xf32>
    tpu.vector_store %arg8[%swap3A_57, %swap3A_58, %swap3A_59], %swap3A_62 {strides = array<i32>} : memref<2x128x128xf32, #tpu.memory_space<vmem>>, vector<1x128x128xf32>,
    %get3A_63 = arith.constant 1 : index
    %get3A_64 = arith.constant 0 : index
    %get3A_65 = arith.constant 0 : index
    %get3A_66 = vector.load %arg2[%get3A_63, %get3A_64, %get3A_65] : memref<2x17x128xf32, #tpu.memory_space<vmem>>, vector<1x5x128xf32>
    %get3A_67 = vector.shape_cast %get3A_66 : vector<1x5x128xf32> to vector<5x128xf32>
    %dot_general3A_68 = arith.constant dense<0.000000e+00> : vector<128x128xf32>
    %dot_general3A_69 = tpu.matmul %get3A_67, %get3A_1, %dot_general3A_68 {dimension_numbers = #tpu.dot_dimension_numbers<[0], [1], [1], [0], [0, 1, 1, 0], [], []>, transpose_lhs_hint = false} : vector<5x128xf32>, vector<128x5xf32>, vector<128x128xf32> -> vector<128x128xf32>
    %swap3A_70 = arith.constant 1 : index
    %swap3A_71 = arith.constant 0 : index
    %swap3A_72 = arith.constant 0 : index
    %swap3A_73 = vector.load %arg6[%swap3A_70, %swap3A_71, %swap3A_72] : memref<2x128x128xf32, #tpu.memory_space<vmem>>, vector<1x128x128xf32>
    %swap3A_74 = vector.shape_cast %swap3A_73 : vector<1x128x128xf32> to vector<128x128xf32>
    %swap3A_75 = vector.shape_cast %dot_general3A_69 : vector<128x128xf32> to vector<1x128x128xf32>
    tpu.vector_store %arg6[%swap3A_70, %swap3A_71, %swap3A_72], %swap3A_75 {strides = array<i32>} : memref<2x128x128xf32, #tpu.memory_space<vmem>>, vector<1x128x128xf32>,
    %get3A_76 = arith.constant 1 : index
    %get3A_77 = arith.constant 11 : index
    %get3A_78 = arith.constant 0 : index
    %get3A_79 = vector.load %arg2[%get3A_76, %get3A_77, %get3A_78] : memref<2x17x128xf32, #tpu.memory_space<vmem>>, vector<1x6x128xf32>
    %get3A_80 = vector.shape_cast %get3A_79 : vector<1x6x128xf32> to vector<6x128xf32>
    %dot_general3A_81 = arith.constant dense<0.000000e+00> : vector<128x1xf32>
    %dot_general3A_82 = tpu.matmul %get3A_80, %get3A_4, %dot_general3A_81 {dimension_numbers = #tpu.dot_dimension_numbers<[0], [1], [1], [0], [0, 1, 1, 0], [], []>, transpose_lhs_hint = false} : vector<6x128xf32>, vector<1x6xf32>, vector<128x1xf32> -> vector<128x1xf32>
    %get3A_83 = arith.constant 1 : index
    %get3A_84 = arith.constant 5 : index
    %get3A_85 = arith.constant 0 : index
    %get3A_86 = vector.load %arg2[%get3A_83, %get3A_84, %get3A_85] : memref<2x17x128xf32, #tpu.memory_space<vmem>>, vector<1x5x128xf32>
    %get3A_87 = vector.shape_cast %get3A_86 : vector<1x5x128xf32> to vector<5x128xf32>
    %dot_general3A_88 = arith.constant dense<0.000000e+00> : vector<128x128xf32>
    %dot_general3A_89 = tpu.matmul %get3A_87, %get3A_1, %dot_general3A_88 {dimension_numbers = #tpu.dot_dimension_numbers<[0], [1], [1], [0], [0, 1, 1, 0], [], []>, transpose_lhs_hint = false} : vector<5x128xf32>, vector<128x5xf32>, vector<128x128xf32> -> vector<128x128xf32>
    %add3A_90 = vector.broadcast %dot_general3A_82 : vector<128x1xf32> to vector<128x128xf32>
    %add3A_91 = arith.addf %dot_general3A_89, %add3A_90 : vector<128x128xf32>
    %get3A_92 = arith.constant 1 : index
    %get3A_93 = arith.constant 0 : index
    %get3A_94 = vector.load %arg3[%get3A_92, %get3A_93] : memref<2x128xf32, #tpu.memory_space<vmem>>, vector<1x128xf32>
    %get3A_95 = vector.shape_cast %get3A_94 : vector<1x128xf32> to vector<128xf32>
    %broadcast_in_dim3A_96 = vector.shape_cast %get3A_95 : vector<128xf32> to vector<128x1xf32>
    %add3A_97 = vector.broadcast %broadcast_in_dim3A_96 : vector<128x1xf32> to vector<128x128xf32>
    %add3A_98 = arith.addf %add3A_91, %add3A_97 : vector<128x128xf32>
    %swap3A_99 = arith.constant 1 : index
    %swap3A_100 = arith.constant 0 : index
    %swap3A_101 = arith.constant 0 : index
    %swap3A_102 = vector.load %arg7[%swap3A_99, %swap3A_100, %swap3A_101] : memref<2x128x128xf32, #tpu.memory_space<vmem>>, vector<1x128x128xf32>
    %swap3A_103 = vector.shape_cast %swap3A_102 : vector<1x128x128xf32> to vector<128x128xf32>
    %swap3A_104 = vector.shape_cast %add3A_98 : vector<128x128xf32> to vector<1x128x128xf32>
    tpu.vector_store %arg7[%swap3A_99, %swap3A_100, %swap3A_101], %swap3A_104 {strides = array<i32>} : memref<2x128x128xf32, #tpu.memory_space<vmem>>, vector<1x128x128xf32>,
    %get3A_105 = arith.constant 1 : index
    %get3A_106 = arith.constant 0 : index
    %get3A_107 = arith.constant 0 : index
    %get3A_108 = vector.load %arg4[%get3A_105, %get3A_106, %get3A_107] : memref<2x7x128xf32, #tpu.memory_space<vmem>>, vector<1x5x128xf32>
    %get3A_109 = vector.shape_cast %get3A_108 : vector<1x5x128xf32> to vector<5x128xf32>
    %dot_general3A_110 = arith.constant dense<0.000000e+00> : vector<128x128xf32>
    %dot_general3A_111 = tpu.matmul %get3A_109, %get3A_1, %dot_general3A_110 {dimension_numbers = #tpu.dot_dimension_numbers<[0], [1], [1], [0], [0, 1, 1, 0], [], []>, transpose_lhs_hint = false} : vector<5x128xf32>, vector<128x5xf32>, vector<128x128xf32> -> vector<128x128xf32>
    %get3A_112 = arith.constant 1 : index
    %get3A_113 = arith.constant 0 : index
    %get3A_114 = vector.load %arg5[%get3A_112, %get3A_113] : memref<2x128xf32, #tpu.memory_space<vmem>>, vector<1x128xf32>
    %get3A_115 = vector.shape_cast %get3A_114 : vector<1x128xf32> to vector<128xf32>
    %broadcast_in_dim3A_116 = vector.shape_cast %get3A_115 : vector<128xf32> to vector<128x1xf32>
    %add3A_117 = vector.broadcast %broadcast_in_dim3A_116 : vector<128x1xf32> to vector<128x128xf32>
    %add3A_118 = arith.addf %dot_general3A_111, %add3A_117 : vector<128x128xf32>
    %swap3A_119 = arith.constant 1 : index
    %swap3A_120 = arith.constant 0 : index
    %swap3A_121 = arith.constant 0 : index
    %swap3A_122 = vector.load %arg8[%swap3A_119, %swap3A_120, %swap3A_121] : memref<2x128x128xf32, #tpu.memory_space<vmem>>, vector<1x128x128xf32>
    %swap3A_123 = vector.shape_cast %swap3A_122 : vector<1x128x128xf32> to vector<128x128xf32>
    %swap3A_124 = vector.shape_cast %add3A_118 : vector<128x128xf32> to vector<1x128x128xf32>
    tpu.vector_store %arg8[%swap3A_119, %swap3A_120, %swap3A_121], %swap3A_124 {strides = array<i32>} : memref<2x128x128xf32, #tpu.memory_space<vmem>>, vector<1x128x128xf32>,
    return
  }
}

module attributes {stable_mosaic.version = 14 : i64} {
  func.func @_tc1_body(%arg0: memref<2x16x128x128xf32, #tpu.memory_space<vmem>>, %arg1: memref<2x16x128xf32, #tpu.memory_space<vmem>>, %arg2: memref<128x5xf32, #tpu.memory_space<vmem>>, %arg3: memref<1x6xf32, #tpu.memory_space<vmem>>, %arg4: memref<2x128x128xf32, #tpu.memory_space<vmem>>, %arg5: memref<2x128xf32, #tpu.memory_space<vmem>>, %arg6: memref<2x134x256xf32, #tpu.memory_space<vmem>>, %arg7: memref<2x256xf32, #tpu.memory_space<vmem>>, %arg8: memref<2x256x10xf32, #tpu.memory_space<vmem>>, %arg9: memref<2x10xf32, #tpu.memory_space<vmem>>, %arg10: memref<2x16x128xf32, #tpu.memory_space<vmem>>, %arg11: memref<2x128xf32, #tpu.memory_space<vmem>>, %arg12: memref<2x128x12xf32, #tpu.memory_space<vmem>>, %arg13: memref<2x12xf32, #tpu.memory_space<vmem>>, %arg14: memref<2x34x128xf32, #tpu.memory_space<vmem>>, %arg15: memref<2x128xf32, #tpu.memory_space<vmem>>, %arg16: memref<2x11x128xf32, #tpu.memory_space<vmem>>, %arg17: memref<2x128xf32, #tpu.memory_space<vmem>>, %arg18: memref<2x128x128xf32, #tpu.memory_space<vmem>>, %arg19: memref<2x128x128xf32, #tpu.memory_space<vmem>>, %arg20: memref<2x128x128xf32, #tpu.memory_space<vmem>>, %arg21: memref<2x128x10xf32, #tpu.memory_space<vmem>>) attributes {dimension_semantics = [], scalar_prefetch = 0 : i64, scratch_operands = 0 : i64, tpu.core_type = #tpu.core_type<tc>} {
    %get3A = arith.constant 0 : index
    %get3A_0 = arith.constant 0 : index
    %get3A_1 = arith.constant 0 : index
    %get3A_2 = vector.load %arg1[%get3A, %get3A_0, %get3A_1] : memref<2x16x128xf32, #tpu.memory_space<vmem>>, vector<1x16x128xf32>
    %get3A_3 = vector.shape_cast %get3A_2 : vector<1x16x128xf32> to vector<16x128xf32>
    %reduce_sum3A = arith.constant dense<0.000000e+00> : vector<128xf32>
    %reduce_sum3A_4 = vector.multi_reduction <add>, %get3A_3, %reduce_sum3A [0] : vector<16x128xf32> to vector<128xf32>
    %broadcast_in_dim3A = vector.shape_cast %reduce_sum3A_4 : vector<128xf32> to vector<128x1xf32>
    %max3A = arith.constant 1.000000e+00 : f32
    %max3A_5 = vector.broadcast %max3A : f32 to vector<128x1xf32>
    %max3A_6 = arith.maximumf %broadcast_in_dim3A, %max3A_5 : vector<128x1xf32>
    %get3A_7 = arith.constant 0 : index
    %get3A_8 = arith.constant 0 : index
    %get3A_9 = vector.load %arg2[%get3A_7, %get3A_8] : memref<128x5xf32, #tpu.memory_space<vmem>>, vector<128x5xf32>
    %get3A_10 = arith.constant 0 : index
    %get3A_11 = arith.constant 0 : index
    %get3A_12 = vector.load %arg3[%get3A_10, %get3A_11] : memref<1x6xf32, #tpu.memory_space<vmem>>, vector<1x6xf32>
    %get3A_13 = arith.constant 0 : index
    %get3A_14 = arith.constant 0 : index
    %get3A_15 = arith.constant 0 : index
    %get3A_16 = arith.constant 0 : index
    %get3A_17 = vector.load %arg0[%get3A_13, %get3A_14, %get3A_15, %get3A_16] : memref<2x16x128x128xf32, #tpu.memory_space<vmem>>, vector<1x16x128x128xf32>
    %get3A_18 = vector.shape_cast %get3A_17 : vector<1x16x128x128xf32> to vector<16x128x128xf32>
    %reduce_sum3A_19 = arith.constant dense<0.000000e+00> : vector<128x128xf32>
    %reduce_sum3A_20 = vector.multi_reduction <add>, %get3A_18, %reduce_sum3A_19 [0] : vector<16x128x128xf32> to vector<128x128xf32>
    %get3A_21 = arith.constant 0 : index
    %get3A_22 = arith.constant 0 : index
    %get3A_23 = arith.constant 0 : index
    %get3A_24 = vector.load %arg4[%get3A_21, %get3A_22, %get3A_23] : memref<2x128x128xf32, #tpu.memory_space<vmem>>, vector<1x128x128xf32>
    %get3A_25 = vector.shape_cast %get3A_24 : vector<1x128x128xf32> to vector<128x128xf32>
    %convert_element_type3A = arith.truncf %get3A_25 : vector<128x128xf32> to vector<128x128xbf16>
    %convert_element_type3A_26 = arith.extf %convert_element_type3A : vector<128x128xbf16> to vector<128x128xf32>
    %dot_general3A = arith.constant dense<0.000000e+00> : vector<128x128xf32>
    %dot_general3A_27 = tpu.matmul %reduce_sum3A_20, %convert_element_type3A_26, %dot_general3A {dimension_numbers = #tpu.dot_dimension_numbers<[0], [0], [1], [1], [0, 1, 1, 1], [], []>, precision = #tpu.contract_precision<fp32>, transpose_lhs_hint = false} : vector<128x128xf32>, vector<128x128xf32>, vector<128x128xf32> -> vector<128x128xf32>
    %get3A_28 = arith.constant 0 : index
    %get3A_29 = arith.constant 0 : index
    %get3A_30 = vector.load %arg5[%get3A_28, %get3A_29] : memref<2x128xf32, #tpu.memory_space<vmem>>, vector<1x128xf32>
    %get3A_31 = vector.shape_cast %get3A_30 : vector<1x128xf32> to vector<128xf32>
    %broadcast_in_dim3A_32 = vector.shape_cast %get3A_31 : vector<128xf32> to vector<1x128xf32>
    %mul3A = vector.broadcast %broadcast_in_dim3A : vector<128x1xf32> to vector<128x128xf32>
    %mul3A_33 = vector.broadcast %broadcast_in_dim3A_32 : vector<1x128xf32> to vector<128x128xf32>
    %mul3A_34 = arith.mulf %mul3A, %mul3A_33 : vector<128x128xf32>
    %add3A = arith.addf %dot_general3A_27, %mul3A_34 : vector<128x128xf32>
    %div3A = vector.broadcast %max3A_6 : vector<128x1xf32> to vector<128x128xf32>
    %div3A_35 = arith.divf %add3A, %div3A : vector<128x128xf32>
    %get3A_36 = arith.constant 0 : index
    %get3A_37 = arith.constant 0 : index
    %get3A_38 = arith.constant 0 : index
    %get3A_39 = vector.load %arg6[%get3A_36, %get3A_37, %get3A_38] : memref<2x134x256xf32, #tpu.memory_space<vmem>>, vector<1x5x256xf32>
    %get3A_40 = vector.shape_cast %get3A_39 : vector<1x5x256xf32> to vector<5x256xf32>
    %dot_general3A_41 = arith.constant dense<0.000000e+00> : vector<128x256xf32>
    %dot_general3A_42 = tpu.matmul %get3A_9, %get3A_40, %dot_general3A_41 {dimension_numbers = #tpu.dot_dimension_numbers<[1], [0], [0], [1], [0, 0, 1, 1], [], []>, transpose_lhs_hint = false} : vector<128x5xf32>, vector<5x256xf32>, vector<128x256xf32> -> vector<128x256xf32>
    %get3A_43 = arith.constant 0 : index
    %get3A_44 = arith.constant 5 : index
    %get3A_45 = arith.constant 0 : index
    %get3A_46 = vector.load %arg6[%get3A_43, %get3A_44, %get3A_45] : memref<2x134x256xf32, #tpu.memory_space<vmem>>, vector<1x128x256xf32>
    %get3A_47 = vector.shape_cast %get3A_46 : vector<1x128x256xf32> to vector<128x256xf32>
    %dot_general3A_48 = arith.constant dense<0.000000e+00> : vector<128x256xf32>
    %dot_general3A_49 = tpu.matmul %div3A_35, %get3A_47, %dot_general3A_48 {dimension_numbers = #tpu.dot_dimension_numbers<[1], [0], [0], [1], [0, 0, 1, 1], [], []>, transpose_lhs_hint = false} : vector<128x128xf32>, vector<128x256xf32>, vector<128x256xf32> -> vector<128x256xf32>
    %add3A_50 = arith.addf %dot_general3A_42, %dot_general3A_49 : vector<128x256xf32>
    %convert_element_type3A_51 = arith.truncf %broadcast_in_dim3A : vector<128x1xf32> to vector<128x1xbf16>
    %convert_element_type3A_52 = arith.extf %convert_element_type3A_51 : vector<128x1xbf16> to vector<128x1xf32>
    %get3A_53 = arith.constant 0 : index
    %get3A_54 = arith.constant 133 : index
    %get3A_55 = arith.constant 0 : index
    %get3A_56 = vector.load %arg6[%get3A_53, %get3A_54, %get3A_55] : memref<2x134x256xf32, #tpu.memory_space<vmem>>, vector<1x1x256xf32>
    %get3A_57 = vector.shape_cast %get3A_56 : vector<1x1x256xf32> to vector<256xf32>
    %convert_element_type3A_58 = arith.truncf %get3A_57 : vector<256xf32> to vector<256xbf16>
    %convert_element_type3A_59 = arith.extf %convert_element_type3A_58 : vector<256xbf16> to vector<256xf32>
    %broadcast_in_dim3A_60 = vector.shape_cast %convert_element_type3A_59 : vector<256xf32> to vector<1x256xf32>
    %mul3A_61 = vector.broadcast %convert_element_type3A_52 : vector<128x1xf32> to vector<128x256xf32>
    %mul3A_62 = vector.broadcast %broadcast_in_dim3A_60 : vector<1x256xf32> to vector<128x256xf32>
    %mul3A_63 = arith.mulf %mul3A_61, %mul3A_62 : vector<128x256xf32>
    %add3A_64 = arith.addf %add3A_50, %mul3A_63 : vector<128x256xf32>
    %get3A_65 = arith.constant 0 : index
    %get3A_66 = arith.constant 0 : index
    %get3A_67 = vector.load %arg7[%get3A_65, %get3A_66] : memref<2x256xf32, #tpu.memory_space<vmem>>, vector<1x256xf32>
    %get3A_68 = vector.shape_cast %get3A_67 : vector<1x256xf32> to vector<256xf32>
    %broadcast_in_dim3A_69 = vector.shape_cast %get3A_68 : vector<256xf32> to vector<1x256xf32>
    %add3A_70 = vector.broadcast %broadcast_in_dim3A_69 : vector<1x256xf32> to vector<128x256xf32>
    %add3A_71 = arith.addf %add3A_64, %add3A_70 : vector<128x256xf32>
    %max3A_72 = arith.constant 0.000000e+00 : f32
    %max3A_73 = vector.broadcast %max3A_72 : f32 to vector<128x256xf32>
    %max3A_74 = arith.maximumf %add3A_71, %max3A_73 : vector<128x256xf32>
    %get3A_75 = arith.constant 0 : index
    %get3A_76 = arith.constant 0 : index
    %get3A_77 = arith.constant 0 : index
    %get3A_78 = vector.load %arg8[%get3A_75, %get3A_76, %get3A_77] : memref<2x256x10xf32, #tpu.memory_space<vmem>>, vector<1x256x10xf32>
    %get3A_79 = vector.shape_cast %get3A_78 : vector<1x256x10xf32> to vector<256x10xf32>
    %dot_general3A_80 = arith.constant dense<0.000000e+00> : vector<128x10xf32>
    %dot_general3A_81 = tpu.matmul %max3A_74, %get3A_79, %dot_general3A_80 {dimension_numbers = #tpu.dot_dimension_numbers<[1], [0], [0], [1], [0, 0, 1, 1], [], []>, transpose_lhs_hint = false} : vector<128x256xf32>, vector<256x10xf32>, vector<128x10xf32> -> vector<128x10xf32>
    %get3A_82 = arith.constant 0 : index
    %get3A_83 = arith.constant 0 : index
    %get3A_84 = vector.load %arg9[%get3A_82, %get3A_83] : memref<2x10xf32, #tpu.memory_space<vmem>>, vector<1x10xf32>
    %get3A_85 = vector.shape_cast %get3A_84 : vector<1x10xf32> to vector<10xf32>
    %broadcast_in_dim3A_86 = vector.shape_cast %get3A_85 : vector<10xf32> to vector<1x10xf32>
    %add3A_87 = vector.broadcast %broadcast_in_dim3A_86 : vector<1x10xf32> to vector<128x10xf32>
    %add3A_88 = arith.addf %dot_general3A_81, %add3A_87 : vector<128x10xf32>
    %swap3A = arith.constant 0 : index
    %swap3A_89 = arith.constant 0 : index
    %swap3A_90 = arith.constant 0 : index
    %swap3A_91 = vector.load %arg21[%swap3A, %swap3A_89, %swap3A_90] : memref<2x128x10xf32, #tpu.memory_space<vmem>>, vector<1x128x10xf32>
    %swap3A_92 = vector.shape_cast %swap3A_91 : vector<1x128x10xf32> to vector<128x10xf32>
    %swap3A_93 = vector.shape_cast %add3A_88 : vector<128x10xf32> to vector<1x128x10xf32>
    tpu.vector_store %arg21[%swap3A, %swap3A_89, %swap3A_90], %swap3A_93 {strides = array<i32>} : memref<2x128x10xf32, #tpu.memory_space<vmem>>, vector<1x128x10xf32>,
    %slice3A = vector.extract_strided_slice %add3A_88 {offsets = [0, 0], sizes = [120, 10], strides = [1, 1]} : vector<128x10xf32> to vector<120x10xf32>
    %reduce_sum3A_94 = arith.constant dense<0.000000e+00> : vector<10xf32>
    %reduce_sum3A_95 = vector.multi_reduction <add>, %slice3A, %reduce_sum3A_94 [0] : vector<120x10xf32> to vector<10xf32>
    %broadcast_in_dim3A_96 = vector.shape_cast %reduce_sum3A_95 : vector<10xf32> to vector<1x10xf32>
    %mul3A_97 = arith.constant 0.00833333377 : f32
    %mul3A_98 = vector.broadcast %mul3A_97 : f32 to vector<1x10xf32>
    %mul3A_99 = arith.mulf %broadcast_in_dim3A_96, %mul3A_98 : vector<1x10xf32>
    %get3A_100 = arith.constant 0 : index
    %get3A_101 = arith.constant 0 : index
    %get3A_102 = arith.constant 0 : index
    %get3A_103 = vector.load %arg10[%get3A_100, %get3A_101, %get3A_102] : memref<2x16x128xf32, #tpu.memory_space<vmem>>, vector<1x6x128xf32>
    %get3A_104 = vector.shape_cast %get3A_103 : vector<1x6x128xf32> to vector<6x128xf32>
    %dot_general3A_105 = arith.constant dense<0.000000e+00> : vector<1x128xf32>
    %dot_general3A_106 = tpu.matmul %get3A_12, %get3A_104, %dot_general3A_105 {dimension_numbers = #tpu.dot_dimension_numbers<[1], [0], [0], [1], [0, 0, 1, 1], [], []>, transpose_lhs_hint = false} : vector<1x6xf32>, vector<6x128xf32>, vector<1x128xf32> -> vector<1x128xf32>
    %get3A_107 = arith.constant 0 : index
    %get3A_108 = arith.constant 6 : index
    %get3A_109 = arith.constant 0 : index
    %get3A_110 = vector.load %arg10[%get3A_107, %get3A_108, %get3A_109] : memref<2x16x128xf32, #tpu.memory_space<vmem>>, vector<1x10x128xf32>
    %get3A_111 = vector.shape_cast %get3A_110 : vector<1x10x128xf32> to vector<10x128xf32>
    %dot_general3A_112 = arith.constant dense<0.000000e+00> : vector<1x128xf32>
    %dot_general3A_113 = tpu.matmul %mul3A_99, %get3A_111, %dot_general3A_112 {dimension_numbers = #tpu.dot_dimension_numbers<[1], [0], [0], [1], [0, 0, 1, 1], [], []>, transpose_lhs_hint = false} : vector<1x10xf32>, vector<10x128xf32>, vector<1x128xf32> -> vector<1x128xf32>
    %add3A_114 = arith.addf %dot_general3A_106, %dot_general3A_113 : vector<1x128xf32>
    %get3A_115 = arith.constant 0 : index
    %get3A_116 = arith.constant 0 : index
    %get3A_117 = vector.load %arg11[%get3A_115, %get3A_116] : memref<2x128xf32, #tpu.memory_space<vmem>>, vector<1x128xf32>
    %get3A_118 = vector.shape_cast %get3A_117 : vector<1x128xf32> to vector<128xf32>
    %broadcast_in_dim3A_119 = vector.shape_cast %get3A_118 : vector<128xf32> to vector<1x128xf32>
    %add3A_120 = arith.addf %add3A_114, %broadcast_in_dim3A_119 : vector<1x128xf32>
    %max3A_121 = arith.constant 0.000000e+00 : f32
    %max3A_122 = vector.broadcast %max3A_121 : f32 to vector<1x128xf32>
    %max3A_123 = arith.maximumf %add3A_120, %max3A_122 : vector<1x128xf32>
    %get3A_124 = arith.constant 0 : index
    %get3A_125 = arith.constant 0 : index
    %get3A_126 = arith.constant 0 : index
    %get3A_127 = vector.load %arg12[%get3A_124, %get3A_125, %get3A_126] : memref<2x128x12xf32, #tpu.memory_space<vmem>>, vector<1x128x12xf32>
    %get3A_128 = vector.shape_cast %get3A_127 : vector<1x128x12xf32> to vector<128x12xf32>
    %dot_general3A_129 = arith.constant dense<0.000000e+00> : vector<1x12xf32>
    %dot_general3A_130 = tpu.matmul %max3A_123, %get3A_128, %dot_general3A_129 {dimension_numbers = #tpu.dot_dimension_numbers<[1], [0], [0], [1], [0, 0, 1, 1], [], []>, transpose_lhs_hint = false} : vector<1x128xf32>, vector<128x12xf32>, vector<1x12xf32> -> vector<1x12xf32>
    %get3A_131 = arith.constant 0 : index
    %get3A_132 = arith.constant 0 : index
    %get3A_133 = vector.load %arg13[%get3A_131, %get3A_132] : memref<2x12xf32, #tpu.memory_space<vmem>>, vector<1x12xf32>
    %get3A_134 = vector.shape_cast %get3A_133 : vector<1x12xf32> to vector<12xf32>
    %broadcast_in_dim3A_135 = vector.shape_cast %get3A_134 : vector<12xf32> to vector<1x12xf32>
    %add3A_136 = arith.addf %dot_general3A_130, %broadcast_in_dim3A_135 : vector<1x12xf32>
    %get3A_137 = arith.constant 0 : index
    %get3A_138 = arith.constant 0 : index
    %get3A_139 = arith.constant 0 : index
    %get3A_140 = vector.load %arg14[%get3A_137, %get3A_138, %get3A_139] : memref<2x34x128xf32, #tpu.memory_space<vmem>>, vector<1x10x128xf32>
    %get3A_141 = vector.shape_cast %get3A_140 : vector<1x10x128xf32> to vector<10x128xf32>
    %dot_general3A_142 = arith.constant dense<0.000000e+00> : vector<128x128xf32>
    %dot_general3A_143 = tpu.matmul %get3A_141, %add3A_88, %dot_general3A_142 {dimension_numbers = #tpu.dot_dimension_numbers<[0], [1], [1], [0], [0, 1, 1, 0], [], []>, transpose_lhs_hint = false} : vector<10x128xf32>, vector<128x10xf32>, vector<128x128xf32> -> vector<128x128xf32>
    %swap3A_144 = arith.constant 0 : index
    %swap3A_145 = arith.constant 0 : index
    %swap3A_146 = arith.constant 0 : index
    %swap3A_147 = vector.load %arg18[%swap3A_144, %swap3A_145, %swap3A_146] : memref<2x128x128xf32, #tpu.memory_space<vmem>>, vector<1x128x128xf32>
    %swap3A_148 = vector.shape_cast %swap3A_147 : vector<1x128x128xf32> to vector<128x128xf32>
    %swap3A_149 = vector.shape_cast %dot_general3A_143 : vector<128x128xf32> to vector<1x128x128xf32>
    tpu.vector_store %arg18[%swap3A_144, %swap3A_145, %swap3A_146], %swap3A_149 {strides = array<i32>} : memref<2x128x128xf32, #tpu.memory_space<vmem>>, vector<1x128x128xf32>,
    %get3A_150 = arith.constant 0 : index
    %get3A_151 = arith.constant 10 : index
    %get3A_152 = arith.constant 0 : index
    %get3A_153 = vector.load %arg14[%get3A_150, %get3A_151, %get3A_152] : memref<2x34x128xf32, #tpu.memory_space<vmem>>, vector<1x10x128xf32>
    %get3A_154 = vector.shape_cast %get3A_153 : vector<1x10x128xf32> to vector<10x128xf32>
    %dot_general3A_155 = arith.constant dense<0.000000e+00> : vector<128x128xf32>
    %dot_general3A_156 = tpu.matmul %get3A_154, %add3A_88, %dot_general3A_155 {dimension_numbers = #tpu.dot_dimension_numbers<[0], [1], [1], [0], [0, 1, 1, 0], [], []>, transpose_lhs_hint = false} : vector<10x128xf32>, vector<128x10xf32>, vector<128x128xf32> -> vector<128x128xf32>
    %get3A_157 = arith.constant 0 : index
    %get3A_158 = arith.constant 22 : index
    %get3A_159 = arith.constant 0 : index
    %get3A_160 = vector.load %arg14[%get3A_157, %get3A_158, %get3A_159] : memref<2x34x128xf32, #tpu.memory_space<vmem>>, vector<1x12x128xf32>
    %get3A_161 = vector.shape_cast %get3A_160 : vector<1x12x128xf32> to vector<12x128xf32>
    %dot_general3A_162 = arith.constant dense<0.000000e+00> : vector<128x1xf32>
    %dot_general3A_163 = tpu.matmul %get3A_161, %add3A_136, %dot_general3A_162 {dimension_numbers = #tpu.dot_dimension_numbers<[0], [1], [1], [0], [0, 1, 1, 0], [], []>, transpose_lhs_hint = false} : vector<12x128xf32>, vector<1x12xf32>, vector<128x1xf32> -> vector<128x1xf32>
    %add3A_164 = vector.broadcast %dot_general3A_163 : vector<128x1xf32> to vector<128x128xf32>
    %add3A_165 = arith.addf %dot_general3A_156, %add3A_164 : vector<128x128xf32>
    %get3A_166 = arith.constant 0 : index
    %get3A_167 = arith.constant 0 : index
    %get3A_168 = vector.load %arg15[%get3A_166, %get3A_167] : memref<2x128xf32, #tpu.memory_space<vmem>>, vector<1x128xf32>
    %get3A_169 = vector.shape_cast %get3A_168 : vector<1x128xf32> to vector<128xf32>
    %broadcast_in_dim3A_170 = vector.shape_cast %get3A_169 : vector<128xf32> to vector<128x1xf32>
    %add3A_171 = vector.broadcast %broadcast_in_dim3A_170 : vector<128x1xf32> to vector<128x128xf32>
    %add3A_172 = arith.addf %add3A_165, %add3A_171 : vector<128x128xf32>
    %swap3A_173 = arith.constant 0 : index
    %swap3A_174 = arith.constant 0 : index
    %swap3A_175 = arith.constant 0 : index
    %swap3A_176 = vector.load %arg19[%swap3A_173, %swap3A_174, %swap3A_175] : memref<2x128x128xf32, #tpu.memory_space<vmem>>, vector<1x128x128xf32>
    %swap3A_177 = vector.shape_cast %swap3A_176 : vector<1x128x128xf32> to vector<128x128xf32>
    %swap3A_178 = vector.shape_cast %add3A_172 : vector<128x128xf32> to vector<1x128x128xf32>
    tpu.vector_store %arg19[%swap3A_173, %swap3A_174, %swap3A_175], %swap3A_178 {strides = array<i32>} : memref<2x128x128xf32, #tpu.memory_space<vmem>>, vector<1x128x128xf32>,
    %get3A_179 = arith.constant 0 : index
    %get3A_180 = arith.constant 0 : index
    %get3A_181 = arith.constant 0 : index
    %get3A_182 = vector.load %arg16[%get3A_179, %get3A_180, %get3A_181] : memref<2x11x128xf32, #tpu.memory_space<vmem>>, vector<1x10x128xf32>
    %get3A_183 = vector.shape_cast %get3A_182 : vector<1x10x128xf32> to vector<10x128xf32>
    %dot_general3A_184 = arith.constant dense<0.000000e+00> : vector<128x128xf32>
    %dot_general3A_185 = tpu.matmul %get3A_183, %add3A_88, %dot_general3A_184 {dimension_numbers = #tpu.dot_dimension_numbers<[0], [1], [1], [0], [0, 1, 1, 0], [], []>, transpose_lhs_hint = false} : vector<10x128xf32>, vector<128x10xf32>, vector<128x128xf32> -> vector<128x128xf32>
    %get3A_186 = arith.constant 0 : index
    %get3A_187 = arith.constant 0 : index
    %get3A_188 = vector.load %arg17[%get3A_186, %get3A_187] : memref<2x128xf32, #tpu.memory_space<vmem>>, vector<1x128xf32>
    %get3A_189 = vector.shape_cast %get3A_188 : vector<1x128xf32> to vector<128xf32>
    %broadcast_in_dim3A_190 = vector.shape_cast %get3A_189 : vector<128xf32> to vector<128x1xf32>
    %add3A_191 = vector.broadcast %broadcast_in_dim3A_190 : vector<128x1xf32> to vector<128x128xf32>
    %add3A_192 = arith.addf %dot_general3A_185, %add3A_191 : vector<128x128xf32>
    %swap3A_193 = arith.constant 0 : index
    %swap3A_194 = arith.constant 0 : index
    %swap3A_195 = arith.constant 0 : index
    %swap3A_196 = vector.load %arg20[%swap3A_193, %swap3A_194, %swap3A_195] : memref<2x128x128xf32, #tpu.memory_space<vmem>>, vector<1x128x128xf32>
    %swap3A_197 = vector.shape_cast %swap3A_196 : vector<1x128x128xf32> to vector<128x128xf32>
    %swap3A_198 = vector.shape_cast %add3A_192 : vector<128x128xf32> to vector<1x128x128xf32>
    tpu.vector_store %arg20[%swap3A_193, %swap3A_194, %swap3A_195], %swap3A_198 {strides = array<i32>} : memref<2x128x128xf32, #tpu.memory_space<vmem>>, vector<1x128x128xf32>,
    %get3A_199 = arith.constant 1 : index
    %get3A_200 = arith.constant 0 : index
    %get3A_201 = arith.constant 0 : index
    %get3A_202 = arith.constant 0 : index
    %get3A_203 = vector.load %arg0[%get3A_199, %get3A_200, %get3A_201, %get3A_202] : memref<2x16x128x128xf32, #tpu.memory_space<vmem>>, vector<1x16x128x128xf32>
    %get3A_204 = vector.shape_cast %get3A_203 : vector<1x16x128x128xf32> to vector<16x128x128xf32>
    %reduce_sum3A_205 = arith.constant dense<0.000000e+00> : vector<128x128xf32>
    %reduce_sum3A_206 = vector.multi_reduction <add>, %get3A_204, %reduce_sum3A_205 [0] : vector<16x128x128xf32> to vector<128x128xf32>
    %get3A_207 = arith.constant 1 : index
    %get3A_208 = arith.constant 0 : index
    %get3A_209 = arith.constant 0 : index
    %get3A_210 = vector.load %arg4[%get3A_207, %get3A_208, %get3A_209] : memref<2x128x128xf32, #tpu.memory_space<vmem>>, vector<1x128x128xf32>
    %get3A_211 = vector.shape_cast %get3A_210 : vector<1x128x128xf32> to vector<128x128xf32>
    %convert_element_type3A_212 = arith.truncf %get3A_211 : vector<128x128xf32> to vector<128x128xbf16>
    %convert_element_type3A_213 = arith.extf %convert_element_type3A_212 : vector<128x128xbf16> to vector<128x128xf32>
    %dot_general3A_214 = arith.constant dense<0.000000e+00> : vector<128x128xf32>
    %dot_general3A_215 = tpu.matmul %reduce_sum3A_206, %convert_element_type3A_213, %dot_general3A_214 {dimension_numbers = #tpu.dot_dimension_numbers<[0], [0], [1], [1], [0, 1, 1, 1], [], []>, precision = #tpu.contract_precision<fp32>, transpose_lhs_hint = false} : vector<128x128xf32>, vector<128x128xf32>, vector<128x128xf32> -> vector<128x128xf32>
    %get3A_216 = arith.constant 1 : index
    %get3A_217 = arith.constant 0 : index
    %get3A_218 = vector.load %arg5[%get3A_216, %get3A_217] : memref<2x128xf32, #tpu.memory_space<vmem>>, vector<1x128xf32>
    %get3A_219 = vector.shape_cast %get3A_218 : vector<1x128xf32> to vector<128xf32>
    %broadcast_in_dim3A_220 = vector.shape_cast %get3A_219 : vector<128xf32> to vector<1x128xf32>
    %mul3A_221 = vector.broadcast %broadcast_in_dim3A : vector<128x1xf32> to vector<128x128xf32>
    %mul3A_222 = vector.broadcast %broadcast_in_dim3A_220 : vector<1x128xf32> to vector<128x128xf32>
    %mul3A_223 = arith.mulf %mul3A_221, %mul3A_222 : vector<128x128xf32>
    %add3A_224 = arith.addf %dot_general3A_215, %mul3A_223 : vector<128x128xf32>
    %div3A_225 = vector.broadcast %max3A_6 : vector<128x1xf32> to vector<128x128xf32>
    %div3A_226 = arith.divf %add3A_224, %div3A_225 : vector<128x128xf32>
    %get3A_227 = arith.constant 1 : index
    %get3A_228 = arith.constant 0 : index
    %get3A_229 = arith.constant 0 : index
    %get3A_230 = vector.load %arg6[%get3A_227, %get3A_228, %get3A_229] : memref<2x134x256xf32, #tpu.memory_space<vmem>>, vector<1x5x256xf32>
    %get3A_231 = vector.shape_cast %get3A_230 : vector<1x5x256xf32> to vector<5x256xf32>
    %dot_general3A_232 = arith.constant dense<0.000000e+00> : vector<128x256xf32>
    %dot_general3A_233 = tpu.matmul %get3A_9, %get3A_231, %dot_general3A_232 {dimension_numbers = #tpu.dot_dimension_numbers<[1], [0], [0], [1], [0, 0, 1, 1], [], []>, transpose_lhs_hint = false} : vector<128x5xf32>, vector<5x256xf32>, vector<128x256xf32> -> vector<128x256xf32>
    %get3A_234 = arith.constant 1 : index
    %get3A_235 = arith.constant 5 : index
    %get3A_236 = arith.constant 0 : index
    %get3A_237 = vector.load %arg6[%get3A_234, %get3A_235, %get3A_236] : memref<2x134x256xf32, #tpu.memory_space<vmem>>, vector<1x128x256xf32>
    %get3A_238 = vector.shape_cast %get3A_237 : vector<1x128x256xf32> to vector<128x256xf32>
    %dot_general3A_239 = arith.constant dense<0.000000e+00> : vector<128x256xf32>
    %dot_general3A_240 = tpu.matmul %div3A_226, %get3A_238, %dot_general3A_239 {dimension_numbers = #tpu.dot_dimension_numbers<[1], [0], [0], [1], [0, 0, 1, 1], [], []>, transpose_lhs_hint = false} : vector<128x128xf32>, vector<128x256xf32>, vector<128x256xf32> -> vector<128x256xf32>
    %add3A_241 = arith.addf %dot_general3A_233, %dot_general3A_240 : vector<128x256xf32>
    %convert_element_type3A_242 = arith.truncf %broadcast_in_dim3A : vector<128x1xf32> to vector<128x1xbf16>
    %convert_element_type3A_243 = arith.extf %convert_element_type3A_242 : vector<128x1xbf16> to vector<128x1xf32>
    %get3A_244 = arith.constant 1 : index
    %get3A_245 = arith.constant 133 : index
    %get3A_246 = arith.constant 0 : index
    %get3A_247 = vector.load %arg6[%get3A_244, %get3A_245, %get3A_246] : memref<2x134x256xf32, #tpu.memory_space<vmem>>, vector<1x1x256xf32>
    %get3A_248 = vector.shape_cast %get3A_247 : vector<1x1x256xf32> to vector<256xf32>
    %convert_element_type3A_249 = arith.truncf %get3A_248 : vector<256xf32> to vector<256xbf16>
    %convert_element_type3A_250 = arith.extf %convert_element_type3A_249 : vector<256xbf16> to vector<256xf32>
    %broadcast_in_dim3A_251 = vector.shape_cast %convert_element_type3A_250 : vector<256xf32> to vector<1x256xf32>
    %mul3A_252 = vector.broadcast %convert_element_type3A_243 : vector<128x1xf32> to vector<128x256xf32>
    %mul3A_253 = vector.broadcast %broadcast_in_dim3A_251 : vector<1x256xf32> to vector<128x256xf32>
    %mul3A_254 = arith.mulf %mul3A_252, %mul3A_253 : vector<128x256xf32>
    %add3A_255 = arith.addf %add3A_241, %mul3A_254 : vector<128x256xf32>
    %get3A_256 = arith.constant 1 : index
    %get3A_257 = arith.constant 0 : index
    %get3A_258 = vector.load %arg7[%get3A_256, %get3A_257] : memref<2x256xf32, #tpu.memory_space<vmem>>, vector<1x256xf32>
    %get3A_259 = vector.shape_cast %get3A_258 : vector<1x256xf32> to vector<256xf32>
    %broadcast_in_dim3A_260 = vector.shape_cast %get3A_259 : vector<256xf32> to vector<1x256xf32>
    %add3A_261 = vector.broadcast %broadcast_in_dim3A_260 : vector<1x256xf32> to vector<128x256xf32>
    %add3A_262 = arith.addf %add3A_255, %add3A_261 : vector<128x256xf32>
    %max3A_263 = arith.constant 0.000000e+00 : f32
    %max3A_264 = vector.broadcast %max3A_263 : f32 to vector<128x256xf32>
    %max3A_265 = arith.maximumf %add3A_262, %max3A_264 : vector<128x256xf32>
    %get3A_266 = arith.constant 1 : index
    %get3A_267 = arith.constant 0 : index
    %get3A_268 = arith.constant 0 : index
    %get3A_269 = vector.load %arg8[%get3A_266, %get3A_267, %get3A_268] : memref<2x256x10xf32, #tpu.memory_space<vmem>>, vector<1x256x10xf32>
    %get3A_270 = vector.shape_cast %get3A_269 : vector<1x256x10xf32> to vector<256x10xf32>
    %dot_general3A_271 = arith.constant dense<0.000000e+00> : vector<128x10xf32>
    %dot_general3A_272 = tpu.matmul %max3A_265, %get3A_270, %dot_general3A_271 {dimension_numbers = #tpu.dot_dimension_numbers<[1], [0], [0], [1], [0, 0, 1, 1], [], []>, transpose_lhs_hint = false} : vector<128x256xf32>, vector<256x10xf32>, vector<128x10xf32> -> vector<128x10xf32>
    %get3A_273 = arith.constant 1 : index
    %get3A_274 = arith.constant 0 : index
    %get3A_275 = vector.load %arg9[%get3A_273, %get3A_274] : memref<2x10xf32, #tpu.memory_space<vmem>>, vector<1x10xf32>
    %get3A_276 = vector.shape_cast %get3A_275 : vector<1x10xf32> to vector<10xf32>
    %broadcast_in_dim3A_277 = vector.shape_cast %get3A_276 : vector<10xf32> to vector<1x10xf32>
    %add3A_278 = vector.broadcast %broadcast_in_dim3A_277 : vector<1x10xf32> to vector<128x10xf32>
    %add3A_279 = arith.addf %dot_general3A_272, %add3A_278 : vector<128x10xf32>
    %swap3A_280 = arith.constant 1 : index
    %swap3A_281 = arith.constant 0 : index
    %swap3A_282 = arith.constant 0 : index
    %swap3A_283 = vector.load %arg21[%swap3A_280, %swap3A_281, %swap3A_282] : memref<2x128x10xf32, #tpu.memory_space<vmem>>, vector<1x128x10xf32>
    %swap3A_284 = vector.shape_cast %swap3A_283 : vector<1x128x10xf32> to vector<128x10xf32>
    %swap3A_285 = vector.shape_cast %add3A_279 : vector<128x10xf32> to vector<1x128x10xf32>
    tpu.vector_store %arg21[%swap3A_280, %swap3A_281, %swap3A_282], %swap3A_285 {strides = array<i32>} : memref<2x128x10xf32, #tpu.memory_space<vmem>>, vector<1x128x10xf32>,
    %slice3A_286 = vector.extract_strided_slice %add3A_279 {offsets = [0, 0], sizes = [120, 10], strides = [1, 1]} : vector<128x10xf32> to vector<120x10xf32>
    %reduce_sum3A_287 = arith.constant dense<0.000000e+00> : vector<10xf32>
    %reduce_sum3A_288 = vector.multi_reduction <add>, %slice3A_286, %reduce_sum3A_287 [0] : vector<120x10xf32> to vector<10xf32>
    %broadcast_in_dim3A_289 = vector.shape_cast %reduce_sum3A_288 : vector<10xf32> to vector<1x10xf32>
    %mul3A_290 = arith.constant 0.00833333377 : f32
    %mul3A_291 = vector.broadcast %mul3A_290 : f32 to vector<1x10xf32>
    %mul3A_292 = arith.mulf %broadcast_in_dim3A_289, %mul3A_291 : vector<1x10xf32>
    %get3A_293 = arith.constant 1 : index
    %get3A_294 = arith.constant 0 : index
    %get3A_295 = arith.constant 0 : index
    %get3A_296 = vector.load %arg10[%get3A_293, %get3A_294, %get3A_295] : memref<2x16x128xf32, #tpu.memory_space<vmem>>, vector<1x6x128xf32>
    %get3A_297 = vector.shape_cast %get3A_296 : vector<1x6x128xf32> to vector<6x128xf32>
    %dot_general3A_298 = arith.constant dense<0.000000e+00> : vector<1x128xf32>
    %dot_general3A_299 = tpu.matmul %get3A_12, %get3A_297, %dot_general3A_298 {dimension_numbers = #tpu.dot_dimension_numbers<[1], [0], [0], [1], [0, 0, 1, 1], [], []>, transpose_lhs_hint = false} : vector<1x6xf32>, vector<6x128xf32>, vector<1x128xf32> -> vector<1x128xf32>
    %get3A_300 = arith.constant 1 : index
    %get3A_301 = arith.constant 6 : index
    %get3A_302 = arith.constant 0 : index
    %get3A_303 = vector.load %arg10[%get3A_300, %get3A_301, %get3A_302] : memref<2x16x128xf32, #tpu.memory_space<vmem>>, vector<1x10x128xf32>
    %get3A_304 = vector.shape_cast %get3A_303 : vector<1x10x128xf32> to vector<10x128xf32>
    %dot_general3A_305 = arith.constant dense<0.000000e+00> : vector<1x128xf32>
    %dot_general3A_306 = tpu.matmul %mul3A_292, %get3A_304, %dot_general3A_305 {dimension_numbers = #tpu.dot_dimension_numbers<[1], [0], [0], [1], [0, 0, 1, 1], [], []>, transpose_lhs_hint = false} : vector<1x10xf32>, vector<10x128xf32>, vector<1x128xf32> -> vector<1x128xf32>
    %add3A_307 = arith.addf %dot_general3A_299, %dot_general3A_306 : vector<1x128xf32>
    %get3A_308 = arith.constant 1 : index
    %get3A_309 = arith.constant 0 : index
    %get3A_310 = vector.load %arg11[%get3A_308, %get3A_309] : memref<2x128xf32, #tpu.memory_space<vmem>>, vector<1x128xf32>
    %get3A_311 = vector.shape_cast %get3A_310 : vector<1x128xf32> to vector<128xf32>
    %broadcast_in_dim3A_312 = vector.shape_cast %get3A_311 : vector<128xf32> to vector<1x128xf32>
    %add3A_313 = arith.addf %add3A_307, %broadcast_in_dim3A_312 : vector<1x128xf32>
    %max3A_314 = arith.constant 0.000000e+00 : f32
    %max3A_315 = vector.broadcast %max3A_314 : f32 to vector<1x128xf32>
    %max3A_316 = arith.maximumf %add3A_313, %max3A_315 : vector<1x128xf32>
    %get3A_317 = arith.constant 1 : index
    %get3A_318 = arith.constant 0 : index
    %get3A_319 = arith.constant 0 : index
    %get3A_320 = vector.load %arg12[%get3A_317, %get3A_318, %get3A_319] : memref<2x128x12xf32, #tpu.memory_space<vmem>>, vector<1x128x12xf32>
    %get3A_321 = vector.shape_cast %get3A_320 : vector<1x128x12xf32> to vector<128x12xf32>
    %dot_general3A_322 = arith.constant dense<0.000000e+00> : vector<1x12xf32>
    %dot_general3A_323 = tpu.matmul %max3A_316, %get3A_321, %dot_general3A_322 {dimension_numbers = #tpu.dot_dimension_numbers<[1], [0], [0], [1], [0, 0, 1, 1], [], []>, transpose_lhs_hint = false} : vector<1x128xf32>, vector<128x12xf32>, vector<1x12xf32> -> vector<1x12xf32>
    %get3A_324 = arith.constant 1 : index
    %get3A_325 = arith.constant 0 : index
    %get3A_326 = vector.load %arg13[%get3A_324, %get3A_325] : memref<2x12xf32, #tpu.memory_space<vmem>>, vector<1x12xf32>
    %get3A_327 = vector.shape_cast %get3A_326 : vector<1x12xf32> to vector<12xf32>
    %broadcast_in_dim3A_328 = vector.shape_cast %get3A_327 : vector<12xf32> to vector<1x12xf32>
    %add3A_329 = arith.addf %dot_general3A_323, %broadcast_in_dim3A_328 : vector<1x12xf32>
    %get3A_330 = arith.constant 1 : index
    %get3A_331 = arith.constant 0 : index
    %get3A_332 = arith.constant 0 : index
    %get3A_333 = vector.load %arg14[%get3A_330, %get3A_331, %get3A_332] : memref<2x34x128xf32, #tpu.memory_space<vmem>>, vector<1x10x128xf32>
    %get3A_334 = vector.shape_cast %get3A_333 : vector<1x10x128xf32> to vector<10x128xf32>
    %dot_general3A_335 = arith.constant dense<0.000000e+00> : vector<128x128xf32>
    %dot_general3A_336 = tpu.matmul %get3A_334, %add3A_279, %dot_general3A_335 {dimension_numbers = #tpu.dot_dimension_numbers<[0], [1], [1], [0], [0, 1, 1, 0], [], []>, transpose_lhs_hint = false} : vector<10x128xf32>, vector<128x10xf32>, vector<128x128xf32> -> vector<128x128xf32>
    %swap3A_337 = arith.constant 1 : index
    %swap3A_338 = arith.constant 0 : index
    %swap3A_339 = arith.constant 0 : index
    %swap3A_340 = vector.load %arg18[%swap3A_337, %swap3A_338, %swap3A_339] : memref<2x128x128xf32, #tpu.memory_space<vmem>>, vector<1x128x128xf32>
    %swap3A_341 = vector.shape_cast %swap3A_340 : vector<1x128x128xf32> to vector<128x128xf32>
    %swap3A_342 = vector.shape_cast %dot_general3A_336 : vector<128x128xf32> to vector<1x128x128xf32>
    tpu.vector_store %arg18[%swap3A_337, %swap3A_338, %swap3A_339], %swap3A_342 {strides = array<i32>} : memref<2x128x128xf32, #tpu.memory_space<vmem>>, vector<1x128x128xf32>,
    %get3A_343 = arith.constant 1 : index
    %get3A_344 = arith.constant 10 : index
    %get3A_345 = arith.constant 0 : index
    %get3A_346 = vector.load %arg14[%get3A_343, %get3A_344, %get3A_345] : memref<2x34x128xf32, #tpu.memory_space<vmem>>, vector<1x10x128xf32>
    %get3A_347 = vector.shape_cast %get3A_346 : vector<1x10x128xf32> to vector<10x128xf32>
    %dot_general3A_348 = arith.constant dense<0.000000e+00> : vector<128x128xf32>
    %dot_general3A_349 = tpu.matmul %get3A_347, %add3A_279, %dot_general3A_348 {dimension_numbers = #tpu.dot_dimension_numbers<[0], [1], [1], [0], [0, 1, 1, 0], [], []>, transpose_lhs_hint = false} : vector<10x128xf32>, vector<128x10xf32>, vector<128x128xf32> -> vector<128x128xf32>
    %get3A_350 = arith.constant 1 : index
    %get3A_351 = arith.constant 22 : index
    %get3A_352 = arith.constant 0 : index
    %get3A_353 = vector.load %arg14[%get3A_350, %get3A_351, %get3A_352] : memref<2x34x128xf32, #tpu.memory_space<vmem>>, vector<1x12x128xf32>
    %get3A_354 = vector.shape_cast %get3A_353 : vector<1x12x128xf32> to vector<12x128xf32>
    %dot_general3A_355 = arith.constant dense<0.000000e+00> : vector<128x1xf32>
    %dot_general3A_356 = tpu.matmul %get3A_354, %add3A_329, %dot_general3A_355 {dimension_numbers = #tpu.dot_dimension_numbers<[0], [1], [1], [0], [0, 1, 1, 0], [], []>, transpose_lhs_hint = false} : vector<12x128xf32>, vector<1x12xf32>, vector<128x1xf32> -> vector<128x1xf32>
    %add3A_357 = vector.broadcast %dot_general3A_356 : vector<128x1xf32> to vector<128x128xf32>
    %add3A_358 = arith.addf %dot_general3A_349, %add3A_357 : vector<128x128xf32>
    %get3A_359 = arith.constant 1 : index
    %get3A_360 = arith.constant 0 : index
    %get3A_361 = vector.load %arg15[%get3A_359, %get3A_360] : memref<2x128xf32, #tpu.memory_space<vmem>>, vector<1x128xf32>
    %get3A_362 = vector.shape_cast %get3A_361 : vector<1x128xf32> to vector<128xf32>
    %broadcast_in_dim3A_363 = vector.shape_cast %get3A_362 : vector<128xf32> to vector<128x1xf32>
    %add3A_364 = vector.broadcast %broadcast_in_dim3A_363 : vector<128x1xf32> to vector<128x128xf32>
    %add3A_365 = arith.addf %add3A_358, %add3A_364 : vector<128x128xf32>
    %swap3A_366 = arith.constant 1 : index
    %swap3A_367 = arith.constant 0 : index
    %swap3A_368 = arith.constant 0 : index
    %swap3A_369 = vector.load %arg19[%swap3A_366, %swap3A_367, %swap3A_368] : memref<2x128x128xf32, #tpu.memory_space<vmem>>, vector<1x128x128xf32>
    %swap3A_370 = vector.shape_cast %swap3A_369 : vector<1x128x128xf32> to vector<128x128xf32>
    %swap3A_371 = vector.shape_cast %add3A_365 : vector<128x128xf32> to vector<1x128x128xf32>
    tpu.vector_store %arg19[%swap3A_366, %swap3A_367, %swap3A_368], %swap3A_371 {strides = array<i32>} : memref<2x128x128xf32, #tpu.memory_space<vmem>>, vector<1x128x128xf32>,
    %get3A_372 = arith.constant 1 : index
    %get3A_373 = arith.constant 0 : index
    %get3A_374 = arith.constant 0 : index
    %get3A_375 = vector.load %arg16[%get3A_372, %get3A_373, %get3A_374] : memref<2x11x128xf32, #tpu.memory_space<vmem>>, vector<1x10x128xf32>
    %get3A_376 = vector.shape_cast %get3A_375 : vector<1x10x128xf32> to vector<10x128xf32>
    %dot_general3A_377 = arith.constant dense<0.000000e+00> : vector<128x128xf32>
    %dot_general3A_378 = tpu.matmul %get3A_376, %add3A_279, %dot_general3A_377 {dimension_numbers = #tpu.dot_dimension_numbers<[0], [1], [1], [0], [0, 1, 1, 0], [], []>, transpose_lhs_hint = false} : vector<10x128xf32>, vector<128x10xf32>, vector<128x128xf32> -> vector<128x128xf32>
    %get3A_379 = arith.constant 1 : index
    %get3A_380 = arith.constant 0 : index
    %get3A_381 = vector.load %arg17[%get3A_379, %get3A_380] : memref<2x128xf32, #tpu.memory_space<vmem>>, vector<1x128xf32>
    %get3A_382 = vector.shape_cast %get3A_381 : vector<1x128xf32> to vector<128xf32>
    %broadcast_in_dim3A_383 = vector.shape_cast %get3A_382 : vector<128xf32> to vector<128x1xf32>
    %add3A_384 = vector.broadcast %broadcast_in_dim3A_383 : vector<128x1xf32> to vector<128x128xf32>
    %add3A_385 = arith.addf %dot_general3A_378, %add3A_384 : vector<128x128xf32>
    %swap3A_386 = arith.constant 1 : index
    %swap3A_387 = arith.constant 0 : index
    %swap3A_388 = arith.constant 0 : index
    %swap3A_389 = vector.load %arg20[%swap3A_386, %swap3A_387, %swap3A_388] : memref<2x128x128xf32, #tpu.memory_space<vmem>>, vector<1x128x128xf32>
    %swap3A_390 = vector.shape_cast %swap3A_389 : vector<1x128x128xf32> to vector<128x128xf32>
    %swap3A_391 = vector.shape_cast %add3A_385 : vector<128x128xf32> to vector<1x128x128xf32>
    tpu.vector_store %arg20[%swap3A_386, %swap3A_387, %swap3A_388], %swap3A_391 {strides = array<i32>} : memref<2x128x128xf32, #tpu.memory_space<vmem>>, vector<1x128x128xf32>,
    return
  }
}

module attributes {stable_mosaic.version = 14 : i64} {
  func.func @_tc2_body(%arg0: memref<2x16x128x128xf32, #tpu.memory_space<vmem>>, %arg1: memref<2x16x128xf32, #tpu.memory_space<vmem>>, %arg2: memref<2x128x10xf32, #tpu.memory_space<vmem>>, %arg3: memref<2x128x128xf32, #tpu.memory_space<vmem>>, %arg4: memref<2x128xf32, #tpu.memory_space<vmem>>, %arg5: memref<2x139x256xf32, #tpu.memory_space<vmem>>, %arg6: memref<2x256xf32, #tpu.memory_space<vmem>>, %arg7: memref<2x256x1xf32, #tpu.memory_space<vmem>>, %arg8: memref<2x1xf32, #tpu.memory_space<vmem>>, %arg9: memref<2x128x1xf32, #tpu.memory_space<vmem>>) attributes {dimension_semantics = [], scalar_prefetch = 0 : i64, scratch_operands = 0 : i64, tpu.core_type = #tpu.core_type<tc>} {
    %get3A = arith.constant 0 : index
    %get3A_0 = arith.constant 0 : index
    %get3A_1 = arith.constant 0 : index
    %get3A_2 = vector.load %arg1[%get3A, %get3A_0, %get3A_1] : memref<2x16x128xf32, #tpu.memory_space<vmem>>, vector<1x16x128xf32>
    %get3A_3 = vector.shape_cast %get3A_2 : vector<1x16x128xf32> to vector<16x128xf32>
    %reduce_sum3A = arith.constant dense<0.000000e+00> : vector<128xf32>
    %reduce_sum3A_4 = vector.multi_reduction <add>, %get3A_3, %reduce_sum3A [0] : vector<16x128xf32> to vector<128xf32>
    %broadcast_in_dim3A = vector.shape_cast %reduce_sum3A_4 : vector<128xf32> to vector<128x1xf32>
    %max3A = arith.constant 1.000000e+00 : f32
    %max3A_5 = vector.broadcast %max3A : f32 to vector<128x1xf32>
    %max3A_6 = arith.maximumf %broadcast_in_dim3A, %max3A_5 : vector<128x1xf32>
    %get3A_7 = arith.constant 0 : index
    %get3A_8 = arith.constant 0 : index
    %get3A_9 = arith.constant 0 : index
    %get3A_10 = arith.constant 0 : index
    %get3A_11 = vector.load %arg0[%get3A_7, %get3A_8, %get3A_9, %get3A_10] : memref<2x16x128x128xf32, #tpu.memory_space<vmem>>, vector<1x16x128x128xf32>
    %get3A_12 = vector.shape_cast %get3A_11 : vector<1x16x128x128xf32> to vector<16x128x128xf32>
    %reduce_sum3A_13 = arith.constant dense<0.000000e+00> : vector<128x128xf32>
    %reduce_sum3A_14 = vector.multi_reduction <add>, %get3A_12, %reduce_sum3A_13 [0] : vector<16x128x128xf32> to vector<128x128xf32>
    %get3A_15 = arith.constant 0 : index
    %get3A_16 = arith.constant 0 : index
    %get3A_17 = arith.constant 0 : index
    %get3A_18 = vector.load %arg3[%get3A_15, %get3A_16, %get3A_17] : memref<2x128x128xf32, #tpu.memory_space<vmem>>, vector<1x128x128xf32>
    %get3A_19 = vector.shape_cast %get3A_18 : vector<1x128x128xf32> to vector<128x128xf32>
    %convert_element_type3A = arith.truncf %get3A_19 : vector<128x128xf32> to vector<128x128xbf16>
    %convert_element_type3A_20 = arith.extf %convert_element_type3A : vector<128x128xbf16> to vector<128x128xf32>
    %dot_general3A = arith.constant dense<0.000000e+00> : vector<128x128xf32>
    %dot_general3A_21 = tpu.matmul %reduce_sum3A_14, %convert_element_type3A_20, %dot_general3A {dimension_numbers = #tpu.dot_dimension_numbers<[0], [0], [1], [1], [0, 1, 1, 1], [], []>, precision = #tpu.contract_precision<fp32>, transpose_lhs_hint = false} : vector<128x128xf32>, vector<128x128xf32>, vector<128x128xf32> -> vector<128x128xf32>
    %get3A_22 = arith.constant 0 : index
    %get3A_23 = arith.constant 0 : index
    %get3A_24 = vector.load %arg4[%get3A_22, %get3A_23] : memref<2x128xf32, #tpu.memory_space<vmem>>, vector<1x128xf32>
    %get3A_25 = vector.shape_cast %get3A_24 : vector<1x128xf32> to vector<128xf32>
    %broadcast_in_dim3A_26 = vector.shape_cast %get3A_25 : vector<128xf32> to vector<1x128xf32>
    %mul3A = vector.broadcast %broadcast_in_dim3A : vector<128x1xf32> to vector<128x128xf32>
    %mul3A_27 = vector.broadcast %broadcast_in_dim3A_26 : vector<1x128xf32> to vector<128x128xf32>
    %mul3A_28 = arith.mulf %mul3A, %mul3A_27 : vector<128x128xf32>
    %add3A = arith.addf %dot_general3A_21, %mul3A_28 : vector<128x128xf32>
    %div3A = vector.broadcast %max3A_6 : vector<128x1xf32> to vector<128x128xf32>
    %div3A_29 = arith.divf %add3A, %div3A : vector<128x128xf32>
    %get3A_30 = arith.constant 0 : index
    %get3A_31 = arith.constant 0 : index
    %get3A_32 = arith.constant 0 : index
    %get3A_33 = vector.load %arg2[%get3A_30, %get3A_31, %get3A_32] : memref<2x128x10xf32, #tpu.memory_space<vmem>>, vector<1x128x10xf32>
    %get3A_34 = vector.shape_cast %get3A_33 : vector<1x128x10xf32> to vector<128x10xf32>
    %get3A_35 = arith.constant 0 : index
    %get3A_36 = arith.constant 0 : index
    %get3A_37 = arith.constant 0 : index
    %get3A_38 = vector.load %arg5[%get3A_35, %get3A_36, %get3A_37] : memref<2x139x256xf32, #tpu.memory_space<vmem>>, vector<1x10x256xf32>
    %get3A_39 = vector.shape_cast %get3A_38 : vector<1x10x256xf32> to vector<10x256xf32>
    %dot_general3A_40 = arith.constant dense<0.000000e+00> : vector<128x256xf32>
    %dot_general3A_41 = tpu.matmul %get3A_34, %get3A_39, %dot_general3A_40 {dimension_numbers = #tpu.dot_dimension_numbers<[1], [0], [0], [1], [0, 0, 1, 1], [], []>, transpose_lhs_hint = false} : vector<128x10xf32>, vector<10x256xf32>, vector<128x256xf32> -> vector<128x256xf32>
    %get3A_42 = arith.constant 0 : index
    %get3A_43 = arith.constant 10 : index
    %get3A_44 = arith.constant 0 : index
    %get3A_45 = vector.load %arg5[%get3A_42, %get3A_43, %get3A_44] : memref<2x139x256xf32, #tpu.memory_space<vmem>>, vector<1x128x256xf32>
    %get3A_46 = vector.shape_cast %get3A_45 : vector<1x128x256xf32> to vector<128x256xf32>
    %dot_general3A_47 = arith.constant dense<0.000000e+00> : vector<128x256xf32>
    %dot_general3A_48 = tpu.matmul %div3A_29, %get3A_46, %dot_general3A_47 {dimension_numbers = #tpu.dot_dimension_numbers<[1], [0], [0], [1], [0, 0, 1, 1], [], []>, transpose_lhs_hint = false} : vector<128x128xf32>, vector<128x256xf32>, vector<128x256xf32> -> vector<128x256xf32>
    %add3A_49 = arith.addf %dot_general3A_41, %dot_general3A_48 : vector<128x256xf32>
    %convert_element_type3A_50 = arith.truncf %broadcast_in_dim3A : vector<128x1xf32> to vector<128x1xbf16>
    %convert_element_type3A_51 = arith.extf %convert_element_type3A_50 : vector<128x1xbf16> to vector<128x1xf32>
    %get3A_52 = arith.constant 0 : index
    %get3A_53 = arith.constant 138 : index
    %get3A_54 = arith.constant 0 : index
    %get3A_55 = vector.load %arg5[%get3A_52, %get3A_53, %get3A_54] : memref<2x139x256xf32, #tpu.memory_space<vmem>>, vector<1x1x256xf32>
    %get3A_56 = vector.shape_cast %get3A_55 : vector<1x1x256xf32> to vector<256xf32>
    %convert_element_type3A_57 = arith.truncf %get3A_56 : vector<256xf32> to vector<256xbf16>
    %convert_element_type3A_58 = arith.extf %convert_element_type3A_57 : vector<256xbf16> to vector<256xf32>
    %broadcast_in_dim3A_59 = vector.shape_cast %convert_element_type3A_58 : vector<256xf32> to vector<1x256xf32>
    %mul3A_60 = vector.broadcast %convert_element_type3A_51 : vector<128x1xf32> to vector<128x256xf32>
    %mul3A_61 = vector.broadcast %broadcast_in_dim3A_59 : vector<1x256xf32> to vector<128x256xf32>
    %mul3A_62 = arith.mulf %mul3A_60, %mul3A_61 : vector<128x256xf32>
    %add3A_63 = arith.addf %add3A_49, %mul3A_62 : vector<128x256xf32>
    %get3A_64 = arith.constant 0 : index
    %get3A_65 = arith.constant 0 : index
    %get3A_66 = vector.load %arg6[%get3A_64, %get3A_65] : memref<2x256xf32, #tpu.memory_space<vmem>>, vector<1x256xf32>
    %get3A_67 = vector.shape_cast %get3A_66 : vector<1x256xf32> to vector<256xf32>
    %broadcast_in_dim3A_68 = vector.shape_cast %get3A_67 : vector<256xf32> to vector<1x256xf32>
    %add3A_69 = vector.broadcast %broadcast_in_dim3A_68 : vector<1x256xf32> to vector<128x256xf32>
    %add3A_70 = arith.addf %add3A_63, %add3A_69 : vector<128x256xf32>
    %max3A_71 = arith.constant 0.000000e+00 : f32
    %max3A_72 = vector.broadcast %max3A_71 : f32 to vector<128x256xf32>
    %max3A_73 = arith.maximumf %add3A_70, %max3A_72 : vector<128x256xf32>
    %get3A_74 = arith.constant 0 : index
    %get3A_75 = arith.constant 0 : index
    %get3A_76 = arith.constant 0 : index
    %get3A_77 = vector.load %arg7[%get3A_74, %get3A_75, %get3A_76] : memref<2x256x1xf32, #tpu.memory_space<vmem>>, vector<1x256x1xf32>
    %get3A_78 = vector.shape_cast %get3A_77 : vector<1x256x1xf32> to vector<256x1xf32>
    %dot_general3A_79 = arith.constant dense<0.000000e+00> : vector<128x1xf32>
    %dot_general3A_80 = tpu.matmul %max3A_73, %get3A_78, %dot_general3A_79 {dimension_numbers = #tpu.dot_dimension_numbers<[1], [0], [0], [1], [0, 0, 1, 1], [], []>, transpose_lhs_hint = false} : vector<128x256xf32>, vector<256x1xf32>, vector<128x1xf32> -> vector<128x1xf32>
    %get3A_81 = arith.constant 0 : index
    %get3A_82 = arith.constant 0 : index
    %get3A_83 = vector.load %arg8[%get3A_81, %get3A_82] : memref<2x1xf32, #tpu.memory_space<vmem>>, vector<1x1xf32>
    %get3A_84 = vector.shape_cast %get3A_83 : vector<1x1xf32> to vector<1xf32>
    %broadcast_in_dim3A_85 = vector.shape_cast %get3A_84 : vector<1xf32> to vector<1x1xf32>
    %add3A_86 = vector.broadcast %broadcast_in_dim3A_85 : vector<1x1xf32> to vector<128x1xf32>
    %add3A_87 = arith.addf %dot_general3A_80, %add3A_86 : vector<128x1xf32>
    %swap3A = arith.constant 0 : index
    %swap3A_88 = arith.constant 0 : index
    %swap3A_89 = arith.constant 0 : index
    %swap3A_90 = vector.load %arg9[%swap3A, %swap3A_88, %swap3A_89] : memref<2x128x1xf32, #tpu.memory_space<vmem>>, vector<1x128x1xf32>
    %swap3A_91 = vector.shape_cast %swap3A_90 : vector<1x128x1xf32> to vector<128x1xf32>
    %swap3A_92 = vector.shape_cast %add3A_87 : vector<128x1xf32> to vector<1x128x1xf32>
    tpu.vector_store %arg9[%swap3A, %swap3A_88, %swap3A_89], %swap3A_92 {strides = array<i32>} : memref<2x128x1xf32, #tpu.memory_space<vmem>>, vector<1x128x1xf32>,
    %get3A_93 = arith.constant 1 : index
    %get3A_94 = arith.constant 0 : index
    %get3A_95 = arith.constant 0 : index
    %get3A_96 = arith.constant 0 : index
    %get3A_97 = vector.load %arg0[%get3A_93, %get3A_94, %get3A_95, %get3A_96] : memref<2x16x128x128xf32, #tpu.memory_space<vmem>>, vector<1x16x128x128xf32>
    %get3A_98 = vector.shape_cast %get3A_97 : vector<1x16x128x128xf32> to vector<16x128x128xf32>
    %reduce_sum3A_99 = arith.constant dense<0.000000e+00> : vector<128x128xf32>
    %reduce_sum3A_100 = vector.multi_reduction <add>, %get3A_98, %reduce_sum3A_99 [0] : vector<16x128x128xf32> to vector<128x128xf32>
    %get3A_101 = arith.constant 1 : index
    %get3A_102 = arith.constant 0 : index
    %get3A_103 = arith.constant 0 : index
    %get3A_104 = vector.load %arg3[%get3A_101, %get3A_102, %get3A_103] : memref<2x128x128xf32, #tpu.memory_space<vmem>>, vector<1x128x128xf32>
    %get3A_105 = vector.shape_cast %get3A_104 : vector<1x128x128xf32> to vector<128x128xf32>
    %convert_element_type3A_106 = arith.truncf %get3A_105 : vector<128x128xf32> to vector<128x128xbf16>
    %convert_element_type3A_107 = arith.extf %convert_element_type3A_106 : vector<128x128xbf16> to vector<128x128xf32>
    %dot_general3A_108 = arith.constant dense<0.000000e+00> : vector<128x128xf32>
    %dot_general3A_109 = tpu.matmul %reduce_sum3A_100, %convert_element_type3A_107, %dot_general3A_108 {dimension_numbers = #tpu.dot_dimension_numbers<[0], [0], [1], [1], [0, 1, 1, 1], [], []>, precision = #tpu.contract_precision<fp32>, transpose_lhs_hint = false} : vector<128x128xf32>, vector<128x128xf32>, vector<128x128xf32> -> vector<128x128xf32>
    %get3A_110 = arith.constant 1 : index
    %get3A_111 = arith.constant 0 : index
    %get3A_112 = vector.load %arg4[%get3A_110, %get3A_111] : memref<2x128xf32, #tpu.memory_space<vmem>>, vector<1x128xf32>
    %get3A_113 = vector.shape_cast %get3A_112 : vector<1x128xf32> to vector<128xf32>
    %broadcast_in_dim3A_114 = vector.shape_cast %get3A_113 : vector<128xf32> to vector<1x128xf32>
    %mul3A_115 = vector.broadcast %broadcast_in_dim3A : vector<128x1xf32> to vector<128x128xf32>
    %mul3A_116 = vector.broadcast %broadcast_in_dim3A_114 : vector<1x128xf32> to vector<128x128xf32>
    %mul3A_117 = arith.mulf %mul3A_115, %mul3A_116 : vector<128x128xf32>
    %add3A_118 = arith.addf %dot_general3A_109, %mul3A_117 : vector<128x128xf32>
    %div3A_119 = vector.broadcast %max3A_6 : vector<128x1xf32> to vector<128x128xf32>
    %div3A_120 = arith.divf %add3A_118, %div3A_119 : vector<128x128xf32>
    %get3A_121 = arith.constant 1 : index
    %get3A_122 = arith.constant 0 : index
    %get3A_123 = arith.constant 0 : index
    %get3A_124 = vector.load %arg2[%get3A_121, %get3A_122, %get3A_123] : memref<2x128x10xf32, #tpu.memory_space<vmem>>, vector<1x128x10xf32>
    %get3A_125 = vector.shape_cast %get3A_124 : vector<1x128x10xf32> to vector<128x10xf32>
    %get3A_126 = arith.constant 1 : index
    %get3A_127 = arith.constant 0 : index
    %get3A_128 = arith.constant 0 : index
    %get3A_129 = vector.load %arg5[%get3A_126, %get3A_127, %get3A_128] : memref<2x139x256xf32, #tpu.memory_space<vmem>>, vector<1x10x256xf32>
    %get3A_130 = vector.shape_cast %get3A_129 : vector<1x10x256xf32> to vector<10x256xf32>
    %dot_general3A_131 = arith.constant dense<0.000000e+00> : vector<128x256xf32>
    %dot_general3A_132 = tpu.matmul %get3A_125, %get3A_130, %dot_general3A_131 {dimension_numbers = #tpu.dot_dimension_numbers<[1], [0], [0], [1], [0, 0, 1, 1], [], []>, transpose_lhs_hint = false} : vector<128x10xf32>, vector<10x256xf32>, vector<128x256xf32> -> vector<128x256xf32>
    %get3A_133 = arith.constant 1 : index
    %get3A_134 = arith.constant 10 : index
    %get3A_135 = arith.constant 0 : index
    %get3A_136 = vector.load %arg5[%get3A_133, %get3A_134, %get3A_135] : memref<2x139x256xf32, #tpu.memory_space<vmem>>, vector<1x128x256xf32>
    %get3A_137 = vector.shape_cast %get3A_136 : vector<1x128x256xf32> to vector<128x256xf32>
    %dot_general3A_138 = arith.constant dense<0.000000e+00> : vector<128x256xf32>
    %dot_general3A_139 = tpu.matmul %div3A_120, %get3A_137, %dot_general3A_138 {dimension_numbers = #tpu.dot_dimension_numbers<[1], [0], [0], [1], [0, 0, 1, 1], [], []>, transpose_lhs_hint = false} : vector<128x128xf32>, vector<128x256xf32>, vector<128x256xf32> -> vector<128x256xf32>
    %add3A_140 = arith.addf %dot_general3A_132, %dot_general3A_139 : vector<128x256xf32>
    %convert_element_type3A_141 = arith.truncf %broadcast_in_dim3A : vector<128x1xf32> to vector<128x1xbf16>
    %convert_element_type3A_142 = arith.extf %convert_element_type3A_141 : vector<128x1xbf16> to vector<128x1xf32>
    %get3A_143 = arith.constant 1 : index
    %get3A_144 = arith.constant 138 : index
    %get3A_145 = arith.constant 0 : index
    %get3A_146 = vector.load %arg5[%get3A_143, %get3A_144, %get3A_145] : memref<2x139x256xf32, #tpu.memory_space<vmem>>, vector<1x1x256xf32>
    %get3A_147 = vector.shape_cast %get3A_146 : vector<1x1x256xf32> to vector<256xf32>
    %convert_element_type3A_148 = arith.truncf %get3A_147 : vector<256xf32> to vector<256xbf16>
    %convert_element_type3A_149 = arith.extf %convert_element_type3A_148 : vector<256xbf16> to vector<256xf32>
    %broadcast_in_dim3A_150 = vector.shape_cast %convert_element_type3A_149 : vector<256xf32> to vector<1x256xf32>
    %mul3A_151 = vector.broadcast %convert_element_type3A_142 : vector<128x1xf32> to vector<128x256xf32>
    %mul3A_152 = vector.broadcast %broadcast_in_dim3A_150 : vector<1x256xf32> to vector<128x256xf32>
    %mul3A_153 = arith.mulf %mul3A_151, %mul3A_152 : vector<128x256xf32>
    %add3A_154 = arith.addf %add3A_140, %mul3A_153 : vector<128x256xf32>
    %get3A_155 = arith.constant 1 : index
    %get3A_156 = arith.constant 0 : index
    %get3A_157 = vector.load %arg6[%get3A_155, %get3A_156] : memref<2x256xf32, #tpu.memory_space<vmem>>, vector<1x256xf32>
    %get3A_158 = vector.shape_cast %get3A_157 : vector<1x256xf32> to vector<256xf32>
    %broadcast_in_dim3A_159 = vector.shape_cast %get3A_158 : vector<256xf32> to vector<1x256xf32>
    %add3A_160 = vector.broadcast %broadcast_in_dim3A_159 : vector<1x256xf32> to vector<128x256xf32>
    %add3A_161 = arith.addf %add3A_154, %add3A_160 : vector<128x256xf32>
    %max3A_162 = arith.constant 0.000000e+00 : f32
    %max3A_163 = vector.broadcast %max3A_162 : f32 to vector<128x256xf32>
    %max3A_164 = arith.maximumf %add3A_161, %max3A_163 : vector<128x256xf32>
    %get3A_165 = arith.constant 1 : index
    %get3A_166 = arith.constant 0 : index
    %get3A_167 = arith.constant 0 : index
    %get3A_168 = vector.load %arg7[%get3A_165, %get3A_166, %get3A_167] : memref<2x256x1xf32, #tpu.memory_space<vmem>>, vector<1x256x1xf32>
    %get3A_169 = vector.shape_cast %get3A_168 : vector<1x256x1xf32> to vector<256x1xf32>
    %dot_general3A_170 = arith.constant dense<0.000000e+00> : vector<128x1xf32>
    %dot_general3A_171 = tpu.matmul %max3A_164, %get3A_169, %dot_general3A_170 {dimension_numbers = #tpu.dot_dimension_numbers<[1], [0], [0], [1], [0, 0, 1, 1], [], []>, transpose_lhs_hint = false} : vector<128x256xf32>, vector<256x1xf32>, vector<128x1xf32> -> vector<128x1xf32>
    %get3A_172 = arith.constant 1 : index
    %get3A_173 = arith.constant 0 : index
    %get3A_174 = vector.load %arg8[%get3A_172, %get3A_173] : memref<2x1xf32, #tpu.memory_space<vmem>>, vector<1x1xf32>
    %get3A_175 = vector.shape_cast %get3A_174 : vector<1x1xf32> to vector<1xf32>
    %broadcast_in_dim3A_176 = vector.shape_cast %get3A_175 : vector<1xf32> to vector<1x1xf32>
    %add3A_177 = vector.broadcast %broadcast_in_dim3A_176 : vector<1x1xf32> to vector<128x1xf32>
    %add3A_178 = arith.addf %dot_general3A_171, %add3A_177 : vector<128x1xf32>
    %swap3A_179 = arith.constant 1 : index
    %swap3A_180 = arith.constant 0 : index
    %swap3A_181 = arith.constant 0 : index
    %swap3A_182 = vector.load %arg9[%swap3A_179, %swap3A_180, %swap3A_181] : memref<2x128x1xf32, #tpu.memory_space<vmem>>, vector<1x128x1xf32>
    %swap3A_183 = vector.shape_cast %swap3A_182 : vector<1x128x1xf32> to vector<128x1xf32>
    %swap3A_184 = vector.shape_cast %add3A_178 : vector<128x1xf32> to vector<1x128x1xf32>
    tpu.vector_store %arg9[%swap3A_179, %swap3A_180, %swap3A_181], %swap3A_184 {strides = array<i32>} : memref<2x128x1xf32, #tpu.memory_space<vmem>>, vector<1x128x1xf32>,
    return
  }
}

</mosaic_0001>

<sc_bundles>
// kernel: kernel.10.cloned.1.call-start
scs
__scs_entry_jumppad:
0x0: {  	(pc) =	sbr.rel $0x88, $3  }
0x1: {  	(tag) =	ssettag $0x0;
	lr =	simm.s32 $0x1  }
0x2: {  	[smem:$0x3F68] =	sst lr;
	_ =	strace $0xD0000000  }
0x3: {  	_ = 	snop  }
0x4: {  	_ = 	snop  }
0x5: {  	_ = 	snop  }
0x6: {  	_ = 	snop  }
0x7: {  	_ = 	snop  }
__scs_overlays_trampoline_lowered:
0x8: {  	[smem:$0x3F77] =	sst s0  }
0x9: {  	[smem:$0x3F78] =	sst s1  }
0xa: {  	[smem:$0x3F79] =	sst s2  }
0xb: {  	[smem:$0x3F7A] =	sst s3  }
0xc: {  	[smem:$0x3F7B] =	sst s4  }
0xd: {  	[smem:$0x3F7C] =	sst s5  }
0xe: {  	[smem:$0x3F7D] =	sst s6  }
0xf: {  	[smem:$0x3F7E] =	sst s7  }
0x10: {  	[smem:$0x3F7F] =	sst s8  }
0x11: {  	[smem:$0x3F80] =	sst s9;
	s0 =	simm.s32 @!p0 $0x0  }
0x12: {  	s1 =	sld [smem:$0x3F66];
	s0 =	simm.s32 @p0 $0x1  }
0x13: {  	[smem:$0x3F81] =	sst s0;
	s0 =	simm.s32 @!p1 $0x0  }
0x14: {  	s2 =	sld [smem:$0x3F65];
	s0 =	simm.s32 @p1 $0x1  }
0x15: {  	[smem:$0x3F82] =	sst s0;
	s0 =	simm.s32 @!p2 $0x0  }
0x16: {  	s3 =	sld [smem:$0x3FDB];
	s0 =	simm.s32 @p2 $0x1  }
0x17: {  	s4 =	simm.s32 $0x1BF5;
	[smem:$0x3F84] =	sst s0  }
0x18: {  	s0 =	sld [smem:$0x3F67];
	_ =	swait.ge [sflag:s4], $0x0  }
0x19: {  	s7 =	sld [smem:$0x3F68]  }
0x1a: {  	s8 =	sadd.s32 $0xFFFFE003, lr  }
0x1b: {  	s9 =	sadd.s32 $0xFFFFFEF7, lr;
	s5 =	simm.s32 $0xFFFFFFFF;
	p2 =	slt.u32 s8, $0xFFFFF086  }
0x1c: {  	p1 =	slt.u32 s9, $0xF7A;
	s5 =	simm.s32 @!p2 $0x0  }
0x1d: {  	s5 =	simm.s32 @p1 $0x1;
	p0 =	seq.s32 s7, s2  }
0x1e: {  	s7 =	smul.u32 @!p0 $0xF7A, s2;
	p2 =	seq.s32 @!p0 s5, $0x0  }
0x1f: {  	s9 =	smul.u32 $0xF7A, s1;
	s8 =	simm.s32 @!p0 $0x1BF5;
	p2 =	por !p2, p0  }
0x20: {  	[sflag:s8] =	ssyncset.s32 @!p0 $0xFFFFF086;
	s6 =	sadd.s32 @!p0 s3, s7;
	s7 =	simm.s32 @!p0 $0x108  }
0x21: {  	s3 =	sadd.s32 s3, s9;
	s6 =	sadd.s32 @!p0 $0x88, s6;
	s7 =	simm.s32 @p2 $0x1082  }
0x22: {  	[simem:s7], [sflag:s8] =	dma.local @!p0 [hbm:s6], $0xF7A  }
0x23: {  	s9 =	sor.u32 $0xD0000000, s2;
	s6 =	simm.s32 $0x108;
	_ =	swait.ge @!p0 [sflag:s8], $0x0  }
0x24: {  	s3 =	sadd.s32 $0x88, s3;
	s6 =	simm.s32 @!p1 $0x1082;
	[sflag:s4] =	ssyncset.s32 $0xFFFFF086  }
0x25: {  	[simem:s6], [sflag:s4] =	dma.local [hbm:s3], $0xF7A  }
0x26: {  	[smem:$0x3F68] =	sst s1;
	(tag) =	ssettag s2;
	_ =	strace s9  }
0x27: {  	s1 =	sld [smem:$0x3F78]  }
0x28: {  	s2 =	sld [smem:$0x3F79]  }
0x29: {  	s4 =	sld [smem:$0x3F7B]  }
0x2a: {  	p0 =	seq.s32 s5, $0x0;
	s5 =	sld [smem:$0x3F7C]  }
0x2b: {  	s6 =	sld [smem:$0x3F7D]  }
0x2c: {  	s7 =	sld [smem:$0x3F7E]  }
0x2d: {  	s3 =	simm.s32 $0x108;
	s8 =	sld [smem:$0x3F7F]  }
0x2e: {  	s3 =	simm.s32 @!p0 $0x1082;
	s9 =	sld [smem:$0x3F80]  }
0x2f: {  	lr =	sadd.s32 s0, s3;
	s0 =	sld [smem:$0x3F77]  }
0x30: {  	s3 =	sld [smem:$0x3F7A]  }
0x31: {  	[smem:$0x3F83] =	sst s10  }
0x32: {  	s10 =	sld [smem:$0x3F81];
	_ =	sdelay $0x3  }
0x33: {  	p0 =	seq.s32 s10, $0x1;
	s10 =	sld [smem:$0x3F83];
	_ =	sdelay $0x3  }
0x34: {  	[smem:$0x3F83] =	sst s10  }
0x35: {  	s10 =	sld [smem:$0x3F82];
	_ =	sdelay $0x3  }
0x36: {  	p1 =	seq.s32 s10, $0x1;
	s10 =	sld [smem:$0x3F83];
	_ =	sdelay $0x3  }
0x37: {  	[smem:$0x3F83] =	sst s10  }
0x38: {  	s10 =	sld [smem:$0x3F84]  }
0x39: {  	_ = 	snop;
	(pc) =	sbr.ind lr, $3  }
0x3a: {  	_ = 	snop  }
0x3b: {  	_ = 	snop  }
0x3c: {  	p2 =	seq.s32 s10, $0x1;
	s10 =	sld [smem:$0x3F83]  }
0x3d: {  	_ =	shalt  }
0x3e: {  	_ =	shalt  }
0x3f: {  	_ =	shalt  }
0x40: {  	_ =	shalt  }
0x41: {  	_ =	shalt  }
0x42: {  	_ =	shalt  }
0x43: {  	_ =	shalt  }
0x44: {  	_ =	shalt  }
0x45: {  	_ =	shalt  }
0x46: {  	_ =	shalt  }
0x47: {  	_ =	shalt  }
0x48: {  	_ =	shalt  }
0x49: {  	_ =	shalt  }
0x4a: {  	_ =	shalt  }
0x4b: {  	_ =	shalt  }
0x4c: {  	_ =	shalt  }
0x4d: {  	_ =	shalt  }
0x4e: {  	_ =	shalt  }
0x4f: {  	_ =	shalt  }
0x50: {  	_ =	shalt  }
0x51: {  	_ =	shalt  }
0x52: {  	_ =	shalt  }
0x53: {  	_ =	shalt  }
0x54: {  	_ =	shalt  }
0x55: {  	_ =	shalt  }
0x56: {  	_ =	shalt  }
0x57: {  	_ =	shalt  }
0x58: {  	_ =	shalt  }
0x59: {  	_ =	shalt  }
0x5a: {  	_ =	shalt  }
0x5b: {  	_ =	shalt  }
0x5c: {  	_ =	shalt  }
0x5d: {  	_ =	shalt  }
0x5e: {  	_ =	shalt  }
0x5f: {  	_ =	shalt  }
0x60: {  	_ =	shalt  }
0x61: {  	_ =	shalt  }
0x62: {  	_ =	shalt  }
0x63: {  	_ =	shalt  }
0x64: {  	_ =	shalt  }
0x65: {  	_ =	shalt  }
0x66: {  	_ =	shalt  }
0x67: {  	_ =	shalt  }
0x68: {  	_ =	shalt  }
0x69: {  	_ =	shalt  }
0x6a: {  	_ =	shalt  }
0x6b: {  	_ =	shalt  }
0x6c: {  	_ =	shalt  }
0x6d: {  	_ =	shalt  }
0x6e: {  	_ =	shalt  }
0x6f: {  	_ =	shalt  }
0x70: {  	_ =	shalt  }
0x71: {  	_ =	shalt  }
0x72: {  	_ =	shalt  }
0x73: {  	_ =	shalt  }
0x74: {  	_ =	shalt  }
0x75: {  	_ =	shalt  }
0x76: {  	_ =	shalt  }
0x77: {  	_ =	shalt  }
0x78: {  	_ =	shalt  }
0x79: {  	_ =	shalt  }
0x7a: {  	_ =	shalt  }
0x7b: {  	_ =	shalt  }
0x7c: {  	_ =	shalt  }
0x7d: {  	_ =	shalt  }
0x7e: {  	_ =	shalt  }
0x7f: {  	_ =	shalt  }
0x80: {  	_ =	shalt  }
0x81: {  	_ =	shalt  }
0x82: {  	_ =	shalt  }
0x83: {  	_ =	shalt  }
0x84: {  	_ =	shalt  }
0x85: {  	_ =	shalt  }
0x86: {  	_ =	shalt  }
0x87: {  	_ =	shalt  }
.Lfunc_end0:
.L_simem_size_0:
called_computation.1_lowered:
.L_overlay_start_0:
0x88: {  	s2 =	sld [smem:$0x3FD9]  }
0x89: {  	s3 =	sld [smem:$0x3FFE];
	_ =	sdelay $0x1  }
0x8a: {  	s1 =	srdreg.scid  }
0x8b: {  	s0 =	sand.u32 $0x1, s1  }
0x8c: {  	s16 =	sshll.u32 s0, $0xA;
	s2 =	sadd.s32 s3, s2  }
0x8d: {  	s2 =	sadd.s32 s2, s16  }
0x8e: {  	[smem:$0x3F8F] =	sst s2  }
0x8f: {  	_ = 	snop  }
0x90: {  	(tm) =	ssettm $0x1  }
0x91: {  	s17 =	sld [smem:$0x3FFB];
	_ =	sdelay $0x3  }
0x92: {  	_ =	strace s17  }
0x93: {  	s2 =	sld [smem:$0x3FFC];
	_ =	sdelay $0x3  }
0x94: {  	_ =	strace s2  }
0x95: {  	s2 =	sld [smem:$0x3FFD];
	_ =	sdelay $0x3  }
0x96: {  	_ =	strace s2  }
0x97: {  	_ =	strace $0x8FFFFFFF  }
0x98: {  	s18 =	sld [smem:$0x3FDB];
	_ =	sdelay $0x1  }
0x99: {  	s19 =	simm.s32 $_scs_section_size  }
0x9a: {  	s4 =	simm.s32 $_size__tile_overlayer_lowered;
	s5 =	simm.s32 $_tile_overlayer_lowered  }
0x9b: {  	s22 =	simm.s32 $0x1BFF;
	s21 =	sshll.u32 s5, $0x1;
	s2 =	sadd.s32 s19, s18  }
0x9c: {  	s6 =	simm.s32 $0x0;
	s20 =	sshll.u32 s4, $0x1;
	s4 =	sadd.s32 s21, s2  }
0x9d: {  	[timem:s6], [sflag:s22] =	dma.local [hbm:s4], s20  }
0x9e: {  	_ =	swait.ge [sflag:s22], s20  }
0x9f: {  	s3 =	ssub.s32 $0x0, s20;
	[sflag:s22] =	ssyncset.done $0x0  }
0xa0: {  	[sflag:s22] =	ssyncadd.s32 s3;
	_ =	sdelay $0x1  }
0xa1: {  	s23 =	simm.s32 $0x1B8B  }
0xa2: {  	_ =	swait.ge [sflag:s23], $0x1  }
0xa3: {  	[sflag:s23] =	ssyncset.done $0x0  }
0xa4: {  	s25 =	simm.s32 $0x1B8E;
	s24 =	sld [smem:$0x3FFE];
	[sflag:s23] =	ssyncadd.s32 $0xFFFFFFFF  }
0xa5: {  	s26 =	simm.s32 $execute0_lowered;
	[smem:$0x3FD2] =	sst s25  }
0xa6: {  	s4 =	sshll.u32 s26, $0x1;
	_ =	strace $0x80000049;
	[dreg:$0x1] =	wrdreg $0xFFFFFFFF  }
0xa7: {  	s28 =	simm.s32 $_size_execute0_lowered;
	s2 =	sadd.s32 s2, s4;
	[dreg:$0x0] =	wrdreg $0x0  }
0xa8: {  	s4 =	sshll.u32 s28, $0x1;
	[dreg:$0x2] =	wrdreg s2  }
0xa9: {  	[dreg:$0x3] =	wrdreg s4  }
0xaa: {  	[dreg:$0x4] =	wrdreg $0xC0  }
0xab: {  	_ =	task [dreg:s6], $0x5FFFF  }
0xac: {  	[dreg:$0x1] =	wrdreg $0xFFFFFFFF  }
0xad: {  	[dreg:$0x0] =	wrdreg $0x60  }
0xae: {  	[dreg:$0x2] =	wrdreg s24  }
0xaf: {  	[dreg:$0x3] =	wrdreg $0x9  }
0xb0: {  	_ =	task.clear_ibuf [dreg:s6], $0x4FFFF;
	_ =	strace $0x90000049  }
0xb1: {  	s29 =	simm.s32 $0x9;
	_ =	strace $0x8000004B  }
0xb2: {  	_ =	swait.ge [sflag:s29], $0x1  }
0xb3: {  	[sflag:s29] =	ssyncadd.s32 $0xFFFFFFFF  }
0xb4: {  	_ =	strace $0x9000004B  }
0xb5: {  	_ =	sfence  }
0xb6: {  	s30 =	sld [smem:$0x0];
	_ =	sdelay $0x2  }
0xb7: {  	s31 =	sshll.u32 s1, $0xD;
	s1 =	sshrl.u32 s1, $0x2  }
0xb8: {  	s3 =	sand.u32 $0x4000, s31;
	s1 =	sadd.s32 s1, s30  }
0xb9: {  	s0 =	sor.u32 s3, s0;
	s1 =	sshll.u32 s1, $0x11  }
0xba: {  	s0 =	sor.u32 s1, s0  }
0xbb: {  	s0 =	sadd.s32 $0x8F2B, s0  }
0xbc: {  	[sflag:s0] =	ssyncadd.remote.s32 $0x1  }
0xbd: {  	_ =	sfence.sel $0xFFFF  }
0xbe: {  	[dreg:$0x0] =	wrdreg $0xFFFFFFFF;
	(pc) =	sbr.abs _section_cstart, $3  }
0xbf: {  	[dreg:$0x1] =	wrdreg $0xFFFFFFFF  }
0xc0: {  	_ =	task.clear_ibuf [dreg:s6], $0x2FFFF;
	_ =	strace $0x9FFFFFFF  }
0xc1: {  	(tm) =	ssettm $0x7FFFFFFF  }
tec
execute0_lowered:
.L_overlay_start_1:
0x0: {  	(tag) =	ssettag $0x1  }
0x1: {  	s0 =	rddreg [dreg:$0x0]  }
0x2: {  	s2 =	simm.s32 $0x0;
	s1 =	srdreg.scid;
	s8 =	stileid.u32  }
0x3: {  	s18 =	simm.s32 $0x1;
	s19 =	simm.s32 $0x4000;
	s20 =	simm.s32 $0x8000  }
0x4: {  	s30 =	simm.s32 $0x13980;
	s31 =	simm.s32 $0x14600;
	[smem:$0x7FF] =	sst s2  }
0x5: {  	s1 =	sand.u32 $0x1, s1;
	s3 =	smul.u32 $0xC40, s8;
	s28 =	sshll.u32 s8, $0xB  }
0x6: {  	_ =	strace $0x8000004A;
	s4 =	sshll.u32 s1, $0xB;
	s5 =	sshll.u32 s1, $0x8  }
0x7: {  	s6 =	smul.u32 $0xC400, s1;
	s24 =	sshll.u32 s1, $0x1;
	s26 =	ssub.s32 $0x2, s1  }
0x8: {  	s1 =	sshll.u32 s1, $0xF;
	s7 =	sadd.s32 s4, s0;
	s10 =	sadd.s32 s5, s0  }
0x9: {  	s11 =	sadd.s32 s24, s0;
	s25 =	sshrl.u32 s3, $0x3;
	s29 =	sshrl.u32 s26, $0x1  }
0xa: {  	s3 =	sadd.s32 s3, s6;
	s13 =	sadd.s32 s25, s0;
	s17 =	ssub.s32 s26, s29  }
0xb: {  	s4 =	sadd.s32 $0xB400, s7;
	s5 =	sadd.s32 $0xC400, s7;
	s6 =	sadd.s32 $0xD400, s7  }
0xc: {  	s7 =	sadd.s32 $0x27200, s10;
	s8 =	sadd.s32 $0x27400, s10;
	s9 =	sadd.s32 $0x27600, s10  }
0xd: {  	s10 =	sadd.s32 $0x27800, s10;
	s11 =	sadd.s32 $0x27A00, s11;
	s26 =	simm.s32 $0xC000  }
0xe: {  	s3 =	sshrl.u32 s3, $0x3;
	s12 =	sadd.s32 $0x8000, s13;
	s13 =	sadd.s32 $0x9A00, s13  }
0xf: {  	s15 =	sadd.s32 s3, s0;
	s3 =	sadd.s32 $0x10400, s0;
	s0 =	sadd.s32 s28, s0  }
0x10: {  	s17 =	smax.u32 s17, $0x1;
	s0 =	sadd.s32 s1, s0;
	s14 =	sadd.s32 $0x20C00, s15  }
0x11: {  	s15 =	sadd.s32 $0x23E00, s15;
	s16 =	sadd.s32 $0x10C00, s0;
	s0 =	simm.s32 $0x0  }
.LBB2_1:
0x12: {  	[tilespmem:s2], [sflag:$0x1] =	stream.linear.gather [hbm4b:s4+s2], $0x4000, $0x38;
	[tilespmem:$0x15280] =	vst v63  }
0x13: {  	_ =	swait.ge [sflag:s18], $0x4000  }
0x14: {  	[sflag:s18] =	ssyncset.done $0x0  }
0x15: {  	[sflag:s18] =	ssyncadd.s32 $0xFFFFC000  }
0x16: {  	[tilespmem:s19], [sflag:$0x1] =	stream.linear.gather [hbm4b:s5+s2], $0x4000, $0x38;
	[tilespmem:$0x15280] =	vst v63  }
0x17: {  	_ =	swait.ge [sflag:s18], $0x4000  }
0x18: {  	[sflag:s18] =	ssyncset.done $0x0  }
0x19: {  	[sflag:s18] =	ssyncadd.s32 $0xFFFFC000  }
0x1a: {  	[tilespmem:s20], [sflag:$0x1] =	stream.linear.gather [hbm4b:s6+s2], $0x4000, $0x38;
	[tilespmem:$0x15280] =	vst v63  }
0x1b: {  	_ =	swait.ge [sflag:s18], $0x4000  }
0x1c: {  	[sflag:s18] =	ssyncset.done $0x0  }
0x1d: {  	s1 =	simm.s32 $0x10000;
	[sflag:s18] =	ssyncadd.s32 $0xFFFFC000  }
0x1e: {  	[tilespmem:s1], [sflag:$0x1] =	stream.linear.gather [hbm4b:s7+s2], $0x800, $0x38;
	[tilespmem:$0x15280] =	vst v63  }
0x1f: {  	_ =	swait.ge [sflag:s18], $0x800  }
0x20: {  	[sflag:s18] =	ssyncset.done $0x0  }
0x21: {  	s22 =	simm.s32 $0x10800;
	[sflag:s18] =	ssyncadd.s32 $0xFFFFF800  }
0x22: {  	[tilespmem:s22], [sflag:$0x1] =	stream.linear.gather [hbm4b:s8+s2], $0x800, $0x38;
	[tilespmem:$0x15280] =	vst v63  }
0x23: {  	_ =	swait.ge [sflag:s18], $0x800  }
0x24: {  	[sflag:s18] =	ssyncset.done $0x0  }
0x25: {  	s23 =	simm.s32 $0x11000;
	[sflag:s18] =	ssyncadd.s32 $0xFFFFF800  }
0x26: {  	[tilespmem:s23], [sflag:$0x1] =	stream.linear.gather [hbm4b:s9+s2], $0x800, $0x38;
	[tilespmem:$0x15280] =	vst v63  }
0x27: {  	_ =	swait.ge [sflag:s18], $0x800  }
0x28: {  	[sflag:s18] =	ssyncset.done $0x0  }
0x29: {  	s24 =	simm.s32 $0x11800;
	[sflag:s18] =	ssyncadd.s32 $0xFFFFF800  }
0x2a: {  	[tilespmem:s24], [sflag:$0x1] =	stream.linear.gather [hbm4b:s10+s2], $0x800, $0x38;
	[tilespmem:$0x15280] =	vst v63  }
0x2b: {  	_ =	swait.ge [sflag:s18], $0x800  }
0x2c: {  	[sflag:s18] =	ssyncset.done $0x0  }
0x2d: {  	s25 =	simm.s32 $0x12000;
	[sflag:s18] =	ssyncadd.s32 $0xFFFFF800  }
0x2e: {  	[tilespmem:s25], [sflag:$0x1] =	stream.linear.gather [hbm4b:s11+s2], $0x10, $0x38;
	[tilespmem:$0x15280] =	vst v63  }
0x2f: {  	_ =	swait.ge [sflag:s18], $0x10  }
0x30: {  	[sflag:s18] =	ssyncset.done $0x0  }
0x31: {  	[sflag:s18] =	ssyncadd.s32 $0xFFFFFFF0  }
0x32: {  	[tilespmem:s26], [sflag:$0x1] =	stream.linear.gather [hbm4b:s3+s2], $0x4000, $0x38;
	[tilespmem:$0x15280] =	vst v63  }
0x33: {  	_ =	swait.ge [sflag:s18], $0x4000  }
0x34: {  	[sflag:s18] =	ssyncset.done $0x0  }
0x35: {  	s28 =	simm.s32 $0x12080;
	[sflag:s18] =	ssyncadd.s32 $0xFFFFC000  }
0x36: {  	[tilespmem:s28], [sflag:$0x1] =	stream.linear.gather [hbm4b:s12+s2], $0xC40, $0x38;
	[tilespmem:$0x15280] =	vst v63  }
0x37: {  	_ =	swait.ge [sflag:s18], $0xC40  }
0x38: {  	[sflag:s18] =	ssyncset.done $0x0  }
0x39: {  	s29 =	simm.s32 $0x12D00;
	[sflag:s18] =	ssyncadd.s32 $0xFFFFF3C0  }
0x3a: {  	[tilespmem:s29], [sflag:$0x1] =	stream.linear.gather [hbm4b:s13+s2], $0xC40, $0x38;
	[tilespmem:$0x15280] =	vst v63  }
0x3b: {  	_ =	swait.ge [sflag:s18], $0xC40  }
0x3c: {  	[sflag:s18] =	ssyncset.done $0x0  }
0x3d: {  	[sflag:s18] =	ssyncadd.s32 $0xFFFFF3C0  }
0x3e: {  	[tilespmem:s30], [sflag:$0x1] =	stream.linear.gather [hbm4b:s14+s2], $0xC40, $0x38;
	[tilespmem:$0x15280] =	vst v63  }
0x3f: {  	_ =	swait.ge [sflag:s18], $0xC40  }
0x40: {  	[sflag:s18] =	ssyncset.done $0x0  }
0x41: {  	[sflag:s18] =	ssyncadd.s32 $0xFFFFF3C0  }
0x42: {  	[tilespmem:s31], [sflag:$0x1] =	stream.linear.gather [hbm4b:s15+s2], $0xC40, $0x38;
	[tilespmem:$0x15280] =	vst v63  }
0x43: {  	_ =	swait.ge [sflag:s18], $0xC40  }
0x44: {  	[sflag:s18] =	ssyncset.done $0x0  }
0x45: {  	s1 =	simm.s32 $0x0;
	[sflag:s18] =	ssyncadd.s32 $0xFFFFF3C0  }
.LBB2_2:
0x46: {  	s21 =	sshll.u32 s1, $0x5  }
0x47: {  	v2 =	vld [tilespmem:s21+$0x12080]  }
0x48: {  	v0 =	vld [tilespmem:s21+$0x12D00]  }
0x49: {  	v3 =	vld [tilespmem:s21+$0x13980]  }
0x4a: {  	v4 =	vld [tilespmem:s21+$0x14600]  }
0x4b: {  	v5 =	vld [tilespmem:s21+$0x12090]  }
0x4c: {  	v1 =	vld [tilespmem:s21+$0x12D10]  }
0x4d: {  	v6 =	vld [tilespmem:s21+$0x13990]  }
0x4e: {  	s22 =	simm.s32 $0x10040;
	v7 =	vld [tilespmem:s21+$0x14610]  }
0x4f: {  	v11 =	vld [tilespmem:s22+$0x30]  }
0x50: {  	v14 =	vld [tilespmem:s22+$0x20]  }
0x51: {  	s23 =	simm.s32 $0x0;
	v17 =	vld [tilespmem:s22+$0x10]  }
0x52: {  	v19 =	vld [tilespmem:s22+$0x0];
	v13 =	vadd.s32 s23, v2  }
0x53: {  	s21 =	simm.s32 $0x10840;
	v20 =	vld [tilespmem:s22+$0xFFFFFFC0];
	v15 =	vadd.s32 s23, v0  }
0x54: {  	v9 =	vld [tilespmem:s21+$0x30];
	v16 =	vadd.s32 s23, v5  }
0x55: {  	s25 =	simm.s32 $0x380;
	v10 =	vld [tilespmem:s21+$0x20];
	v18 =	vadd.s32 s23, v1  }
0x56: {  	v12 =	vld [tilespmem:s21+$0x10];
	v21 =	vadd.s32 s25, v2  }
0x57: {  	v22 =	vadd.s32 s25, v0;
	v13 =	vld.idx.msk [tilespmem:v13+s2+$0x0], $0xffff  }
0x58: {  	v23 =	vadd.s32 s25, v5;
	v15 =	vld.idx.msk [tilespmem:v15+s19+$0x0], $0xffff  }
0x59: {  	s24 =	simm.s32 $0x300;
	v24 =	vadd.s32 s25, v1;
	v16 =	vld.idx.msk [tilespmem:v16+s2+$0x0], $0xffff  }
0x5a: {  	v25 =	vadd.s32 s24, v2;
	v18 =	vld.idx.msk [tilespmem:v18+s19+$0x0], $0xffff  }
0x5b: {  	v26 =	vadd.s32 s24, v0;
	v21 =	vld.idx.msk [tilespmem:v21+s2+$0x0], $0xffff  }
0x5c: {  	v27 =	vadd.s32 s24, v5;
	v22 =	vld.idx.msk [tilespmem:v22+s19+$0x0], $0xffff  }
0x5d: {  	s28 =	simm.s32 $0x280;
	v28 =	vadd.s32 s24, v1;
	v23 =	vld.idx.msk [tilespmem:v23+s2+$0x0], $0xffff  }
0x5e: {  	v29 =	vadd.s32 s28, v2;
	v24 =	vld.idx.msk [tilespmem:v24+s19+$0x0], $0xffff  }
0x5f: {  	v30 =	vadd.s32 s28, v0;
	v25 =	vld.idx.msk [tilespmem:v25+s2+$0x0], $0xffff  }
0x60: {  	v31 =	vadd.s32 s28, v5;
	v26 =	vld.idx.msk [tilespmem:v26+s19+$0x0], $0xffff  }
0x61: {  	s29 =	simm.s32 $0x200;
	v32 =	vadd.s32 s28, v1;
	v27 =	vld.idx.msk [tilespmem:v27+s2+$0x0], $0xffff  }
0x62: {  	v33 =	vadd.s32 s29, v2;
	v28 =	vld.idx.msk [tilespmem:v28+s19+$0x0], $0xffff  }
0x63: {  	v34 =	vadd.s32 s29, v0;
	v29 =	vld.idx.msk [tilespmem:v29+s2+$0x0], $0xffff  }
0x64: {  	v35 =	vadd.s32 s29, v5;
	v30 =	vld.idx.msk [tilespmem:v30+s19+$0x0], $0xffff  }
0x65: {  	s25 =	simm.s32 $0x180;
	v36 =	vadd.s32 s29, v1;
	v31 =	vld.idx.msk [tilespmem:v31+s2+$0x0], $0xffff  }
0x66: {  	v37 =	vadd.s32 s25, v2;
	v32 =	vld.idx.msk [tilespmem:v32+s19+$0x0], $0xffff  }
0x67: {  	v38 =	vadd.s32 s25, v0;
	v33 =	vld.idx.msk [tilespmem:v33+s2+$0x0], $0xffff  }
0x68: {  	v39 =	vadd.s32 s25, v5;
	v34 =	vld.idx.msk [tilespmem:v34+s19+$0x0], $0xffff  }
0x69: {  	s28 =	simm.s32 $0x100;
	v40 =	vadd.s32 s25, v1;
	v35 =	vld.idx.msk [tilespmem:v35+s2+$0x0], $0xffff  }
0x6a: {  	v41 =	vadd.s32 s28, v2;
	v36 =	vld.idx.msk [tilespmem:v36+s19+$0x0], $0xffff  }
0x6b: {  	v42 =	vadd.s32 s28, v0;
	v37 =	vld.idx.msk [tilespmem:v37+s2+$0x0], $0xffff  }
0x6c: {  	v43 =	vadd.s32 s28, v5;
	v38 =	vld.idx.msk [tilespmem:v38+s19+$0x0], $0xffff  }
0x6d: {  	s29 =	simm.s32 $0x80;
	v44 =	vadd.s32 s28, v1;
	v39 =	vld.idx.msk [tilespmem:v39+s2+$0x0], $0xffff  }
0x6e: {  	v51 =	vmul.f32 v11, v3;
	v45 =	vadd.s32 s29, v2;
	v40 =	vld.idx.msk [tilespmem:v40+s19+$0x0], $0xffff  }
0x6f: {  	v11 =	vmul.f32 v11, v6;
	v53 =	vmul.f32 v14, v3;
	v46 =	vadd.s32 s29, v0;
	v41 =	vld.idx.msk [tilespmem:v41+s2+$0x0], $0xffff  }
0x70: {  	v14 =	vmul.f32 v14, v6;
	v55 =	vmul.f32 v20, v3;
	v42 =	vld.idx.msk [tilespmem:v42+s19+$0x0], $0xffff  }
0x71: {  	v20 =	vmul.f32 v20, v6;
	v47 =	vadd.s32 s29, v5;
	v48 =	vmul.f32 v9, v4;
	v43 =	vld.idx.msk [tilespmem:v43+s2+$0x0], $0xffff  }
0x72: {  	v49 =	vadd.s32 s29, v1;
	v44 =	vld.idx.msk [tilespmem:v44+s19+$0x0], $0xffff;
	v13 =	vadd.f32 v15, v13;
	v15 =	vadd.f32 v18, v16  }
0x73: {  	v9 =	vmul.f32 v9, v7;
	v45 =	vld.idx.msk [tilespmem:v45+s2+$0x0], $0xffff;
	v21 =	vadd.f32 v22, v21;
	v22 =	vadd.f32 v24, v23  }
0x74: {  	v50 =	vmul.f32 v10, v4;
	v46 =	vld.idx.msk [tilespmem:v46+s19+$0x0], $0xffff;
	v24 =	vadd.f32 v26, v25;
	v25 =	vadd.f32 v28, v27  }
0x75: {  	v61 =	vld [tilespmem:s22+$0xFFFFFFD0];
	v10 =	vmul.f32 v10, v7;
	v27 =	vadd.f32 v30, v29;
	v28 =	vadd.f32 v32, v31  }
0x76: {  	v58 =	vld [tilespmem:s21+$0xFFFFFFC0];
	v52 =	vmul.f32 v12, v4;
	v30 =	vadd.f32 v34, v33;
	v54 =	vadd.f32 v36, v35  }
0x77: {  	v63 =	vld.idx.msk [tilespmem:v49+s19+$0x0], $0xffff;
	v49 =	vmul.f32 v17, v3;
	v56 =	vadd.f32 v38, v37;
	v57 =	vadd.f32 v40, v39  }
0x78: {  	v17 =	vmul.f32 v17, v6;
	v59 =	vadd.f32 v42, v41;
	v60 =	vadd.f32 v44, v43  }
0x79: {  	v26 =	vmul.f32 v19, v3;
	v62 =	vadd.f32 v46, v45;
	v13 =	vadd.f32 v13, v55  }
0x7a: {  	v8 =	vld [tilespmem:s21+$0x0];
	v19 =	vmul.f32 v19, v6;
	v15 =	vadd.f32 v15, v20;
	v21 =	vadd.f32 v21, v51  }
0x7b: {  	v42 =	vmul.f32 v61, v3;
	v11 =	vadd.f32 v22, v11;
	v24 =	vadd.f32 v24, v53  }
0x7c: {  	v16 =	vld.idx.msk [tilespmem:v47+s2+$0x0], $0xffff;
	v46 =	vmul.f32 v58, v7;
	v14 =	vadd.f32 v25, v14;
	v27 =	vadd.f32 v27, v49  }
0x7d: {  	v23 =	vld [tilespmem:s22+$0xFFFFFFF0];
	v25 =	vmul.f32 v58, v4;
	v17 =	vadd.f32 v28, v17;
	v26 =	vadd.f32 v30, v26  }
0x7e: {  	v12 =	vmul.f32 v12, v7;
	v29 =	vld [tilespmem:s22+$0xFFFFFFE0];
	v19 =	vadd.f32 v54, v19;
	v28 =	vadd.f32 v62, v42  }
0x7f: {  	v18 =	vmul.f32 v8, v4;
	v47 =	vld [tilespmem:s21+$0xFFFFFFD0];
	v13 =	vadd.f32 v13, v25;
	v15 =	vadd.f32 v15, v46  }
0x80: {  	v8 =	vmul.f32 v8, v7;
	v41 =	vld [tilespmem:s21+$0xFFFFFFF0];
	v21 =	vadd.f32 v21, v48;
	v9 =	vadd.f32 v11, v9  }
0x81: {  	v43 =	vmul.f32 v61, v6;
	v44 =	vld [tilespmem:s21+$0xFFFFFFE0];
	v24 =	vadd.f32 v24, v50;
	v10 =	vadd.f32 v14, v10  }
0x82: {  	v16 =	vadd.f32 v63, v16;
	v63 =	vmul.f32 v23, v3;
	v20 =	vmul.f32 v23, v6  }
0x83: {  	v12 =	vadd.f32 v17, v12;
	v23 =	vmul.f32 v29, v3;
	v22 =	vmul.f32 v29, v6  }
0x84: {  	v8 =	vadd.f32 v19, v8;
	v17 =	vmul.f32 v47, v4;
	v19 =	vmul.f32 v47, v7  }
0x85: {  	v27 =	vadd.f32 v27, v52;
	v25 =	vmul.f32 v41, v4;
	v29 =	vmul.f32 v41, v7  }
0x86: {  	v18 =	vadd.f32 v26, v18;
	v11 =	vmul.f32 v44, v4;
	v14 =	vmul.f32 v44, v7  }
0x87: {  	v13 =	vmax.f32 v13, $0.0e+00;
	v15 =	vmax.f32 v15, $0.0e+00;
	v21 =	vmax.f32 v21, $0.0e+00  }
0x88: {  	v9 =	vmax.f32 v9, $0.0e+00;
	v10 =	vmax.f32 v10, $0.0e+00;
	v45 =	vadd.f32 v56, v63  }
0x89: {  	v26 =	vmax.f32 v8, $0.0e+00;
	v20 =	vadd.f32 v57, v20;
	v23 =	vadd.f32 v59, v23  }
0x8a: {  	v12 =	vmax.f32 v12, $0.0e+00;
	v22 =	vadd.f32 v60, v22;
	v16 =	vadd.f32 v16, v43  }
0x8b: {  	v17 =	vadd.f32 v28, v17;
	v8 =	vshrl.u32 v13, $0x10;
	v49 =	vshrl.u32 v10, $0x10  }
0x8c: {  	v50 =	vshrl.u32 v9, $0x10;
	v53 =	vshrl.u32 v12, $0x10;
	v56 =	vshrl.u32 v26, $0x10  }
0x8d: {  	v8 =	vand.u32 $0x1, v8;
	v32 =	vand.u32 $0x1, v53;
	v28 =	vand.u32 $0x1, v49  }
0x8e: {  	s25 =	simm.s32 $0x400;
	v36 =	vand.u32 $0x1, v56;
	v25 =	vadd.f32 v45, v25;
	v20 =	vadd.f32 v20, v29  }
0x8f: {  	v56 =	vadd.s32 s25, v0;
	v11 =	vadd.f32 v23, v11;
	v14 =	vadd.f32 v22, v14  }
0x90: {  	v16 =	vadd.f32 v16, v19;
	v22 =	vmax.f32 v27, $0.0e+00;
	v23 =	vmax.f32 v24, $0.0e+00  }
0x91: {  	v24 =	vmax.f32 v18, $0.0e+00;
	v17 =	vmax.f32 v17, $0.0e+00;
	v18 =	vshrl.u32 v21, $0x10  }
0x92: {  	v29 =	vand.u32 $0x1, v50;
	v13 =	vadd.s32 v8, v13;
	v10 =	vadd.s32 v28, v10  }
0x93: {  	v26 =	vadd.s32 v36, v26;
	v12 =	vadd.s32 v32, v12;
	v19 =	vshrl.u32 v23, $0x10  }
0x94: {  	v51 =	vshrl.u32 v24, $0x10;
	v52 =	vshrl.u32 v22, $0x10;
	v57 =	vshrl.u32 v17, $0x10  }
0x95: {  	v62 =	vand.u32 $0x1, v18;
	v29 =	vadd.s32 v29, v9;
	v53 =	vadd.s32 $0x7FFF, v13  }
0x96: {  	v34 =	vld [tilespmem:$0x12000];
	s21 =	simm.s32 $0x11040;
	v26 =	vadd.s32 $0x7FFF, v26;
	v11 =	vmax.f32 v11, $0.0e+00;
	v25 =	vmax.f32 v25, $0.0e+00  }
0x97: {  	v40 =	vld [tilespmem:s21+$0xFFFFFFC0];
	v20 =	vmax.f32 v20, $0.0e+00;
	v16 =	vmax.f32 v16, $0.0e+00;
	v27 =	vmax.f32 v14, $0.0e+00  }
0x98: {  	v46 =	vld [tilespmem:s21+$0xFFFFFFF0];
	v14 =	vshrl.u32 v15, $0x10;
	v61 =	vand.u32 $0x1, v19;
	v31 =	vand.u32 $0x1, v52  }
0x99: {  	s28 =	simm.s32 $0x780;
	v47 =	vld [tilespmem:s21+$0x0];
	v30 =	vand.u32 $0x1, v51;
	v37 =	vand.u32 $0x1, v57;
	v21 =	vadd.s32 v62, v21  }
0x9a: {  	v43 =	vld [tilespmem:s21+$0xFFFFFFD0];
	v29 =	vadd.s32 $0x7FFF, v29;
	v57 =	vadd.s32 s25, v5;
	v62 =	vadd.s32 s28, v1  }
0x9b: {  	s22 =	simm.s32 $0x108C0;
	v45 =	vld [tilespmem:s21+$0xFFFFFFE0];
	v26 =	vand.u32 $0xFFFF0000, v26;
	v54 =	vshrl.u32 v25, $0x10;
	v55 =	vshrl.u32 v20, $0x10  }
0x9c: {  	v8 =	vld [tilespmem:s22+$0x30];
	v58 =	vshrl.u32 v11, $0x10;
	v59 =	vshrl.u32 v27, $0x10;
	v14 =	vand.u32 $0x1, v14  }
0x9d: {  	v18 =	vld [tilespmem:s21+$0x20];
	v60 =	vshrl.u32 v16, $0x10;
	v22 =	vadd.s32 v31, v22;
	v23 =	vadd.s32 v61, v23  }
0x9e: {  	s23 =	simm.s32 $0x100C0;
	v9 =	vld [tilespmem:s22+$0x20];
	v24 =	vadd.s32 v30, v24;
	v21 =	vadd.s32 $0x7FFF, v21;
	v61 =	vadd.s32 s28, v5  }
0x9f: {  	v13 =	vld [tilespmem:s23+$0x10];
	v31 =	vand.u32 $0xFFFF0000, v53;
	v26 =	vmul.f32 v26, v47;
	v29 =	vand.u32 $0xFFFF0000, v29  }
0xa0: {  	v19 =	vld [tilespmem:s21+$0x10];
	v33 =	vand.u32 $0x1, v54;
	v38 =	vand.u32 $0x1, v58;
	v39 =	vand.u32 $0x1, v59  }
0xa1: {  	v35 =	vand.u32 $0x1, v55;
	v41 =	vand.u32 $0x1, v60;
	v63 =	vadd.s32 v14, v15;
	v14 =	vld [tilespmem:s21+$0x30]  }
0xa2: {  	v15 =	vld [tilespmem:s23+$0x30];
	v55 =	vadd.s32 s25, v2;
	v23 =	vadd.s32 $0x7FFF, v23;
	v24 =	vadd.s32 $0x7FFF, v24  }
0xa3: {  	v22 =	vadd.s32 $0x7FFF, v22;
	v58 =	vadd.s32 s25, v1;
	v59 =	vadd.s32 s28, v2;
	v36 =	vld.idx.msk [tilespmem:v56+s19+$0x0], $0xffff  }
0xa4: {  	v60 =	vadd.s32 s28, v0;
	v31 =	vmul.f32 v31, v40;
	v52 =	vadd.s32 v41, v16;
	v16 =	vld [tilespmem:s22+$0x10]  }
0xa5: {  	v51 =	vadd.s32 v38, v11;
	v11 =	vadd.s32 v33, v25;
	v25 =	vadd.s32 v37, v17;
	v17 =	vld [tilespmem:s23+$0x20]  }
0xa6: {  	v21 =	vand.u32 $0xFFFF0000, v21;
	v20 =	vadd.s32 v35, v20;
	v35 =	vadd.s32 $0x7FFF, v10;
	v10 =	vld [tilespmem:s22+$0x0]  }
0xa7: {  	s25 =	simm.s32 $0x700;
	v27 =	vadd.s32 v39, v27;
	v54 =	vadd.s32 $0x7FFF, v63;
	v38 =	vadd.s32 $0x7FFF, v12;
	v12 =	vld [tilespmem:s23+$0x0]  }
0xa8: {  	v63 =	vadd.s32 s25, v2;
	v56 =	vadd.s32 s25, v0;
	v41 =	vadd.s32 $0x7FFF, v11;
	v11 =	vld [tilespmem:s23+$0xFFFFFFC0]  }
0xa9: {  	v24 =	vand.u32 $0xFFFF0000, v24;
	v25 =	vadd.s32 $0x7FFF, v25;
	v30 =	vadd.s32 $0x7FFF, v52;
	v37 =	vld.idx.msk [tilespmem:v57+s2+$0x0], $0xffff  }
0xaa: {  	v22 =	vand.u32 $0xFFFF0000, v22;
	v25 =	vand.u32 $0xFFFF0000, v25;
	v30 =	vand.u32 $0xFFFF0000, v30;
	v48 =	vld.idx.msk [tilespmem:v61+s2+$0x0], $0xffff  }
0xab: {  	v23 =	vand.u32 $0xFFFF0000, v23;
	v25 =	vmul.f32 v25, v43;
	v30 =	vmul.f32 v30, v43;
	v43 =	vld.idx.msk [tilespmem:v62+s19+$0x0], $0xffff  }
0xac: {  	v53 =	vmul.f32 v8, v4;
	v20 =	vadd.s32 $0x7FFF, v20;
	v28 =	vadd.s32 $0x7FFF, v51;
	v33 =	vld.idx.msk [tilespmem:v55+s2+$0x0], $0xffff  }
0xad: {  	s29 =	simm.s32 $0x680;
	v27 =	vadd.s32 $0x7FFF, v27;
	v32 =	vand.u32 $0xFFFF0000, v54;
	v57 =	vadd.s32 s25, v5;
	v39 =	vld.idx.msk [tilespmem:v58+s19+$0x0], $0xffff  }
0xae: {  	v31 =	vadd.f32 v31, v34;
	v24 =	vmul.f32 v24, v47;
	v61 =	vadd.s32 s29, v5;
	v42 =	vld.idx.msk [tilespmem:v59+s2+$0x0], $0xffff  }
0xaf: {  	v38 =	vand.u32 $0xFFFF0000, v38;
	v35 =	vand.u32 $0xFFFF0000, v35;
	v62 =	vadd.s32 s29, v1;
	v44 =	vld.idx.msk [tilespmem:v60+s19+$0x0], $0xffff  }
0xb0: {  	v32 =	vmul.f32 v32, v40;
	v28 =	vand.u32 $0xFFFF0000, v28;
	v58 =	vadd.s32 s25, v1;
	v50 =	vld.idx.msk [tilespmem:v63+s2+$0x0], $0xffff  }
0xb1: {  	v27 =	vand.u32 $0xFFFF0000, v27;
	v28 =	vmul.f32 v28, v45;
	v59 =	vadd.s32 s29, v2;
	v40 =	vld.idx.msk [tilespmem:v56+s19+$0x0], $0xffff  }
0xb2: {  	s28 =	simm.s32 $0x600;
	v27 =	vmul.f32 v27, v45;
	v32 =	vadd.f32 v32, v34;
	v60 =	vadd.s32 s29, v0;
	v45 =	vld.idx.msk [tilespmem:v57+s2+$0x0], $0xffff  }
0xb3: {  	v23 =	vmul.f32 v23, v18;
	v55 =	vadd.s32 s28, v0;
	v25 =	vadd.f32 v25, v31;
	v31 =	vld.idx.msk [tilespmem:v61+s2+$0x0], $0xffff  }
0xb4: {  	v54 =	vmul.f32 v8, v7;
	v63 =	vadd.s32 s28, v2;
	v30 =	vadd.f32 v30, v32;
	v32 =	vld.idx.msk [tilespmem:v62+s19+$0x0], $0xffff  }
0xb5: {  	v41 =	vand.u32 $0xFFFF0000, v41;
	v22 =	vmul.f32 v22, v19;
	v56 =	vadd.s32 s28, v5;
	v52 =	vld.idx.msk [tilespmem:v58+s19+$0x0], $0xffff  }
0xb6: {  	v20 =	vand.u32 $0xFFFF0000, v20;
	v19 =	vmul.f32 v38, v19;
	v18 =	vmul.f32 v35, v18;
	v34 =	vld.idx.msk [tilespmem:v59+s2+$0x0], $0xffff  }
0xb7: {  	v41 =	vmul.f32 v41, v46;
	v20 =	vmul.f32 v20, v46;
	s29 =	simm.s32 $0x580;
	v57 =	vadd.s32 s28, v1;
	v46 =	vld.idx.msk [tilespmem:v60+s19+$0x0], $0xffff  }
0xb8: {  	v21 =	vmul.f32 v21, v14;
	v25 =	vadd.f32 v28, v25;
	v58 =	vadd.s32 s29, v2;
	v28 =	vld.idx.msk [tilespmem:v55+s19+$0x0], $0xffff  }
0xb9: {  	s28 =	simm.s32 $0x500;
	v27 =	vadd.f32 v27, v30;
	v43 =	vadd.f32 v43, v48;
	v59 =	vadd.s32 s29, v5;
	v47 =	vld.idx.msk [tilespmem:v63+s2+$0x0], $0xffff  }
0xba: {  	v25 =	vadd.f32 v41, v25;
	v60 =	vadd.s32 s28, v0;
	v42 =	vadd.f32 v44, v42;
	v30 =	vld.idx.msk [tilespmem:v56+s2+$0x0], $0xffff  }
0xbb: {  	v14 =	vmul.f32 v29, v14;
	v20 =	vadd.f32 v20, v27;
	v40 =	vadd.f32 v40, v50;
	v50 =	vld [tilespmem:s22+$0xFFFFFFF0]  }
0xbc: {  	v27 =	vadd.s32 s29, v0;
	v56 =	vmul.f32 v9, v4;
	v24 =	vadd.f32 v24, v25;
	v38 =	vld.idx.msk [tilespmem:v57+s19+$0x0], $0xffff  }
0xbd: {  	v25 =	vadd.s32 s29, v1;
	s29 =	simm.s32 $0x480;
	v20 =	vadd.f32 v26, v20;
	v26 =	vadd.s32 s28, v2;
	v41 =	vld.idx.msk [tilespmem:v58+s2+$0x0], $0xffff  }
0xbe: {  	v61 =	vadd.s32 s29, v2;
	v62 =	vadd.s32 s29, v5;
	v55 =	vadd.s32 s29, v1;
	v35 =	vld.idx.msk [tilespmem:v59+s2+$0x0], $0xffff  }
0xbf: {  	v57 =	vmul.f32 v9, v7;
	v22 =	vadd.f32 v22, v24;
	v24 =	vadd.s32 s28, v5;
	v49 =	vld.idx.msk [tilespmem:v60+s19+$0x0], $0xffff  }
0xc0: {  	v31 =	vadd.f32 v32, v31;
	v19 =	vadd.f32 v19, v20;
	v20 =	vadd.s32 s28, v1;
	v58 =	vld [tilespmem:s23+$0xFFFFFFF0]  }
0xc1: {  	v45 =	vadd.f32 v52, v45;
	v59 =	vmul.f32 v12, v3;
	v34 =	vadd.f32 v46, v34;
	v60 =	vld [tilespmem:s23+$0xFFFFFFE0]  }
0xc2: {  	v12 =	vmul.f32 v12, v6;
	v52 =	vld [tilespmem:s22+$0xFFFFFFE0];
	v22 =	vadd.f32 v23, v22;
	v28 =	vadd.f32 v28, v47  }
0xc3: {  	v27 =	vld.idx.msk [tilespmem:v27+s19+$0x0], $0xffff;
	v9 =	vadd.f32 v18, v19;
	v19 =	vmul.f32 v15, v3;
	v15 =	vmul.f32 v15, v6  }
0xc4: {  	v25 =	vld.idx.msk [tilespmem:v25+s19+$0x0], $0xffff;
	v8 =	vadd.f32 v21, v22;
	v21 =	vmul.f32 v16, v4;
	v16 =	vmul.f32 v16, v7  }
0xc5: {  	v23 =	vadd.s32 s29, v0;
	v26 =	vld.idx.msk [tilespmem:v26+s2+$0x0], $0xffff;
	v22 =	vmul.f32 v17, v3;
	v17 =	vmul.f32 v17, v6  }
0xc6: {  	v63 =	vld.idx.msk [tilespmem:v55+s19+$0x0], $0xffff;
	v55 =	vmul.f32 v13, v3;
	v30 =	vadd.f32 v38, v30;
	v28 =	vadd.f32 v28, v59  }
0xc7: {  	v29 =	vld.idx.msk [tilespmem:v62+s2+$0x0], $0xffff;
	v13 =	vmul.f32 v13, v6;
	v9 =	vadd.f32 v14, v9;
	v19 =	vadd.f32 v42, v19  }
0xc8: {  	v59 =	vmul.f32 v50, v7;
	v15 =	vadd.f32 v43, v15;
	v18 =	vld.idx.msk [tilespmem:v20+s19+$0x0], $0xffff;
	v22 =	vadd.f32 v40, v22  }
0xc9: {  	v20 =	vld.idx.msk [tilespmem:v61+s2+$0x0], $0xffff;
	v61 =	vmul.f32 v11, v3;
	v17 =	vadd.f32 v45, v17;
	v34 =	vadd.f32 v34, v55  }
0xca: {  	v62 =	vld [tilespmem:s22+$0xFFFFFFC0];
	v11 =	vmul.f32 v11, v6;
	v13 =	vadd.f32 v31, v13;
	v12 =	vadd.f32 v30, v12  }
0xcb: {  	v46 =	vmul.f32 v58, v6;
	v14 =	vld.idx.msk [tilespmem:v23+s19+$0x0], $0xffff;
	v23 =	vadd.f32 v36, v33;
	v33 =	vadd.f32 v39, v37  }
0xcc: {  	v24 =	vld.idx.msk [tilespmem:v24+s2+$0x0], $0xffff;
	v47 =	vmul.f32 v60, v3;
	v27 =	vadd.f32 v27, v41;
	v19 =	vadd.f32 v19, v53  }
0xcd: {  	v32 =	vmul.f32 v60, v6;
	v15 =	vadd.f32 v15, v54;
	v25 =	vadd.f32 v25, v35  }
0xce: {  	v60 =	vmul.f32 v52, v4;
	v22 =	vadd.f32 v22, v56;
	v21 =	vadd.f32 v34, v21  }
0xcf: {  	v36 =	vmul.f32 v10, v4;
	v26 =	vadd.f32 v49, v26;
	v23 =	vadd.f32 v23, v61  }
0xd0: {  	v11 =	vadd.f32 v33, v11;
	v49 =	vmul.f32 v62, v4;
	v61 =	vadd.f32 v17, v57  }
0xd1: {  	v55 =	vmul.f32 v62, v7;
	v62 =	vadd.f32 v13, v16;
	v18 =	vadd.f32 v18, v24;
	v24 =	vld [tilespmem:s23+$0xFFFFFFD0]  }
0xd2: {  	v10 =	vmul.f32 v10, v7;
	v16 =	vadd.f32 v28, v36;
	v25 =	vadd.f32 v25, v46  }
0xd3: {  	v17 =	vmul.f32 v52, v7;
	v26 =	vadd.f32 v26, v47;
	v11 =	vadd.f32 v11, v55  }
0xd4: {  	v14 =	vadd.f32 v14, v20;
	v20 =	vadd.f32 v63, v29;
	v63 =	vmul.f32 v58, v3;
	v58 =	vld [tilespmem:s22+$0xFFFFFFD0]  }
0xd5: {  	v15 =	vmax.f32 v15, $0.0e+00;
	v29 =	vadd.f32 v25, v59;
	v18 =	vadd.f32 v18, v32  }
0xd6: {  	v26 =	vadd.f32 v26, v60;
	v51 =	vmul.f32 v24, v3;
	v24 =	vmul.f32 v24, v6  }
0xd7: {  	v16 =	vmax.f32 v16, $0.0e+00;
	v27 =	vadd.f32 v27, v63;
	v63 =	vadd.f32 v12, v10  }
0xd8: {  	v20 =	vadd.f32 v20, v24;
	v24 =	vadd.f32 v23, v49;
	v23 =	vmul.f32 v50, v4  }
0xd9: {  	v13 =	vmul.f32 v58, v4;
	v12 =	vmul.f32 v58, v7;
	v14 =	vadd.f32 v14, v51  }
0xda: {  	v11 =	vmax.f32 v11, $0.0e+00;
	v27 =	vadd.f32 v27, v23;
	v23 =	vadd.f32 v18, v17  }
0xdb: {  	v10 =	vmax.f32 v24, $0.0e+00;
	v24 =	vadd.f32 v14, v13;
	v25 =	vadd.f32 v20, v12  }
0xdc: {  	v12 =	vmax.f32 v19, $0.0e+00;
	v17 =	vmax.f32 v21, $0.0e+00;
	v13 =	vmax.f32 v22, $0.0e+00  }
0xdd: {  	v14 =	vmax.f32 v61, $0.0e+00;
	v21 =	vmax.f32 v63, $0.0e+00;
	v18 =	vmax.f32 v62, $0.0e+00  }
0xde: {  	s24 =	simm.s32 $0x10;
	v22 =	vmax.f32 v26, $0.0e+00;
	v20 =	vmax.f32 v29, $0.0e+00;
	v19 =	vmax.f32 v27, $0.0e+00  }
.LBB2_3:
0xdf: {  	p0 =	slt.u32 s24, $0x78;
	v24 =	vmax.f32 v24, $0.0e+00;
	v25 =	vmax.f32 v25, $0.0e+00;
	v23 =	vmax.f32 v23, $0.0e+00  }
0xe0: {  	v26 =	vshrl.u32 v10, $0x10;
	v27 =	vshrl.u32 v11, $0x10;
	v28 =	vshrl.u32 v12, $0x10  }
0xe1: {  	v29 =	vshrl.u32 v13, $0x10;
	v30 =	vshrl.u32 v14, $0x10;
	v31 =	vshrl.u32 v15, $0x10  }
0xe2: {  	v32 =	vshrl.u32 v16, $0x10;
	v33 =	vshrl.u32 v17, $0x10;
	v34 =	vshrl.u32 v18, $0x10  }
0xe3: {  	v35 =	vshrl.u32 v19, $0x10;
	v36 =	vshrl.u32 v20, $0x10;
	v37 =	vshrl.u32 v21, $0x10  }
0xe4: {  	v39 =	vshrl.u32 v22, $0x10;
	v38 =	vshrl.u32 v24, $0x10;
	v40 =	vshrl.u32 v23, $0x10  }
0xe5: {  	v26 =	vand.u32 $0x1, v26;
	v27 =	vand.u32 $0x1, v27;
	v41 =	vshrl.u32 v25, $0x10  }
0xe6: {  	v29 =	vand.u32 $0x1, v29;
	v28 =	vand.u32 $0x1, v28;
	v31 =	vand.u32 $0x1, v31  }
0xe7: {  	v33 =	vand.u32 $0x1, v33;
	v34 =	vand.u32 $0x1, v34;
	v30 =	vand.u32 $0x1, v30  }
0xe8: {  	v35 =	vand.u32 $0x1, v35;
	v32 =	vand.u32 $0x1, v32;
	v37 =	vand.u32 $0x1, v37  }
0xe9: {  	v39 =	vand.u32 $0x1, v39;
	v36 =	vand.u32 $0x1, v36;
	v40 =	vand.u32 $0x1, v40  }
0xea: {  	v10 =	vadd.s32 v26, v10;
	v26 =	vand.u32 $0x1, v38;
	v38 =	vand.u32 $0x1, v41  }
0xeb: {  	v11 =	vadd.s32 v27, v11;
	v12 =	vadd.s32 v28, v12;
	v15 =	vadd.s32 v31, v15  }
0xec: {  	v17 =	vadd.s32 v33, v17;
	v13 =	vadd.s32 v29, v13;
	v14 =	vadd.s32 v30, v14  }
0xed: {  	v16 =	vadd.s32 v32, v16;
	v21 =	vadd.s32 v37, v21;
	v18 =	vadd.s32 v34, v18  }
0xee: {  	v22 =	vadd.s32 v39, v22;
	v19 =	vadd.s32 v35, v19;
	v20 =	vadd.s32 v36, v20  }
0xef: {  	v24 =	vadd.s32 v26, v24;
	v25 =	vadd.s32 v38, v25;
	v23 =	vadd.s32 v40, v23  }
0xf0: {  	s21 =	sadd.s32 $0x80, s21;
	v10 =	vadd.s32 $0x7FFF, v10;
	v11 =	vadd.s32 $0x7FFF, v11;
	v12 =	vadd.s32 $0x7FFF, v12  }
0xf1: {  	v13 =	vadd.s32 $0x7FFF, v13;
	v14 =	vadd.s32 $0x7FFF, v14;
	v15 =	vadd.s32 $0x7FFF, v15;
	v26 =	vld [tilespmem:s21+$0xFFFFFFC0]  }
0xf2: {  	v16 =	vadd.s32 $0x7FFF, v16;
	v17 =	vadd.s32 $0x7FFF, v17;
	v18 =	vadd.s32 $0x7FFF, v18;
	v27 =	vld [tilespmem:s21+$0xFFFFFFD0]  }
0xf3: {  	v19 =	vadd.s32 $0x7FFF, v19;
	v20 =	vadd.s32 $0x7FFF, v20;
	v21 =	vadd.s32 $0x7FFF, v21  }
0xf4: {  	v22 =	vadd.s32 $0x7FFF, v22;
	v24 =	vadd.s32 $0x7FFF, v24;
	v23 =	vadd.s32 $0x7FFF, v23;
	v28 =	vld [tilespmem:s21+$0xFFFFFFE0]  }
0xf5: {  	v10 =	vand.u32 $0xFFFF0000, v10;
	v11 =	vand.u32 $0xFFFF0000, v11;
	v25 =	vadd.s32 $0x7FFF, v25  }
0xf6: {  	v24 =	vand.u32 $0xFFFF0000, v24;
	v10 =	vmul.f32 v10, v26;
	v11 =	vmul.f32 v11, v26;
	v26 =	vld [tilespmem:s21+$0xFFFFFFF0]  }
0xf7: {  	v22 =	vand.u32 $0xFFFF0000, v22;
	v25 =	vand.u32 $0xFFFF0000, v25;
	v24 =	vmul.f32 v24, v27  }
0xf8: {  	v8 =	vadd.f32 v10, v8;
	v9 =	vadd.f32 v11, v9;
	v10 =	vmul.f32 v25, v27;
	v11 =	vld [tilespmem:s21+$0x0]  }
0xf9: {  	v19 =	vand.u32 $0xFFFF0000, v19;
	v23 =	vand.u32 $0xFFFF0000, v23;
	v22 =	vmul.f32 v22, v28  }
0xfa: {  	v8 =	vadd.f32 v24, v8;
	v9 =	vadd.f32 v10, v9;
	v10 =	vmul.f32 v23, v28;
	v23 =	vld [tilespmem:s21+$0x10]  }
0xfb: {  	v20 =	vand.u32 $0xFFFF0000, v20;
	v16 =	vand.u32 $0xFFFF0000, v16;
	v19 =	vmul.f32 v19, v26  }
0xfc: {  	v8 =	vadd.f32 v22, v8;
	v9 =	vadd.f32 v10, v9;
	v10 =	vmul.f32 v20, v26;
	v20 =	vld [tilespmem:s21+$0x20]  }
0xfd: {  	v21 =	vand.u32 $0xFFFF0000, v21;
	v17 =	vand.u32 $0xFFFF0000, v17;
	v16 =	vmul.f32 v16, v11  }
0xfe: {  	v8 =	vadd.f32 v19, v8;
	v9 =	vadd.f32 v10, v9;
	v10 =	vmul.f32 v21, v11;
	v11 =	vld [tilespmem:s21+$0x30]  }
0xff: {  	s22 =	sadd.s32 $0x80, s22;
	v18 =	vand.u32 $0xFFFF0000, v18;
	v13 =	vand.u32 $0xFFFF0000, v13;
	v17 =	vmul.f32 v17, v23  }
0x100: {  	v19 =	vld [tilespmem:s22+$0x30];
	v8 =	vadd.f32 v16, v8;
	v9 =	vadd.f32 v10, v9;
	v10 =	vmul.f32 v18, v23  }
0x101: {  	s23 =	sadd.s32 $0x80, s23;
	v14 =	vand.u32 $0xFFFF0000, v14;
	v12 =	vand.u32 $0xFFFF0000, v12;
	v16 =	vld [tilespmem:s22+$0x20];
	v13 =	vmul.f32 v13, v20  }
0x102: {  	s25 =	sshll.u32 s24, $0x7;
	v18 =	vld [tilespmem:s23+$0x30];
	v8 =	vadd.f32 v17, v8;
	v9 =	vadd.f32 v10, v9;
	v10 =	vmul.f32 v14, v20  }
0x103: {  	v15 =	vand.u32 $0xFFFF0000, v15;
	v14 =	vadd.s32 s25, v2;
	v17 =	vld [tilespmem:s22+$0x10];
	v12 =	vmul.f32 v12, v11  }
0x104: {  	v11 =	vmul.f32 v15, v11;
	v20 =	vld [tilespmem:s23+$0x20];
	v8 =	vadd.f32 v13, v8;
	v9 =	vadd.f32 v10, v9  }
0x105: {  	v13 =	vadd.s32 s25, v0;
	v10 =	vld [tilespmem:s22+$0x0]  }
0x106: {  	v15 =	vadd.s32 s25, v5;
	v21 =	vld [tilespmem:s23+$0x10];
	v8 =	vadd.f32 v12, v8;
	v9 =	vadd.f32 v11, v9  }
0x107: {  	s28 =	sadd.s32 $0x380, s25;
	v22 =	vadd.s32 s25, v1;
	v12 =	vld [tilespmem:s23+$0x0]  }
0x108: {  	v23 =	vadd.s32 s28, v2;
	v11 =	vld [tilespmem:s23+$0xFFFFFFC0]  }
0x109: {  	v24 =	vadd.s32 s28, v0;
	v14 =	vld.idx.msk [tilespmem:v14+s2+$0x0], $0xffff  }
0x10a: {  	v25 =	vadd.s32 s28, v5;
	v13 =	vld.idx.msk [tilespmem:v13+s19+$0x0], $0xffff  }
0x10b: {  	s29 =	sadd.s32 $0x300, s25;
	v26 =	vadd.s32 s28, v1;
	v15 =	vld.idx.msk [tilespmem:v15+s2+$0x0], $0xffff  }
0x10c: {  	v27 =	vadd.s32 s29, v2;
	v22 =	vld.idx.msk [tilespmem:v22+s19+$0x0], $0xffff  }
0x10d: {  	v28 =	vadd.s32 s29, v0;
	v23 =	vld.idx.msk [tilespmem:v23+s2+$0x0], $0xffff  }
0x10e: {  	v29 =	vadd.s32 s29, v5;
	v24 =	vld.idx.msk [tilespmem:v24+s19+$0x0], $0xffff  }
0x10f: {  	v30 =	vadd.s32 s29, v1;
	s28 =	sadd.s32 $0x280, s25;
	v25 =	vld.idx.msk [tilespmem:v25+s2+$0x0], $0xffff  }
0x110: {  	v31 =	vadd.s32 s28, v2;
	v26 =	vld.idx.msk [tilespmem:v26+s19+$0x0], $0xffff  }
0x111: {  	v32 =	vadd.s32 s28, v0;
	v27 =	vld.idx.msk [tilespmem:v27+s2+$0x0], $0xffff  }
0x112: {  	v33 =	vadd.s32 s28, v5;
	v28 =	vld.idx.msk [tilespmem:v28+s19+$0x0], $0xffff  }
0x113: {  	s29 =	sadd.s32 $0x200, s25;
	v34 =	vadd.s32 s28, v1;
	v29 =	vld.idx.msk [tilespmem:v29+s2+$0x0], $0xffff  }
0x114: {  	v35 =	vadd.s32 s29, v2;
	v30 =	vld.idx.msk [tilespmem:v30+s19+$0x0], $0xffff  }
0x115: {  	v36 =	vadd.s32 s29, v0;
	v31 =	vld.idx.msk [tilespmem:v31+s2+$0x0], $0xffff  }
0x116: {  	v37 =	vadd.s32 s29, v5;
	v32 =	vld.idx.msk [tilespmem:v32+s19+$0x0], $0xffff  }
0x117: {  	v38 =	vadd.s32 s29, v1;
	s28 =	sadd.s32 $0x180, s25;
	v33 =	vld.idx.msk [tilespmem:v33+s2+$0x0], $0xffff  }
0x118: {  	v39 =	vadd.s32 s28, v2;
	v34 =	vld.idx.msk [tilespmem:v34+s19+$0x0], $0xffff  }
0x119: {  	v40 =	vadd.s32 s28, v0;
	v35 =	vld.idx.msk [tilespmem:v35+s2+$0x0], $0xffff  }
0x11a: {  	v41 =	vadd.s32 s28, v5;
	v36 =	vld.idx.msk [tilespmem:v36+s19+$0x0], $0xffff  }
0x11b: {  	s29 =	sadd.s32 $0x100, s25;
	v42 =	vadd.s32 s28, v1;
	v37 =	vld.idx.msk [tilespmem:v37+s2+$0x0], $0xffff  }
0x11c: {  	v43 =	vadd.s32 s29, v2;
	v38 =	vld.idx.msk [tilespmem:v38+s19+$0x0], $0xffff  }
0x11d: {  	v44 =	vadd.s32 s29, v0;
	v39 =	vld.idx.msk [tilespmem:v39+s2+$0x0], $0xffff  }
0x11e: {  	v45 =	vadd.s32 s29, v5;
	v40 =	vld.idx.msk [tilespmem:v40+s19+$0x0], $0xffff  }
0x11f: {  	v46 =	vadd.s32 s29, v1;
	s25 =	sadd.s32 $0x80, s25;
	v41 =	vld.idx.msk [tilespmem:v41+s2+$0x0], $0xffff  }
0x120: {  	v47 =	vadd.s32 s25, v2;
	v42 =	vld.idx.msk [tilespmem:v42+s19+$0x0], $0xffff  }
0x121: {  	v48 =	vadd.s32 s25, v0;
	v43 =	vld.idx.msk [tilespmem:v43+s2+$0x0], $0xffff  }
0x122: {  	v49 =	vadd.s32 s25, v5;
	v50 =	vmul.f32 v19, v4;
	v19 =	vmul.f32 v19, v7;
	v44 =	vld.idx.msk [tilespmem:v44+s19+$0x0], $0xffff  }
0x123: {  	v51 =	vadd.s32 s25, v1;
	v52 =	vmul.f32 v16, v4;
	v16 =	vmul.f32 v16, v7;
	v45 =	vld.idx.msk [tilespmem:v45+s2+$0x0], $0xffff  }
0x124: {  	v53 =	vmul.f32 v18, v3;
	v18 =	vmul.f32 v18, v6;
	v46 =	vld.idx.msk [tilespmem:v46+s19+$0x0], $0xffff  }
0x125: {  	v54 =	vmul.f32 v17, v4;
	v17 =	vmul.f32 v17, v7;
	v47 =	vld.idx.msk [tilespmem:v47+s2+$0x0], $0xffff  }
0x126: {  	v55 =	vmul.f32 v20, v3;
	v20 =	vmul.f32 v20, v6;
	v48 =	vld.idx.msk [tilespmem:v48+s19+$0x0], $0xffff  }
0x127: {  	v13 =	vadd.f32 v13, v14;
	v14 =	vadd.f32 v22, v15;
	v22 =	vmul.f32 v10, v4;
	v15 =	vld.idx.msk [tilespmem:v49+s2+$0x0], $0xffff  }
0x128: {  	v23 =	vadd.f32 v24, v23;
	v24 =	vadd.f32 v26, v25;
	v49 =	vld.idx.msk [tilespmem:v51+s19+$0x0], $0xffff;
	v51 =	vmul.f32 v21, v3  }
0x129: {  	v26 =	vadd.f32 v28, v27;
	v27 =	vadd.f32 v30, v29;
	v21 =	vmul.f32 v21, v6;
	v25 =	vld [tilespmem:s23+$0xFFFFFFF0]  }
0x12a: {  	v28 =	vmul.f32 v12, v3;
	v29 =	vadd.f32 v32, v31;
	v30 =	vadd.f32 v34, v33  }
0x12b: {  	v12 =	vmul.f32 v12, v6;
	v32 =	vadd.f32 v36, v35;
	v33 =	vadd.f32 v38, v37;
	v31 =	vld [tilespmem:s23+$0xFFFFFFE0]  }
0x12c: {  	v34 =	vmul.f32 v11, v3;
	v35 =	vadd.f32 v40, v39;
	v36 =	vadd.f32 v42, v41  }
0x12d: {  	v11 =	vmul.f32 v11, v6;
	v38 =	vadd.f32 v44, v43;
	v39 =	vadd.f32 v46, v45;
	v37 =	vld [tilespmem:s22+$0xFFFFFFC0]  }
0x12e: {  	v41 =	vadd.f32 v48, v47;
	v15 =	vadd.f32 v49, v15;
	v40 =	vld [tilespmem:s23+$0xFFFFFFD0];
	v42 =	vmul.f32 v25, v3  }
0x12f: {  	v13 =	vadd.f32 v13, v34;
	v11 =	vadd.f32 v14, v11;
	v14 =	vmul.f32 v25, v6  }
0x130: {  	v23 =	vadd.f32 v23, v53;
	v18 =	vadd.f32 v24, v18;
	v25 =	vmul.f32 v31, v3  }
0x131: {  	v26 =	vadd.f32 v26, v55;
	v20 =	vadd.f32 v27, v20;
	v24 =	vmul.f32 v31, v6  }
0x132: {  	v29 =	vadd.f32 v29, v51;
	v21 =	vadd.f32 v30, v21;
	v27 =	vmul.f32 v37, v4;
	v31 =	vld [tilespmem:s22+$0xFFFFFFF0]  }
0x133: {  	v28 =	vadd.f32 v32, v28;
	v12 =	vadd.f32 v33, v12;
	v30 =	vmul.f32 v40, v3  }
0x134: {  	v34 =	vadd.f32 v35, v42;
	v14 =	vadd.f32 v36, v14;
	v32 =	vmul.f32 v40, v6;
	v33 =	vld [tilespmem:s22+$0xFFFFFFE0]  }
0x135: {  	v35 =	vmul.f32 v37, v7;
	v25 =	vadd.f32 v38, v25;
	v24 =	vadd.f32 v39, v24  }
0x136: {  	v10 =	vmul.f32 v10, v7;
	v30 =	vadd.f32 v41, v30;
	v15 =	vadd.f32 v15, v32;
	v36 =	vld [tilespmem:s22+$0xFFFFFFD0]  }
0x137: {  	v13 =	vadd.f32 v13, v27;
	v11 =	vadd.f32 v11, v35;
	v27 =	vmul.f32 v31, v4  }
0x138: {  	v18 =	vadd.f32 v18, v19;
	v32 =	vadd.f32 v23, v50;
	v31 =	vmul.f32 v31, v7  }
0x139: {  	v26 =	vadd.f32 v26, v52;
	v16 =	vadd.f32 v20, v16;
	v19 =	vmul.f32 v33, v4  }
0x13a: {  	v29 =	vadd.f32 v29, v54;
	v20 =	vmul.f32 v33, v7;
	v33 =	vadd.f32 v21, v17  }
0x13b: {  	v21 =	vadd.f32 v28, v22;
	v22 =	vadd.f32 v12, v10;
	v17 =	vmul.f32 v36, v4  }
0x13c: {  	v27 =	vadd.f32 v34, v27;
	v28 =	vadd.f32 v14, v31;
	v12 =	vmul.f32 v36, v7  }
0x13d: {  	v19 =	vadd.f32 v25, v19;
	v23 =	vadd.f32 v24, v20  }
.Ltmp0:
0x13e: {  	v10 =	vmax.f32 v13, $0.0e+00;
	v24 =	vadd.f32 v30, v17;
	v25 =	vadd.f32 v15, v12;
	(pc) =	sbr.rel @p0 .LBB2_3-.Ltmp0, $4  }
0x13f: {  	v11 =	vmax.f32 v11, $0.0e+00;
	v12 =	vmax.f32 v32, $0.0e+00;
	v15 =	vmax.f32 v18, $0.0e+00  }
0x140: {  	v13 =	vmax.f32 v26, $0.0e+00;
	v14 =	vmax.f32 v16, $0.0e+00;
	v17 =	vmax.f32 v29, $0.0e+00  }
0x141: {  	v16 =	vmax.f32 v21, $0.0e+00;
	v21 =	vmax.f32 v22, $0.0e+00;
	v18 =	vmax.f32 v33, $0.0e+00  }
0x142: {  	s24 =	sadd.s32 $0x8, s24;
	v20 =	vmax.f32 v28, $0.0e+00;
	v22 =	vmax.f32 v19, $0.0e+00;
	v19 =	vmax.f32 v27, $0.0e+00  }
0x143: {  	v2 =	vmax.f32 v24, $0.0e+00;
	v3 =	vmax.f32 v25, $0.0e+00;
	v4 =	vmax.f32 v23, $0.0e+00  }
0x144: {  	v5 =	vshrl.u32 v10, $0x10;
	v6 =	vshrl.u32 v11, $0x10;
	v7 =	vshrl.u32 v12, $0x10  }
0x145: {  	v23 =	vshrl.u32 v13, $0x10;
	v24 =	vshrl.u32 v14, $0x10;
	v25 =	vshrl.u32 v15, $0x10  }
0x146: {  	v26 =	vshrl.u32 v16, $0x10;
	v27 =	vshrl.u32 v17, $0x10;
	v28 =	vshrl.u32 v18, $0x10  }
0x147: {  	v29 =	vshrl.u32 v19, $0x10;
	v30 =	vshrl.u32 v20, $0x10;
	v31 =	vshrl.u32 v21, $0x10  }
0x148: {  	v33 =	vshrl.u32 v22, $0x10;
	v32 =	vshrl.u32 v2, $0x10;
	v34 =	vshrl.u32 v4, $0x10  }
0x149: {  	v5 =	vand.u32 $0x1, v5;
	v6 =	vand.u32 $0x1, v6;
	v35 =	vshrl.u32 v3, $0x10  }
0x14a: {  	v23 =	vand.u32 $0x1, v23;
	v7 =	vand.u32 $0x1, v7;
	v25 =	vand.u32 $0x1, v25  }
0x14b: {  	v27 =	vand.u32 $0x1, v27;
	v28 =	vand.u32 $0x1, v28;
	v24 =	vand.u32 $0x1, v24  }
0x14c: {  	v29 =	vand.u32 $0x1, v29;
	v26 =	vand.u32 $0x1, v26;
	v31 =	vand.u32 $0x1, v31  }
0x14d: {  	v33 =	vand.u32 $0x1, v33;
	v30 =	vand.u32 $0x1, v30;
	v34 =	vand.u32 $0x1, v34  }
0x14e: {  	v5 =	vadd.s32 v5, v10;
	v54 =	vand.u32 $0x1, v32;
	v55 =	vand.u32 $0x1, v35  }
0x14f: {  	v6 =	vadd.s32 v6, v11;
	v7 =	vadd.s32 v7, v12;
	v56 =	vadd.s32 v25, v15  }
0x150: {  	v12 =	vadd.s32 v27, v17;
	v13 =	vadd.s32 v23, v13;
	v14 =	vadd.s32 v24, v14  }
0x151: {  	v15 =	vadd.s32 v26, v16;
	v16 =	vadd.s32 v31, v21;
	v17 =	vadd.s32 v28, v18  }
0x152: {  	v18 =	vadd.s32 v33, v22;
	v19 =	vadd.s32 v29, v19;
	v20 =	vadd.s32 v30, v20  }
0x153: {  	s21 =	sadd.s32 $0x80, s21;
	v2 =	vadd.s32 v54, v2;
	v3 =	vadd.s32 v55, v3;
	v4 =	vadd.s32 v34, v4  }
0x154: {  	v57 =	vld [tilespmem:s21+$0xFFFFFFC0];
	v5 =	vadd.s32 $0x7FFF, v5;
	v6 =	vadd.s32 $0x7FFF, v6;
	v7 =	vadd.s32 $0x7FFF, v7  }
0x155: {  	v13 =	vadd.s32 $0x7FFF, v13;
	v14 =	vadd.s32 $0x7FFF, v14;
	v11 =	vadd.s32 $0x7FFF, v56  }
0x156: {  	v21 =	vld [tilespmem:s21+$0xFFFFFFD0];
	v15 =	vadd.s32 $0x7FFF, v15;
	v12 =	vadd.s32 $0x7FFF, v12;
	v17 =	vadd.s32 $0x7FFF, v17  }
0x157: {  	v19 =	vadd.s32 $0x7FFF, v19;
	v20 =	vadd.s32 $0x7FFF, v20;
	v16 =	vadd.s32 $0x7FFF, v16  }
0x158: {  	v22 =	vld [tilespmem:s21+$0xFFFFFFE0];
	v18 =	vadd.s32 $0x7FFF, v18;
	v2 =	vadd.s32 $0x7FFF, v2;
	v5 =	vand.u32 $0xFFFF0000, v5  }
0x159: {  	v4 =	vadd.s32 $0x7FFF, v4;
	v6 =	vand.u32 $0xFFFF0000, v6;
	v5 =	vmul.f32 v5, v57  }
0x15a: {  	v58 =	vld [tilespmem:s21+$0xFFFFFFF0];
	v3 =	vadd.s32 $0x7FFF, v3;
	v2 =	vand.u32 $0xFFFF0000, v2;
	v6 =	vmul.f32 v6, v57  }
0x15b: {  	v3 =	vand.u32 $0xFFFF0000, v3;
	v2 =	vmul.f32 v2, v21;
	v5 =	vadd.f32 v5, v8  }
0x15c: {  	v60 =	vld [tilespmem:s21+$0x0];
	v59 =	vand.u32 $0xFFFF0000, v18;
	v3 =	vmul.f32 v3, v21;
	v6 =	vadd.f32 v6, v9  }
0x15d: {  	v4 =	vand.u32 $0xFFFF0000, v4;
	v8 =	vmul.f32 v59, v22;
	v2 =	vadd.f32 v2, v5  }
0x15e: {  	v62 =	vld [tilespmem:s21+$0x10];
	v61 =	vand.u32 $0xFFFF0000, v19;
	v4 =	vmul.f32 v4, v22;
	v3 =	vadd.f32 v3, v6  }
0x15f: {  	v18 =	vand.u32 $0xFFFF0000, v20;
	v5 =	vmul.f32 v61, v58;
	v2 =	vadd.f32 v8, v2  }
0x160: {  	v33 =	vld [tilespmem:s21+$0x20];
	v63 =	vand.u32 $0xFFFF0000, v15;
	v32 =	vmul.f32 v18, v58;
	v3 =	vadd.f32 v4, v3  }
0x161: {  	v15 =	vand.u32 $0xFFFF0000, v16;
	v8 =	vmul.f32 v63, v60;
	v2 =	vadd.f32 v5, v2  }
0x162: {  	v36 =	vld [tilespmem:s21+$0x30];
	v34 =	vand.u32 $0xFFFF0000, v12;
	v35 =	vmul.f32 v15, v60;
	v3 =	vadd.f32 v32, v3  }
0x163: {  	v12 =	vand.u32 $0xFFFF0000, v17;
	v5 =	vmul.f32 v34, v62;
	v2 =	vadd.f32 v8, v2  }
0x164: {  	v37 =	vand.u32 $0xFFFF0000, v13;
	v38 =	vmul.f32 v12, v62;
	v3 =	vadd.f32 v35, v3  }
0x165: {  	v39 =	vand.u32 $0xFFFF0000, v14;
	v8 =	vmul.f32 v37, v33;
	v2 =	vadd.f32 v5, v2  }
0x166: {  	v40 =	vand.u32 $0xFFFF0000, v7;
	v41 =	vmul.f32 v39, v33;
	v3 =	vadd.f32 v38, v3  }
0x167: {  	s28 =	simm.s32 $0x380;
	v42 =	vand.u32 $0xFFFF0000, v11;
	v5 =	vmul.f32 v40, v36;
	v2 =	vadd.f32 v8, v2  }
0x168: {  	v19 =	vadd.s32 s28, v0;
	v43 =	vmul.f32 v42, v36;
	v3 =	vadd.f32 v41, v3  }
0x169: {  	s21 =	simm.s32 $0x11840;
	v18 =	vadd.s32 s28, v1;
	v2 =	vadd.f32 v5, v2  }
0x16a: {  	s29 =	simm.s32 $0x80;
	s23 =	simm.s32 $0x100;
	v47 =	vld [tilespmem:s21+$0x30];
	v3 =	vadd.f32 v43, v3  }
0x16b: {  	v48 =	vadd.s32 s29, v1;
	v49 =	vadd.s32 s23, v0;
	v23 =	vld [tilespmem:s21+$0xFFFFFFE0];
	v44 =	vshrl.u32 v2, $0x10  }
0x16c: {  	s24 =	simm.s32 $0x180;
	v50 =	vadd.s32 s23, v1;
	v24 =	vld [tilespmem:s21+$0xFFFFFFF0];
	v45 =	vshrl.u32 v3, $0x10;
	v4 =	vand.u32 $0x1, v44  }
0x16d: {  	v51 =	vadd.s32 s24, v0;
	v20 =	vld.idx.msk [tilespmem:v19+s20+$0x0], $0xffff;
	v46 =	vand.u32 $0x1, v45;
	v2 =	vadd.s32 v4, v2  }
0x16e: {  	s25 =	simm.s32 $0x200;
	v52 =	vadd.s32 s24, v1;
	v21 =	vld.idx.msk [tilespmem:v18+s20+$0x0], $0xffff;
	v3 =	vadd.s32 v46, v3;
	v2 =	vadd.s32 $0x7FFF, v2  }
0x16f: {  	v53 =	vadd.s32 s25, v0;
	v26 =	vld [tilespmem:s21+$0x0];
	v17 =	vand.u32 $0xFFFF0000, v2;
	v2 =	vadd.s32 $0x7FFF, v3  }
0x170: {  	s22 =	simm.s32 $0x0;
	v12 =	vadd.s32 s29, v0;
	s28 =	simm.s32 $0x280;
	v16 =	vand.u32 $0xFFFF0000, v2;
	v25 =	vmul.f32 v17, v47  }
0x171: {  	v54 =	vadd.s32 s28, v0;
	v22 =	vld [tilespmem:s21+$0xFFFFFFD0];
	v61 =	vadd.s32 s22, v0;
	v27 =	vmul.f32 v16, v47  }
0x172: {  	v28 =	vld [tilespmem:s21+$0x10];
	v60 =	vadd.s32 s22, v1;
	v3 =	vadd.s32 s25, v1;
	v20 =	vadd.f32 v25, v20  }
0x173: {  	v2 =	vadd.s32 s28, v1;
	v30 =	vmul.f32 v17, v23;
	v21 =	vadd.f32 v21, v27;
	v27 =	vld [tilespmem:s21+$0xFFFFFFC0]  }
0x174: {  	v29 =	vld [tilespmem:s21+$0x20];
	v55 =	vmul.f32 v17, v24;
	v37 =	vmul.f32 v17, v26;
	[tilespmem:$0x1FF80] =	vst v12;
	v20 =	vmax.f32 v20, $0.0e+00  }
0x175: {  	v23 =	vmul.f32 v16, v23;
	v31 =	vld.idx.msk [tilespmem:v12+s20+$0x0], $0xffff;
	[tilespmem:$0x1FF90] =	vst v48;
	v21 =	vmax.f32 v21, $0.0e+00;
	v56 =	vshrl.u32 v20, $0x10  }
0x176: {  	v25 =	vmul.f32 v17, v22;
	v57 =	vld.idx.msk [tilespmem:v48+s20+$0x0], $0xffff;
	[tilespmem:$0x1FFA0] =	vst v49;
	v33 =	vand.u32 $0x1, v56;
	v58 =	vshrl.u32 v21, $0x10  }
0x177: {  	v22 =	vmul.f32 v16, v22;
	v36 =	vld.idx.msk [tilespmem:v49+s20+$0x0], $0xffff;
	[tilespmem:$0x1FFB0] =	vst v50;
	v20 =	vadd.s32 v33, v20;
	v59 =	vand.u32 $0x1, v58  }
0x178: {  	v4 =	vld.idx.msk [tilespmem:v50+s20+$0x0], $0xffff;
	[tilespmem:$0x1FFC0] =	vst v51;
	v20 =	vadd.s32 $0x7FFF, v20;
	v21 =	vadd.s32 v59, v21;
	v9 =	vmul.f32 v17, v27  }
0x179: {  	v38 =	vld.idx.msk [tilespmem:v51+s20+$0x0], $0xffff;
	[tilespmem:$0x1FFD0] =	vst v52;
	v39 =	vand.u32 $0xFFFF0000, v20;
	v20 =	vadd.s32 $0x7FFF, v21;
	v21 =	vmul.f32 v16, v27  }
0x17a: {  	s29 =	simm.s32 $0x300;
	v27 =	vmul.f32 v17, v28;
	v41 =	vand.u32 $0xFFFF0000, v20;
	v20 =	vmul.f32 v16, v28;
	v28 =	vld.idx.msk [tilespmem:v52+s20+$0x0], $0xffff;
	[tilespmem:$0x1FFE0] =	vst v53  }
0x17b: {  	v63 =	vadd.s32 s29, v0;
	v24 =	vmul.f32 v16, v24;
	v26 =	vmul.f32 v16, v26;
	v10 =	vld.idx.msk [tilespmem:v53+s20+$0x0], $0xffff  }
0x17c: {  	v62 =	vadd.s32 s29, v1;
	v25 =	vadd.f32 v25, v31;
	v22 =	vadd.f32 v57, v22;
	v11 =	vld.idx.msk [tilespmem:v3+s20+$0x0], $0xffff;
	[tilespmem:$0x1FFF0] =	vst v54  }
0x17d: {  	v31 =	vmul.f32 v17, v29;
	v29 =	vmul.f32 v16, v29;
	v30 =	vadd.f32 v30, v36;
	v48 =	vld.idx.msk [tilespmem:v54+s20+$0x0], $0xffff  }
0x17e: {  	s23 =	simm.s32 $0x400;
	v25 =	vmax.f32 v25, $0.0e+00;
	v22 =	vmax.f32 v22, $0.0e+00;
	v23 =	vadd.f32 v4, v23;
	v43 =	vld.idx.msk [tilespmem:v2+s20+$0x0], $0xffff  }
0x17f: {  	v47 =	vshrl.u32 v25, $0x10;
	[tilespmem:v19+s26+$0x0] =	vst.idx.add.f32.msk $0xffff, v39;
	v19 =	vadd.s32 s23, v0;
	v30 =	vmax.f32 v30, $0.0e+00  }
0x180: {  	v45 =	vld.idx.msk [tilespmem:v63+s20+$0x0], $0xffff;
	v32 =	vadd.f32 v55, v38;
	v40 =	vshrl.u32 v22, $0x10;
	v36 =	vand.u32 $0x1, v47  }
0x181: {  	[tilespmem:v18+s26+$0x0] =	vst.idx.add.f32.msk $0xffff, v41;
	v18 =	vadd.s32 s23, v1;
	v23 =	vmax.f32 v23, $0.0e+00;
	v42 =	vshrl.u32 v30, $0x10  }
0x182: {  	v50 =	vld.idx.msk [tilespmem:v61+s20+$0x0], $0xffff;
	v40 =	vand.u32 $0x1, v40;
	v25 =	vadd.s32 v36, v25;
	v44 =	vshrl.u32 v23, $0x10  }
0x183: {  	v51 =	vld.idx.msk [tilespmem:v60+s20+$0x0], $0xffff;
	v32 =	vmax.f32 v32, $0.0e+00;
	v24 =	vadd.f32 v28, v24;
	v42 =	vand.u32 $0x1, v42  }
0x184: {  	v22 =	vadd.s32 v40, v22;
	v34 =	vadd.f32 v37, v10;
	v49 =	vshrl.u32 v32, $0x10  }
0x185: {  	v26 =	vadd.f32 v11, v26;
	v44 =	vand.u32 $0x1, v44;
	v30 =	vadd.s32 v42, v30  }
0x186: {  	v27 =	vadd.f32 v27, v48;
	v24 =	vmax.f32 v24, $0.0e+00;
	v20 =	vadd.f32 v43, v20  }
0x187: {  	v28 =	vld.idx.msk [tilespmem:v62+s20+$0x0], $0xffff;
	v37 =	vand.u32 $0x1, v49;
	v31 =	vadd.f32 v31, v45;
	v33 =	vadd.f32 v9, v50  }
0x188: {  	v21 =	vadd.f32 v51, v21;
	v23 =	vadd.s32 v44, v23;
	v52 =	vshrl.u32 v24, $0x10  }
0x189: {  	v34 =	vmax.f32 v34, $0.0e+00;
	v26 =	vmax.f32 v26, $0.0e+00;
	v48 =	vadd.s32 v37, v32  }
0x18a: {  	v23 =	vadd.s32 $0x7FFF, v23;
	v53 =	vshrl.u32 v34, $0x10;
	v27 =	vmax.f32 v27, $0.0e+00  }
0x18b: {  	v20 =	vmax.f32 v20, $0.0e+00;
	v31 =	vmax.f32 v31, $0.0e+00;
	v33 =	vmax.f32 v33, $0.0e+00  }
0x18c: {  	v43 =	vand.u32 $0x1, v52;
	v21 =	vmax.f32 v21, $0.0e+00;
	v28 =	vadd.f32 v28, v29  }
0x18d: {  	v29 =	vshrl.u32 v26, $0x10;
	v54 =	vshrl.u32 v27, $0x10;
	v55 =	vshrl.u32 v20, $0x10  }
0x18e: {  	v56 =	vshrl.u32 v31, $0x10;
	v58 =	vshrl.u32 v33, $0x10;
	v45 =	vand.u32 $0x1, v53  }
0x18f: {  	v59 =	vshrl.u32 v21, $0x10;
	v49 =	vadd.s32 v43, v24;
	v24 =	vadd.s32 $0x7FFF, v22  }
0x190: {  	v22 =	vadd.s32 $0x7FFF, v48;
	v29 =	vand.u32 $0x1, v29;
	v35 =	vand.u32 $0x1, v54  }
0x191: {  	v38 =	vand.u32 $0x1, v55;
	v36 =	vand.u32 $0x1, v56;
	v47 =	vand.u32 $0x1, v58  }
0x192: {  	v44 =	vand.u32 $0x1, v59;
	v43 =	vadd.s32 v45, v34;
	v28 =	vmax.f32 v28, $0.0e+00  }
0x193: {  	v42 =	vadd.s32 v29, v26;
	v40 =	vadd.s32 v35, v27;
	v37 =	vadd.s32 v38, v20  }
0x194: {  	v35 =	vadd.s32 v47, v33;
	v34 =	vadd.s32 v36, v31;
	v57 =	vshrl.u32 v28, $0x10  }
0x195: {  	v20 =	vadd.s32 v44, v21;
	v26 =	vadd.s32 $0x7FFF, v49;
	v46 =	vand.u32 $0x1, v57  }
0x196: {  	s24 =	simm.s32 $0x480;
	s22 =	simm.s32 $0x10;
	s25 =	simm.s32 $0x780;
	v15 =	vmovc v3;
	v14 =	vmovc v2;
	v32 =	vadd.s32 v46, v28;
	v28 =	vadd.s32 $0x7FFF, v25;
	v25 =	vadd.s32 $0x7FFF, v30  }
.LBB2_5:
0x197: {  	v46 =	vadd.s32 s25, v0;
	_ =	sdelay $0x1  }
0x198: {  	v45 =	vadd.s32 s24, v0;
	s21 =	sadd.s32 $0x80, s21  }
0x199: {  	v48 =	vld [tilespmem:s21+$0x30]  }
0x19a: {  	v52 =	vld [tilespmem:s21+$0xFFFFFFD0]  }
0x19b: {  	v44 =	vadd.s32 s24, v1;
	s29 =	sadd.s32 $0x100, s23;
	v47 =	vadd.s32 s25, v1;
	v49 =	vld.idx.msk [tilespmem:v46+s20+$0x0], $0xffff  }
0x19c: {  	v43 =	vadd.s32 $0x7FFF, v43;
	v41 =	vadd.s32 s29, v0;
	v38 =	vadd.s32 s29, v1;
	s29 =	sadd.s32 $0x280, s23;
	v56 =	vld [tilespmem:s21+$0xFFFFFFE0]  }
0x19d: {  	v40 =	vadd.s32 $0x7FFF, v40;
	v34 =	vadd.s32 $0x7FFF, v34;
	v30 =	vadd.s32 s29, v0;
	v59 =	vld.idx.msk [tilespmem:v45+s20+$0x0], $0xffff  }
0x19e: {  	v53 =	vadd.s32 $0x7FFF, v20;
	v58 =	vld [tilespmem:s21+$0xFFFFFFF0];
	v29 =	vadd.s32 s29, v1;
	v20 =	vmul.f32 v17, v48  }
0x19f: {  	v51 =	vadd.s32 $0x7FFF, v32;
	v32 =	vand.u32 $0xFFFF0000, v23;
	v23 =	vand.u32 $0xFFFF0000, v40;
	v40 =	vld [tilespmem:s21+$0x10]  }
0x1a0: {  	v50 =	vld.idx.msk [tilespmem:v47+s20+$0x0], $0xffff;
	v5 =	vadd.f32 v20, v49;
	v20 =	vand.u32 $0xFFFF0000, v34;
	v34 =	vmul.f32 v17, v52  }
0x1a1: {  	v57 =	vand.u32 $0xFFFF0000, v25;
	v25 =	vand.u32 $0xFFFF0000, v43;
	v43 =	vld [tilespmem:s21+$0x0]  }
0x1a2: {  	v34 =	vadd.f32 v34, v59;
	v59 =	vld.idx.msk [tilespmem:v30+s20+$0x0], $0xffff  }
0x1a3: {  	s28 =	sadd.s32 $0x180, s23;
	s24 =	sadd.s32 $0x200, s23;
	v42 =	vadd.s32 $0x7FFF, v42;
	v13 =	vmov v63;
	s23 =	sadd.s32 $0x300, s23;
	v48 =	vmul.f32 v16, v48;
	v63 =	vld.idx.msk [tilespmem:v29+s20+$0x0], $0xffff  }
0x1a4: {  	v55 =	vand.u32 $0xFFFF0000, v24;
	v12 =	vmovc v62;
	v24 =	vand.u32 $0xFFFF0000, v42;
	v27 =	vadd.s32 s23, v0;
	v62 =	vld.idx.msk [tilespmem:v44+s20+$0x0], $0xffff  }
0x1a5: {  	v2 =	vld.idx.msk [tilespmem:v41+s20+$0x0], $0xffff;
	v48 =	vadd.f32 v50, v48;
	v42 =	vmax.f32 v5, $0.0e+00;
	v5 =	vmul.f32 v17, v40  }
0x1a6: {  	v37 =	vadd.s32 $0x7FFF, v37;
	v33 =	vadd.s32 s24, v0;
	v49 =	vld [tilespmem:s21+$0x20];
	v40 =	vmul.f32 v16, v40  }
0x1a7: {  	v48 =	vmax.f32 v48, $0.0e+00;
	v6 =	vshrl.u32 v42, $0x10;
	v5 =	vadd.f32 v5, v59;
	v59 =	vld [tilespmem:$0x1FF80]  }
0x1a8: {  	v11 =	vmovc v61;
	v7 =	vshrl.u32 v48, $0x10;
	v61 =	vand.u32 $0x1, v6;
	v40 =	vadd.f32 v63, v40;
	v63 =	vld [tilespmem:$0x1FF90]  }
0x1a9: {  	v54 =	vand.u32 $0xFFFF0000, v28;
	v8 =	vand.u32 $0x1, v7;
	v7 =	vld.idx.msk [tilespmem:v27+s20+$0x0], $0xffff;
	v42 =	vadd.s32 v61, v42  }
0x1aa: {  	v28 =	vand.u32 $0xFFFF0000, v22;
	v22 =	vand.u32 $0xFFFF0000, v37;
	v9 =	vld.idx.msk [tilespmem:v38+s20+$0x0], $0xffff;
	v42 =	vadd.s32 $0x7FFF, v42  }
0x1ab: {  	v37 =	vmul.f32 v16, v52;
	v50 =	vld [tilespmem:s21+$0xFFFFFFC0];
	v52 =	vmul.f32 v17, v56;
	v42 =	vand.u32 $0xFFFF0000, v42  }
0x1ac: {  	[tilespmem:v46+s26+$0x0] =	vst.idx.add.f32.msk $0xffff, v42;
	v42 =	vmul.f32 v17, v49  }
0x1ad: {  	v2 =	vadd.f32 v52, v2;
	v52 =	vld.idx.msk [tilespmem:v33+s20+$0x0], $0xffff  }
0x1ae: {  	v39 =	vadd.s32 s28, v0;
	v7 =	vadd.f32 v42, v7;
	v42 =	vld [tilespmem:$0x1FFC0]  }
0x1af: {  	[tilespmem:v59+s26+$0x0] =	vst.idx.add.f32.msk $0xffff, v54  }
0x1b0: {  	v36 =	vadd.s32 s28, v1;
	v3 =	vmul.f32 v17, v43;
	[tilespmem:v63+s26+$0x0] =	vst.idx.add.f32.msk $0xffff, v55  }
0x1b1: {  	v48 =	vadd.s32 v8, v48;
	v63 =	vld [tilespmem:$0x1FFA0]  }
0x1b2: {  	v48 =	vadd.s32 $0x7FFF, v48;
	v3 =	vadd.f32 v3, v52;
	v52 =	vld.idx.msk [tilespmem:v18+s20+$0x0], $0xffff  }
0x1b3: {  	v31 =	vadd.s32 s24, v1;
	v4 =	vld.idx.msk [tilespmem:v39+s20+$0x0], $0xffff;
	v48 =	vand.u32 $0xFFFF0000, v48  }
0x1b4: {  	v35 =	vadd.s32 $0x7FFF, v35;
	v26 =	vand.u32 $0xFFFF0000, v26;
	[tilespmem:v47+s26+$0x0] =	vst.idx.add.f32.msk $0xffff, v48  }
0x1b5: {  	v61 =	vmul.f32 v17, v50;
	v50 =	vmul.f32 v16, v50;
	v47 =	vand.u32 $0xFFFF0000, v51;
	v51 =	vld.idx.msk [tilespmem:v36+s20+$0x0], $0xffff  }
0x1b6: {  	v10 =	vmovc v60;
	v21 =	vadd.s32 s23, v1;
	v60 =	vmul.f32 v17, v58;
	[tilespmem:v42+s26+$0x0] =	vst.idx.add.f32.msk $0xffff, v28;
	v28 =	vmov v39  }
0x1b7: {  	v58 =	vmul.f32 v16, v58;
	v43 =	vmul.f32 v16, v43;
	[tilespmem:$0x1FFC0] =	vst v28;
	v28 =	vadd.f32 v52, v50;
	v50 =	vld [tilespmem:$0x1FFD0]  }
0x1b8: {  	v4 =	vadd.f32 v60, v4;
	v2 =	vmax.f32 v2, $0.0e+00;
	v46 =	vand.u32 $0xFFFF0000, v53;
	v53 =	vld.idx.msk [tilespmem:v31+s20+$0x0], $0xffff  }
0x1b9: {  	v56 =	vmul.f32 v16, v56;
	v37 =	vadd.f32 v62, v37;
	v62 =	vshrl.u32 v2, $0x10;
	[tilespmem:v63+s26+$0x0] =	vst.idx.add.f32.msk $0xffff, v57  }
0x1ba: {  	v4 =	vmax.f32 v4, $0.0e+00;
	v34 =	vmax.f32 v34, $0.0e+00;
	v62 =	vand.u32 $0x1, v62;
	v57 =	vld [tilespmem:$0x1FFB0]  }
0x1bb: {  	v8 =	vshrl.u32 v34, $0x10;
	v2 =	vadd.s32 v62, v2;
	v49 =	vmul.f32 v16, v49  }
0x1bc: {  	v48 =	vand.u32 $0xFFFF0000, v35;
	v35 =	vmax.f32 v37, $0.0e+00;
	v51 =	vadd.f32 v51, v58  }
0x1bd: {  	v37 =	vadd.f32 v9, v56;
	v56 =	vand.u32 $0x1, v8;
	v8 =	vld.idx.msk [tilespmem:v21+s20+$0x0], $0xffff;
	v9 =	vshrl.u32 v35, $0x10  }
0x1be: {  	v3 =	vmax.f32 v3, $0.0e+00;
	v60 =	vand.u32 $0x1, v9;
	v9 =	vld.idx.msk [tilespmem:v19+s20+$0x0], $0xffff;
	v51 =	vmax.f32 v51, $0.0e+00  }
0x1bf: {  	v37 =	vmax.f32 v37, $0.0e+00;
	v43 =	vadd.f32 v53, v43;
	v53 =	vshrl.u32 v51, $0x10;
	[tilespmem:v50+s26+$0x0] =	vst.idx.add.f32.msk $0xffff, v26;
	v26 =	vmovc v36  }
0x1c0: {  	v5 =	vmax.f32 v5, $0.0e+00;
	v6 =	vshrl.u32 v37, $0x10;
	v59 =	vmovc v45;
	[tilespmem:$0x1FFD0] =	vst v26;
	v26 =	vand.u32 $0x1, v53;
	v53 =	vld [tilespmem:$0x1FFE0]  }
0x1c1: {  	[tilespmem:v13+s26+$0x0] =	vst.idx.add.f32.msk $0xffff, v20;
	v7 =	vmax.f32 v7, $0.0e+00;
	v6 =	vand.u32 $0x1, v6;
	v58 =	vshrl.u32 v4, $0x10  }
0x1c2: {  	v8 =	vadd.f32 v8, v49;
	v49 =	vshrl.u32 v7, $0x10;
	v6 =	vadd.s32 v6, v37;
	[tilespmem:v57+s26+$0x0] =	vst.idx.add.f32.msk $0xffff, v32  }
0x1c3: {  	v58 =	vand.u32 $0x1, v58;
	v45 =	vmax.f32 v43, $0.0e+00;
	v43 =	vshrl.u32 v3, $0x10;
	[tilespmem:$0x1FF80] =	vst v59;
	v59 =	vmovc v44;
	v57 =	vld [tilespmem:$0x1FFF0]  }
0x1c4: {  	[tilespmem:v12+s26+$0x0] =	vst.idx.add.f32.msk $0xffff, v47;
	v54 =	vmovc v41;
	v41 =	vmax.f32 v40, $0.0e+00;
	v55 =	vshrl.u32 v5, $0x10;
	v9 =	vadd.f32 v61, v9  }
0x1c5: {  	s23 =	sshll.u32 s22, $0x7;
	[tilespmem:$0x1FFA0] =	vst v54;
	v8 =	vmax.f32 v8, $0.0e+00;
	v54 =	vand.u32 $0x1, v43;
	v4 =	vadd.s32 v58, v4  }
0x1c6: {  	v61 =	vmovc v19;
	v19 =	vadd.s32 s23, v0;
	v55 =	vand.u32 $0x1, v55;
	v43 =	vadd.s32 v54, v3;
	[tilespmem:$0x1FF90] =	vst v59;
	v59 =	vmovc v38  }
0x1c7: {  	v44 =	vshrl.u32 v45, $0x10;
	v9 =	vmax.f32 v9, $0.0e+00;
	v40 =	vadd.s32 v55, v5;
	[tilespmem:$0x1FFB0] =	vst v59  }
0x1c8: {  	v52 =	vshrl.u32 v8, $0x10;
	v63 =	vshrl.u32 v41, $0x10;
	v26 =	vadd.s32 v26, v51;
	[tilespmem:v53+s26+$0x0] =	vst.idx.add.f32.msk $0xffff, v25;
	v25 =	vmovc v33  }
0x1c9: {  	v59 =	vand.u32 $0x1, v52;
	v26 =	vadd.s32 $0x7FFF, v26;
	[tilespmem:$0x1FFE0] =	vst v25;
	v25 =	vmax.f32 v28, $0.0e+00  }
0x1ca: {  	v32 =	vadd.s32 v59, v8;
	[tilespmem:v15+s26+$0x0] =	vst.idx.add.f32.msk $0xffff, v24;
	v15 =	vmovc v31;
	v31 =	vand.u32 $0x1, v44;
	v24 =	vshrl.u32 v25, $0x10  }
0x1cb: {  	p0 =	slt.u32 s22, $0x78;
	v28 =	vshrl.u32 v9, $0x10;
	v42 =	vadd.s32 v31, v45;
	v24 =	vand.u32 $0x1, v24;
	[tilespmem:v57+s26+$0x0] =	vst.idx.add.f32.msk $0xffff, v23;
	v23 =	vmovc v30  }
.Ltmp1:
0x1cc: {  	v30 =	vand.u32 $0x1, v49;
	v20 =	vadd.s32 v24, v25;
	v25 =	vadd.s32 $0x7FFF, v2;
	[tilespmem:$0x1FFF0] =	vst v23;
	(pc) =	sbr.rel @p0 .LBB2_5-.Ltmp1, $4  }
0x1cd: {  	v23 =	vand.u32 $0x1, v63;
	[tilespmem:v14+s26+$0x0] =	vst.idx.add.f32.msk $0xffff, v22;
	v22 =	vand.u32 $0x1, v28;
	v28 =	vadd.s32 v56, v34  }
0x1ce: {  	v63 =	vmovc v27;
	v27 =	vadd.s32 v60, v35;
	v34 =	vadd.s32 v30, v7;
	v60 =	vmovc v18;
	v18 =	vadd.s32 s23, v1  }
0x1cf: {  	[tilespmem:v11+s26+$0x0] =	vst.idx.add.f32.msk $0xffff, v48;
	v37 =	vadd.s32 v23, v41;
	v35 =	vadd.s32 v22, v9;
	v28 =	vadd.s32 $0x7FFF, v28  }
0x1d0: {  	s22 =	sadd.s32 $0x8, s22;
	s24 =	sadd.s32 $0x80, s23;
	s25 =	sadd.s32 $0x380, s23;
	v62 =	vmovc v21;
	[tilespmem:v10+s26+$0x0] =	vst.idx.add.f32.msk $0xffff, v46;
	v14 =	vmovc v29;
	v24 =	vadd.s32 $0x7FFF, v27;
	v23 =	vadd.s32 $0x7FFF, v6;
	v22 =	vadd.s32 $0x7FFF, v4  }
0x1d1: {  	s21 =	sadd.s32 $0x80, s21  }
0x1d2: {  	v4 =	vld [tilespmem:s21+$0x30]  }
0x1d3: {  	v7 =	vld [tilespmem:s21+$0xFFFFFFD0]  }
0x1d4: {  	v2 =	vadd.s32 s25, v0;
	v8 =	vld [tilespmem:s21+$0xFFFFFFE0]  }
0x1d5: {  	v3 =	vadd.s32 s25, v1;
	v9 =	vld [tilespmem:s21+$0xFFFFFFF0]  }
0x1d6: {  	v44 =	vadd.s32 s24, v0;
	s22 =	sadd.s32 $0x100, s23;
	v45 =	vld [tilespmem:s21+$0x0]  }
0x1d7: {  	v39 =	vadd.s32 s22, v0;
	v46 =	vld [tilespmem:s21+$0x10]  }
0x1d8: {  	s29 =	sadd.s32 $0x180, s23;
	v38 =	vadd.s32 s22, v1;
	v47 =	vld [tilespmem:s21+$0x20]  }
0x1d9: {  	v36 =	vadd.s32 s29, v0;
	v5 =	vld.idx.msk [tilespmem:v2+s20+$0x0], $0xffff  }
0x1da: {  	s25 =	sadd.s32 $0x200, s23;
	v6 =	vld.idx.msk [tilespmem:v3+s20+$0x0], $0xffff  }
0x1db: {  	v41 =	vadd.s32 s24, v1;
	s28 =	sadd.s32 $0x280, s23;
	v33 =	vadd.s32 s29, v1;
	v31 =	vadd.s32 s25, v0;
	v49 =	vld.idx.msk [tilespmem:v44+s20+$0x0], $0xffff  }
0x1dc: {  	v30 =	vadd.s32 s25, v1;
	s29 =	sadd.s32 $0x300, s23;
	v29 =	vadd.s32 s28, v0;
	v51 =	vld.idx.msk [tilespmem:v39+s20+$0x0], $0xffff;
	v52 =	vmul.f32 v17, v4  }
0x1dd: {  	v21 =	vadd.s32 s29, v0;
	v53 =	vld.idx.msk [tilespmem:v38+s20+$0x0], $0xffff;
	v4 =	vmul.f32 v16, v4;
	v59 =	vmul.f32 v17, v7  }
0x1de: {  	v27 =	vadd.s32 s28, v1;
	v54 =	vld.idx.msk [tilespmem:v36+s20+$0x0], $0xffff;
	v12 =	vmul.f32 v17, v8;
	v8 =	vmul.f32 v16, v8  }
0x1df: {  	v48 =	vld [tilespmem:s21+$0xFFFFFFC0];
	v0 =	vadd.s32 s29, v1;
	v13 =	vmul.f32 v17, v9;
	v9 =	vmul.f32 v16, v9  }
0x1e0: {  	v58 =	vmul.f32 v17, v46;
	v46 =	vmul.f32 v16, v46;
	v1 =	vadd.f32 v52, v5;
	v52 =	vld.idx.msk [tilespmem:v33+s20+$0x0], $0xffff  }
0x1e1: {  	v55 =	vld.idx.msk [tilespmem:v31+s20+$0x0], $0xffff;
	v11 =	vmul.f32 v17, v47;
	v4 =	vadd.f32 v6, v4;
	v5 =	vadd.f32 v59, v49  }
0x1e2: {  	v57 =	vld.idx.msk [tilespmem:v21+s20+$0x0], $0xffff;
	v6 =	vadd.f32 v12, v51;
	v8 =	vadd.f32 v53, v8;
	v1 =	vmax.f32 v1, $0.0e+00  }
0x1e3: {  	v49 =	vadd.f32 v13, v54;
	v51 =	vld.idx.msk [tilespmem:v27+s20+$0x0], $0xffff;
	v4 =	vmax.f32 v4, $0.0e+00;
	v12 =	vshrl.u32 v1, $0x10  }
0x1e4: {  	v13 =	vmul.f32 v17, v45;
	v10 =	vshrl.u32 v4, $0x10;
	v53 =	vand.u32 $0x1, v12  }
0x1e5: {  	v54 =	vand.u32 $0x1, v10;
	v1 =	vadd.s32 v53, v1;
	v9 =	vadd.f32 v52, v9;
	v53 =	vld.idx.msk [tilespmem:v19+s20+$0x0], $0xffff  }
0x1e6: {  	v50 =	vld.idx.msk [tilespmem:v41+s20+$0x0], $0xffff;
	v52 =	vadd.f32 v13, v55;
	v4 =	vadd.s32 v54, v4;
	v1 =	vadd.s32 $0x7FFF, v1  }
0x1e7: {  	v13 =	vmul.f32 v17, v48;
	v4 =	vadd.s32 $0x7FFF, v4;
	v1 =	vand.u32 $0xFFFF0000, v1  }
0x1e8: {  	v46 =	vadd.f32 v51, v46;
	v51 =	vadd.f32 v11, v57;
	v57 =	vand.u32 $0xFFFF0000, v4;
	[tilespmem:v2+s26+$0x0] =	vst.idx.add.f32.msk $0xffff, v1  }
0x1e9: {  	v7 =	vmul.f32 v16, v7;
	[tilespmem:v3+s26+$0x0] =	vst.idx.add.f32.msk $0xffff, v57  }
0x1ea: {  	v17 =	vadd.f32 v13, v53;
	v13 =	vld [tilespmem:$0x1FF80]  }
0x1eb: {  	v7 =	vadd.f32 v50, v7;
	v50 =	vld.idx.msk [tilespmem:v29+s20+$0x0], $0xffff  }
0x1ec: {  	v59 =	vld.idx.msk [tilespmem:v0+s20+$0x0], $0xffff;
	_ =	sdelay $0x2  }
0x1ed: {  	v47 =	vmul.f32 v16, v47  }
0x1ee: {  	v49 =	vmax.f32 v49, $0.0e+00;
	v50 =	vadd.f32 v58, v50  }
0x1ef: {  	v47 =	vadd.f32 v59, v47;
	v58 =	vshrl.u32 v49, $0x10;
	v59 =	vand.u32 $0xFFFF0000, v28  }
0x1f0: {  	v4 =	vand.u32 $0x1, v58;
	[tilespmem:v13+s26+$0x0] =	vst.idx.add.f32.msk $0xffff, v59  }
0x1f1: {  	v4 =	vadd.s32 v4, v49;
	v49 =	vld [tilespmem:$0x1FF90];
	_ =	sdelay $0x6  }
0x1f2: {  	v28 =	vand.u32 $0xFFFF0000, v24  }
0x1f3: {  	[tilespmem:v49+s26+$0x0] =	vst.idx.add.f32.msk $0xffff, v28  }
0x1f4: {  	v10 =	vld [tilespmem:$0x1FFA0];
	_ =	sdelay $0x1  }
0x1f5: {  	v12 =	vld.idx.msk [tilespmem:v18+s20+$0x0], $0xffff;
	_ =	sdelay $0x2  }
0x1f6: {  	v5 =	vmax.f32 v5, $0.0e+00;
	v48 =	vmul.f32 v16, v48  }
0x1f7: {  	v45 =	vmul.f32 v16, v45;
	v53 =	vshrl.u32 v5, $0x10  }
0x1f8: {  	v16 =	vadd.f32 v12, v48;
	v48 =	vand.u32 $0x1, v53;
	v53 =	vand.u32 $0xFFFF0000, v25  }
0x1f9: {  	[tilespmem:v10+s26+$0x0] =	vst.idx.add.f32.msk $0xffff, v53  }
0x1fa: {  	v10 =	vld [tilespmem:$0x1FFB0];
	_ =	sdelay $0x3  }
0x1fb: {  	v7 =	vmax.f32 v7, $0.0e+00  }
0x1fc: {  	v6 =	vmax.f32 v6, $0.0e+00;
	v54 =	vshrl.u32 v7, $0x10  }
0x1fd: {  	v55 =	vshrl.u32 v6, $0x10;
	v5 =	vadd.s32 v48, v5;
	v48 =	vand.u32 $0x1, v54  }
0x1fe: {  	v7 =	vadd.s32 v48, v7;
	v48 =	vand.u32 $0x1, v55;
	v55 =	vand.u32 $0xFFFF0000, v23  }
0x1ff: {  	[tilespmem:v10+s26+$0x0] =	vst.idx.add.f32.msk $0xffff, v55  }
0x200: {  	v10 =	vld [tilespmem:$0x1FFC0];
	_ =	sdelay $0x6  }
0x201: {  	v57 =	vand.u32 $0xFFFF0000, v22  }
0x202: {  	[tilespmem:v10+s26+$0x0] =	vst.idx.add.f32.msk $0xffff, v57  }
0x203: {  	v10 =	vld [tilespmem:$0x1FFD0];
	_ =	sdelay $0x4  }
0x204: {  	v56 =	vld.idx.msk [tilespmem:v30+s20+$0x0], $0xffff;
	_ =	sdelay $0x1  }
0x205: {  	v43 =	vadd.s32 $0x7FFF, v43;
	v42 =	vadd.s32 $0x7FFF, v42;
	v58 =	vand.u32 $0xFFFF0000, v26  }
0x206: {  	v40 =	vadd.s32 $0x7FFF, v40;
	v37 =	vadd.s32 $0x7FFF, v37;
	v35 =	vadd.s32 $0x7FFF, v35;
	[tilespmem:v10+s26+$0x0] =	vst.idx.add.f32.msk $0xffff, v58  }
0x207: {  	v34 =	vadd.s32 $0x7FFF, v34;
	v32 =	vadd.s32 $0x7FFF, v32;
	v8 =	vmax.f32 v8, $0.0e+00;
	v11 =	vld [tilespmem:$0x1FFE0]  }
0x208: {  	v45 =	vadd.f32 v56, v45;
	v56 =	vshrl.u32 v8, $0x10;
	v26 =	vmax.f32 v46, $0.0e+00  }
0x209: {  	v46 =	vadd.s32 $0x7FFF, v20;
	v12 =	vmax.f32 v9, $0.0e+00;
	v22 =	vmax.f32 v50, $0.0e+00  }
0x20a: {  	v1 =	vand.u32 $0xFFFF0000, v46;
	v4 =	vadd.s32 $0x7FFF, v4;
	v24 =	vshrl.u32 v22, $0x10  }
0x20b: {  	v4 =	vand.u32 $0xFFFF0000, v4;
	v25 =	vand.u32 $0xFFFF0000, v40;
	v40 =	vand.u32 $0xFFFF0000, v34  }
0x20c: {  	v54 =	vmax.f32 v52, $0.0e+00;
	v23 =	vand.u32 $0xFFFF0000, v42;
	v42 =	vmax.f32 v17, $0.0e+00  }
0x20d: {  	v5 =	vadd.s32 $0x7FFF, v5;
	v6 =	vadd.s32 v48, v6;
	v48 =	vand.u32 $0x1, v56  }
0x20e: {  	v56 =	vshrl.u32 v54, $0x10;
	v7 =	vadd.s32 $0x7FFF, v7;
	v13 =	vand.u32 $0xFFFF0000, v43  }
0x20f: {  	v5 =	vand.u32 $0xFFFF0000, v5;
	v2 =	vadd.s32 v48, v8;
	v48 =	vshrl.u32 v12, $0x10;
	[tilespmem:v11+s26+$0x0] =	vst.idx.add.f32.msk $0xffff, v13  }
0x210: {  	v6 =	vadd.s32 $0x7FFF, v6;
	v7 =	vand.u32 $0xFFFF0000, v7;
	v8 =	vand.u32 $0x1, v48;
	[tilespmem:v15+s26+$0x0] =	vst.idx.add.f32.msk $0xffff, v23  }
0x211: {  	v48 =	vand.u32 $0xFFFF0000, v35;
	v2 =	vadd.s32 $0x7FFF, v2;
	v6 =	vand.u32 $0xFFFF0000, v6;
	v13 =	vld [tilespmem:$0x1FFF0]  }
0x212: {  	v3 =	vadd.s32 v8, v12;
	v12 =	vmax.f32 v45, $0.0e+00;
	v8 =	vand.u32 $0x1, v56;
	[tilespmem:v63+s26+$0x0] =	vst.idx.add.f32.msk $0xffff, v40  }
0x213: {  	v45 =	vshrl.u32 v42, $0x10;
	v2 =	vand.u32 $0xFFFF0000, v2;
	v59 =	vshrl.u32 v12, $0x10;
	[tilespmem:v61+s26+$0x0] =	vst.idx.add.f32.msk $0xffff, v48  }
0x214: {  	v8 =	vadd.s32 v8, v54;
	v3 =	vadd.s32 $0x7FFF, v3;
	v9 =	vand.u32 $0x1, v59;
	[tilespmem:v44+s26+$0x0] =	vst.idx.add.f32.msk $0xffff, v5  }
0x215: {  	v43 =	vand.u32 $0xFFFF0000, v32;
	v3 =	vand.u32 $0xFFFF0000, v3;
	v9 =	vadd.s32 v9, v12;
	[tilespmem:v39+s26+$0x0] =	vst.idx.add.f32.msk $0xffff, v6  }
0x216: {  	v12 =	vand.u32 $0x1, v45;
	v49 =	vmax.f32 v51, $0.0e+00;
	v51 =	vmax.f32 v47, $0.0e+00;
	[tilespmem:v36+s26+$0x0] =	vst.idx.add.f32.msk $0xffff, v4  }
0x217: {  	v12 =	vadd.s32 v12, v42;
	v28 =	vand.u32 $0xFFFF0000, v37;
	v52 =	vshrl.u32 v51, $0x10;
	[tilespmem:v62+s26+$0x0] =	vst.idx.add.f32.msk $0xffff, v43  }
0x218: {  	v37 =	vshrl.u32 v26, $0x10;
	v50 =	vshrl.u32 v49, $0x10;
	v54 =	vand.u32 $0x1, v52;
	[tilespmem:v60+s26+$0x0] =	vst.idx.add.f32.msk $0xffff, v1  }
0x219: {  	v53 =	vadd.s32 $0x7FFF, v8;
	v55 =	vadd.s32 $0x7FFF, v9;
	v11 =	vand.u32 $0x1, v24;
	[tilespmem:v41+s26+$0x0] =	vst.idx.add.f32.msk $0xffff, v7  }
0x21a: {  	v57 =	vmax.f32 v16, $0.0e+00;
	v10 =	vadd.s32 v11, v22;
	v5 =	vand.u32 $0x1, v50;
	[tilespmem:v38+s26+$0x0] =	vst.idx.add.f32.msk $0xffff, v2  }
0x21b: {  	v56 =	vadd.s32 $0x7FFF, v10;
	v1 =	vadd.s32 v5, v49;
	[tilespmem:v33+s26+$0x0] =	vst.idx.add.f32.msk $0xffff, v3;
	v5 =	vand.u32 $0xFFFF0000, v53  }
0x21c: {  	v11 =	vand.u32 $0x1, v37;
	v61 =	vadd.s32 $0x7FFF, v12;
	v3 =	vand.u32 $0xFFFF0000, v56;
	[tilespmem:v31+s26+$0x0] =	vst.idx.add.f32.msk $0xffff, v5  }
0x21d: {  	v59 =	vshrl.u32 v57, $0x10;
	v11 =	vadd.s32 v11, v26;
	v63 =	vand.u32 $0xFFFF0000, v61;
	[tilespmem:v29+s26+$0x0] =	vst.idx.add.f32.msk $0xffff, v3  }
0x21e: {  	v4 =	vand.u32 $0xFFFF0000, v55;
	v2 =	vadd.s32 v54, v51;
	v58 =	vadd.s32 $0x7FFF, v11;
	[tilespmem:v19+s26+$0x0] =	vst.idx.add.f32.msk $0xffff, v63  }
0x21f: {  	s1 =	sadd.s32 $0x1, s1;
	v1 =	vadd.s32 $0x7FFF, v1;
	v5 =	vand.u32 $0xFFFF0000, v58;
	v3 =	vand.u32 $0x1, v59;
	[tilespmem:v30+s26+$0x0] =	vst.idx.add.f32.msk $0xffff, v4  }
0x220: {  	p0 =	sne.s32 s1, $0x62;
	v2 =	vadd.s32 $0x7FFF, v2;
	[tilespmem:v27+s26+$0x0] =	vst.idx.add.f32.msk $0xffff, v5;
	v1 =	vand.u32 $0xFFFF0000, v1;
	v60 =	vadd.s32 v3, v57  }
.Ltmp2:
0x221: {  	v2 =	vand.u32 $0xFFFF0000, v2;
	[tilespmem:v21+s26+$0x0] =	vst.idx.add.f32.msk $0xffff, v1;
	v62 =	vadd.s32 $0x7FFF, v60;
	(pc) =	sbr.rel @p0 .LBB2_2-.Ltmp2, $4  }
0x222: {  	[tilespmem:v0+s26+$0x0] =	vst.idx.add.f32.msk $0xffff, v2;
	v0 =	vand.u32 $0xFFFF0000, v62  }
0x223: {  	[tilespmem:v18+s26+$0x0] =	vst.idx.add.f32.msk $0xffff, v0  }
0x224: {  	[tilespmem:v13+s26+$0x0] =	vst.idx.add.f32.msk $0xffff, v25  }
0x225: {  	[tilespmem:v14+s26+$0x0] =	vst.idx.add.f32.msk $0xffff, v28  }
0x226: {  	s0 =	sadd.s32 $0x1, s0  }
0x227: {  	p0 =	sne.s32 s0, s17  }
.Ltmp3:
0x228: {  	_ = 	snop;
	(pc) =	sbr.rel @p0 .LBB2_1-.Ltmp3, $4  }
0x229: {  	[hbm4b:s16+s2] =	stream.linear.scatter [tilespmem:s26], [sflag:$0x1], $0x4000, $0x38;
	[tilespmem:$0x15280] =	vst v63  }
0x22a: {  	_ =	swait.ge [sflag:s18], $0x4000  }
0x22b: {  	[sflag:s18] =	ssyncset.done $0x0  }
0x22c: {  	[sflag:s18] =	ssyncadd.s32 $0xFFFFC000  }
0x22d: {  	_ =	sfence.sel $0x180000  }
0x22e: {  	[bflag:$0x0] =	sbarrier.arrive $0xFFFF  }
0x22f: {  	_ =	strace $0x9000004A  }
0x230: {  	s0 =	stileid.u32;
	[bflag:$0x2] =	sbarrier.arrive $0xFFFF  }
0x231: {  	p0 =	sne.s32 s0, $0x0;
	s0 =	rddreg [dreg:$0x1]  }
0x232: {  	s0 =	sadd.s32 @!p0 $0x100000, s0  }
0x233: {  	[sflag:s0] =	ssyncadd.tile.s32 @!p0 $0x1;
	_ =	shalt  }
.Lfunc_end2:
_tile_overlayer_lowered:
.L_overlay_start_2:
0x234: {  	(tag) =	ssettag $0x2  }
0x235: {  	s0 =	rddreg [dreg:$0x0];
	s2 =	stileid.u32  }
0x236: {  	s1 =	rddreg [dreg:$0x1];
	p0 =	sne.s32 s2, $0x0  }
0x237: {  	s3 =	rddreg [dreg:$0x2];
	[bflag:$0x3] =	sbarrier.arrive $0xFFFF;
	s2 =	simm.s32 @!p0 $0x1C01  }
0x238: {  	[timem:s3], [sflag:s2] =	dma.local @!p0 [hbm:s0], s1  }
0x239: {  	s0 =	simm.s32 @!p0 $0x1  }
0x23a: {  	_ =	swait.ge @!p0 [sflag:s0], s1  }
0x23b: {  	s1 =	ssub.s32 @!p0 $0x0, s1;
	[sflag:s0] =	ssyncset.done @!p0 $0x0  }
0x23c: {  	[sflag:s0] =	ssyncadd.s32 @!p0 s1  }
0x23d: {  	[bflag:$0x3] =	sbarrier.arrive $0xFFFF  }
0x23e: {  	_ =	shalt  }

// kernel: kernel.7.cloned.1.call-start
scs
__scs_entry_jumppad:
0x0: {  	(pc) =	sbr.rel $0x88, $3  }
0x1: {  	(tag) =	ssettag $0x0;
	lr =	simm.s32 $0x1  }
0x2: {  	[smem:$0x3F68] =	sst lr;
	_ =	strace $0xD0000000  }
0x3: {  	_ = 	snop  }
0x4: {  	_ = 	snop  }
0x5: {  	_ = 	snop  }
0x6: {  	_ = 	snop  }
0x7: {  	_ = 	snop  }
__scs_overlays_trampoline_lowered:
0x8: {  	[smem:$0x3F77] =	sst s0  }
0x9: {  	[smem:$0x3F78] =	sst s1  }
0xa: {  	[smem:$0x3F79] =	sst s2  }
0xb: {  	[smem:$0x3F7A] =	sst s3  }
0xc: {  	[smem:$0x3F7B] =	sst s4  }
0xd: {  	[smem:$0x3F7C] =	sst s5  }
0xe: {  	[smem:$0x3F7D] =	sst s6  }
0xf: {  	[smem:$0x3F7E] =	sst s7  }
0x10: {  	[smem:$0x3F7F] =	sst s8  }
0x11: {  	[smem:$0x3F80] =	sst s9;
	s0 =	simm.s32 @!p0 $0x0  }
0x12: {  	s1 =	sld [smem:$0x3F66];
	s0 =	simm.s32 @p0 $0x1  }
0x13: {  	[smem:$0x3F81] =	sst s0;
	s0 =	simm.s32 @!p1 $0x0  }
0x14: {  	s2 =	sld [smem:$0x3F65];
	s0 =	simm.s32 @p1 $0x1  }
0x15: {  	[smem:$0x3F82] =	sst s0;
	s0 =	simm.s32 @!p2 $0x0  }
0x16: {  	s3 =	sld [smem:$0x3FDB];
	s0 =	simm.s32 @p2 $0x1  }
0x17: {  	s4 =	simm.s32 $0x1BF5;
	[smem:$0x3F84] =	sst s0  }
0x18: {  	s0 =	sld [smem:$0x3F67];
	_ =	swait.ge [sflag:s4], $0x0  }
0x19: {  	s7 =	sld [smem:$0x3F68]  }
0x1a: {  	s8 =	sadd.s32 $0xFFFFE003, lr  }
0x1b: {  	s9 =	sadd.s32 $0xFFFFFEF7, lr;
	s5 =	simm.s32 $0xFFFFFFFF;
	p2 =	slt.u32 s8, $0xFFFFF086  }
0x1c: {  	p1 =	slt.u32 s9, $0xF7A;
	s5 =	simm.s32 @!p2 $0x0  }
0x1d: {  	s5 =	simm.s32 @p1 $0x1;
	p0 =	seq.s32 s7, s2  }
0x1e: {  	s7 =	smul.u32 @!p0 $0xF7A, s2;
	p2 =	seq.s32 @!p0 s5, $0x0  }
0x1f: {  	s9 =	smul.u32 $0xF7A, s1;
	s8 =	simm.s32 @!p0 $0x1BF5;
	p2 =	por !p2, p0  }
0x20: {  	[sflag:s8] =	ssyncset.s32 @!p0 $0xFFFFF086;
	s6 =	sadd.s32 @!p0 s3, s7;
	s7 =	simm.s32 @!p0 $0x108  }
0x21: {  	s3 =	sadd.s32 s3, s9;
	s6 =	sadd.s32 @!p0 $0x88, s6;
	s7 =	simm.s32 @p2 $0x1082  }
0x22: {  	[simem:s7], [sflag:s8] =	dma.local @!p0 [hbm:s6], $0xF7A  }
0x23: {  	s9 =	sor.u32 $0xD0000000, s2;
	s6 =	simm.s32 $0x108;
	_ =	swait.ge @!p0 [sflag:s8], $0x0  }
0x24: {  	s3 =	sadd.s32 $0x88, s3;
	s6 =	simm.s32 @!p1 $0x1082;
	[sflag:s4] =	ssyncset.s32 $0xFFFFF086  }
0x25: {  	[simem:s6], [sflag:s4] =	dma.local [hbm:s3], $0xF7A  }
0x26: {  	[smem:$0x3F68] =	sst s1;
	(tag) =	ssettag s2;
	_ =	strace s9  }
0x27: {  	s1 =	sld [smem:$0x3F78]  }
0x28: {  	s2 =	sld [smem:$0x3F79]  }
0x29: {  	s4 =	sld [smem:$0x3F7B]  }
0x2a: {  	p0 =	seq.s32 s5, $0x0;
	s5 =	sld [smem:$0x3F7C]  }
0x2b: {  	s6 =	sld [smem:$0x3F7D]  }
0x2c: {  	s7 =	sld [smem:$0x3F7E]  }
0x2d: {  	s3 =	simm.s32 $0x108;
	s8 =	sld [smem:$0x3F7F]  }
0x2e: {  	s3 =	simm.s32 @!p0 $0x1082;
	s9 =	sld [smem:$0x3F80]  }
0x2f: {  	lr =	sadd.s32 s0, s3;
	s0 =	sld [smem:$0x3F77]  }
0x30: {  	s3 =	sld [smem:$0x3F7A]  }
0x31: {  	[smem:$0x3F83] =	sst s10  }
0x32: {  	s10 =	sld [smem:$0x3F81];
	_ =	sdelay $0x3  }
0x33: {  	p0 =	seq.s32 s10, $0x1;
	s10 =	sld [smem:$0x3F83];
	_ =	sdelay $0x3  }
0x34: {  	[smem:$0x3F83] =	sst s10  }
0x35: {  	s10 =	sld [smem:$0x3F82];
	_ =	sdelay $0x3  }
0x36: {  	p1 =	seq.s32 s10, $0x1;
	s10 =	sld [smem:$0x3F83];
	_ =	sdelay $0x3  }
0x37: {  	[smem:$0x3F83] =	sst s10  }
0x38: {  	s10 =	sld [smem:$0x3F84]  }
0x39: {  	_ = 	snop;
	(pc) =	sbr.ind lr, $3  }
0x3a: {  	_ = 	snop  }
0x3b: {  	_ = 	snop  }
0x3c: {  	p2 =	seq.s32 s10, $0x1;
	s10 =	sld [smem:$0x3F83]  }
0x3d: {  	_ =	shalt  }
0x3e: {  	_ =	shalt  }
0x3f: {  	_ =	shalt  }
0x40: {  	_ =	shalt  }
0x41: {  	_ =	shalt  }
0x42: {  	_ =	shalt  }
0x43: {  	_ =	shalt  }
0x44: {  	_ =	shalt  }
0x45: {  	_ =	shalt  }
0x46: {  	_ =	shalt  }
0x47: {  	_ =	shalt  }
0x48: {  	_ =	shalt  }
0x49: {  	_ =	shalt  }
0x4a: {  	_ =	shalt  }
0x4b: {  	_ =	shalt  }
0x4c: {  	_ =	shalt  }
0x4d: {  	_ =	shalt  }
0x4e: {  	_ =	shalt  }
0x4f: {  	_ =	shalt  }
0x50: {  	_ =	shalt  }
0x51: {  	_ =	shalt  }
0x52: {  	_ =	shalt  }
0x53: {  	_ =	shalt  }
0x54: {  	_ =	shalt  }
0x55: {  	_ =	shalt  }
0x56: {  	_ =	shalt  }
0x57: {  	_ =	shalt  }
0x58: {  	_ =	shalt  }
0x59: {  	_ =	shalt  }
0x5a: {  	_ =	shalt  }
0x5b: {  	_ =	shalt  }
0x5c: {  	_ =	shalt  }
0x5d: {  	_ =	shalt  }
0x5e: {  	_ =	shalt  }
0x5f: {  	_ =	shalt  }
0x60: {  	_ =	shalt  }
0x61: {  	_ =	shalt  }
0x62: {  	_ =	shalt  }
0x63: {  	_ =	shalt  }
0x64: {  	_ =	shalt  }
0x65: {  	_ =	shalt  }
0x66: {  	_ =	shalt  }
0x67: {  	_ =	shalt  }
0x68: {  	_ =	shalt  }
0x69: {  	_ =	shalt  }
0x6a: {  	_ =	shalt  }
0x6b: {  	_ =	shalt  }
0x6c: {  	_ =	shalt  }
0x6d: {  	_ =	shalt  }
0x6e: {  	_ =	shalt  }
0x6f: {  	_ =	shalt  }
0x70: {  	_ =	shalt  }
0x71: {  	_ =	shalt  }
0x72: {  	_ =	shalt  }
0x73: {  	_ =	shalt  }
0x74: {  	_ =	shalt  }
0x75: {  	_ =	shalt  }
0x76: {  	_ =	shalt  }
0x77: {  	_ =	shalt  }
0x78: {  	_ =	shalt  }
0x79: {  	_ =	shalt  }
0x7a: {  	_ =	shalt  }
0x7b: {  	_ =	shalt  }
0x7c: {  	_ =	shalt  }
0x7d: {  	_ =	shalt  }
0x7e: {  	_ =	shalt  }
0x7f: {  	_ =	shalt  }
0x80: {  	_ =	shalt  }
0x81: {  	_ =	shalt  }
0x82: {  	_ =	shalt  }
0x83: {  	_ =	shalt  }
0x84: {  	_ =	shalt  }
0x85: {  	_ =	shalt  }
0x86: {  	_ =	shalt  }
0x87: {  	_ =	shalt  }
.Lfunc_end0:
.L_simem_size_0:
called_computation_lowered:
.L_overlay_start_0:
0x88: {  	s2 =	sld [smem:$0x3FD9]  }
0x89: {  	s3 =	sld [smem:$0x3FFE];
	_ =	sdelay $0x1  }
0x8a: {  	s1 =	srdreg.scid  }
0x8b: {  	s0 =	sand.u32 $0x1, s1  }
0x8c: {  	s14 =	sshll.u32 s0, $0xA;
	s2 =	sadd.s32 s3, s2  }
0x8d: {  	s2 =	sadd.s32 s2, s14  }
0x8e: {  	[smem:$0x3F8F] =	sst s2  }
0x8f: {  	_ = 	snop  }
0x90: {  	s2 =	sld [smem:$0x3FD0];
	_ =	sdelay $0x2  }
0x91: {  	s15 =	simm.s32 $0xA;
	s4 =	simm.s32 $0x10  }
0x92: {  	[smem:s4], [sflag:s15] =	dma.local [hbm:s2], $0x1  }
0x93: {  	_ =	swait.eq [sflag:s15], $0x1  }
0x94: {  	[sflag:s15] =	ssyncset.done $0x0  }
0x95: {  	s16 =	sld [smem:$0x10];
	[sflag:s15] =	ssyncadd.s32 $0xFFFFFFFF  }
0x96: {  	s17 =	sld [smem:$0x11];
	(tm) =	ssettm $0x1  }
0x97: {  	s18 =	sld [smem:$0x3FFB];
	_ =	sdelay $0x3  }
0x98: {  	_ =	strace s18  }
0x99: {  	s4 =	sld [smem:$0x3FFC];
	_ =	sdelay $0x3  }
0x9a: {  	_ =	strace s4  }
0x9b: {  	s4 =	sld [smem:$0x3FFD];
	_ =	sdelay $0x3  }
0x9c: {  	_ =	strace s4  }
0x9d: {  	_ =	strace $0x8FFFFFFF  }
0x9e: {  	s19 =	sld [smem:$0x3FDB];
	_ =	sdelay $0x1  }
0x9f: {  	s5 =	simm.s32 $_scs_section_size  }
0xa0: {  	s6 =	simm.s32 $_size__tile_overlayer_lowered;
	s7 =	simm.s32 $_tile_overlayer_lowered  }
0xa1: {  	s22 =	simm.s32 $0x1BFF;
	s21 =	sshll.u32 s7, $0x1;
	s4 =	sadd.s32 s5, s19  }
0xa2: {  	s8 =	simm.s32 $0x0;
	s20 =	sshll.u32 s6, $0x1;
	s6 =	sadd.s32 s21, s4  }
0xa3: {  	[timem:s8], [sflag:s22] =	dma.local [hbm:s6], s20  }
0xa4: {  	_ =	swait.ge [sflag:s22], s20  }
0xa5: {  	s5 =	ssub.s32 $0x0, s20;
	[sflag:s22] =	ssyncset.done $0x0  }
0xa6: {  	[sflag:s22] =	ssyncadd.s32 s5;
	_ =	sdelay $0x1  }
0xa7: {  	s23 =	simm.s32 $0x1B8B  }
0xa8: {  	_ =	swait.ge [sflag:s23], $0x1  }
0xa9: {  	[sflag:s23] =	ssyncset.done $0x0  }
0xaa: {  	s25 =	simm.s32 $0x1B8E;
	s24 =	sld [smem:$0x3FFE];
	[sflag:s23] =	ssyncadd.s32 $0xFFFFFFFF  }
0xab: {  	s26 =	simm.s32 $execute0_lowered;
	[smem:$0x3FD2] =	sst s25  }
0xac: {  	s6 =	sshll.u32 s26, $0x1;
	_ =	strace $0x80000046;
	[dreg:$0x1] =	wrdreg $0xFFFFFFFF  }
0xad: {  	s28 =	simm.s32 $_size_execute0_lowered;
	s4 =	sadd.s32 s4, s6;
	[dreg:$0x0] =	wrdreg $0x0  }
0xae: {  	s6 =	sshll.u32 s28, $0x1;
	[dreg:$0x2] =	wrdreg s4  }
0xaf: {  	[dreg:$0x3] =	wrdreg s6  }
0xb0: {  	[dreg:$0x4] =	wrdreg $0xC0  }
0xb1: {  	_ =	task [dreg:s8], $0x5FFFF  }
0xb2: {  	[dreg:$0x1] =	wrdreg $0xFFFFFFFF  }
0xb3: {  	[dreg:$0x0] =	wrdreg $0x60  }
0xb4: {  	[dreg:$0x2] =	wrdreg s24  }
0xb5: {  	[dreg:$0x3] =	wrdreg s16  }
0xb6: {  	[dreg:$0x4] =	wrdreg s17  }
0xb7: {  	[dreg:$0x5] =	wrdreg $0x9  }
0xb8: {  	_ =	task.clear_ibuf [dreg:s8], $0x6FFFF;
	_ =	strace $0x90000046  }
0xb9: {  	s29 =	simm.s32 $0x9;
	_ =	strace $0x80000048  }
0xba: {  	_ =	swait.ge [sflag:s29], $0x1  }
0xbb: {  	[sflag:s29] =	ssyncadd.s32 $0xFFFFFFFF  }
0xbc: {  	_ =	strace $0x90000048  }
0xbd: {  	_ =	sfence  }
0xbe: {  	s30 =	sld [smem:$0x0];
	_ =	sdelay $0x2  }
0xbf: {  	s31 =	sshll.u32 s1, $0xD;
	s1 =	sshrl.u32 s1, $0x2  }
0xc0: {  	s3 =	sand.u32 $0x4000, s31;
	s1 =	sadd.s32 s1, s30  }
0xc1: {  	s0 =	sor.u32 s3, s0;
	s1 =	sshll.u32 s1, $0x11  }
0xc2: {  	s0 =	sor.u32 s1, s0  }
0xc3: {  	s0 =	sadd.s32 $0x8F2B, s0  }
0xc4: {  	[sflag:s0] =	ssyncadd.remote.s32 $0x1  }
0xc5: {  	_ =	sfence.sel $0xFFFF  }
0xc6: {  	[dreg:$0x0] =	wrdreg $0xFFFFFFFF;
	(pc) =	sbr.abs _section_cstart, $3  }
0xc7: {  	[dreg:$0x1] =	wrdreg $0xFFFFFFFF  }
0xc8: {  	_ =	task.clear_ibuf [dreg:s8], $0x2FFFF;
	_ =	strace $0x9FFFFFFF  }
0xc9: {  	(tm) =	ssettm $0x7FFFFFFF  }
tec
execute0_lowered:
.L_overlay_start_1:
0x0: {  	(tag) =	ssettag $0x1  }
0x1: {  	s0 =	rddreg [dreg:$0x0]  }
0x2: {  	s1 =	rddreg [dreg:$0x1]  }
0x3: {  	s3 =	simm.s32 $0x0;
	s9 =	stileid.u32;
	s2 =	srdreg.scid  }
0x4: {  	s30 =	simm.s32 $0x0;
	[smem:$0x7FF] =	sst s3;
	s4 =	smul.u32 $0xC40, s9  }
0x5: {  	s2 =	sand.u32 $0x1, s2;
	s20 =	sshll.u32 s9, $0xB;
	s21 =	sshll.u32 s9, $0x7  }
0x6: {  	s10 =	sadd.s32 $0x10400, s0;
	_ =	strace $0x80000047;
	s5 =	sshll.u32 s2, $0xB  }
0x7: {  	s6 =	sshll.u32 s2, $0x8;
	s22 =	smul.u32 $0xC400, s2;
	[dreg:$0x4] =	wrdreg s10  }
0x8: {  	s15 =	sadd.s32 s20, s0;
	s23 =	ssub.s32 $0x2, s2;
	s13 =	sshll.u32 s2, $0x2  }
0x9: {  	s2 =	sshll.u32 s2, $0xF;
	s7 =	sshrl.u32 s4, $0x3;
	s8 =	sadd.s32 s5, s0  }
0xa: {  	s12 =	sadd.s32 s6, s0;
	s5 =	sor.u32 s21, s5;
	s24 =	sshrl.u32 s23, $0x1  }
0xb: {  	s13 =	sadd.s32 s1, s13;
	s31 =	sadd.s32 s2, s15;
	s1 =	simm.s32 $0x10000  }
0xc: {  	s16 =	sadd.s32 s7, s0;
	s5 =	sshrl.u32 s5, $0x3;
	s4 =	sadd.s32 s4, s22  }
0xd: {  	s25 =	ssub.s32 s23, s24;
	s26 =	sadd.s32 $0xD400, s8;
	s28 =	sadd.s32 $0xE400, s8  }
0xe: {  	s29 =	sadd.s32 $0xF400, s8;
	s8 =	sadd.s32 $0xB400, s12;
	s9 =	sadd.s32 $0xB600, s12  }
0xf: {  	s10 =	sadd.s32 $0xB800, s12;
	s11 =	sadd.s32 $0x7C00, s12;
	s12 =	sadd.s32 $0x7E00, s12  }
0x10: {  	s17 =	sadd.s32 $0x10C00, s31;
	s22 =	simm.s32 $0x1;
	[dreg:$0x5] =	wrdreg s26  }
0x11: {  	s23 =	simm.s32 $0x4000;
	s24 =	simm.s32 $0x8000;
	[dreg:$0x6] =	wrdreg s28  }
0x12: {  	s5 =	sadd.s32 s5, s0;
	s4 =	sshrl.u32 s4, $0x3;
	[dreg:$0x7] =	wrdreg s29  }
0x13: {  	s14 =	sadd.s32 $0x8000, s16;
	s15 =	sadd.s32 $0x9A00, s16;
	s16 =	sadd.s32 $0xBA00, s16  }
0x14: {  	s21 =	smax.u32 s25, $0x1;
	s0 =	sadd.s32 s4, s0;
	s18 =	sadd.s32 $0x27000, s5  }
0x15: {  	s19 =	sadd.s32 $0x20C00, s0;
	s20 =	sadd.s32 $0x23E00, s0;
	s0 =	simm.s32 $0xC000  }
.LBB2_1:
0x16: {  	s2 =	rddreg [dreg:$0x5]  }
0x17: {  	[tilespmem:s3], [sflag:$0x1] =	stream.linear.gather [hbm4b:s2+s3], $0x4000, $0x38;
	[tilespmem:$0x16780] =	vst v63  }
0x18: {  	_ =	swait.ge [sflag:s22], $0x4000  }
0x19: {  	[sflag:s22] =	ssyncset.done $0x0  }
0x1a: {  	s7 =	rddreg [dreg:$0x6];
	[sflag:s22] =	ssyncadd.s32 $0xFFFFC000  }
0x1b: {  	[tilespmem:s23], [sflag:$0x1] =	stream.linear.gather [hbm4b:s7+s3], $0x4000, $0x38;
	[tilespmem:$0x16780] =	vst v63  }
0x1c: {  	_ =	swait.ge [sflag:s22], $0x4000  }
0x1d: {  	[sflag:s22] =	ssyncset.done $0x0  }
0x1e: {  	s25 =	rddreg [dreg:$0x7];
	[sflag:s22] =	ssyncadd.s32 $0xFFFFC000  }
0x1f: {  	[tilespmem:s24], [sflag:$0x1] =	stream.linear.gather [hbm4b:s25+s3], $0x4000, $0x38;
	[tilespmem:$0x16780] =	vst v63  }
0x20: {  	_ =	swait.ge [sflag:s22], $0x4000  }
0x21: {  	[sflag:s22] =	ssyncset.done $0x0  }
0x22: {  	s26 =	simm.s32 $0x10080;
	[sflag:s22] =	ssyncadd.s32 $0xFFFFC000  }
0x23: {  	[tilespmem:s26], [sflag:$0x1] =	stream.linear.gather [hbm4b:s8+s3], $0x800, $0x38;
	[tilespmem:$0x16780] =	vst v63  }
0x24: {  	_ =	swait.ge [sflag:s22], $0x800  }
0x25: {  	[sflag:s22] =	ssyncset.done $0x0  }
0x26: {  	s28 =	simm.s32 $0x10880;
	[sflag:s22] =	ssyncadd.s32 $0xFFFFF800  }
0x27: {  	[tilespmem:s28], [sflag:$0x1] =	stream.linear.gather [hbm4b:s9+s3], $0x800, $0x38;
	[tilespmem:$0x16780] =	vst v63  }
0x28: {  	_ =	swait.ge [sflag:s22], $0x800  }
0x29: {  	[sflag:s22] =	ssyncset.done $0x0  }
0x2a: {  	s29 =	simm.s32 $0x11080;
	[sflag:s22] =	ssyncadd.s32 $0xFFFFF800  }
0x2b: {  	[tilespmem:s29], [sflag:$0x1] =	stream.linear.gather [hbm4b:s10+s3], $0x800, $0x38;
	[tilespmem:$0x16780] =	vst v63  }
0x2c: {  	_ =	swait.ge [sflag:s22], $0x800  }
0x2d: {  	[sflag:s22] =	ssyncset.done $0x0  }
0x2e: {  	s4 =	simm.s32 $0x11880;
	[sflag:s22] =	ssyncadd.s32 $0xFFFFF800  }
0x2f: {  	[tilespmem:s4], [sflag:$0x1] =	stream.linear.gather [hbm4b:s11+s3], $0x800, $0x38;
	[tilespmem:$0x16780] =	vst v63  }
0x30: {  	_ =	swait.ge [sflag:s22], $0x800  }
0x31: {  	[sflag:s22] =	ssyncset.done $0x0  }
0x32: {  	s5 =	simm.s32 $0x12080;
	[sflag:s22] =	ssyncadd.s32 $0xFFFFF800  }
0x33: {  	[tilespmem:s5], [sflag:$0x1] =	stream.linear.gather [hbm4b:s12+s3], $0x800, $0x38;
	[tilespmem:$0x16780] =	vst v63  }
0x34: {  	_ =	swait.ge [sflag:s22], $0x800  }
0x35: {  	[sflag:s22] =	ssyncset.done $0x0  }
0x36: {  	s6 =	simm.s32 $0x12880;
	[sflag:s22] =	ssyncadd.s32 $0xFFFFF800  }
0x37: {  	[tilespmem:s6], [sflag:$0x1] =	stream.linear.gather [hbm4b:s13+s3], $0x20, $0x38;
	[tilespmem:$0x16780] =	vst v63  }
0x38: {  	_ =	swait.ge [sflag:s22], $0x20  }
0x39: {  	[sflag:s22] =	ssyncset.done $0x0  }
0x3a: {  	s7 =	rddreg [dreg:$0x4];
	[sflag:s22] =	ssyncadd.s32 $0xFFFFFFE0  }
0x3b: {  	[tilespmem:s0], [sflag:$0x1] =	stream.linear.gather [hbm4b:s7+s3], $0x4000, $0x38;
	[tilespmem:$0x16780] =	vst v63  }
0x3c: {  	_ =	swait.ge [sflag:s22], $0x4000  }
0x3d: {  	[sflag:s22] =	ssyncset.done $0x0  }
0x3e: {  	[sflag:s22] =	ssyncadd.s32 $0xFFFFC000  }
0x3f: {  	s25 =	rddreg [dreg:$0x2]  }
0x40: {  	[tilespmem:s1], [sflag:$0x1] =	stream.linear.gather [hbm4b:s25+s3], $0x80, $0x38;
	[tilespmem:$0x16780] =	vst v63  }
0x41: {  	_ =	swait.ge [sflag:s22], $0x80  }
0x42: {  	[sflag:s22] =	ssyncset.done $0x0  }
0x43: {  	s26 =	simm.s32 $0x12900;
	[sflag:s22] =	ssyncadd.s32 $0xFFFFFF80  }
0x44: {  	[tilespmem:s26], [sflag:$0x1] =	stream.linear.gather [hbm4b:s14+s3], $0xC40, $0x38;
	[tilespmem:$0x16780] =	vst v63  }
0x45: {  	_ =	swait.ge [sflag:s22], $0xC40  }
0x46: {  	[sflag:s22] =	ssyncset.done $0x0  }
0x47: {  	s28 =	simm.s32 $0x13580;
	[sflag:s22] =	ssyncadd.s32 $0xFFFFF3C0  }
0x48: {  	[tilespmem:s28], [sflag:$0x1] =	stream.linear.gather [hbm4b:s15+s3], $0xC40, $0x38;
	[tilespmem:$0x16780] =	vst v63  }
0x49: {  	_ =	swait.ge [sflag:s22], $0xC40  }
0x4a: {  	[sflag:s22] =	ssyncset.done $0x0  }
0x4b: {  	s29 =	simm.s32 $0x14200;
	[sflag:s22] =	ssyncadd.s32 $0xFFFFF3C0  }
0x4c: {  	[tilespmem:s29], [sflag:$0x1] =	stream.linear.gather [hbm4b:s16+s3], $0xC40, $0x38;
	[tilespmem:$0x16780] =	vst v63  }
0x4d: {  	_ =	swait.ge [sflag:s22], $0xC40  }
0x4e: {  	[sflag:s22] =	ssyncset.done $0x0  }
0x4f: {  	s31 =	simm.s32 $0x0;
	[sflag:s22] =	ssyncadd.s32 $0xFFFFF3C0  }
.LBB2_2:
0x50: {  	s2 =	sshll.u32 s31, $0x5  }
0x51: {  	v3 =	vld [tilespmem:s2+$0x12900]  }
0x52: {  	v1 =	vld [tilespmem:s2+$0x13580]  }
0x53: {  	v5 =	vld [tilespmem:s2+$0x12910]  }
0x54: {  	v2 =	vld [tilespmem:s2+$0x13590]  }
0x55: {  	s5 =	simm.s32 $0x0;
	v4 =	vld [tilespmem:s2+$0x14200]  }
0x56: {  	s4 =	simm.s32 $0x100C0;
	v6 =	vld [tilespmem:s2+$0x14210];
	v0 =	vadd.s32 s5, v3  }
0x57: {  	v7 =	vld [tilespmem:s4+$0x30];
	v8 =	vadd.s32 s5, v1  }
0x58: {  	v9 =	vld [tilespmem:s4+$0x20];
	v10 =	vadd.s32 s5, v5  }
0x59: {  	s7 =	simm.s32 $0x380;
	v11 =	vld [tilespmem:s4+$0x10];
	v12 =	vadd.s32 s5, v2  }
0x5a: {  	v14 =	vld [tilespmem:s4+$0xFFFFFFC0];
	v15 =	vadd.s32 s7, v3  }
0x5b: {  	v16 =	vadd.s32 s7, v1;
	v0 =	vld.idx.msk [tilespmem:v0+s3+$0x0], $0xffff  }
0x5c: {  	v17 =	vadd.s32 s7, v5;
	v8 =	vld.idx.msk [tilespmem:v8+s23+$0x0], $0xffff  }
0x5d: {  	s25 =	simm.s32 $0x300;
	v18 =	vadd.s32 s7, v2;
	v10 =	vld.idx.msk [tilespmem:v10+s3+$0x0], $0xffff  }
0x5e: {  	v19 =	vadd.s32 s25, v3;
	v12 =	vld.idx.msk [tilespmem:v12+s23+$0x0], $0xffff  }
0x5f: {  	v20 =	vadd.s32 s25, v1;
	v15 =	vld.idx.msk [tilespmem:v15+s3+$0x0], $0xffff  }
0x60: {  	v21 =	vadd.s32 s25, v5;
	v16 =	vld.idx.msk [tilespmem:v16+s23+$0x0], $0xffff  }
0x61: {  	s26 =	simm.s32 $0x280;
	v22 =	vadd.s32 s25, v2;
	v17 =	vld.idx.msk [tilespmem:v17+s3+$0x0], $0xffff  }
0x62: {  	v23 =	vadd.s32 s26, v3;
	v18 =	vld.idx.msk [tilespmem:v18+s23+$0x0], $0xffff  }
0x63: {  	v24 =	vadd.s32 s26, v1;
	v19 =	vld.idx.msk [tilespmem:v19+s3+$0x0], $0xffff  }
0x64: {  	v25 =	vadd.s32 s26, v5;
	v20 =	vld.idx.msk [tilespmem:v20+s23+$0x0], $0xffff  }
0x65: {  	s6 =	simm.s32 $0x200;
	v26 =	vadd.s32 s26, v2;
	v21 =	vld.idx.msk [tilespmem:v21+s3+$0x0], $0xffff  }
0x66: {  	v27 =	vadd.s32 s6, v3;
	v22 =	vld.idx.msk [tilespmem:v22+s23+$0x0], $0xffff  }
0x67: {  	v28 =	vadd.s32 s6, v1;
	v23 =	vld.idx.msk [tilespmem:v23+s3+$0x0], $0xffff  }
0x68: {  	v29 =	vadd.s32 s6, v5;
	v24 =	vld.idx.msk [tilespmem:v24+s23+$0x0], $0xffff  }
0x69: {  	s7 =	simm.s32 $0x180;
	v30 =	vadd.s32 s6, v2;
	v25 =	vld.idx.msk [tilespmem:v25+s3+$0x0], $0xffff  }
0x6a: {  	v31 =	vadd.s32 s7, v3;
	v26 =	vld.idx.msk [tilespmem:v26+s23+$0x0], $0xffff  }
0x6b: {  	v32 =	vadd.s32 s7, v1;
	v27 =	vld.idx.msk [tilespmem:v27+s3+$0x0], $0xffff  }
0x6c: {  	v33 =	vadd.s32 s7, v5;
	v28 =	vld.idx.msk [tilespmem:v28+s23+$0x0], $0xffff  }
0x6d: {  	s26 =	simm.s32 $0x100;
	v34 =	vadd.s32 s7, v2;
	v29 =	vld.idx.msk [tilespmem:v29+s3+$0x0], $0xffff  }
0x6e: {  	v35 =	vadd.s32 s26, v3;
	v30 =	vld.idx.msk [tilespmem:v30+s23+$0x0], $0xffff  }
0x6f: {  	v36 =	vadd.s32 s26, v1;
	v31 =	vld.idx.msk [tilespmem:v31+s3+$0x0], $0xffff  }
0x70: {  	v37 =	vadd.s32 s26, v5;
	v32 =	vld.idx.msk [tilespmem:v32+s23+$0x0], $0xffff  }
0x71: {  	s6 =	simm.s32 $0x80;
	v38 =	vadd.s32 s26, v2;
	v33 =	vld.idx.msk [tilespmem:v33+s3+$0x0], $0xffff  }
0x72: {  	v39 =	vadd.s32 s6, v3;
	v34 =	vld.idx.msk [tilespmem:v34+s23+$0x0], $0xffff  }
0x73: {  	v40 =	vadd.s32 s6, v1;
	v35 =	vld.idx.msk [tilespmem:v35+s3+$0x0], $0xffff  }
0x74: {  	v36 =	vld.idx.msk [tilespmem:v36+s23+$0x0], $0xffff  }
0x75: {  	v43 =	vmul.f32 v7, v4;
	v7 =	vmul.f32 v7, v6;
	v41 =	vadd.s32 s6, v5;
	v37 =	vld.idx.msk [tilespmem:v37+s3+$0x0], $0xffff  }
0x76: {  	v42 =	vadd.s32 s6, v2;
	s7 =	simm.s32 $0x400;
	v38 =	vld.idx.msk [tilespmem:v38+s23+$0x0], $0xffff;
	v0 =	vadd.f32 v8, v0;
	v8 =	vadd.f32 v12, v10  }
0x77: {  	v45 =	vadd.s32 s7, v3;
	v39 =	vld.idx.msk [tilespmem:v39+s3+$0x0], $0xffff;
	v15 =	vadd.f32 v16, v15;
	v16 =	vadd.f32 v18, v17  }
0x78: {  	v40 =	vld.idx.msk [tilespmem:v40+s23+$0x0], $0xffff;
	v10 =	vmul.f32 v9, v4;
	v19 =	vadd.f32 v20, v19;
	v20 =	vadd.f32 v22, v21  }
0x79: {  	v13 =	vld [tilespmem:s4+$0x0];
	v9 =	vmul.f32 v9, v6;
	v22 =	vadd.f32 v24, v23;
	v23 =	vadd.f32 v26, v25  }
0x7a: {  	v18 =	vmul.f32 v11, v4;
	v24 =	vadd.f32 v28, v27;
	v26 =	vadd.f32 v30, v29  }
0x7b: {  	v49 =	vld [tilespmem:s4+$0xFFFFFFD0];
	v27 =	vmul.f32 v14, v4;
	v29 =	vadd.f32 v32, v31;
	v30 =	vadd.f32 v34, v33  }
0x7c: {  	v14 =	vmul.f32 v14, v6;
	v31 =	vadd.f32 v36, v35;
	v48 =	vadd.f32 v38, v37  }
0x7d: {  	v11 =	vmul.f32 v11, v6;
	v50 =	vadd.f32 v40, v39;
	v0 =	vadd.f32 v0, v27  }
0x7e: {  	v12 =	vld.idx.msk [tilespmem:v41+s3+$0x0], $0xffff;
	v25 =	vmul.f32 v13, v4;
	v8 =	vadd.f32 v8, v14;
	v15 =	vadd.f32 v15, v43  }
0x7f: {  	v17 =	vld.idx.msk [tilespmem:v42+s23+$0x0], $0xffff;
	v13 =	vmul.f32 v13, v6;
	v7 =	vadd.f32 v16, v7;
	v10 =	vadd.f32 v19, v10  }
0x80: {  	v21 =	vld [tilespmem:s4+$0xFFFFFFF0];
	v9 =	vadd.f32 v20, v9;
	v18 =	vadd.f32 v22, v18;
	v20 =	vmul.f32 v49, v4  }
0x81: {  	v46 =	vadd.s32 s7, v1;
	v28 =	vld [tilespmem:s4+$0xFFFFFFE0];
	v11 =	vadd.f32 v23, v11;
	v13 =	vadd.f32 v26, v13  }
0x82: {  	v22 =	vmul.f32 v49, v6;
	v20 =	vadd.f32 v50, v20;
	v0 =	vmax.f32 v0, $0.0e+00  }
0x83: {  	v8 =	vmax.f32 v8, $0.0e+00;
	v15 =	vmax.f32 v15, $0.0e+00;
	v10 =	vmax.f32 v10, $0.0e+00  }
0x84: {  	s5 =	simm.s32 $0x780;
	v9 =	vmax.f32 v9, $0.0e+00;
	v18 =	vmax.f32 v18, $0.0e+00;
	v11 =	vmax.f32 v11, $0.0e+00  }
0x85: {  	v13 =	vmax.f32 v13, $0.0e+00;
	v50 =	vadd.s32 s5, v3;
	v14 =	vmul.f32 v21, v4  }
0x86: {  	v12 =	vadd.f32 v17, v12;
	v17 =	vmul.f32 v21, v6;
	v16 =	vmul.f32 v28, v4  }
0x87: {  	v19 =	vmul.f32 v28, v6;
	v21 =	vadd.f32 v24, v25;
	v23 =	vshrl.u32 v8, $0x10  }
0x88: {  	v24 =	vshrl.u32 v10, $0x10;
	v25 =	vshrl.u32 v15, $0x10;
	v27 =	vshrl.u32 v18, $0x10  }
0x89: {  	v28 =	vshrl.u32 v11, $0x10;
	v51 =	vshrl.u32 v13, $0x10;
	v20 =	vmax.f32 v20, $0.0e+00  }
0x8a: {  	v23 =	vand.u32 $0x1, v23;
	v25 =	vand.u32 $0x1, v25;
	v27 =	vand.u32 $0x1, v27  }
0x8b: {  	v24 =	vand.u32 $0x1, v24;
	v32 =	vand.u32 $0x1, v51;
	v14 =	vadd.f32 v29, v14  }
0x8c: {  	v28 =	vand.u32 $0x1, v28;
	v17 =	vadd.f32 v30, v17;
	v16 =	vadd.f32 v31, v16  }
0x8d: {  	v19 =	vadd.f32 v48, v19;
	v12 =	vadd.f32 v12, v22;
	v22 =	vmax.f32 v7, $0.0e+00  }
0x8e: {  	v21 =	vmax.f32 v21, $0.0e+00;
	v7 =	vshrl.u32 v0, $0x10;
	v29 =	vshrl.u32 v9, $0x10  }
0x8f: {  	v23 =	vadd.s32 v23, v8;
	v25 =	vadd.s32 v25, v15;
	v24 =	vadd.s32 v24, v10  }
0x90: {  	v18 =	vadd.s32 v27, v18;
	v11 =	vadd.s32 v28, v11;
	v13 =	vadd.s32 v32, v13  }
0x91: {  	v48 =	vadd.s32 s7, v2;
	v26 =	vshrl.u32 v22, $0x10;
	v31 =	vshrl.u32 v21, $0x10  }
0x92: {  	v55 =	vand.u32 $0x1, v7;
	v7 =	vshrl.u32 v20, $0x10;
	v29 =	vand.u32 $0x1, v29  }
0x93: {  	v23 =	vadd.s32 $0x7FFF, v23;
	v24 =	vadd.s32 $0x7FFF, v24;
	v25 =	vadd.s32 $0x7FFF, v25  }
0x94: {  	v18 =	vadd.s32 $0x7FFF, v18;
	v11 =	vadd.s32 $0x7FFF, v11;
	v13 =	vadd.s32 $0x7FFF, v13  }
0x95: {  	v14 =	vmax.f32 v14, $0.0e+00;
	v17 =	vmax.f32 v17, $0.0e+00;
	v16 =	vmax.f32 v16, $0.0e+00  }
0x96: {  	v19 =	vmax.f32 v19, $0.0e+00;
	v12 =	vmax.f32 v12, $0.0e+00;
	v26 =	vand.u32 $0x1, v26  }
0x97: {  	v31 =	vand.u32 $0x1, v31;
	v59 =	vand.u32 $0x1, v7;
	v0 =	vadd.s32 v55, v0  }
0x98: {  	v57 =	vld [tilespmem:$0x12880];
	v29 =	vadd.s32 v29, v9;
	v24 =	vand.u32 $0xFFFF0000, v24;
	v40 =	vand.u32 $0xFFFF0000, v11  }
0x99: {  	v58 =	vld [tilespmem:$0x12890];
	s25 =	simm.s32 $0x110C0;
	v43 =	vand.u32 $0xFFFF0000, v13;
	v55 =	vadd.s32 s5, v5;
	v30 =	vshrl.u32 v14, $0x10  }
0x9a: {  	v36 =	vld [tilespmem:s25+$0xFFFFFFF0];
	v52 =	vshrl.u32 v16, $0x10;
	v53 =	vshrl.u32 v19, $0x10;
	v54 =	vshrl.u32 v17, $0x10  }
0x9b: {  	v38 =	vld.idx.msk [tilespmem:v45+s3+$0x0], $0xffff;
	v56 =	vshrl.u32 v12, $0x10;
	v22 =	vadd.s32 v26, v22;
	v21 =	vadd.s32 v31, v21  }
0x9c: {  	s26 =	simm.s32 $0x108C0;
	s6 =	simm.s32 $0x700;
	v39 =	vld.idx.msk [tilespmem:v46+s23+$0x0], $0xffff;
	v20 =	vadd.s32 v59, v20;
	v0 =	vadd.s32 $0x7FFF, v0;
	v29 =	vadd.s32 $0x7FFF, v29  }
0x9d: {  	v27 =	vld [tilespmem:s26+$0xFFFFFFC0];
	v59 =	vadd.s32 s6, v1;
	v33 =	vand.u32 $0x1, v52;
	v30 =	vand.u32 $0x1, v30  }
0x9e: {  	v28 =	vld [tilespmem:s25+$0xFFFFFFC0];
	v35 =	vand.u32 $0x1, v54;
	v37 =	vand.u32 $0x1, v56;
	v34 =	vand.u32 $0x1, v53  }
0x9f: {  	v8 =	vld [tilespmem:s25+$0x30];
	v22 =	vadd.s32 $0x7FFF, v22;
	v21 =	vadd.s32 $0x7FFF, v21;
	v0 =	vand.u32 $0xFFFF0000, v0  }
0xa0: {  	v10 =	vld [tilespmem:s25+$0x20];
	v20 =	vadd.s32 $0x7FFF, v20;
	v54 =	vadd.s32 s5, v1;
	v56 =	vadd.s32 s5, v2  }
0xa1: {  	v15 =	vld [tilespmem:s26+$0x10];
	v14 =	vadd.s32 v30, v14;
	v17 =	vadd.s32 v35, v17;
	v26 =	vadd.s32 v33, v16  }
0xa2: {  	v7 =	vld [tilespmem:s26+$0x30];
	v19 =	vadd.s32 v34, v19;
	v12 =	vadd.s32 v37, v12;
	v63 =	vmul.f32 v0, v27  }
0xa3: {  	s28 =	simm.s32 $0x10140;
	v9 =	vld [tilespmem:s26+$0x20];
	v0 =	vmul.f32 v0, v28;
	v21 =	vand.u32 $0xFFFF0000, v21;
	v14 =	vadd.s32 $0x7FFF, v14  }
0xa4: {  	v13 =	vld [tilespmem:s28+$0x10];
	v26 =	vadd.s32 $0x7FFF, v26;
	v60 =	vadd.s32 $0x7FFF, v19;
	v61 =	vadd.s32 $0x7FFF, v17  }
0xa5: {  	v11 =	vld [tilespmem:s28+$0x0];
	v62 =	vadd.s32 $0x7FFF, v12;
	v19 =	vand.u32 $0xFFFF0000, v23;
	v17 =	vand.u32 $0xFFFF0000, v25  }
0xa6: {  	v52 =	vld [tilespmem:s26+$0xFFFFFFD0];
	v12 =	vand.u32 $0xFFFF0000, v22;
	v23 =	vand.u32 $0xFFFF0000, v18;
	v25 =	vand.u32 $0xFFFF0000, v29  }
0xa7: {  	v53 =	vld [tilespmem:s25+$0xFFFFFFD0];
	v27 =	vmul.f32 v19, v27;
	v28 =	vmul.f32 v19, v28;
	v44 =	vand.u32 $0xFFFF0000, v14  }
0xa8: {  	v34 =	vld [tilespmem:s26+$0xFFFFFFF0];
	v33 =	vand.u32 $0xFFFF0000, v61;
	v26 =	vand.u32 $0xFFFF0000, v26;
	v32 =	vand.u32 $0xFFFF0000, v60  }
0xa9: {  	v50 =	vld.idx.msk [tilespmem:v50+s3+$0x0], $0xffff;
	v14 =	vand.u32 $0xFFFF0000, v20;
	v20 =	vadd.s32 s7, v5;
	v35 =	vand.u32 $0xFFFF0000, v62  }
0xaa: {  	v30 =	vld [tilespmem:s26+$0x0];
	v37 =	vadd.f32 v63, v57;
	v0 =	vadd.f32 v0, v58;
	v60 =	vadd.s32 s6, v5;
	s7 =	simm.s32 $0x680  }
0xab: {  	v31 =	vld [tilespmem:s25+$0x0];
	v62 =	vadd.s32 s6, v2;
	v51 =	vadd.s32 s7, v2;
	v47 =	vmul.f32 v14, v52  }
0xac: {  	v22 =	vld [tilespmem:s26+$0xFFFFFFE0];
	v49 =	vmul.f32 v14, v53;
	v27 =	vadd.f32 v27, v57;
	v41 =	vmul.f32 v35, v52  }
0xad: {  	v29 =	vld [tilespmem:s25+$0xFFFFFFE0];
	v28 =	vadd.f32 v28, v58;
	v35 =	vmul.f32 v35, v53;
	v63 =	vmul.f32 v44, v34  }
0xae: {  	v16 =	vld [tilespmem:s25+$0x10];
	v58 =	vadd.s32 s6, v3;
	s6 =	simm.s32 $0x600;
	v44 =	vmul.f32 v44, v36;
	v34 =	vmul.f32 v33, v34  }
0xaf: {  	v46 =	vld.idx.msk [tilespmem:v55+s3+$0x0], $0xffff;
	v33 =	vmul.f32 v33, v36;
	v52 =	vmul.f32 v21, v30;
	v53 =	vadd.s32 s6, v3  }
0xb0: {  	v45 =	vld.idx.msk [tilespmem:v54+s23+$0x0], $0xffff;
	v21 =	vmul.f32 v21, v31;
	v54 =	vadd.s32 s6, v1;
	v30 =	vmul.f32 v43, v30  }
0xb1: {  	v42 =	vld.idx.msk [tilespmem:v56+s23+$0x0], $0xffff;
	v55 =	vadd.s32 s6, v5;
	v31 =	vmul.f32 v43, v31;
	v56 =	vadd.s32 s6, v2  }
0xb2: {  	v48 =	vld.idx.msk [tilespmem:v48+s23+$0x0], $0xffff;
	v37 =	vadd.f32 v47, v37;
	v57 =	vmul.f32 v26, v22;
	v26 =	vmul.f32 v26, v29  }
0xb3: {  	v18 =	vld [tilespmem:s28+$0x20];
	v0 =	vadd.f32 v49, v0;
	v22 =	vmul.f32 v32, v22;
	v29 =	vmul.f32 v32, v29  }
0xb4: {  	v27 =	vadd.f32 v41, v27;
	v41 =	vld.idx.msk [tilespmem:v59+s23+$0x0], $0xffff;
	v59 =	vmul.f32 v24, v9;
	v24 =	vmul.f32 v24, v10  }
0xb5: {  	v19 =	vld [tilespmem:s28+$0x30];
	s6 =	simm.s32 $0x500;
	v28 =	vadd.f32 v35, v28;
	v9 =	vmul.f32 v25, v9;
	v10 =	vmul.f32 v25, v10  }
0xb6: {  	v35 =	vld.idx.msk [tilespmem:v60+s3+$0x0], $0xffff;
	v60 =	vadd.s32 s6, v2;
	v61 =	vadd.f32 v57, v37;
	v0 =	vadd.f32 v26, v0  }
0xb7: {  	v14 =	vld [tilespmem:s28+$0xFFFFFFC0];
	v26 =	vadd.s32 s7, v3;
	v22 =	vadd.f32 v22, v27;
	v27 =	vadd.s32 s7, v1  }
0xb8: {  	v20 =	vld.idx.msk [tilespmem:v20+s3+$0x0], $0xffff;
	v28 =	vadd.f32 v29, v28;
	v57 =	vmul.f32 v23, v15;
	v23 =	vmul.f32 v23, v16  }
0xb9: {  	v29 =	vadd.s32 s7, v5;
	v37 =	vld.idx.msk [tilespmem:v62+s23+$0x0], $0xffff;
	v15 =	vmul.f32 v40, v15;
	v16 =	vmul.f32 v40, v16  }
0xba: {  	s7 =	simm.s32 $0x580;
	v36 =	vld.idx.msk [tilespmem:v51+s23+$0x0], $0xffff;
	v51 =	vmul.f32 v12, v7;
	v12 =	vmul.f32 v12, v8;
	v32 =	vadd.f32 v63, v61  }
0xbb: {  	v49 =	vld.idx.msk [tilespmem:v58+s3+$0x0], $0xffff;
	v58 =	vadd.s32 s7, v2;
	v0 =	vadd.f32 v44, v0;
	v22 =	vadd.f32 v34, v22  }
0xbc: {  	v47 =	vld [tilespmem:s28+$0xFFFFFFF0];
	v28 =	vadd.f32 v33, v28;
	v61 =	vmul.f32 v17, v7;
	v17 =	vmul.f32 v17, v8  }
0xbd: {  	v44 =	vld.idx.msk [tilespmem:v53+s3+$0x0], $0xffff;
	v63 =	vadd.f32 v45, v50;
	v45 =	vadd.f32 v42, v46;
	v46 =	vmul.f32 v13, v4  }
0xbe: {  	v33 =	vld.idx.msk [tilespmem:v55+s3+$0x0], $0xffff;
	v13 =	vmul.f32 v13, v6;
	v32 =	vadd.f32 v52, v32;
	v0 =	vadd.f32 v21, v0  }
0xbf: {  	v43 =	vld.idx.msk [tilespmem:v56+s23+$0x0], $0xffff;
	v21 =	vadd.s32 s7, v3;
	v22 =	vadd.f32 v30, v22;
	v28 =	vadd.f32 v31, v28  }
0xc0: {  	v34 =	vld.idx.msk [tilespmem:v54+s23+$0x0], $0xffff;
	v30 =	vadd.s32 s7, v1;
	v20 =	vadd.f32 v48, v20;
	v35 =	vadd.f32 v37, v35  }
0xc1: {  	v50 =	vld [tilespmem:s28+$0xFFFFFFE0];
	v31 =	vadd.s32 s7, v5;
	v32 =	vadd.f32 v57, v32;
	v0 =	vadd.f32 v23, v0  }
0xc2: {  	v26 =	vld.idx.msk [tilespmem:v26+s3+$0x0], $0xffff;
	v23 =	vadd.s32 s6, v3;
	v15 =	vadd.f32 v15, v22;
	v22 =	vadd.s32 s6, v1  }
0xc3: {  	v27 =	vld.idx.msk [tilespmem:v27+s23+$0x0], $0xffff;
	v16 =	vadd.f32 v16, v28;
	v41 =	vadd.f32 v41, v49;
	v49 =	vmul.f32 v14, v4  }
0xc4: {  	v29 =	vld.idx.msk [tilespmem:v29+s3+$0x0], $0xffff;
	v14 =	vmul.f32 v14, v6;
	v33 =	vadd.f32 v43, v33;
	v25 =	vadd.f32 v59, v32  }
0xc5: {  	s7 =	simm.s32 $0x480;
	v28 =	vadd.s32 s6, v5;
	v40 =	vld.idx.msk [tilespmem:v58+s23+$0x0], $0xffff;
	v0 =	vadd.f32 v24, v0;
	v9 =	vadd.f32 v9, v15  }
0xc6: {  	v24 =	vadd.s32 s7, v3;
	v16 =	vadd.f32 v10, v16;
	v14 =	vadd.f32 v20, v14;
	v21 =	vld.idx.msk [tilespmem:v21+s3+$0x0], $0xffff  }
0xc7: {  	v15 =	vadd.s32 s7, v1;
	v30 =	vld.idx.msk [tilespmem:v30+s23+$0x0], $0xffff;
	v10 =	vadd.f32 v61, v25;
	v7 =	vadd.f32 v17, v0  }
0xc8: {  	v31 =	vld.idx.msk [tilespmem:v31+s3+$0x0], $0xffff;
	v8 =	vadd.f32 v51, v9;
	v9 =	vadd.f32 v12, v16;
	v16 =	vmul.f32 v19, v4  }
0xc9: {  	v0 =	vld.idx.msk [tilespmem:v60+s23+$0x0], $0xffff;
	v17 =	vmul.f32 v19, v6;
	v19 =	vadd.f32 v39, v38;
	v26 =	vadd.f32 v27, v26  }
0xca: {  	v48 =	vmul.f32 v11, v4;
	v27 =	vadd.f32 v36, v29;
	v29 =	vadd.f32 v34, v44;
	v23 =	vld.idx.msk [tilespmem:v23+s3+$0x0], $0xffff  }
0xcb: {  	v11 =	vmul.f32 v11, v6;
	v22 =	vld.idx.msk [tilespmem:v22+s23+$0x0], $0xffff;
	v19 =	vadd.f32 v19, v49;
	v16 =	vadd.f32 v63, v16  }
0xcc: {  	v52 =	vadd.s32 s7, v5;
	v28 =	vld.idx.msk [tilespmem:v28+s3+$0x0], $0xffff;
	v17 =	vadd.f32 v45, v17;
	v51 =	vadd.f32 v26, v46  }
0xcd: {  	v25 =	vadd.s32 s7, v2;
	v13 =	vadd.f32 v27, v13;
	v27 =	vadd.f32 v29, v48;
	v12 =	vld.idx.msk [tilespmem:v24+s3+$0x0], $0xffff  }
0xce: {  	v29 =	vadd.f32 v33, v11;
	v15 =	vld.idx.msk [tilespmem:v15+s23+$0x0], $0xffff;
	v24 =	vmul.f32 v18, v4;
	v18 =	vmul.f32 v18, v6  }
0xcf: {  	v21 =	vadd.f32 v30, v21;
	v30 =	vadd.f32 v40, v31  }
0xd0: {  	v20 =	vmul.f32 v47, v4;
	v31 =	vadd.f32 v41, v24;
	v18 =	vadd.f32 v35, v18  }
0xd1: {  	v62 =	vld.idx.msk [tilespmem:v52+s3+$0x0], $0xffff;
	v24 =	vmul.f32 v50, v6;
	v22 =	vadd.f32 v22, v23;
	v0 =	vadd.f32 v0, v28  }
0xd2: {  	v25 =	vld.idx.msk [tilespmem:v25+s23+$0x0], $0xffff;
	v28 =	vmul.f32 v50, v4;
	v52 =	vadd.f32 v21, v20;
	v20 =	vmax.f32 v13, $0.0e+00  }
0xd3: {  	v23 =	vld [tilespmem:s28+$0xFFFFFFD0];
	v21 =	vmax.f32 v27, $0.0e+00;
	v55 =	vshrl.u32 v20, $0x10;
	v12 =	vadd.f32 v15, v12  }
0xd4: {  	v58 =	vshrl.u32 v21, $0x10;
	v28 =	vadd.f32 v22, v28;
	v0 =	vadd.f32 v0, v24  }
0xd5: {  	v24 =	vmax.f32 v19, $0.0e+00;
	v22 =	vmax.f32 v17, $0.0e+00;
	v19 =	vmax.f32 v52, $0.0e+00  }
0xd6: {  	v36 =	vand.u32 $0x1, v58;
	v34 =	vand.u32 $0x1, v55;
	v57 =	vshrl.u32 v19, $0x10  }
0xd7: {  	v15 =	vadd.f32 v25, v62;
	v25 =	vmul.f32 v47, v6;
	v17 =	vmax.f32 v0, $0.0e+00  }
0xd8: {  	v0 =	vshrl.u32 v24, $0x10;
	v37 =	vand.u32 $0x1, v57;
	v26 =	vmul.f32 v23, v4  }
0xd9: {  	v11 =	vmul.f32 v23, v6;
	v23 =	vmax.f32 v31, $0.0e+00;
	v61 =	vshrl.u32 v17, $0x10  }
0xda: {  	v33 =	vand.u32 $0x1, v0;
	v30 =	vadd.f32 v30, v25;
	v25 =	vmax.f32 v14, $0.0e+00  }
0xdb: {  	v32 =	vand.u32 $0x1, v61;
	v53 =	vadd.f32 v12, v26;
	v54 =	vadd.f32 v15, v11  }
0xdc: {  	v26 =	vmax.f32 v16, $0.0e+00;
	v11 =	vmax.f32 v18, $0.0e+00;
	v12 =	vmax.f32 v51, $0.0e+00  }
0xdd: {  	v18 =	vmax.f32 v29, $0.0e+00;
	v16 =	vmax.f32 v28, $0.0e+00;
	v27 =	vshrl.u32 v25, $0x10  }
0xde: {  	v28 =	vshrl.u32 v23, $0x10;
	v14 =	vmax.f32 v30, $0.0e+00;
	v29 =	vshrl.u32 v26, $0x10  }
0xdf: {  	v30 =	vshrl.u32 v22, $0x10;
	v31 =	vshrl.u32 v12, $0x10;
	v56 =	vshrl.u32 v11, $0x10  }
0xe0: {  	v59 =	vshrl.u32 v18, $0x10;
	v60 =	vshrl.u32 v16, $0x10;
	v38 =	vand.u32 $0x1, v27  }
0xe1: {  	v41 =	vand.u32 $0x1, v28;
	v15 =	vmax.f32 v53, $0.0e+00;
	v13 =	vmax.f32 v54, $0.0e+00  }
0xe2: {  	v62 =	vshrl.u32 v14, $0x10;
	v39 =	vand.u32 $0x1, v29;
	v30 =	vand.u32 $0x1, v30  }
0xe3: {  	v29 =	vand.u32 $0x1, v31;
	v40 =	vand.u32 $0x1, v56;
	v28 =	vand.u32 $0x1, v59  }
0xe4: {  	v27 =	vand.u32 $0x1, v60;
	v0 =	vshrl.u32 v15, $0x10;
	v63 =	vshrl.u32 v13, $0x10  }
0xe5: {  	s29 =	sor.u32 $0x10, s2;
	s4 =	simm.s32 $0x10;
	v35 =	vand.u32 $0x1, v62;
	v31 =	vand.u32 $0x1, v0;
	v0 =	vand.u32 $0x1, v63  }
.LBB2_3:
0xe6: {  	p0 =	slt.u32 s4, $0x78;
	v24 =	vadd.s32 v33, v24;
	v25 =	vadd.s32 v38, v25;
	v26 =	vadd.s32 v39, v26;
	s26 =	sadd.s32 $0x80, s26  }
0xe7: {  	v23 =	vadd.s32 v41, v23;
	v33 =	vadd.s32 v40, v11;
	v22 =	vadd.s32 v30, v22;
	s25 =	sadd.s32 $0x80, s25;
	v11 =	vld [tilespmem:s26+$0x30]  }
0xe8: {  	v21 =	vadd.s32 v36, v21;
	v29 =	vadd.s32 v29, v12;
	v20 =	vadd.s32 v34, v20;
	v12 =	vld [tilespmem:s25+$0x30]  }
0xe9: {  	v19 =	vadd.s32 v37, v19;
	v30 =	vadd.s32 v35, v14;
	v18 =	vadd.s32 v28, v18;
	v14 =	vld [tilespmem:s26+$0x20]  }
0xea: {  	v15 =	vadd.s32 v31, v15;
	v16 =	vadd.s32 v27, v16;
	v17 =	vadd.s32 v32, v17;
	v27 =	vld [tilespmem:s25+$0x20]  }
0xeb: {  	v0 =	vadd.s32 v0, v13;
	v24 =	vadd.s32 $0x7FFF, v24;
	v25 =	vadd.s32 $0x7FFF, v25;
	v13 =	vld [tilespmem:s26+$0x10]  }
0xec: {  	v23 =	vadd.s32 $0x7FFF, v23;
	v26 =	vadd.s32 $0x7FFF, v26;
	v22 =	vadd.s32 $0x7FFF, v22;
	v28 =	vld [tilespmem:s25+$0x10]  }
0xed: {  	v29 =	vadd.s32 $0x7FFF, v29;
	v20 =	vadd.s32 $0x7FFF, v20;
	v32 =	vadd.s32 $0x7FFF, v33;
	v31 =	vld [tilespmem:s26+$0xFFFFFFC0]  }
0xee: {  	v19 =	vadd.s32 $0x7FFF, v19;
	v21 =	vadd.s32 $0x7FFF, v21;
	v18 =	vadd.s32 $0x7FFF, v18;
	v33 =	vld [tilespmem:s25+$0xFFFFFFC0]  }
0xef: {  	v16 =	vadd.s32 $0x7FFF, v16;
	v17 =	vadd.s32 $0x7FFF, v17;
	v30 =	vadd.s32 $0x7FFF, v30;
	v34 =	vld [tilespmem:s26+$0x0]  }
0xf0: {  	v15 =	vadd.s32 $0x7FFF, v15;
	v0 =	vadd.s32 $0x7FFF, v0;
	v24 =	vand.u32 $0xFFFF0000, v24;
	v35 =	vld [tilespmem:s25+$0x0]  }
0xf1: {  	v25 =	vand.u32 $0xFFFF0000, v25;
	v26 =	vand.u32 $0xFFFF0000, v26;
	v22 =	vand.u32 $0xFFFF0000, v22;
	v36 =	vld [tilespmem:s26+$0xFFFFFFF0]  }
0xf2: {  	v29 =	vand.u32 $0xFFFF0000, v29;
	v23 =	vand.u32 $0xFFFF0000, v23;
	v32 =	vand.u32 $0xFFFF0000, v32;
	v37 =	vld [tilespmem:s25+$0xFFFFFFF0]  }
0xf3: {  	v20 =	vand.u32 $0xFFFF0000, v20;
	v38 =	vmul.f32 v24, v31;
	v24 =	vmul.f32 v24, v33;
	v39 =	vld [tilespmem:s26+$0xFFFFFFE0]  }
0xf4: {  	v21 =	vand.u32 $0xFFFF0000, v21;
	v31 =	vmul.f32 v25, v31;
	v25 =	vmul.f32 v25, v33;
	v33 =	vld [tilespmem:s25+$0xFFFFFFE0]  }
0xf5: {  	v18 =	vand.u32 $0xFFFF0000, v18;
	v41 =	vmul.f32 v26, v11;
	v26 =	vmul.f32 v26, v12;
	v40 =	vld [tilespmem:s26+$0xFFFFFFD0]  }
0xf6: {  	v19 =	vand.u32 $0xFFFF0000, v19;
	v43 =	vmul.f32 v23, v14;
	v23 =	vmul.f32 v23, v27;
	v42 =	vld [tilespmem:s25+$0xFFFFFFD0]  }
0xf7: {  	v30 =	vand.u32 $0xFFFF0000, v30;
	v44 =	vmul.f32 v29, v13;
	v29 =	vmul.f32 v29, v28  }
0xf8: {  	v16 =	vand.u32 $0xFFFF0000, v16;
	v45 =	vmul.f32 v21, v34;
	v21 =	vmul.f32 v21, v35  }
0xf9: {  	v17 =	vand.u32 $0xFFFF0000, v17;
	v46 =	vmul.f32 v19, v36;
	v19 =	vmul.f32 v19, v37  }
0xfa: {  	v15 =	vand.u32 $0xFFFF0000, v15;
	v47 =	vmul.f32 v16, v39;
	v16 =	vmul.f32 v16, v33  }
0xfb: {  	v0 =	vand.u32 $0xFFFF0000, v0;
	v48 =	vmul.f32 v15, v40;
	v15 =	vmul.f32 v15, v42  }
0xfc: {  	v10 =	vadd.f32 v38, v10;
	v7 =	vadd.f32 v24, v7;
	v24 =	vmul.f32 v0, v40  }
0xfd: {  	v8 =	vadd.f32 v31, v8;
	v9 =	vadd.f32 v25, v9;
	v0 =	vmul.f32 v0, v42  }
0xfe: {  	v10 =	vadd.f32 v48, v10;
	v7 =	vadd.f32 v15, v7;
	v15 =	vmul.f32 v17, v39  }
0xff: {  	v8 =	vadd.f32 v24, v8;
	v0 =	vadd.f32 v0, v9;
	v9 =	vmul.f32 v17, v33  }
0x100: {  	v10 =	vadd.f32 v47, v10;
	v7 =	vadd.f32 v16, v7;
	v16 =	vmul.f32 v30, v36  }
0x101: {  	v8 =	vadd.f32 v15, v8;
	v0 =	vadd.f32 v9, v0;
	v9 =	vmul.f32 v30, v37  }
0x102: {  	v15 =	vmul.f32 v18, v34;
	v10 =	vadd.f32 v46, v10;
	v7 =	vadd.f32 v19, v7  }
0x103: {  	v8 =	vadd.f32 v16, v8;
	v0 =	vadd.f32 v9, v0;
	v9 =	vmul.f32 v18, v35  }
0x104: {  	v13 =	vmul.f32 v20, v13;
	v10 =	vadd.f32 v45, v10;
	v7 =	vadd.f32 v21, v7  }
0x105: {  	v8 =	vadd.f32 v15, v8;
	v0 =	vadd.f32 v9, v0;
	v9 =	vmul.f32 v20, v28  }
0x106: {  	v14 =	vmul.f32 v32, v14;
	v10 =	vadd.f32 v44, v10;
	v7 =	vadd.f32 v29, v7  }
0x107: {  	v8 =	vadd.f32 v13, v8;
	v0 =	vadd.f32 v9, v0;
	v9 =	vmul.f32 v32, v27  }
0x108: {  	v11 =	vmul.f32 v22, v11;
	v10 =	vadd.f32 v43, v10;
	v7 =	vadd.f32 v23, v7  }
0x109: {  	s5 =	sshll.u32 s4, $0x7;
	s28 =	sadd.s32 $0x80, s28;
	v8 =	vadd.f32 v14, v8;
	v0 =	vadd.f32 v9, v0;
	v9 =	vmul.f32 v22, v12  }
0x10a: {  	v12 =	vadd.s32 s5, v3;
	v10 =	vadd.f32 v41, v10;
	v7 =	vadd.f32 v26, v7;
	v13 =	vld [tilespmem:s28+$0x30]  }
0x10b: {  	v14 =	vadd.s32 s5, v1;
	v8 =	vadd.f32 v11, v8;
	v9 =	vadd.f32 v9, v0;
	v15 =	vld [tilespmem:s28+$0x20]  }
0x10c: {  	v0 =	vadd.s32 s5, v5;
	v16 =	vld [tilespmem:s28+$0x10]  }
0x10d: {  	s6 =	sadd.s32 $0x380, s5;
	v17 =	vadd.s32 s5, v2;
	v11 =	vld [tilespmem:s28+$0x0]  }
0x10e: {  	v19 =	vadd.s32 s6, v3;
	v18 =	vld [tilespmem:s28+$0xFFFFFFC0]  }
0x10f: {  	v20 =	vadd.s32 s6, v1;
	v12 =	vld.idx.msk [tilespmem:v12+s3+$0x0], $0xffff  }
0x110: {  	v21 =	vadd.s32 s6, v5;
	v14 =	vld.idx.msk [tilespmem:v14+s23+$0x0], $0xffff  }
0x111: {  	s7 =	sadd.s32 $0x300, s5;
	v22 =	vadd.s32 s6, v2;
	v0 =	vld.idx.msk [tilespmem:v0+s3+$0x0], $0xffff  }
0x112: {  	v23 =	vadd.s32 s7, v3;
	v17 =	vld.idx.msk [tilespmem:v17+s23+$0x0], $0xffff  }
0x113: {  	v24 =	vadd.s32 s7, v1;
	v19 =	vld.idx.msk [tilespmem:v19+s3+$0x0], $0xffff  }
0x114: {  	v25 =	vadd.s32 s7, v5;
	v20 =	vld.idx.msk [tilespmem:v20+s23+$0x0], $0xffff  }
0x115: {  	s6 =	sadd.s32 $0x280, s5;
	v26 =	vadd.s32 s7, v2;
	v21 =	vld.idx.msk [tilespmem:v21+s3+$0x0], $0xffff  }
0x116: {  	v27 =	vadd.s32 s6, v3;
	v22 =	vld.idx.msk [tilespmem:v22+s23+$0x0], $0xffff  }
0x117: {  	v28 =	vadd.s32 s6, v1;
	v23 =	vld.idx.msk [tilespmem:v23+s3+$0x0], $0xffff  }
0x118: {  	v29 =	vadd.s32 s6, v5;
	v24 =	vld.idx.msk [tilespmem:v24+s23+$0x0], $0xffff  }
0x119: {  	v30 =	vadd.s32 s6, v2;
	s7 =	sadd.s32 $0x200, s5;
	v25 =	vld.idx.msk [tilespmem:v25+s3+$0x0], $0xffff  }
0x11a: {  	v31 =	vadd.s32 s7, v3;
	v26 =	vld.idx.msk [tilespmem:v26+s23+$0x0], $0xffff  }
0x11b: {  	v32 =	vadd.s32 s7, v1;
	v27 =	vld.idx.msk [tilespmem:v27+s3+$0x0], $0xffff  }
0x11c: {  	v33 =	vadd.s32 s7, v5;
	v28 =	vld.idx.msk [tilespmem:v28+s23+$0x0], $0xffff  }
0x11d: {  	s6 =	sadd.s32 $0x180, s5;
	v34 =	vadd.s32 s7, v2;
	v29 =	vld.idx.msk [tilespmem:v29+s3+$0x0], $0xffff  }
0x11e: {  	v35 =	vadd.s32 s6, v3;
	v30 =	vld.idx.msk [tilespmem:v30+s23+$0x0], $0xffff  }
0x11f: {  	v36 =	vadd.s32 s6, v1;
	v31 =	vld.idx.msk [tilespmem:v31+s3+$0x0], $0xffff  }
0x120: {  	v37 =	vadd.s32 s6, v5;
	v32 =	vld.idx.msk [tilespmem:v32+s23+$0x0], $0xffff  }
0x121: {  	v38 =	vadd.s32 s6, v2;
	s7 =	sadd.s32 $0x100, s5;
	v33 =	vld.idx.msk [tilespmem:v33+s3+$0x0], $0xffff  }
0x122: {  	v39 =	vadd.s32 s7, v3;
	v34 =	vld.idx.msk [tilespmem:v34+s23+$0x0], $0xffff  }
0x123: {  	v40 =	vadd.s32 s7, v1;
	v35 =	vld.idx.msk [tilespmem:v35+s3+$0x0], $0xffff  }
0x124: {  	v41 =	vadd.s32 s7, v5;
	v36 =	vld.idx.msk [tilespmem:v36+s23+$0x0], $0xffff  }
0x125: {  	s5 =	sadd.s32 $0x80, s5;
	v42 =	vadd.s32 s7, v2;
	v37 =	vld.idx.msk [tilespmem:v37+s3+$0x0], $0xffff  }
0x126: {  	v43 =	vadd.s32 s5, v3;
	v38 =	vld.idx.msk [tilespmem:v38+s23+$0x0], $0xffff  }
0x127: {  	v44 =	vadd.s32 s5, v1;
	v39 =	vld.idx.msk [tilespmem:v39+s3+$0x0], $0xffff  }
0x128: {  	v45 =	vadd.s32 s5, v5;
	v40 =	vld.idx.msk [tilespmem:v40+s23+$0x0], $0xffff  }
0x129: {  	v46 =	vadd.s32 s5, v2;
	v41 =	vld.idx.msk [tilespmem:v41+s3+$0x0], $0xffff  }
0x12a: {  	v42 =	vld.idx.msk [tilespmem:v42+s23+$0x0], $0xffff  }
0x12b: {  	v43 =	vld.idx.msk [tilespmem:v43+s3+$0x0], $0xffff  }
0x12c: {  	v47 =	vmul.f32 v13, v4;
	v13 =	vmul.f32 v13, v6;
	v44 =	vld.idx.msk [tilespmem:v44+s23+$0x0], $0xffff  }
0x12d: {  	v12 =	vadd.f32 v14, v12;
	v0 =	vadd.f32 v17, v0;
	v17 =	vmul.f32 v15, v4;
	v14 =	vld.idx.msk [tilespmem:v45+s3+$0x0], $0xffff  }
0x12e: {  	v15 =	vmul.f32 v15, v6;
	v19 =	vadd.f32 v20, v19;
	v20 =	vadd.f32 v22, v21;
	v45 =	vld.idx.msk [tilespmem:v46+s23+$0x0], $0xffff  }
0x12f: {  	v21 =	vmul.f32 v16, v4;
	v22 =	vadd.f32 v24, v23;
	v23 =	vadd.f32 v26, v25  }
0x130: {  	v16 =	vmul.f32 v16, v6;
	v25 =	vadd.f32 v28, v27;
	v26 =	vadd.f32 v30, v29;
	v24 =	vld [tilespmem:s28+$0xFFFFFFF0]  }
0x131: {  	v28 =	vmul.f32 v11, v4;
	v27 =	vadd.f32 v32, v31;
	v29 =	vadd.f32 v34, v33  }
0x132: {  	v30 =	vmul.f32 v18, v4;
	v32 =	vadd.f32 v36, v35;
	v33 =	vadd.f32 v38, v37;
	v31 =	vld [tilespmem:s28+$0xFFFFFFE0]  }
0x133: {  	v18 =	vmul.f32 v18, v6;
	v34 =	vadd.f32 v40, v39;
	v35 =	vadd.f32 v42, v41  }
0x134: {  	v11 =	vmul.f32 v11, v6;
	v37 =	vadd.f32 v44, v43;
	v14 =	vadd.f32 v45, v14;
	v36 =	vld [tilespmem:s28+$0xFFFFFFD0]  }
0x135: {  	v12 =	vadd.f32 v12, v30;
	v0 =	vadd.f32 v0, v18;
	v18 =	vmul.f32 v24, v4  }
0x136: {  	v19 =	vadd.f32 v19, v47;
	v13 =	vadd.f32 v20, v13;
	v24 =	vmul.f32 v24, v6  }
0x137: {  	v17 =	vadd.f32 v22, v17;
	v15 =	vadd.f32 v23, v15;
	v20 =	vmul.f32 v31, v4  }
0x138: {  	v30 =	vadd.f32 v25, v21;
	v16 =	vadd.f32 v26, v16;
	v22 =	vmul.f32 v31, v6  }
0x139: {  	v27 =	vadd.f32 v27, v28;
	v28 =	vadd.f32 v29, v11;
	v21 =	vmul.f32 v36, v4  }
0x13a: {  	v18 =	vadd.f32 v32, v18;
	v29 =	vadd.f32 v33, v24;
	v11 =	vmul.f32 v36, v6  }
0x13b: {  	v31 =	vadd.f32 v34, v20;
	v32 =	vadd.f32 v35, v22  }
0x13c: {  	v33 =	vadd.f32 v37, v21;
	v34 =	vadd.f32 v14, v11  }
0x13d: {  	v26 =	vmax.f32 v19, $0.0e+00;
	v25 =	vmax.f32 v0, $0.0e+00;
	v24 =	vmax.f32 v12, $0.0e+00  }
0x13e: {  	v23 =	vmax.f32 v17, $0.0e+00;
	v22 =	vmax.f32 v13, $0.0e+00;
	v11 =	vmax.f32 v15, $0.0e+00  }
0x13f: {  	v12 =	vmax.f32 v30, $0.0e+00;
	v20 =	vmax.f32 v16, $0.0e+00;
	v21 =	vmax.f32 v27, $0.0e+00  }
0x140: {  	v19 =	vmax.f32 v18, $0.0e+00;
	v18 =	vmax.f32 v28, $0.0e+00;
	v14 =	vmax.f32 v29, $0.0e+00  }
0x141: {  	v16 =	vmax.f32 v31, $0.0e+00;
	v17 =	vmax.f32 v32, $0.0e+00;
	v15 =	vmax.f32 v33, $0.0e+00  }
0x142: {  	v0 =	vshrl.u32 v24, $0x10;
	v27 =	vshrl.u32 v25, $0x10;
	v13 =	vmax.f32 v34, $0.0e+00  }
0x143: {  	v28 =	vshrl.u32 v23, $0x10;
	v30 =	vshrl.u32 v22, $0x10;
	v29 =	vshrl.u32 v26, $0x10  }
0x144: {  	v31 =	vshrl.u32 v12, $0x10;
	v32 =	vshrl.u32 v20, $0x10;
	v34 =	vshrl.u32 v11, $0x10  }
0x145: {  	v35 =	vshrl.u32 v19, $0x10;
	v37 =	vshrl.u32 v18, $0x10;
	v36 =	vshrl.u32 v21, $0x10  }
0x146: {  	v42 =	vshrl.u32 v16, $0x10;
	v43 =	vshrl.u32 v17, $0x10;
	v44 =	vshrl.u32 v14, $0x10  }
0x147: {  	v33 =	vand.u32 $0x1, v0;
	v0 =	vshrl.u32 v15, $0x10;
	v45 =	vshrl.u32 v13, $0x10  }
.Ltmp0:
0x148: {  	v30 =	vand.u32 $0x1, v30;
	v38 =	vand.u32 $0x1, v27;
	v39 =	vand.u32 $0x1, v29;
	(pc) =	sbr.rel @p0 .LBB2_3-.Ltmp0, $4  }
0x149: {  	v41 =	vand.u32 $0x1, v28;
	v29 =	vand.u32 $0x1, v31;
	v40 =	vand.u32 $0x1, v34  }
0x14a: {  	v28 =	vand.u32 $0x1, v37;
	v36 =	vand.u32 $0x1, v36;
	v34 =	vand.u32 $0x1, v32  }
0x14b: {  	v37 =	vand.u32 $0x1, v35;
	v27 =	vand.u32 $0x1, v42;
	v35 =	vand.u32 $0x1, v44  }
0x14c: {  	s4 =	sadd.s32 $0x8, s4;
	v32 =	vand.u32 $0x1, v43;
	v31 =	vand.u32 $0x1, v0;
	v0 =	vand.u32 $0x1, v45  }
0x14d: {  	v3 =	vadd.s32 v33, v24;
	v4 =	vadd.s32 v38, v25;
	v5 =	vadd.s32 v39, v26  }
0x14e: {  	v6 =	vadd.s32 v41, v23;
	s5 =	sadd.s32 $0x80, s26;
	v11 =	vadd.s32 v40, v11;
	v22 =	vadd.s32 v30, v22  }
0x14f: {  	v21 =	vadd.s32 v36, v21;
	v12 =	vadd.s32 v29, v12;
	v20 =	vadd.s32 v34, v20;
	v23 =	vld [tilespmem:s5+$0x30]  }
0x150: {  	v19 =	vadd.s32 v37, v19;
	s4 =	sadd.s32 $0x80, s25;
	v14 =	vadd.s32 v35, v14;
	v18 =	vadd.s32 v28, v18;
	v24 =	vld [tilespmem:s5+$0x20]  }
0x151: {  	v15 =	vadd.s32 v31, v15;
	v16 =	vadd.s32 v27, v16;
	v17 =	vadd.s32 v32, v17;
	v25 =	vld [tilespmem:s4+$0x20]  }
0x152: {  	v0 =	vadd.s32 v0, v13;
	v3 =	vadd.s32 $0x7FFF, v3;
	v4 =	vadd.s32 $0x7FFF, v4;
	v13 =	vld [tilespmem:s5+$0x10]  }
0x153: {  	v6 =	vadd.s32 $0x7FFF, v6;
	v26 =	vld [tilespmem:s4+$0x10];
	v5 =	vadd.s32 $0x7FFF, v5;
	v22 =	vadd.s32 $0x7FFF, v22  }
0x154: {  	v12 =	vadd.s32 $0x7FFF, v12;
	v27 =	vld [tilespmem:s5+$0xFFFFFFC0];
	v20 =	vadd.s32 $0x7FFF, v20;
	v11 =	vadd.s32 $0x7FFF, v11  }
0x155: {  	v19 =	vadd.s32 $0x7FFF, v19;
	v48 =	vld [tilespmem:s4+$0xFFFFFFC0];
	v21 =	vadd.s32 $0x7FFF, v21;
	v18 =	vadd.s32 $0x7FFF, v18  }
0x156: {  	v16 =	vadd.s32 $0x7FFF, v16;
	v17 =	vadd.s32 $0x7FFF, v17;
	v14 =	vadd.s32 $0x7FFF, v14;
	v49 =	vld [tilespmem:s5+$0x0]  }
0x157: {  	v15 =	vadd.s32 $0x7FFF, v15;
	v0 =	vadd.s32 $0x7FFF, v0;
	v50 =	vld [tilespmem:s4+$0x0];
	v3 =	vand.u32 $0xFFFF0000, v3  }
0x158: {  	v51 =	vld [tilespmem:s5+$0xFFFFFFF0];
	v4 =	vand.u32 $0xFFFF0000, v4;
	v5 =	vand.u32 $0xFFFF0000, v5;
	v22 =	vand.u32 $0xFFFF0000, v22  }
0x159: {  	v52 =	vld [tilespmem:s4+$0xFFFFFFF0];
	v12 =	vand.u32 $0xFFFF0000, v12;
	v6 =	vand.u32 $0xFFFF0000, v6;
	v11 =	vand.u32 $0xFFFF0000, v11  }
0x15a: {  	v54 =	vld [tilespmem:s5+$0xFFFFFFE0];
	v20 =	vand.u32 $0xFFFF0000, v20;
	v53 =	vmul.f32 v3, v27;
	v3 =	vmul.f32 v3, v48  }
0x15b: {  	v55 =	vld [tilespmem:s5+$0xFFFFFFD0];
	v21 =	vand.u32 $0xFFFF0000, v21;
	v27 =	vmul.f32 v4, v27;
	v4 =	vmul.f32 v4, v48  }
0x15c: {  	v56 =	vld [tilespmem:s4+$0xFFFFFFE0];
	v18 =	vand.u32 $0xFFFF0000, v18;
	v57 =	vmul.f32 v5, v23;
	v58 =	vmul.f32 v6, v24  }
0x15d: {  	v59 =	vld [tilespmem:s4+$0xFFFFFFD0];
	v19 =	vand.u32 $0xFFFF0000, v19;
	v6 =	vmul.f32 v6, v25;
	v60 =	vmul.f32 v12, v13  }
0x15e: {  	v14 =	vand.u32 $0xFFFF0000, v14;
	v12 =	vmul.f32 v12, v26;
	v61 =	vmul.f32 v21, v49  }
0x15f: {  	v15 =	vand.u32 $0xFFFF0000, v15;
	v21 =	vmul.f32 v21, v50;
	v62 =	vmul.f32 v19, v51  }
0x160: {  	v16 =	vand.u32 $0xFFFF0000, v16;
	v19 =	vmul.f32 v19, v52;
	v42 =	vmul.f32 v15, v55  }
0x161: {  	v0 =	vand.u32 $0xFFFF0000, v0;
	v63 =	vmul.f32 v16, v54;
	v16 =	vmul.f32 v16, v56  }
0x162: {  	v17 =	vand.u32 $0xFFFF0000, v17;
	v15 =	vmul.f32 v15, v59;
	v28 =	vmul.f32 v0, v55  }
0x163: {  	v0 =	vmul.f32 v0, v59;
	v10 =	vadd.f32 v53, v10;
	v3 =	vadd.f32 v3, v7  }
0x164: {  	v34 =	vmul.f32 v17, v54;
	v8 =	vadd.f32 v27, v8;
	v4 =	vadd.f32 v4, v9  }
0x165: {  	v35 =	vmul.f32 v17, v56;
	v10 =	vadd.f32 v42, v10;
	v3 =	vadd.f32 v15, v3  }
0x166: {  	v41 =	vmul.f32 v14, v51;
	v7 =	vadd.f32 v28, v8;
	v0 =	vadd.f32 v0, v4  }
0x167: {  	v43 =	vmul.f32 v18, v49;
	v33 =	vadd.f32 v63, v10;
	v3 =	vadd.f32 v16, v3  }
0x168: {  	v42 =	vmul.f32 v14, v52;
	v7 =	vadd.f32 v34, v7;
	v0 =	vadd.f32 v35, v0  }
0x169: {  	v44 =	vld [tilespmem:s4+$0x30];
	v45 =	vmul.f32 v18, v50;
	v38 =	vadd.f32 v62, v33;
	v3 =	vadd.f32 v19, v3  }
0x16a: {  	v13 =	vmul.f32 v20, v13;
	v7 =	vadd.f32 v41, v7;
	v0 =	vadd.f32 v42, v0  }
0x16b: {  	v46 =	vmul.f32 v20, v26;
	v8 =	vadd.f32 v61, v38;
	v3 =	vadd.f32 v21, v3  }
0x16c: {  	v47 =	vmul.f32 v11, v24;
	v7 =	vadd.f32 v43, v7;
	v0 =	vadd.f32 v45, v0  }
0x16d: {  	v48 =	vmul.f32 v11, v25;
	v8 =	vadd.f32 v60, v8;
	v3 =	vadd.f32 v12, v3  }
0x16e: {  	v5 =	vmul.f32 v5, v44;
	v7 =	vadd.f32 v13, v7;
	v0 =	vadd.f32 v46, v0  }
0x16f: {  	v49 =	vmul.f32 v22, v23;
	v8 =	vadd.f32 v58, v8;
	v3 =	vadd.f32 v6, v3  }
0x170: {  	v9 =	vmul.f32 v22, v44;
	v7 =	vadd.f32 v47, v7;
	v0 =	vadd.f32 v48, v0  }
0x171: {  	v8 =	vadd.f32 v57, v8;
	v3 =	vadd.f32 v5, v3  }
0x172: {  	v51 =	vadd.f32 v49, v7;
	v0 =	vadd.f32 v9, v0  }
0x173: {  	v50 =	vshrl.u32 v8, $0x10;
	v52 =	vshrl.u32 v3, $0x10  }
0x174: {  	v54 =	vshrl.u32 v51, $0x10;
	v56 =	vshrl.u32 v0, $0x10;
	v4 =	vand.u32 $0x1, v50  }
0x175: {  	v53 =	vand.u32 $0x1, v52;
	v55 =	vand.u32 $0x1, v54;
	v4 =	vadd.s32 v4, v8  }
0x176: {  	v57 =	vand.u32 $0x1, v56;
	v3 =	vadd.s32 v53, v3;
	v4 =	vadd.s32 $0x7FFF, v4  }
0x177: {  	v0 =	vadd.s32 v57, v0;
	v3 =	vadd.s32 $0x7FFF, v3;
	v19 =	vand.u32 $0xFFFF0000, v4  }
0x178: {  	s6 =	simm.s32 $0x380;
	v0 =	vadd.s32 $0x7FFF, v0;
	v4 =	vadd.s32 v55, v51;
	v17 =	vand.u32 $0xFFFF0000, v3;
	[tilespmem:s2+$0x14E80] =	vst v19  }
0x179: {  	v22 =	vadd.s32 s6, v1;
	v18 =	vand.u32 $0xFFFF0000, v0;
	v3 =	vadd.s32 $0x7FFF, v4;
	[tilespmem:s2+$0x15B00] =	vst v17  }
0x17a: {  	v20 =	vadd.s32 s6, v2;
	v21 =	vand.u32 $0xFFFF0000, v3;
	[tilespmem:s29+$0x15B00] =	vst v18  }
0x17b: {  	s25 =	simm.s32 $0x120C0;
	[tilespmem:s29+$0x14E80] =	vst v21  }
0x17c: {  	s2 =	simm.s32 $0x118C0;
	v0 =	vld [tilespmem:s25+$0x30]  }
0x17d: {  	v58 =	vld [tilespmem:s2+$0x30]  }
0x17e: {  	v23 =	vld.idx.msk [tilespmem:v22+s24+$0x0], $0xffff  }
0x17f: {  	v24 =	vld.idx.msk [tilespmem:v20+s24+$0x0], $0xffff  }
0x180: {  	v25 =	vld [tilespmem:s2+$0xFFFFFFD0]  }
0x181: {  	s7 =	simm.s32 $0x80;
	v26 =	vld [tilespmem:s2+$0xFFFFFFE0]  }
0x182: {  	s26 =	simm.s32 $0x100;
	v59 =	vadd.s32 s7, v2;
	v27 =	vld [tilespmem:s2+$0xFFFFFFF0]  }
0x183: {  	v60 =	vadd.s32 s26, v1;
	v28 =	vld [tilespmem:s2+$0x0]  }
0x184: {  	v61 =	vadd.s32 s26, v2;
	v29 =	vld [tilespmem:s2+$0x10]  }
0x185: {  	v3 =	vadd.s32 s7, v1;
	s29 =	simm.s32 $0x180;
	v30 =	vld [tilespmem:s2+$0x20]  }
0x186: {  	s6 =	simm.s32 $0x200;
	v62 =	vadd.s32 s29, v1;
	v31 =	vld [tilespmem:s2+$0xFFFFFFC0]  }
0x187: {  	v45 =	vadd.s32 s6, v1;
	v12 =	vadd.s32 s29, v2;
	v33 =	vld.idx.msk [tilespmem:v59+s24+$0x0], $0xffff  }
0x188: {  	s26 =	simm.s32 $0x280;
	v13 =	vmovc v59;
	v46 =	vadd.s32 s6, v2;
	v35 =	vld.idx.msk [tilespmem:v60+s24+$0x0], $0xffff;
	v48 =	vmul.f32 v19, v58;
	v51 =	vmul.f32 v21, v58  }
0x189: {  	v14 =	vmovc v60;
	v47 =	vadd.s32 s26, v1;
	v37 =	vld.idx.msk [tilespmem:v61+s24+$0x0], $0xffff;
	v53 =	vmul.f32 v17, v0;
	v55 =	vmul.f32 v19, v25  }
0x18a: {  	v49 =	vadd.s32 s26, v2;
	v32 =	vld.idx.msk [tilespmem:v3+s24+$0x0], $0xffff;
	[tilespmem:$0x1FF60] =	vst v62;
	v0 =	vmul.f32 v18, v0;
	v25 =	vmul.f32 v21, v25  }
0x18b: {  	v16 =	vmov v3;
	s29 =	simm.s32 $0x300;
	v54 =	vld.idx.msk [tilespmem:v62+s24+$0x0], $0xffff;
	[tilespmem:$0x1FF70] =	vst v12;
	v57 =	vmul.f32 v19, v26;
	v26 =	vmul.f32 v21, v26  }
0x18c: {  	v50 =	vadd.s32 s29, v1;
	v59 =	vmul.f32 v19, v27;
	v56 =	vld.idx.msk [tilespmem:v12+s24+$0x0], $0xffff;
	[tilespmem:$0x1FF80] =	vst v45;
	v24 =	vadd.f32 v24, v51  }
0x18d: {  	s7 =	simm.s32 $0x0;
	v52 =	vadd.s32 s29, v2;
	v27 =	vmul.f32 v21, v27;
	v60 =	vmul.f32 v19, v28;
	v58 =	vld.idx.msk [tilespmem:v45+s24+$0x0], $0xffff;
	[tilespmem:$0x1FF90] =	vst v46  }
0x18e: {  	v63 =	vadd.s32 s7, v1;
	v28 =	vmul.f32 v21, v28;
	v0 =	vadd.f32 v24, v0;
	v24 =	vld.idx.msk [tilespmem:v46+s24+$0x0], $0xffff;
	[tilespmem:$0x1FFA0] =	vst v47  }
0x18f: {  	v3 =	vadd.s32 s7, v2;
	v6 =	vmul.f32 v19, v30;
	v23 =	vadd.f32 v23, v48;
	v43 =	vld.idx.msk [tilespmem:v47+s24+$0x0], $0xffff;
	[tilespmem:$0x1FFB0] =	vst v49  }
0x190: {  	v30 =	vmul.f32 v21, v30;
	v25 =	vadd.f32 v33, v25;
	v45 =	vld.idx.msk [tilespmem:v49+s24+$0x0], $0xffff;
	[tilespmem:$0x1FFC0] =	vst v50  }
0x191: {  	v26 =	vadd.f32 v37, v26;
	v23 =	vadd.f32 v23, v53;
	v48 =	vld.idx.msk [tilespmem:v50+s24+$0x0], $0xffff;
	[tilespmem:$0x1FFD0] =	vst v52  }
0x192: {  	v32 =	vadd.f32 v32, v55;
	v46 =	vmul.f32 v19, v29;
	v62 =	vld.idx.msk [tilespmem:v52+s24+$0x0], $0xffff;
	[tilespmem:$0x1FFE0] =	vst v63  }
0x193: {  	v29 =	vmul.f32 v21, v29;
	v38 =	vadd.f32 v54, v59;
	v23 =	vmax.f32 v23, $0.0e+00;
	v63 =	vld.idx.msk [tilespmem:v63+s24+$0x0], $0xffff;
	[tilespmem:$0x1FFF0] =	vst v3  }
0x194: {  	v0 =	vmax.f32 v0, $0.0e+00;
	v49 =	vmul.f32 v19, v31;
	v31 =	vmul.f32 v21, v31;
	v4 =	vld.idx.msk [tilespmem:v3+s24+$0x0], $0xffff  }
0x195: {  	v27 =	vadd.f32 v56, v27;
	v44 =	vshrl.u32 v23, $0x10;
	v47 =	vshrl.u32 v0, $0x10;
	v5 =	vld [tilespmem:s25+$0xFFFFFFC0]  }
0x196: {  	v15 =	vmovc v61;
	v34 =	vadd.f32 v58, v60;
	v44 =	vand.u32 $0x1, v44;
	v61 =	vand.u32 $0x1, v47;
	v7 =	vld [tilespmem:s25+$0xFFFFFFD0]  }
0x197: {  	v23 =	vadd.s32 v44, v23;
	v0 =	vadd.s32 v61, v0;
	v24 =	vadd.f32 v24, v28;
	v8 =	vld [tilespmem:s25+$0xFFFFFFE0]  }
0x198: {  	v23 =	vadd.s32 $0x7FFF, v23;
	v0 =	vadd.s32 $0x7FFF, v0;
	v9 =	vadd.f32 v43, v46;
	v10 =	vld [tilespmem:s25+$0xFFFFFFF0]  }
0x199: {  	s5 =	simm.s32 $0x400;
	v11 =	vld [tilespmem:s25+$0x0];
	v50 =	vand.u32 $0xFFFF0000, v23;
	v23 =	vadd.f32 v35, v57;
	v29 =	vadd.f32 v45, v29  }
0x19a: {  	v51 =	vand.u32 $0xFFFF0000, v0;
	v0 =	vadd.f32 v48, v6;
	[tilespmem:v22+s0+$0x0] =	vst.idx.add.f32.msk $0xffff, v50;
	v22 =	vadd.s32 s5, v1  }
0x19b: {  	v54 =	vld [tilespmem:s25+$0x10];
	v30 =	vadd.f32 v62, v30;
	v53 =	vmul.f32 v17, v5;
	v35 =	vmul.f32 v18, v5  }
0x19c: {  	[tilespmem:v20+s0+$0x0] =	vst.idx.add.f32.msk $0xffff, v51;
	v20 =	vadd.s32 s5, v2;
	v55 =	vmul.f32 v17, v7;
	v36 =	vmul.f32 v18, v7  }
0x19d: {  	v56 =	vld [tilespmem:s25+$0x20];
	v52 =	vadd.f32 v63, v49;
	v57 =	vmul.f32 v17, v8;
	v28 =	vmul.f32 v18, v8  }
0x19e: {  	v31 =	vadd.f32 v4, v31;
	v58 =	vmul.f32 v17, v10;
	v40 =	vmul.f32 v18, v10  }
0x19f: {  	v59 =	vmul.f32 v17, v11;
	v60 =	vmul.f32 v18, v11;
	v49 =	vadd.f32 v52, v53  }
0x1a0: {  	v61 =	vmul.f32 v17, v54;
	v32 =	vadd.f32 v32, v55;
	v25 =	vadd.f32 v25, v36  }
0x1a1: {  	v43 =	vmul.f32 v18, v54;
	v23 =	vadd.f32 v23, v57;
	v26 =	vadd.f32 v26, v28  }
0x1a2: {  	v62 =	vmul.f32 v17, v56;
	v63 =	vadd.f32 v38, v58;
	v27 =	vadd.f32 v27, v40  }
0x1a3: {  	v44 =	vmul.f32 v18, v56;
	v24 =	vadd.f32 v24, v60;
	v29 =	vadd.f32 v29, v43  }
0x1a4: {  	v0 =	vadd.f32 v0, v62;
	v4 =	vadd.f32 v31, v35;
	v37 =	vmax.f32 v32, $0.0e+00  }
0x1a5: {  	v38 =	vmax.f32 v25, $0.0e+00;
	v25 =	vadd.f32 v34, v59;
	v40 =	vmax.f32 v23, $0.0e+00  }
0x1a6: {  	v23 =	vadd.f32 v9, v61;
	v43 =	vmax.f32 v26, $0.0e+00;
	v26 =	vadd.f32 v30, v44  }
0x1a7: {  	v48 =	vmax.f32 v63, $0.0e+00;
	v45 =	vmax.f32 v27, $0.0e+00;
	v47 =	vmax.f32 v24, $0.0e+00  }
0x1a8: {  	v44 =	vmax.f32 v29, $0.0e+00;
	v41 =	vmax.f32 v0, $0.0e+00;
	v39 =	vmax.f32 v49, $0.0e+00  }
0x1a9: {  	v0 =	vshrl.u32 v37, $0x10;
	v27 =	vshrl.u32 v43, $0x10;
	v5 =	vshrl.u32 v48, $0x10  }
0x1aa: {  	v6 =	vshrl.u32 v45, $0x10;
	v8 =	vshrl.u32 v47, $0x10;
	v10 =	vshrl.u32 v44, $0x10  }
0x1ab: {  	v53 =	vshrl.u32 v39, $0x10;
	v11 =	vshrl.u32 v41, $0x10;
	v46 =	vmax.f32 v25, $0.0e+00  }
0x1ac: {  	v42 =	vmax.f32 v23, $0.0e+00;
	v24 =	vmax.f32 v26, $0.0e+00;
	v23 =	vmax.f32 v4, $0.0e+00  }
0x1ad: {  	v25 =	vshrl.u32 v38, $0x10;
	v26 =	vshrl.u32 v40, $0x10;
	v63 =	vand.u32 $0x1, v0  }
0x1ae: {  	v62 =	vand.u32 $0x1, v27;
	v59 =	vand.u32 $0x1, v5;
	v60 =	vand.u32 $0x1, v6  }
0x1af: {  	v58 =	vand.u32 $0x1, v8;
	v55 =	vand.u32 $0x1, v10;
	v54 =	vand.u32 $0x1, v11  }
0x1b0: {  	v7 =	vshrl.u32 v46, $0x10;
	v9 =	vshrl.u32 v42, $0x10;
	v36 =	vshrl.u32 v24, $0x10  }
0x1b1: {  	v49 =	vshrl.u32 v23, $0x10;
	v0 =	vand.u32 $0x1, v25;
	v61 =	vand.u32 $0x1, v26  }
0x1b2: {  	s28 =	simm.s32 $0x780;
	s4 =	simm.s32 $0x10;
	s26 =	simm.s32 $0x480;
	v57 =	vand.u32 $0x1, v7;
	v56 =	vand.u32 $0x1, v9;
	v52 =	vand.u32 $0x1, v36  }
.LBB2_5:
0x1b3: {  	v36 =	vadd.s32 s26, v1;
	s25 =	sadd.s32 $0x80, s25  }
0x1b4: {  	v33 =	vadd.s32 s26, v2;
	v50 =	vadd.s32 s28, v1;
	v51 =	vadd.s32 s28, v2;
	s2 =	sadd.s32 $0x80, s2;
	v3 =	vld [tilespmem:s25+$0x30]  }
0x1b5: {  	v53 =	vand.u32 $0x1, v53;
	v49 =	vand.u32 $0x1, v49;
	v37 =	vadd.s32 v63, v37;
	v4 =	vld [tilespmem:s2+$0x30]  }
0x1b6: {  	v0 =	vadd.s32 v0, v38;
	v40 =	vadd.s32 v61, v40;
	v43 =	vadd.s32 v62, v43;
	v62 =	vld [tilespmem:s2+$0xFFFFFFD0]  }
0x1b7: {  	v48 =	vadd.s32 v59, v48;
	v45 =	vadd.s32 v60, v45;
	v46 =	vadd.s32 v57, v46;
	v63 =	vld [tilespmem:s2+$0xFFFFFFE0]  }
0x1b8: {  	s6 =	sadd.s32 $0x100, s5;
	v47 =	vadd.s32 v58, v47;
	v42 =	vadd.s32 v56, v42;
	v44 =	vadd.s32 v55, v44;
	v11 =	vld [tilespmem:s2+$0xFFFFFFF0]  }
0x1b9: {  	s7 =	sadd.s32 $0x180, s5;
	v41 =	vadd.s32 v54, v41;
	v24 =	vadd.s32 v52, v24;
	v34 =	vadd.s32 s6, v1;
	v5 =	vld.idx.msk [tilespmem:v50+s24+$0x0], $0xffff  }
0x1ba: {  	s26 =	sadd.s32 $0x280, s5;
	s29 =	sadd.s32 $0x300, s5;
	v30 =	vadd.s32 s6, v2;
	v35 =	vadd.s32 s7, v1;
	v31 =	vadd.s32 s7, v2;
	v38 =	vld.idx.msk [tilespmem:v51+s24+$0x0], $0xffff  }
0x1bb: {  	v29 =	vadd.s32 s26, v1;
	v27 =	vadd.s32 s26, v2;
	v26 =	vadd.s32 s29, v1;
	v9 =	vld [tilespmem:s2+$0x0]  }
0x1bc: {  	v25 =	vadd.s32 s29, v2;
	v23 =	vadd.s32 v49, v23;
	v49 =	vld [tilespmem:s2+$0x10];
	v8 =	vmul.f32 v19, v4  }
0x1bd: {  	v39 =	vadd.s32 v53, v39;
	v37 =	vadd.s32 $0x7FFF, v37;
	v56 =	vld [tilespmem:s2+$0x20];
	v4 =	vmul.f32 v21, v4  }
0x1be: {  	v0 =	vadd.s32 $0x7FFF, v0;
	v53 =	vld.idx.msk [tilespmem:v36+s24+$0x0], $0xffff;
	v10 =	vmul.f32 v17, v3;
	v5 =	vadd.f32 v5, v8  }
0x1bf: {  	v43 =	vadd.s32 $0x7FFF, v43;
	v3 =	vmul.f32 v18, v3;
	v6 =	vld.idx.msk [tilespmem:v30+s24+$0x0], $0xffff;
	v4 =	vadd.f32 v38, v4  }
0x1c0: {  	s6 =	sadd.s32 $0x200, s5;
	v55 =	vmul.f32 v19, v62;
	v58 =	vmul.f32 v21, v62;
	v62 =	vld.idx.msk [tilespmem:v34+s24+$0x0], $0xffff;
	v5 =	vadd.f32 v5, v10  }
0x1c1: {  	v32 =	vadd.s32 s6, v1;
	v59 =	vmul.f32 v19, v63;
	v38 =	vld [tilespmem:s2+$0xFFFFFFC0];
	v3 =	vadd.f32 v4, v3  }
0x1c2: {  	v57 =	vmul.f32 v21, v63;
	v60 =	vmul.f32 v19, v11;
	v4 =	vld.idx.msk [tilespmem:v33+s24+$0x0], $0xffff;
	v5 =	vmax.f32 v5, $0.0e+00  }
0x1c3: {  	v54 =	vmul.f32 v21, v11;
	v10 =	vld.idx.msk [tilespmem:v35+s24+$0x0], $0xffff;
	v3 =	vmax.f32 v3, $0.0e+00;
	v11 =	vshrl.u32 v5, $0x10  }
0x1c4: {  	v6 =	vadd.f32 v6, v57;
	v57 =	vld.idx.msk [tilespmem:v25+s24+$0x0], $0xffff;
	v8 =	vshrl.u32 v3, $0x10;
	v63 =	vand.u32 $0x1, v11  }
0x1c5: {  	v28 =	vadd.s32 s6, v2;
	v8 =	vand.u32 $0x1, v8;
	v5 =	vadd.s32 v63, v5;
	v63 =	vld.idx.msk [tilespmem:v31+s24+$0x0], $0xffff  }
0x1c6: {  	v48 =	vadd.s32 $0x7FFF, v48;
	v45 =	vadd.s32 $0x7FFF, v45;
	v3 =	vadd.s32 v8, v3;
	v8 =	vld.idx.msk [tilespmem:v32+s24+$0x0], $0xffff  }
0x1c7: {  	v47 =	vadd.s32 $0x7FFF, v47;
	v4 =	vadd.f32 v4, v58;
	v58 =	vld.idx.msk [tilespmem:v22+s24+$0x0], $0xffff;
	v5 =	vadd.s32 $0x7FFF, v5  }
0x1c8: {  	v10 =	vadd.f32 v10, v60;
	v60 =	vand.u32 $0xFFFF0000, v45;
	v45 =	vld [tilespmem:s25+$0xFFFFFFD0];
	v5 =	vand.u32 $0xFFFF0000, v5  }
0x1c9: {  	v42 =	vadd.s32 $0x7FFF, v42;
	v44 =	vadd.s32 $0x7FFF, v44;
	v41 =	vadd.s32 $0x7FFF, v41;
	[tilespmem:v50+s0+$0x0] =	vst.idx.add.f32.msk $0xffff, v5  }
0x1ca: {  	v24 =	vadd.s32 $0x7FFF, v24;
	v39 =	vadd.s32 $0x7FFF, v39;
	v3 =	vadd.s32 $0x7FFF, v3;
	v50 =	vld.idx.msk [tilespmem:v28+s24+$0x0], $0xffff  }
0x1cb: {  	v23 =	vadd.s32 $0x7FFF, v23;
	v3 =	vand.u32 $0xFFFF0000, v3;
	v5 =	vadd.f32 v53, v55;
	v55 =	vld.idx.msk [tilespmem:v26+s24+$0x0], $0xffff  }
0x1cc: {  	v0 =	vand.u32 $0xFFFF0000, v0;
	v12 =	vand.u32 $0xFFFF0000, v23;
	v61 =	vmul.f32 v19, v9;
	[tilespmem:v51+s0+$0x0] =	vst.idx.add.f32.msk $0xffff, v3  }
0x1cd: {  	v52 =	vmul.f32 v21, v9;
	v3 =	vadd.s32 $0x7FFF, v40;
	v40 =	vadd.f32 v62, v59;
	v62 =	vld.idx.msk [tilespmem:v29+s24+$0x0], $0xffff  }
0x1ce: {  	v11 =	vmul.f32 v19, v56;
	v56 =	vmul.f32 v21, v56;
	v59 =	vand.u32 $0xFFFF0000, v37;
	v37 =	vld.idx.msk [tilespmem:v20+s24+$0x0], $0xffff  }
0x1cf: {  	v9 =	vmul.f32 v19, v38;
	v53 =	vadd.f32 v63, v54;
	v54 =	vld.idx.msk [tilespmem:v27+s24+$0x0], $0xffff;
	v8 =	vadd.f32 v8, v61  }
0x1d0: {  	v61 =	vand.u32 $0xFFFF0000, v44;
	v44 =	vadd.f32 v57, v56;
	v57 =	vand.u32 $0xFFFF0000, v24;
	v24 =	vld [tilespmem:s25+$0x0]  }
0x1d1: {  	v38 =	vmul.f32 v21, v38;
	v50 =	vadd.f32 v50, v52;
	v52 =	vand.u32 $0xFFFF0000, v43;
	v43 =	vld [tilespmem:s25+$0xFFFFFFC0]  }
0x1d2: {  	v7 =	vmul.f32 v19, v49;
	v11 =	vadd.f32 v55, v11;
	v55 =	vand.u32 $0xFFFF0000, v42;
	v42 =	vld [tilespmem:s25+$0xFFFFFFF0]  }
0x1d3: {  	v9 =	vadd.f32 v58, v9;
	v58 =	vand.u32 $0xFFFF0000, v39;
	v39 =	vadd.f32 v37, v38;
	v37 =	vld [tilespmem:s25+$0x10]  }
0x1d4: {  	v49 =	vmul.f32 v21, v49;
	v51 =	vand.u32 $0xFFFF0000, v48;
	v63 =	vmul.f32 v17, v45  }
0x1d5: {  	v56 =	vand.u32 $0xFFFF0000, v41;
	v7 =	vadd.f32 v62, v7;
	v62 =	vmul.f32 v18, v45  }
0x1d6: {  	v5 =	vadd.f32 v5, v63;
	v23 =	vmul.f32 v17, v43;
	v41 =	vmul.f32 v18, v43  }
0x1d7: {  	v48 =	vadd.f32 v54, v49;
	v38 =	vmul.f32 v17, v42;
	v42 =	vmul.f32 v18, v42  }
0x1d8: {  	[tilespmem:v16+s0+$0x0] =	vst.idx.add.f32.msk $0xffff, v59;
	v54 =	vand.u32 $0xFFFF0000, v47;
	v43 =	vmul.f32 v17, v24;
	v47 =	vmul.f32 v17, v37  }
0x1d9: {  	v4 =	vadd.f32 v4, v62;
	v24 =	vmul.f32 v18, v24;
	v62 =	vmul.f32 v18, v37  }
0x1da: {  	[tilespmem:v13+s0+$0x0] =	vst.idx.add.f32.msk $0xffff, v0;
	v37 =	vmax.f32 v5, $0.0e+00;
	v5 =	vadd.f32 v10, v38;
	v0 =	vadd.f32 v7, v47  }
0x1db: {  	v10 =	vadd.f32 v53, v42;
	v53 =	vadd.f32 v50, v24;
	v50 =	vld [tilespmem:$0x1FF60]  }
0x1dc: {  	v42 =	vmax.f32 v0, $0.0e+00;
	v0 =	vld [tilespmem:$0x1FF70];
	_ =	sdelay $0x1  }
0x1dd: {  	v45 =	vld [tilespmem:s25+$0x20];
	_ =	sdelay $0x1  }
0x1de: {  	v46 =	vadd.s32 $0x7FFF, v46  }
0x1df: {  	v3 =	vand.u32 $0xFFFF0000, v3;
	v49 =	vand.u32 $0xFFFF0000, v46;
	v46 =	vld [tilespmem:s25+$0xFFFFFFE0]  }
0x1e0: {  	[tilespmem:v14+s0+$0x0] =	vst.idx.add.f32.msk $0xffff, v3  }
0x1e1: {  	v63 =	vmul.f32 v17, v45;
	[tilespmem:v50+s0+$0x0] =	vst.idx.add.f32.msk $0xffff, v51  }
0x1e2: {  	[tilespmem:v0+s0+$0x0] =	vst.idx.add.f32.msk $0xffff, v60  }
0x1e3: {  	v3 =	vadd.f32 v11, v63;
	v0 =	vld [tilespmem:$0x1FF80];
	_ =	sdelay $0x1  }
0x1e4: {  	v63 =	vadd.f32 v39, v41;
	v41 =	vmax.f32 v3, $0.0e+00;
	v3 =	vld [tilespmem:$0x1FF90];
	_ =	sdelay $0x3  }
0x1e5: {  	v45 =	vmul.f32 v18, v45;
	v9 =	vadd.f32 v9, v23;
	v23 =	vmul.f32 v17, v46  }
0x1e6: {  	v59 =	vadd.f32 v48, v62  }
0x1e7: {  	v62 =	vadd.f32 v44, v45;
	v23 =	vadd.f32 v40, v23;
	[tilespmem:v0+s0+$0x0] =	vst.idx.add.f32.msk $0xffff, v49;
	v0 =	vmov v35  }
0x1e8: {  	v13 =	vmov v33;
	v33 =	vmov v27;
	v27 =	vld [tilespmem:$0x1FFC0];
	[tilespmem:$0x1FF60] =	vst v0  }
0x1e9: {  	v38 =	vmax.f32 v4, $0.0e+00;
	v24 =	vmax.f32 v62, $0.0e+00;
	v40 =	vmax.f32 v23, $0.0e+00;
	[tilespmem:v3+s0+$0x0] =	vst.idx.add.f32.msk $0xffff, v54;
	v3 =	vmovc v32  }
0x1ea: {  	v62 =	vld [tilespmem:$0x1FFD0];
	v23 =	vmax.f32 v63, $0.0e+00;
	v63 =	vmovc v25;
	v0 =	vshrl.u32 v37, $0x10;
	[tilespmem:$0x1FF80] =	vst v3;
	v3 =	vshrl.u32 v38, $0x10  }
0x1eb: {  	[tilespmem:$0x1FFD0] =	vst v63;
	v63 =	vand.u32 $0x1, v0;
	v0 =	vand.u32 $0x1, v3;
	v3 =	vld [tilespmem:$0x1FFE0];
	_ =	sdelay $0x2  }
0x1ec: {  	v47 =	vmax.f32 v53, $0.0e+00;
	v53 =	vld [tilespmem:$0x1FFA0];
	_ =	sdelay $0x1  }
0x1ed: {  	[tilespmem:v15+s0+$0x0] =	vst.idx.add.f32.msk $0xffff, v52  }
0x1ee: {  	[tilespmem:v27+s0+$0x0] =	vst.idx.add.f32.msk $0xffff, v56;
	v27 =	vmov v26;
	v46 =	vmul.f32 v18, v46  }
0x1ef: {  	v4 =	vadd.f32 v8, v43;
	[tilespmem:$0x1FFC0] =	vst v27;
	v32 =	vld [tilespmem:$0x1FFB0]  }
0x1f0: {  	v6 =	vadd.f32 v6, v46;
	[tilespmem:v3+s0+$0x0] =	vst.idx.add.f32.msk $0xffff, v58;
	v3 =	vmov v22  }
0x1f1: {  	v52 =	vmovc v31;
	v48 =	vmax.f32 v5, $0.0e+00;
	v45 =	vmax.f32 v10, $0.0e+00;
	v46 =	vmax.f32 v4, $0.0e+00;
	[tilespmem:$0x1FFE0] =	vst v3;
	v3 =	vld [tilespmem:$0x1FFF0]  }
0x1f2: {  	v39 =	vmax.f32 v9, $0.0e+00;
	v44 =	vmax.f32 v59, $0.0e+00;
	[tilespmem:$0x1FF70] =	vst v52;
	v59 =	vshrl.u32 v48, $0x10  }
0x1f3: {  	v14 =	vmovc v34;
	v7 =	vshrl.u32 v45, $0x10;
	v8 =	vshrl.u32 v46, $0x10;
	v34 =	vshrl.u32 v47, $0x10;
	[tilespmem:v53+s0+$0x0] =	vst.idx.add.f32.msk $0xffff, v55;
	v55 =	vmovc v29  }
0x1f4: {  	v16 =	vmovc v36;
	v43 =	vmax.f32 v6, $0.0e+00;
	v36 =	vshrl.u32 v44, $0x10;
	v26 =	vshrl.u32 v41, $0x10;
	[tilespmem:$0x1FFA0] =	vst v55  }
0x1f5: {  	p0 =	slt.u32 s4, $0x78;
	v27 =	vshrl.u32 v24, $0x10;
	v59 =	vand.u32 $0x1, v59;
	v4 =	vshrl.u32 v40, $0x10;
	[tilespmem:v62+s0+$0x0] =	vst.idx.add.f32.msk $0xffff, v57  }
.Ltmp1:
0x1f6: {  	v5 =	vshrl.u32 v43, $0x10;
	v52 =	vand.u32 $0x1, v27;
	v53 =	vshrl.u32 v39, $0x10;
	v54 =	vmovc v28;
	[tilespmem:$0x1FFB0] =	vst v33;
	(pc) =	sbr.rel @p0 .LBB2_5-.Ltmp1, $4  }
0x1f7: {  	v62 =	vand.u32 $0x1, v5;
	v60 =	vand.u32 $0x1, v7;
	v57 =	vand.u32 $0x1, v8;
	[tilespmem:$0x1FF90] =	vst v54  }
0x1f8: {  	v55 =	vand.u32 $0x1, v36;
	v35 =	vshrl.u32 v42, $0x10;
	v49 =	vshrl.u32 v23, $0x10;
	[tilespmem:v32+s0+$0x0] =	vst.idx.add.f32.msk $0xffff, v61  }
0x1f9: {  	s5 =	sshll.u32 s4, $0x7;
	v56 =	vand.u32 $0x1, v35;
	v54 =	vand.u32 $0x1, v26;
	v61 =	vand.u32 $0x1, v4;
	[tilespmem:v3+s0+$0x0] =	vst.idx.add.f32.msk $0xffff, v12;
	v3 =	vmovc v20  }
0x1fa: {  	s4 =	sadd.s32 $0x8, s4;
	s26 =	sadd.s32 $0x80, s5;
	s28 =	sadd.s32 $0x380, s5;
	v15 =	vmovc v30;
	v58 =	vand.u32 $0x1, v34;
	v22 =	vadd.s32 s5, v1;
	v20 =	vadd.s32 s5, v2;
	[tilespmem:$0x1FFF0] =	vst v3  }
0x1fb: {  	s4 =	sadd.s32 $0x80, s25  }
0x1fc: {  	s2 =	sadd.s32 $0x80, s2;
	v3 =	vld [tilespmem:s4+$0x30]  }
0x1fd: {  	v4 =	vld [tilespmem:s2+$0x30]  }
0x1fe: {  	v7 =	vld [tilespmem:s2+$0xFFFFFFD0]  }
0x1ff: {  	v51 =	vadd.s32 s28, v1;
	v8 =	vld [tilespmem:s2+$0xFFFFFFE0]  }
0x200: {  	v50 =	vadd.s32 s28, v2;
	v9 =	vld [tilespmem:s2+$0xFFFFFFF0]  }
0x201: {  	v10 =	vld [tilespmem:s2+$0x0]  }
0x202: {  	v36 =	vadd.s32 s26, v1;
	v11 =	vld [tilespmem:s2+$0x10]  }
0x203: {  	v35 =	vadd.s32 s26, v2;
	s6 =	sadd.s32 $0x100, s5;
	s7 =	sadd.s32 $0x180, s5;
	v12 =	vld [tilespmem:s2+$0x20]  }
0x204: {  	v34 =	vadd.s32 s6, v1;
	v30 =	vadd.s32 s7, v1;
	v5 =	vld.idx.msk [tilespmem:v51+s24+$0x0], $0xffff  }
0x205: {  	s26 =	sadd.s32 $0x200, s5;
	v33 =	vadd.s32 s6, v2;
	v25 =	vadd.s32 s7, v2;
	v6 =	vld.idx.msk [tilespmem:v50+s24+$0x0], $0xffff;
	[tilespmem:$0x1FF30] =	vst v30  }
0x206: {  	v38 =	vadd.s32 v0, v38;
	v0 =	vadd.s32 s26, v1;
	v26 =	vld [tilespmem:s2+$0xFFFFFFC0];
	[tilespmem:$0x1FF40] =	vst v25  }
0x207: {  	v28 =	vld.idx.msk [tilespmem:v36+s24+$0x0], $0xffff;
	[tilespmem:$0x1FF50] =	vst v0  }
0x208: {  	v63 =	vadd.s32 v63, v37;
	v40 =	vadd.s32 v61, v40;
	v43 =	vadd.s32 v62, v43;
	v27 =	vld.idx.msk [tilespmem:v35+s24+$0x0], $0xffff  }
0x209: {  	s28 =	sadd.s32 $0x280, s5;
	v48 =	vadd.s32 v59, v48;
	v45 =	vadd.s32 v60, v45;
	v37 =	vadd.s32 s26, v2;
	v61 =	vld.idx.msk [tilespmem:v34+s24+$0x0], $0xffff  }
0x20a: {  	v46 =	vadd.s32 v57, v46;
	v47 =	vadd.s32 v58, v47;
	v31 =	vadd.s32 s28, v2;
	v59 =	vld.idx.msk [tilespmem:v33+s24+$0x0], $0xffff  }
0x20b: {  	s29 =	sadd.s32 $0x300, s5;
	v42 =	vadd.s32 v56, v42;
	v44 =	vadd.s32 v55, v44;
	v29 =	vadd.s32 s28, v1;
	v57 =	vld.idx.msk [tilespmem:v30+s24+$0x0], $0xffff  }
0x20c: {  	v41 =	vadd.s32 v54, v41;
	v24 =	vadd.s32 v52, v24;
	v32 =	vadd.s32 s29, v2;
	v58 =	vld.idx.msk [tilespmem:v25+s24+$0x0], $0xffff  }
0x20d: {  	v49 =	vand.u32 $0x1, v49;
	v62 =	vmul.f32 v19, v4;
	v30 =	vadd.s32 s29, v1;
	v55 =	vld.idx.msk [tilespmem:v0+s24+$0x0], $0xffff  }
0x20e: {  	v40 =	vadd.s32 $0x7FFF, v40;
	v4 =	vmul.f32 v21, v4;
	v60 =	vmul.f32 v17, v3;
	v56 =	vld.idx.msk [tilespmem:v37+s24+$0x0], $0xffff  }
0x20f: {  	v3 =	vmul.f32 v18, v3;
	v54 =	vld.idx.msk [tilespmem:v31+s24+$0x0], $0xffff;
	v5 =	vadd.f32 v5, v62;
	v62 =	vand.u32 $0x1, v53  }
0x210: {  	v4 =	vadd.f32 v6, v4;
	v53 =	vld.idx.msk [tilespmem:v29+s24+$0x0], $0xffff;
	v25 =	vadd.s32 v62, v39;
	v39 =	vmul.f32 v19, v7  }
0x211: {  	v0 =	vmul.f32 v21, v7;
	v7 =	vmul.f32 v19, v8;
	v62 =	vld.idx.msk [tilespmem:v32+s24+$0x0], $0xffff;
	v5 =	vadd.f32 v5, v60  }
0x212: {  	v8 =	vmul.f32 v21, v8;
	v6 =	vadd.f32 v4, v3;
	v60 =	vld.idx.msk [tilespmem:v30+s24+$0x0], $0xffff;
	v28 =	vadd.f32 v28, v39  }
0x213: {  	v39 =	vmul.f32 v19, v9;
	v4 =	vadd.f32 v61, v7;
	v61 =	vmul.f32 v21, v9;
	v9 =	vld.idx.msk [tilespmem:v22+s24+$0x0], $0xffff  }
0x214: {  	v3 =	vadd.f32 v27, v0;
	v8 =	vadd.f32 v59, v8;
	v0 =	vmul.f32 v19, v10;
	v59 =	vld [tilespmem:s4+$0xFFFFFFC0]  }
0x215: {  	v43 =	vadd.s32 $0x7FFF, v43;
	v10 =	vmul.f32 v21, v10;
	v7 =	vadd.f32 v58, v61;
	v61 =	vld.idx.msk [tilespmem:v20+s24+$0x0], $0xffff  }
0x216: {  	v27 =	vmul.f32 v19, v12;
	v12 =	vmul.f32 v21, v12;
	v55 =	vadd.f32 v55, v0;
	v0 =	vld [tilespmem:s4+$0xFFFFFFD0]  }
0x217: {  	v5 =	vmax.f32 v5, $0.0e+00;
	v58 =	vmul.f32 v19, v11;
	v10 =	vadd.f32 v56, v10;
	v56 =	vld [tilespmem:s4+$0xFFFFFFE0]  }
0x218: {  	v39 =	vadd.f32 v57, v39;
	v11 =	vmul.f32 v21, v11;
	v57 =	vmul.f32 v19, v26  }
0x219: {  	v26 =	vmul.f32 v21, v26;
	v12 =	vadd.f32 v62, v12;
	v21 =	vadd.f32 v53, v58  }
0x21a: {  	v6 =	vmax.f32 v6, $0.0e+00;
	v11 =	vadd.f32 v54, v11;
	v54 =	vld [tilespmem:s4+$0x0];
	v53 =	vadd.f32 v60, v27  }
0x21b: {  	v9 =	vadd.f32 v9, v57;
	v60 =	vmul.f32 v17, v59;
	v62 =	vmul.f32 v17, v0  }
0x21c: {  	v26 =	vadd.f32 v61, v26;
	v61 =	vld [tilespmem:s4+$0xFFFFFFF0];
	v0 =	vmul.f32 v18, v0;
	v27 =	vmul.f32 v17, v56  }
0x21d: {  	v19 =	vadd.f32 v9, v60;
	v56 =	vmul.f32 v18, v56;
	v9 =	vadd.f32 v28, v62  }
0x21e: {  	v58 =	vadd.s32 $0x7FFF, v63;
	v0 =	vadd.f32 v3, v0;
	v3 =	vadd.f32 v4, v27  }
0x21f: {  	v57 =	vmul.f32 v18, v59;
	v4 =	vadd.f32 v8, v56;
	v8 =	vld [tilespmem:s4+$0x10];
	v62 =	vmul.f32 v17, v54  }
0x220: {  	v56 =	vld [tilespmem:s4+$0x20];
	v9 =	vmax.f32 v9, $0.0e+00;
	v0 =	vmax.f32 v0, $0.0e+00;
	v3 =	vmax.f32 v3, $0.0e+00  }
0x221: {  	v28 =	vmul.f32 v17, v61;
	v60 =	vmul.f32 v18, v61;
	v61 =	vshrl.u32 v5, $0x10  }
0x222: {  	v4 =	vmax.f32 v4, $0.0e+00;
	v59 =	vshrl.u32 v9, $0x10;
	v52 =	vand.u32 $0x1, v61  }
0x223: {  	v61 =	vshrl.u32 v6, $0x10;
	v5 =	vadd.s32 v52, v5;
	v28 =	vadd.f32 v39, v28  }
0x224: {  	v7 =	vadd.f32 v7, v60;
	v39 =	vadd.f32 v55, v62;
	v60 =	vmul.f32 v17, v8  }
0x225: {  	v8 =	vmul.f32 v18, v8;
	v52 =	vand.u32 $0x1, v61;
	v62 =	vmul.f32 v17, v56  }
0x226: {  	v61 =	vshrl.u32 v3, $0x10;
	v6 =	vadd.s32 v52, v6;
	v21 =	vadd.f32 v21, v60  }
0x227: {  	v5 =	vadd.s32 $0x7FFF, v5;
	v8 =	vadd.f32 v11, v8;
	v17 =	vadd.f32 v53, v62  }
0x228: {  	v6 =	vadd.s32 $0x7FFF, v6;
	v5 =	vand.u32 $0xFFFF0000, v5;
	v11 =	vadd.f32 v26, v57  }
0x229: {  	v26 =	vand.u32 $0x1, v59;
	v60 =	vshrl.u32 v0, $0x10;
	v62 =	vshrl.u32 v4, $0x10  }
0x22a: {  	v6 =	vand.u32 $0xFFFF0000, v6;
	v9 =	vadd.s32 v26, v9;
	v26 =	vand.u32 $0x1, v60;
	[tilespmem:v51+s0+$0x0] =	vst.idx.add.f32.msk $0xffff, v5  }
0x22b: {  	v51 =	vand.u32 $0xFFFF0000, v40;
	v0 =	vadd.s32 v26, v0;
	v26 =	vand.u32 $0x1, v61;
	[tilespmem:v50+s0+$0x0] =	vst.idx.add.f32.msk $0xffff, v6  }
0x22c: {  	v53 =	vand.u32 $0xFFFF0000, v43;
	[tilespmem:v14+s0+$0x0] =	vst.idx.add.f32.msk $0xffff, v51;
	v3 =	vadd.s32 v26, v3;
	v26 =	vand.u32 $0x1, v62  }
0x22d: {  	v38 =	vadd.s32 $0x7FFF, v38;
	[tilespmem:v15+s0+$0x0] =	vst.idx.add.f32.msk $0xffff, v53;
	v4 =	vadd.s32 v26, v4;
	v26 =	vand.u32 $0xFFFF0000, v58  }
0x22e: {  	v23 =	vadd.s32 v49, v23;
	v49 =	vand.u32 $0xFFFF0000, v38;
	[tilespmem:v16+s0+$0x0] =	vst.idx.add.f32.msk $0xffff, v26  }
0x22f: {  	[tilespmem:v13+s0+$0x0] =	vst.idx.add.f32.msk $0xffff, v49  }
0x230: {  	v13 =	vld [tilespmem:$0x1FF60];
	_ =	sdelay $0x5  }
0x231: {  	v48 =	vadd.s32 $0x7FFF, v48  }
0x232: {  	v55 =	vand.u32 $0xFFFF0000, v48  }
0x233: {  	[tilespmem:v13+s0+$0x0] =	vst.idx.add.f32.msk $0xffff, v55  }
0x234: {  	v13 =	vld [tilespmem:$0x1FF70];
	_ =	sdelay $0x5  }
0x235: {  	v45 =	vadd.s32 $0x7FFF, v45  }
0x236: {  	v27 =	vmul.f32 v18, v56;
	v56 =	vand.u32 $0xFFFF0000, v45  }
0x237: {  	[tilespmem:v13+s0+$0x0] =	vst.idx.add.f32.msk $0xffff, v56  }
0x238: {  	v13 =	vld [tilespmem:$0x1FF80];
	_ =	sdelay $0x5  }
0x239: {  	v46 =	vadd.s32 $0x7FFF, v46  }
0x23a: {  	v58 =	vand.u32 $0xFFFF0000, v46  }
0x23b: {  	[tilespmem:v13+s0+$0x0] =	vst.idx.add.f32.msk $0xffff, v58  }
0x23c: {  	v13 =	vld [tilespmem:$0x1FF90];
	_ =	sdelay $0x5  }
0x23d: {  	v47 =	vadd.s32 $0x7FFF, v47  }
0x23e: {  	v61 =	vand.u32 $0xFFFF0000, v47  }
0x23f: {  	[tilespmem:v13+s0+$0x0] =	vst.idx.add.f32.msk $0xffff, v61  }
0x240: {  	v13 =	vld [tilespmem:$0x1FFA0];
	_ =	sdelay $0x4  }
0x241: {  	v28 =	vmax.f32 v28, $0.0e+00  }
0x242: {  	v42 =	vadd.s32 $0x7FFF, v42;
	v63 =	vshrl.u32 v28, $0x10  }
0x243: {  	v12 =	vadd.f32 v12, v27;
	v27 =	vand.u32 $0x1, v63;
	v63 =	vand.u32 $0xFFFF0000, v42  }
0x244: {  	[tilespmem:v13+s0+$0x0] =	vst.idx.add.f32.msk $0xffff, v63  }
0x245: {  	v52 =	vmax.f32 v39, $0.0e+00;
	v39 =	vld [tilespmem:$0x1FFB0];
	_ =	sdelay $0x5  }
0x246: {  	v44 =	vadd.s32 $0x7FFF, v44  }
0x247: {  	v16 =	vand.u32 $0xFFFF0000, v44  }
0x248: {  	[tilespmem:v39+s0+$0x0] =	vst.idx.add.f32.msk $0xffff, v16  }
0x249: {  	v13 =	vld [tilespmem:$0x1FFC0];
	_ =	sdelay $0x5  }
0x24a: {  	v41 =	vadd.s32 $0x7FFF, v41  }
0x24b: {  	v40 =	vand.u32 $0xFFFF0000, v41  }
0x24c: {  	[tilespmem:v13+s0+$0x0] =	vst.idx.add.f32.msk $0xffff, v40  }
0x24d: {  	v13 =	vld [tilespmem:$0x1FFD0];
	_ =	sdelay $0x5  }
0x24e: {  	v5 =	vadd.s32 $0x7FFF, v24  }
0x24f: {  	v5 =	vand.u32 $0xFFFF0000, v5  }
0x250: {  	[tilespmem:v13+s0+$0x0] =	vst.idx.add.f32.msk $0xffff, v5  }
0x251: {  	v13 =	vld [tilespmem:$0x1FFE0];
	_ =	sdelay $0x5  }
0x252: {  	v25 =	vadd.s32 $0x7FFF, v25  }
0x253: {  	v44 =	vand.u32 $0xFFFF0000, v25  }
0x254: {  	[tilespmem:v13+s0+$0x0] =	vst.idx.add.f32.msk $0xffff, v44  }
0x255: {  	v13 =	vld [tilespmem:$0x1FFF0];
	_ =	sdelay $0x1  }
0x256: {  	v9 =	vadd.s32 $0x7FFF, v9  }
0x257: {  	v9 =	vand.u32 $0xFFFF0000, v9;
	v3 =	vadd.s32 $0x7FFF, v3  }
0x258: {  	v0 =	vadd.s32 $0x7FFF, v0;
	v3 =	vand.u32 $0xFFFF0000, v3;
	[tilespmem:v36+s0+$0x0] =	vst.idx.add.f32.msk $0xffff, v9  }
0x259: {  	v0 =	vand.u32 $0xFFFF0000, v0;
	v4 =	vadd.s32 $0x7FFF, v4;
	[tilespmem:v34+s0+$0x0] =	vst.idx.add.f32.msk $0xffff, v3  }
0x25a: {  	v43 =	vadd.s32 $0x7FFF, v23;
	v4 =	vand.u32 $0xFFFF0000, v4;
	[tilespmem:v35+s0+$0x0] =	vst.idx.add.f32.msk $0xffff, v0  }
0x25b: {  	v5 =	vand.u32 $0xFFFF0000, v43;
	[tilespmem:v33+s0+$0x0] =	vst.idx.add.f32.msk $0xffff, v4  }
0x25c: {  	[tilespmem:v13+s0+$0x0] =	vst.idx.add.f32.msk $0xffff, v5  }
0x25d: {  	v51 =	vld [tilespmem:$0x1FF30];
	_ =	sdelay $0x3  }
0x25e: {  	v54 =	vmul.f32 v18, v54  }
0x25f: {  	v28 =	vadd.s32 v27, v28  }
0x260: {  	v10 =	vadd.f32 v10, v54;
	v7 =	vmax.f32 v7, $0.0e+00;
	v48 =	vadd.s32 $0x7FFF, v28  }
0x261: {  	v50 =	vshrl.u32 v7, $0x10;
	v3 =	vand.u32 $0xFFFF0000, v48  }
0x262: {  	v10 =	vmax.f32 v10, $0.0e+00;
	v54 =	vshrl.u32 v52, $0x10;
	v18 =	vand.u32 $0x1, v50;
	[tilespmem:v51+s0+$0x0] =	vst.idx.add.f32.msk $0xffff, v3  }
0x263: {  	v57 =	vshrl.u32 v10, $0x10;
	v7 =	vadd.s32 v18, v7;
	v18 =	vand.u32 $0x1, v54;
	v54 =	vld [tilespmem:$0x1FF40]  }
0x264: {  	v45 =	vmax.f32 v19, $0.0e+00;
	v60 =	vand.u32 $0x1, v57  }
0x265: {  	v59 =	vmax.f32 v21, $0.0e+00;
	v10 =	vadd.s32 v60, v10;
	v8 =	vmax.f32 v8, $0.0e+00  }
0x266: {  	v17 =	vmax.f32 v17, $0.0e+00;
	v57 =	vmax.f32 v11, $0.0e+00;
	v62 =	vshrl.u32 v59, $0x10  }
0x267: {  	v38 =	vshrl.u32 v8, $0x10;
	v42 =	vshrl.u32 v17, $0x10;
	v21 =	vand.u32 $0x1, v62  }
0x268: {  	v24 =	vand.u32 $0x1, v38;
	v46 =	vshrl.u32 v45, $0x10;
	v18 =	vadd.s32 v18, v52  }
0x269: {  	v21 =	vadd.s32 v21, v59;
	v41 =	vadd.s32 v24, v8;
	v50 =	vadd.s32 $0x7FFF, v7  }
0x26a: {  	v8 =	vand.u32 $0x1, v42;
	v47 =	vand.u32 $0x1, v46;
	v5 =	vand.u32 $0xFFFF0000, v50  }
0x26b: {  	v8 =	vadd.s32 v8, v17;
	v49 =	vmax.f32 v12, $0.0e+00;
	v6 =	vadd.s32 $0x7FFF, v41;
	[tilespmem:v54+s0+$0x0] =	vst.idx.add.f32.msk $0xffff, v5  }
0x26c: {  	v52 =	vshrl.u32 v49, $0x10;
	v59 =	vadd.s32 $0x7FFF, v8;
	v56 =	vadd.s32 $0x7FFF, v21;
	v9 =	vld [tilespmem:$0x1FF50]  }
0x26d: {  	v60 =	vand.u32 $0xFFFF0000, v59;
	v0 =	vadd.s32 v47, v45;
	v4 =	vand.u32 $0xFFFF0000, v56  }
0x26e: {  	v58 =	vshrl.u32 v57, $0x10;
	v0 =	vadd.s32 $0x7FFF, v0;
	v3 =	vand.u32 $0x1, v52;
	[tilespmem:v29+s0+$0x0] =	vst.idx.add.f32.msk $0xffff, v4  }
0x26f: {  	v0 =	vand.u32 $0xFFFF0000, v0;
	v3 =	vadd.s32 v3, v49;
	v4 =	vand.u32 $0x1, v58;
	[tilespmem:v30+s0+$0x0] =	vst.idx.add.f32.msk $0xffff, v60  }
0x270: {  	v6 =	vand.u32 $0xFFFF0000, v6;
	v3 =	vadd.s32 $0x7FFF, v3;
	[tilespmem:v22+s0+$0x0] =	vst.idx.add.f32.msk $0xffff, v0;
	v4 =	vadd.s32 v4, v57  }
0x271: {  	s31 =	sadd.s32 $0x1, s31;
	v3 =	vand.u32 $0xFFFF0000, v3;
	[tilespmem:v31+s0+$0x0] =	vst.idx.add.f32.msk $0xffff, v6;
	v61 =	vadd.s32 $0x7FFF, v4  }
0x272: {  	p0 =	sne.s32 s31, $0x62;
	v53 =	vadd.s32 $0x7FFF, v18;
	[tilespmem:v32+s0+$0x0] =	vst.idx.add.f32.msk $0xffff, v3;
	v62 =	vand.u32 $0xFFFF0000, v61  }
.Ltmp2:
0x273: {  	v7 =	vand.u32 $0xFFFF0000, v53;
	v55 =	vadd.s32 $0x7FFF, v10;
	[tilespmem:v20+s0+$0x0] =	vst.idx.add.f32.msk $0xffff, v62;
	(pc) =	sbr.rel @p0 .LBB2_2-.Ltmp2, $4  }
0x274: {  	v5 =	vand.u32 $0xFFFF0000, v55;
	[tilespmem:v9+s0+$0x0] =	vst.idx.add.f32.msk $0xffff, v7  }
0x275: {  	v63 =	vimm.f32 $1.000000000e+00;
	[tilespmem:v37+s0+$0x0] =	vst.idx.add.f32.msk $0xffff, v5  }
0x276: {  	[tilespmem:v1+s1+$0x0] =	vst.idx.add.f32.msk $0xffff, v63  }
0x277: {  	[tilespmem:v2+s1+$0x0] =	vst.idx.add.f32.msk $0xffff, v63  }
0x278: {  	[hbm4b:s17+s3] =	stream.linear.scatter [tilespmem:s0], [sflag:$0x1], $0x4000, $0x38;
	[tilespmem:$0x16780] =	vst v63  }
0x279: {  	_ =	swait.ge [sflag:s22], $0x4000  }
0x27a: {  	[sflag:s22] =	ssyncset.done $0x0  }
0x27b: {  	[sflag:s22] =	ssyncadd.s32 $0xFFFFC000  }
0x27c: {  	[hbm4b:s18+s3] =	stream.linear.scatter [tilespmem:s1], [sflag:$0x1], $0x80, $0x38;
	[tilespmem:$0x16780] =	vst v63  }
0x27d: {  	_ =	swait.ge [sflag:s22], $0x80  }
0x27e: {  	[sflag:s22] =	ssyncset.done $0x0  }
0x27f: {  	s2 =	simm.s32 $0x14E80;
	[sflag:s22] =	ssyncadd.s32 $0xFFFFFF80  }
0x280: {  	[hbm4b:s19+s3] =	stream.linear.scatter [tilespmem:s2], [sflag:$0x1], $0xC40, $0x38;
	[tilespmem:$0x16780] =	vst v63  }
0x281: {  	s30 =	sadd.s32 $0x1, s30;
	_ =	swait.ge [sflag:s22], $0xC40  }
0x282: {  	p0 =	sne.s32 s30, s21;
	[sflag:s22] =	ssyncset.done $0x0  }
.Ltmp3:
0x283: {  	s31 =	simm.s32 $0x15B00;
	[sflag:s22] =	ssyncadd.s32 $0xFFFFF3C0;
	(pc) =	sbr.rel @p0 .LBB2_1-.Ltmp3, $4  }
0x284: {  	[hbm4b:s20+s3] =	stream.linear.scatter [tilespmem:s31], [sflag:$0x1], $0xC40, $0x38;
	[tilespmem:$0x16780] =	vst v63  }
0x285: {  	_ =	swait.ge [sflag:s22], $0xC40  }
0x286: {  	[sflag:s22] =	ssyncset.done $0x0  }
0x287: {  	[sflag:s22] =	ssyncadd.s32 $0xFFFFF3C0  }
0x288: {  	_ =	sfence.sel $0x180000  }
0x289: {  	[bflag:$0x0] =	sbarrier.arrive $0xFFFF  }
0x28a: {  	_ =	strace $0x90000047  }
0x28b: {  	s0 =	stileid.u32;
	[bflag:$0x2] =	sbarrier.arrive $0xFFFF  }
0x28c: {  	p0 =	sne.s32 s0, $0x0;
	s0 =	rddreg [dreg:$0x3]  }
0x28d: {  	s0 =	sadd.s32 @!p0 $0x100000, s0  }
0x28e: {  	[sflag:s0] =	ssyncadd.tile.s32 @!p0 $0x1;
	_ =	shalt  }
.Lfunc_end2:
_tile_overlayer_lowered:
.L_overlay_start_2:
0x28f: {  	(tag) =	ssettag $0x2  }
0x290: {  	s0 =	rddreg [dreg:$0x0];
	s2 =	stileid.u32  }
0x291: {  	s1 =	rddreg [dreg:$0x1];
	p0 =	sne.s32 s2, $0x0  }
0x292: {  	s3 =	rddreg [dreg:$0x2];
	[bflag:$0x3] =	sbarrier.arrive $0xFFFF;
	s2 =	simm.s32 @!p0 $0x1C01  }
0x293: {  	[timem:s3], [sflag:s2] =	dma.local @!p0 [hbm:s0], s1  }
0x294: {  	s0 =	simm.s32 @!p0 $0x1  }
0x295: {  	_ =	swait.ge @!p0 [sflag:s0], s1  }
0x296: {  	s1 =	ssub.s32 @!p0 $0x0, s1;
	[sflag:s0] =	ssyncset.done @!p0 $0x0  }
0x297: {  	[sflag:s0] =	ssyncadd.s32 @!p0 s1  }
0x298: {  	[bflag:$0x3] =	sbarrier.arrive $0xFFFF  }
0x299: {  	_ =	shalt  }

</sc_bundles>
